<compile_context>
chip_gen: v7x
topology: tpu7x:2x2x1
jax: 0.10.2.dev20260603
libtpu: 0.0.44.dev20260713+nightly
codegen_flags: <defaults>
</compile_context>

<pallas_src>
import functools

import jax
import jax.numpy as jnp
from jax import lax
from jax.experimental import pallas as pl
from jax.experimental.pallas import tpu as pltpu
from jax.experimental.pallas import tpu_sc as plsc

N = 10000
E = 320000
D = 128
TILES = 16
CORES = 2
CHUNK = 128
NCHUNK = 80
NC0 = 152
NC1 = 8
NT = (NC0 + NC1) * TILES
EPT = NCHUNK * CHUNK
E_PAD = EPT * TILES * CORES
N_ACC = 10112
N_DEG = 10240
PAD_DST = 10008
ROWS_T = 624
ROWS_LAST = N - 15 * ROWS_T
ACC_T = N_ACC // TILES
DEG_T = N_DEG // TILES

_MESH = plsc.VectorSubcoreMesh(core_axis_name="c", subcore_axis_name="s")



@functools.partial(
    pl.kernel,
    out_type=jax.ShapeDtypeStruct((CORES, N_DEG), jnp.float32),
    mesh=_MESH,
    scratch_types=[
        pltpu.VMEM((NCHUNK, CHUNK), jnp.int32),
        pltpu.VMEM((CHUNK,), jnp.float32),
        pltpu.VMEM((DEG_T,), jnp.float32),
        pltpu.VMEM_SHARED((N_DEG,), jnp.float32),
    ],
)
def _sc_degree(dst_hbm, deg_hbm, dst_v, ones_v, zer_v, deg_sh):
    c = lax.axis_index("c")
    s = lax.axis_index("s")
    for i in range(CHUNK // 16):
        ones_v[pl.ds(i * 16, 16)] = jnp.ones((16,), jnp.float32)
    def _z(i, _):
        zer_v[pl.ds(i * 16, 16)] = jnp.zeros((16,), jnp.float32)
        return 0
    lax.fori_loop(0, DEG_T // 16, _z, 0)
    pltpu.sync_copy(zer_v, deg_sh.at[pl.ds(s * DEG_T, DEG_T)])
    pltpu.sync_copy(
        dst_hbm.at[pl.ds((c * TILES + s) * NCHUNK, NCHUNK), :], dst_v)
    plsc.subcore_barrier()

    def _body(j, _):
        pltpu.sync_copy(ones_v, deg_sh.at[dst_v.at[j]], add=True)
        return 0
    lax.fori_loop(0, NCHUNK, _body, 0)
    plsc.subcore_barrier()
    pltpu.sync_copy(deg_sh.at[pl.ds(s * DEG_T, DEG_T)],
                    deg_hbm.at[c, pl.ds(s * DEG_T, DEG_T)])


@functools.partial(
    pl.kernel,
    out_type=jax.ShapeDtypeStruct((CORES, N, D), jnp.float32),
    mesh=_MESH,
    scratch_types=[
        pltpu.VMEM((CHUNK,), jnp.int32),
        pltpu.VMEM((CHUNK,), jnp.int32),
        pltpu.VMEM((CHUNK,), jnp.int32),
        pltpu.VMEM((1, CHUNK), jnp.int32),
        pltpu.VMEM((1, CHUNK), jnp.int32),
        pltpu.VMEM((1, CHUNK), jnp.int32),
        pltpu.VMEM((CHUNK, D), jnp.float32),
        pltpu.VMEM((CHUNK, D), jnp.float32),
        pltpu.VMEM((CHUNK, D), jnp.float32),
        pltpu.VMEM_SHARED((N_ACC, D), jnp.float32),
        pltpu.SemaphoreType.DMA,
        pltpu.SemaphoreType.DMA,
        pltpu.SemaphoreType.DMA,
    ],
)
def _sc_message(hp_hbm, src_hbm, dst_hbm, zeros_hbm, out_hbm,
                sidx0_v, sidx1_v, sidx2_v, didx0_v, didx1_v, didx2_v,
                rows0_v, rows1_v, rows2_v, acc_sh, sem_g, sem_i, sem_s):
    c = lax.axis_index("c")
    s = lax.axis_index("s")
    pltpu.sync_copy(zeros_hbm.at[pl.ds(s * ACC_T, ACC_T), :],
                    acc_sh.at[pl.ds(s * ACC_T, ACC_T), :])
    plsc.subcore_barrier()

    def _fetch_idx(t, ibuf, dbuf):
        pltpu.async_copy(src_hbm.at[c, pl.ds(t * CHUNK, CHUNK)], ibuf, sem_i)
        pltpu.async_copy(dst_hbm.at[t], dbuf, sem_i)

    def _iwait(ibuf, dbuf):
        pltpu.make_async_copy(src_hbm.at[0, pl.ds(0, CHUNK)],
                              ibuf, sem_i).wait()
        pltpu.make_async_copy(dst_hbm.at[0], dbuf, sem_i).wait()

    def _gather(ibuf, buf):
        pltpu.async_copy(hp_hbm.at[ibuf], buf, sem_g)

    def _gwait(ibuf, buf):
        pltpu.make_async_copy(hp_hbm.at[ibuf], buf, sem_g).wait()

    def _scatter(buf, dbuf):
        pltpu.async_copy(buf, acc_sh.at[dbuf.at[0]], sem_s, add=True)

    def _swait():
        pltpu.make_async_copy(rows0_v, acc_sh.at[didx0_v.at[0]],
                              sem_s).wait()

    bufs = [(sidx0_v, didx0_v, rows0_v),
            (sidx1_v, didx1_v, rows1_v),
            (sidx2_v, didx2_v, rows2_v)]

    def _run(nck, t0):
        _fetch_idx(t0, bufs[0][0], bufs[0][1])
        _iwait(bufs[0][0], bufs[0][1])
        _gather(bufs[0][0], bufs[0][2])
        _fetch_idx(t0 + 1, bufs[1][0], bufs[1][1])

        def _body(g, _):
            def _step(cur, nxt, nxt2):
                _gwait(cur[0], cur[2])

                @pl.when(g + 1 < nck)
                def _launch_next():
                    _iwait(nxt[0], nxt[1])

                    @pl.when(g >= 2)
                    def _w():
                        _swait()
                    _gather(nxt[0], nxt[2])

                @pl.when(g + 2 < nck)
                def _prefetch_idx():
                    _fetch_idx(t0 + g + 2, nxt2[0], nxt2[1])
                _scatter(cur[2], cur[1])

            @pl.when(g % 3 == 0)
            def _r0():
                _step(bufs[0], bufs[1], bufs[2])

            @pl.when(g % 3 == 1)
            def _r1():
                _step(bufs[1], bufs[2], bufs[0])

            @pl.when(g % 3 == 2)
            def _r2():
                _step(bufs[2], bufs[0], bufs[1])
            return 0
        lax.fori_loop(0, nck, _body, 0)
        _swait()
        _swait()
        _swait()

    @pl.when(c == 0)
    def _core0():
        _run(NC0, s * NC0)

    if NC1 > 0:
        @pl.when(c == 1)
        def _core1():
            _run(NC1, TILES * NC0 + s * NC1)
    plsc.subcore_barrier()

    @pl.when(s < 15)
    def _drain():
        pltpu.sync_copy(acc_sh.at[pl.ds(s * ROWS_T, ROWS_T), :],
                        out_hbm.at[c, pl.ds(s * ROWS_T, ROWS_T), :])

    @pl.when(s == 15)
    def _drain_last():
        pltpu.sync_copy(acc_sh.at[pl.ds(15 * ROWS_T, ROWS_LAST), :],
                        out_hbm.at[c, pl.ds(15 * ROWS_T, ROWS_LAST), :])



_BM = 1000


def _tc_first(x, W1, deg):
    def body(x_ref, w_ref, d_ref, o_ref):
        dinv = lax.rsqrt(d_ref[0] + d_ref[1] + 1.0)
        h = jnp.dot(x_ref[...], w_ref[...],
                    preferred_element_type=jnp.float32) * dinv
        o_ref[0] = h
        o_ref[1] = h
    return pl.pallas_call(
        body,
        grid=(N // _BM,),
        in_specs=[
            pl.BlockSpec((_BM, D), lambda i: (i, 0)),
            pl.BlockSpec((D, D), lambda i: (0, 0)),
            pl.BlockSpec((CORES, _BM, 1), lambda i: (0, i, 0)),
        ],
        out_specs=pl.BlockSpec((CORES, _BM, D), lambda i: (0, i, 0)),
        out_shape=jax.ShapeDtypeStruct((CORES, N, D), jnp.float32),
    )(x, W1, deg)


def _tc_mid(acc, hp, deg, b, W2):
    def body(a_ref, h_ref, d_ref, b_ref, w_ref, o_ref):
        dinv = lax.rsqrt(d_ref[0] + d_ref[1] + 1.0)
        tot = a_ref[0] + a_ref[1] + h_ref[0]
        x2 = jnp.maximum(tot * dinv + b_ref[...], 0.0)
        h = jnp.dot(x2, w_ref[...],
                    preferred_element_type=jnp.float32) * dinv
        o_ref[0] = h
        o_ref[1] = h
    return pl.pallas_call(
        body,
        grid=(N // _BM,),
        in_specs=[
            pl.BlockSpec((CORES, _BM, D), lambda i: (0, i, 0)),
            pl.BlockSpec((CORES, _BM, D), lambda i: (0, i, 0)),
            pl.BlockSpec((CORES, _BM, 1), lambda i: (0, i, 0)),
            pl.BlockSpec((1, D), lambda i: (0, 0)),
            pl.BlockSpec((D, D), lambda i: (0, 0)),
        ],
        out_specs=pl.BlockSpec((CORES, _BM, D), lambda i: (0, i, 0)),
        out_shape=jax.ShapeDtypeStruct((CORES, N, D), jnp.float32),
    )(acc, hp, deg, b, W2)


def _tc_last(acc, hp, deg, b, Wfm, Wfx, bfc):
    def body(a_ref, h_ref, d_ref, b_ref, wm_ref, wx_ref, bf_ref, o_ref,
             sum_ref, max_ref):
        i = pl.program_id(0)
        dinv = lax.rsqrt(d_ref[0] + d_ref[1] + 1.0)
        tot = a_ref[0] + a_ref[1] + h_ref[0]
        x3 = jnp.maximum(tot * dinv + b_ref[...], 0.0)
        bsum = jnp.sum(x3, axis=0, keepdims=True)
        bmax = jnp.max(x3, axis=0, keepdims=True)

        @pl.when(i == 0)
        def _init():
            sum_ref[...] = bsum
            max_ref[...] = bmax

        @pl.when(i > 0)
        def _accum():
            sum_ref[...] += bsum
            max_ref[...] = jnp.maximum(max_ref[...], bmax)

        @pl.when(i == N // _BM - 1)
        def _final():
            mean = sum_ref[...] * (1.0 / N)
            o_ref[...] = (jnp.dot(mean, wm_ref[...],
                                  preferred_element_type=jnp.float32)
                          + jnp.dot(max_ref[...], wx_ref[...],
                                    preferred_element_type=jnp.float32)
                          + bf_ref[...])
    return pl.pallas_call(
        body,
        grid=(N // _BM,),
        in_specs=[
            pl.BlockSpec((CORES, _BM, D), lambda i: (0, i, 0)),
            pl.BlockSpec((CORES, _BM, D), lambda i: (0, i, 0)),
            pl.BlockSpec((CORES, _BM, 1), lambda i: (0, i, 0)),
            pl.BlockSpec((1, D), lambda i: (0, 0)),
            pl.BlockSpec((D, D), lambda i: (0, 0)),
            pl.BlockSpec((D, D), lambda i: (0, 0)),
            pl.BlockSpec((1, D), lambda i: (0, 0)),
        ],
        out_specs=pl.BlockSpec((1, D), lambda i: (0, 0)),
        out_shape=jax.ShapeDtypeStruct((1, D), jnp.float32),
        scratch_shapes=[
            pltpu.VMEM((1, D), jnp.float32),
            pltpu.VMEM((1, D), jnp.float32),
        ],
    )(acc, hp, deg, b, Wfm, Wfx, bfc)



def kernel(node_features, edge_index, W1, b1, W2, b2, W_fc, b_fc):
    ei = edge_index.astype(jnp.int32)
    npad = E_PAD - E
    src = jnp.concatenate([ei[0], jnp.zeros((npad,), jnp.int32)])
    dst = jnp.concatenate([ei[1], jnp.full((npad,), PAD_DST, jnp.int32)])
    dst2d = dst.reshape(E_PAD // CHUNK, CHUNK)
    dst3d = dst.reshape(NT, 1, CHUNK)

    zeros = jnp.zeros((N_ACC, D), jnp.float32)
    src2 = jnp.stack([src, src + N])

    deg = _sc_degree(dst2d)[:, :N].reshape(CORES, N, 1)
    hp1 = _tc_first(node_features, W1, deg)
    acc1 = _sc_message(hp1.reshape(CORES * N, D), src2, dst3d, zeros)
    hp2 = _tc_mid(acc1, hp1, deg, b1.reshape(1, D), W2)
    acc2 = _sc_message(hp2.reshape(CORES * N, D), src2, dst3d, zeros)
    return _tc_last(acc2, hp2, deg, b2.reshape(1, D),
                    W_fc[:D], W_fc[D:], b_fc.reshape(1, D))

# --- scband reference (transcript-rebuilt; emitter-appended) ---
"""Pipeline reference for scband-statement-encoder-53532472378048 (READ-ONLY COPY).

The authoritative reference and input builder live on the scoring server;
editing this copy changes nothing except your own understanding.
"""

import jax, jax.numpy as jnp
import numpy as np

N_NODES = 10000
N_EDGES = 320000
D_FEAT = 128
HIDDEN = 128
OUT = 128

def setup_inputs(seed: int = 0) -> dict:
    key = jax.random.key(seed)
    k1, k2, k3, k4, k5 = jax.random.split(key, 5)
    node_features = jax.random.normal(k1, (N_NODES, D_FEAT), dtype=jnp.float32)
    edge_index = jax.random.randint(k2, (2, N_EDGES), 0, N_NODES, dtype=jnp.int64)
    W1 = jax.random.normal(k3, (D_FEAT, HIDDEN), dtype=jnp.float32) * (1.0 / np.sqrt(D_FEAT))
    b1 = jnp.zeros((HIDDEN,), dtype=jnp.float32)
    W2 = jax.random.normal(k4, (HIDDEN, HIDDEN), dtype=jnp.float32) * (1.0 / np.sqrt(HIDDEN))
    b2 = jnp.zeros((HIDDEN,), dtype=jnp.float32)
    # fc consumes concat(mean_pool, max_pool) -> 2*HIDDEN inputs
    W_fc = jax.random.normal(k5, (2 * HIDDEN, OUT), dtype=jnp.float32) * (1.0 / np.sqrt(2 * HIDDEN))
    b_fc = jnp.zeros((OUT,), dtype=jnp.float32)
    return {"node_features": node_features, "edge_index": edge_index,
            "W1": W1, "b1": b1, "W2": W2, "b2": b2, "W_fc": W_fc, "b_fc": b_fc}


def gcn_conv(x, edge_index, W, b, num_nodes):
    src = edge_index[0]
    dst = edge_index[1]
    loop = jnp.arange(num_nodes, dtype=edge_index.dtype)
    src = jnp.concatenate([src, loop])
    dst = jnp.concatenate([dst, loop])
    deg = jnp.zeros((num_nodes,), dtype=x.dtype).at[dst].add(1.0)
    dinv = jnp.where(deg > 0, deg ** -0.5, 0.0)
    norm = dinv[src] * dinv[dst]
    h = x @ W
    msg = h[src] * norm[:, None]
    out = jnp.zeros((num_nodes, W.shape[1]), dtype=x.dtype).at[dst].add(msg)
    return out + b


def reference(node_features, edge_index, W1, b1, W2, b2, W_fc, b_fc):
    n = node_features.shape[0]
    x = jax.nn.relu(gcn_conv(node_features, edge_index, W1, b1, n))
    x = jax.nn.relu(gcn_conv(x, edge_index, W2, b2, n))
    # global_mean_pool / global_max_pool with all-zero batch ids == global pools
    mean_p = jnp.mean(x, axis=0, keepdims=True)
    max_p = jnp.max(x, axis=0, keepdims=True)
    pooled = jnp.concatenate([mean_p, max_p], axis=1)
    # dropout is identity at inference
    return pooled @ W_fc + b_fc

if __name__ == "__main__":
    import jax
    _d = setup_inputs()
    print(jax.jit(kernel)(*tuple(_d.values())))

</pallas_src>

<mosaic_0001>
#map = affine_map<(d0, d1) -> (0, 0)>
#map1 = affine_map<(d0, d1) -> (0, 0, 0)>
module attributes {stable_mosaic.version = 14 : i64} {
  func.func @_sc_message(%arg0: i32, %arg1: i32, %arg2: memref<20000x128xf32, #tpu.memory_space<hbm>>, %arg3: memref<2x327680xi32, #tpu.memory_space<hbm>>, %arg4: memref<2560x1x128xi32, #tpu.memory_space<hbm>>, %arg5: memref<10112x128xf32, #tpu.memory_space<hbm>>, %arg6: memref<2x10000x128xf32, #tpu.memory_space<hbm>>, %arg7: memref<128xi32, #tpu.memory_space<vmem>>, %arg8: memref<128xi32, #tpu.memory_space<vmem>>, %arg9: memref<128xi32, #tpu.memory_space<vmem>>, %arg10: memref<1x128xi32, #tpu.memory_space<vmem>>, %arg11: memref<1x128xi32, #tpu.memory_space<vmem>>, %arg12: memref<1x128xi32, #tpu.memory_space<vmem>>, %arg13: memref<128x128xf32, #tpu.memory_space<vmem>>, %arg14: memref<128x128xf32, #tpu.memory_space<vmem>>, %arg15: memref<128x128xf32, #tpu.memory_space<vmem>>, %arg16: memref<10112x128xf32, #tpu.memory_space<vmem_shared>>, %arg17: memref<!tpu.dma_semaphore, #tpu.memory_space<semaphore_mem>>, %arg18: memref<!tpu.dma_semaphore, #tpu.memory_space<semaphore_mem>>, %arg19: memref<!tpu.dma_semaphore, #tpu.memory_space<semaphore_mem>>) attributes {dimension_semantics = [#tpu.dimension_semantics<core_parallel>, #tpu.dimension_semantics<subcore_parallel>], iteration_bounds = array<i64: 2, 16>, scalar_prefetch = 0 : i64, scratch_operands = 13 : i64, tpu.core_type = #tpu.core_type<sc_vector_subcore>, window_params = [{transform_indices = #map}, {transform_indices = #map}, {transform_indices = #map1}, {transform_indices = #map}, {transform_indices = #map1}]} {
    %mul3A = arith.constant 632 : i32
    %mul3A_0 = arith.muli %arg1, %mul3A : i32
    %mul3A_1 = arith.constant 632 : i32
    %mul3A_2 = arith.muli %arg1, %mul3A_1 : i32
    "tpu.region"() ({
      %run_scoped3A = tpu.sem_alloc : memref<!tpu.dma_semaphore, #tpu.memory_space<semaphore_mem>>
      %dma_start3A = arith.constant 0 : i32
      %dma_start3A_20 = tpu.memref_slice %arg16[%mul3A_2, %dma_start3A] : memref<10112x128xf32, #tpu.memory_space<vmem_shared>> -> memref<632x128xf32, #tpu.memory_space<vmem_shared>>
      %dma_start3A_21 = arith.constant 0 : i32
      %dma_start3A_22 = tpu.memref_slice %arg5[%mul3A_0, %dma_start3A_21] : memref<10112x128xf32, #tpu.memory_space<hbm>> -> memref<632x128xf32, #tpu.memory_space<hbm>>
      tpu.enqueue_dma source(%dma_start3A_22 : memref<632x128xf32, #tpu.memory_space<hbm>>) target(%dma_start3A_20 : memref<632x128xf32, #tpu.memory_space<vmem_shared>>) target_semaphore(%run_scoped3A : memref<!tpu.dma_semaphore, #tpu.memory_space<semaphore_mem>>)
      %dma_wait3A = arith.constant 0 : i32
      %dma_wait3A_23 = tpu.memref_slice %arg16[%mul3A_2, %dma_wait3A] : memref<10112x128xf32, #tpu.memory_space<vmem_shared>> -> memref<632x128xf32, #tpu.memory_space<vmem_shared>>
      %dma_wait3A_24 = arith.constant 0 : i32
      %dma_wait3A_25 = tpu.memref_slice %arg5[%mul3A_0, %dma_wait3A_24] : memref<10112x128xf32, #tpu.memory_space<hbm>> -> memref<632x128xf32, #tpu.memory_space<hbm>>
      tpu.wait_dma2 semaphore(%run_scoped3A : memref<!tpu.dma_semaphore, #tpu.memory_space<semaphore_mem>>) src(%dma_wait3A_25 : memref<632x128xf32, #tpu.memory_space<hbm>>) dst(%dma_wait3A_23 : memref<632x128xf32, #tpu.memory_space<vmem_shared>>)
      tpu.yield
    }) : () -> ()
    %barrier3A = arith.constant 0 : index
    tpu.barrier barrier_id(%barrier3A)
    %eq3A = arith.constant 0 : i32
    %eq3A_3 = arith.cmpi eq, %arg0, %eq3A : i32
    %convert_element_type3A = arith.extui %eq3A_3 : i1 to i32
    %cond3A = arith.constant 0 : i32
    %cond3A_4 = arith.cmpi ne, %convert_element_type3A, %cond3A : i32
    scf.if %cond3A_4 {
      %mul3A_20 = arith.constant 152 : i32
      %mul3A_21 = arith.muli %arg1, %mul3A_20 : i32
      %mul3A_22 = arith.constant 128 : i32
      %mul3A_23 = arith.muli %mul3A_21, %mul3A_22 : i32
      %dma_start3A = tpu.memref_slice %arg3[%arg0, %mul3A_23] : memref<2x327680xi32, #tpu.memory_space<hbm>> -> memref<1x128xi32, #tpu.memory_space<hbm>>
      %dma_start3A_24 = tpu.memref_squeeze %dma_start3A : memref<1x128xi32, #tpu.memory_space<hbm>> -> memref<128xi32, #tpu.memory_space<hbm>>
      %dma_start3A_25 = tpu.memref_slice %arg3[%arg0, %mul3A_23] : memref<2x327680xi32, #tpu.memory_space<hbm>> -> memref<1x128xi32, #tpu.memory_space<hbm>>
      %dma_start3A_26 = tpu.memref_squeeze %dma_start3A_25 : memref<1x128xi32, #tpu.memory_space<hbm>> -> memref<128xi32, #tpu.memory_space<hbm>>
      tpu.enqueue_dma source(%dma_start3A_26 : memref<128xi32, #tpu.memory_space<hbm>>) target(%arg7 : memref<128xi32, #tpu.memory_space<vmem>>) target_semaphore(%arg18 : memref<!tpu.dma_semaphore, #tpu.memory_space<semaphore_mem>>)
      %dma_start3A_27 = arith.constant 0 : i32
      %dma_start3A_28 = arith.constant 0 : i32
      %dma_start3A_29 = tpu.memref_slice %arg4[%mul3A_21, %dma_start3A_27, %dma_start3A_28] : memref<2560x1x128xi32, #tpu.memory_space<hbm>> -> memref<1x1x128xi32, #tpu.memory_space<hbm>>
      %dma_start3A_30 = tpu.memref_squeeze %dma_start3A_29 : memref<1x1x128xi32, #tpu.memory_space<hbm>> -> memref<1x128xi32, #tpu.memory_space<hbm>>
      %dma_start3A_31 = arith.constant 0 : i32
      %dma_start3A_32 = arith.constant 0 : i32
      %dma_start3A_33 = tpu.memref_slice %arg4[%mul3A_21, %dma_start3A_31, %dma_start3A_32] : memref<2560x1x128xi32, #tpu.memory_space<hbm>> -> memref<1x1x128xi32, #tpu.memory_space<hbm>>
      %dma_start3A_34 = tpu.memref_squeeze %dma_start3A_33 : memref<1x1x128xi32, #tpu.memory_space<hbm>> -> memref<1x128xi32, #tpu.memory_space<hbm>>
      tpu.enqueue_dma source(%dma_start3A_34 : memref<1x128xi32, #tpu.memory_space<hbm>>) target(%arg10 : memref<1x128xi32, #tpu.memory_space<vmem>>) target_semaphore(%arg18 : memref<!tpu.dma_semaphore, #tpu.memory_space<semaphore_mem>>)
      %dma_wait3A = arith.constant 0 : i32
      %dma_wait3A_35 = arith.constant 0 : i32
      %dma_wait3A_36 = tpu.memref_slice %arg3[%dma_wait3A, %dma_wait3A_35] : memref<2x327680xi32, #tpu.memory_space<hbm>> -> memref<1x128xi32, #tpu.memory_space<hbm>>
      %dma_wait3A_37 = tpu.memref_squeeze %dma_wait3A_36 : memref<1x128xi32, #tpu.memory_space<hbm>> -> memref<128xi32, #tpu.memory_space<hbm>>
      %dma_wait3A_38 = arith.constant 0 : i32
      %dma_wait3A_39 = tpu.memref_slice %arg3[%dma_wait3A, %dma_wait3A_38] : memref<2x327680xi32, #tpu.memory_space<hbm>> -> memref<1x128xi32, #tpu.memory_space<hbm>>
      %dma_wait3A_40 = tpu.memref_squeeze %dma_wait3A_39 : memref<1x128xi32, #tpu.memory_space<hbm>> -> memref<128xi32, #tpu.memory_space<hbm>>
      tpu.wait_dma2 semaphore(%arg18 : memref<!tpu.dma_semaphore, #tpu.memory_space<semaphore_mem>>) src(%dma_wait3A_40 : memref<128xi32, #tpu.memory_space<hbm>>) dst(%arg7 : memref<128xi32, #tpu.memory_space<vmem>>)
      %dma_wait3A_41 = arith.constant 0 : i32
      %dma_wait3A_42 = arith.constant 0 : i32
      %dma_wait3A_43 = arith.constant 0 : i32
      %dma_wait3A_44 = tpu.memref_slice %arg4[%dma_wait3A_41, %dma_wait3A_42, %dma_wait3A_43] : memref<2560x1x128xi32, #tpu.memory_space<hbm>> -> memref<1x1x128xi32, #tpu.memory_space<hbm>>
      %dma_wait3A_45 = tpu.memref_squeeze %dma_wait3A_44 : memref<1x1x128xi32, #tpu.memory_space<hbm>> -> memref<1x128xi32, #tpu.memory_space<hbm>>
      %dma_wait3A_46 = arith.constant 0 : i32
      %dma_wait3A_47 = arith.constant 0 : i32
      %dma_wait3A_48 = tpu.memref_slice %arg4[%dma_wait3A_41, %dma_wait3A_46, %dma_wait3A_47] : memref<2560x1x128xi32, #tpu.memory_space<hbm>> -> memref<1x1x128xi32, #tpu.memory_space<hbm>>
      %dma_wait3A_49 = tpu.memref_squeeze %dma_wait3A_48 : memref<1x1x128xi32, #tpu.memory_space<hbm>> -> memref<1x128xi32, #tpu.memory_space<hbm>>
      tpu.wait_dma2 semaphore(%arg18 : memref<!tpu.dma_semaphore, #tpu.memory_space<semaphore_mem>>) src(%dma_wait3A_49 : memref<1x128xi32, #tpu.memory_space<hbm>>) dst(%arg10 : memref<1x128xi32, #tpu.memory_space<vmem>>)
      %dma_start3A_50 = arith.constant 0 : i32
      %dma_start3A_51 = arith.constant 0 : i32
      %dma_start3A_52 = tpu.memref_slice %arg2[%dma_start3A_50, %dma_start3A_51] : memref<20000x128xf32, #tpu.memory_space<hbm>> -> memref<20000x128xf32, #tpu.memory_space<hbm>>
      tpu.enqueue_indirect_dma source(%dma_start3A_52 : memref<20000x128xf32, #tpu.memory_space<hbm>>) target(%arg13 : memref<128x128xf32, #tpu.memory_space<vmem>>) offsets(%arg7 : memref<128xi32, #tpu.memory_space<vmem>>) semaphore(%arg17 : memref<!tpu.dma_semaphore, #tpu.memory_space<semaphore_mem>>)
      %add3A = arith.constant 1 : i32
      %add3A_53 = arith.addi %mul3A_21, %add3A : i32
      %mul3A_54 = arith.constant 128 : i32
      %mul3A_55 = arith.muli %add3A_53, %mul3A_54 : i32
      %dma_start3A_56 = tpu.memref_slice %arg3[%arg0, %mul3A_55] : memref<2x327680xi32, #tpu.memory_space<hbm>> -> memref<1x128xi32, #tpu.memory_space<hbm>>
      %dma_start3A_57 = tpu.memref_squeeze %dma_start3A_56 : memref<1x128xi32, #tpu.memory_space<hbm>> -> memref<128xi32, #tpu.memory_space<hbm>>
      %dma_start3A_58 = tpu.memref_slice %arg3[%arg0, %mul3A_55] : memref<2x327680xi32, #tpu.memory_space<hbm>> -> memref<1x128xi32, #tpu.memory_space<hbm>>
      %dma_start3A_59 = tpu.memref_squeeze %dma_start3A_58 : memref<1x128xi32, #tpu.memory_space<hbm>> -> memref<128xi32, #tpu.memory_space<hbm>>
      tpu.enqueue_dma source(%dma_start3A_59 : memref<128xi32, #tpu.memory_space<hbm>>) target(%arg8 : memref<128xi32, #tpu.memory_space<vmem>>) target_semaphore(%arg18 : memref<!tpu.dma_semaphore, #tpu.memory_space<semaphore_mem>>)
      %dma_start3A_60 = arith.constant 0 : i32
      %dma_start3A_61 = arith.constant 0 : i32
      %dma_start3A_62 = tpu.memref_slice %arg4[%add3A_53, %dma_start3A_60, %dma_start3A_61] : memref<2560x1x128xi32, #tpu.memory_space<hbm>> -> memref<1x1x128xi32, #tpu.memory_space<hbm>>
      %dma_start3A_63 = tpu.memref_squeeze %dma_start3A_62 : memref<1x1x128xi32, #tpu.memory_space<hbm>> -> memref<1x128xi32, #tpu.memory_space<hbm>>
      %dma_start3A_64 = arith.constant 0 : i32
      %dma_start3A_65 = arith.constant 0 : i32
      %dma_start3A_66 = tpu.memref_slice %arg4[%add3A_53, %dma_start3A_64, %dma_start3A_65] : memref<2560x1x128xi32, #tpu.memory_space<hbm>> -> memref<1x1x128xi32, #tpu.memory_space<hbm>>
      %dma_start3A_67 = tpu.memref_squeeze %dma_start3A_66 : memref<1x1x128xi32, #tpu.memory_space<hbm>> -> memref<1x128xi32, #tpu.memory_space<hbm>>
      tpu.enqueue_dma source(%dma_start3A_67 : memref<1x128xi32, #tpu.memory_space<hbm>>) target(%arg11 : memref<1x128xi32, #tpu.memory_space<vmem>>) target_semaphore(%arg18 : memref<!tpu.dma_semaphore, #tpu.memory_space<semaphore_mem>>)
      %scan3A = arith.constant 0 : i32
      %scan3A_68 = arith.constant 0 : i32
      %scan3A_69 = arith.constant 152 : i32
      %scan3A_70 = arith.addi %scan3A_68, %scan3A_69 : i32
      %scan3A_71 = arith.constant 1 : i32
      %scan3A_72 = scf.for %scan3A_95 = %scan3A_68 to %scan3A_70 step %scan3A_71 iter_args(%scan3A_96 = %scan3A) -> (i32)  : i32 {
        %jit3A = arith.constant 3 : i32
        %eq3A_97 = arith.constant 0 : i32
        %eq3A_98 = arith.cmpi eq, %jit3A, %eq3A_97 : i32
        %jit3A_99 = arith.constant 1 : i32
        %select_n3A = arith.select %eq3A_98, %jit3A_99, %jit3A : i32
        %rem3A = arith.remsi %scan3A_95, %select_n3A : i32
        %ne3A = arith.constant 0 : i32
        %ne3A_100 = arith.cmpi ne, %rem3A, %ne3A : i32
        %lt3A_101 = arith.constant 0 : i32
        %lt3A_102 = arith.cmpi slt, %rem3A, %lt3A_101 : i32
        %lt3A_103 = arith.constant 0 : i32
        %lt3A_104 = arith.cmpi slt, %select_n3A, %lt3A_103 : i32
        %ne3A_105 = arith.xori %lt3A_102, %lt3A_104 : i1
        %and3A = arith.andi %ne3A_105, %ne3A_100 : i1
        %add3A_106 = arith.addi %rem3A, %select_n3A : i32
        %select_n3A_107 = arith.select %and3A, %add3A_106, %rem3A : i32
        %eq3A_108 = arith.constant 0 : i32
        %eq3A_109 = arith.cmpi eq, %select_n3A_107, %eq3A_108 : i32
        %convert_element_type3A_110 = arith.extui %eq3A_109 : i1 to i32
        %cond3A_111 = arith.constant 0 : i32
        %cond3A_112 = arith.cmpi ne, %convert_element_type3A_110, %cond3A_111 : i32
        scf.if %cond3A_112 {
          %dma_wait3A_156 = arith.constant 0 : i32
          %dma_wait3A_157 = arith.constant 0 : i32
          %dma_wait3A_158 = tpu.memref_slice %arg2[%dma_wait3A_156, %dma_wait3A_157] : memref<20000x128xf32, #tpu.memory_space<hbm>> -> memref<20000x128xf32, #tpu.memory_space<hbm>>
          tpu.wait_indirect_dma semaphore(%arg17 : memref<!tpu.dma_semaphore, #tpu.memory_space<semaphore_mem>>) src(%dma_wait3A_158 : memref<20000x128xf32, #tpu.memory_space<hbm>>) dst(%arg13 : memref<128x128xf32, #tpu.memory_space<vmem>>)
          %add3A_159 = arith.constant 1 : i32
          %add3A_160 = arith.addi %scan3A_95, %add3A_159 : i32
          %lt3A_161 = arith.constant 152 : i32
          %lt3A_162 = arith.cmpi slt, %add3A_160, %lt3A_161 : i32
          %convert_element_type3A_163 = arith.extui %lt3A_162 : i1 to i32
          %cond3A_164 = arith.constant 0 : i32
          %cond3A_165 = arith.cmpi ne, %convert_element_type3A_163, %cond3A_164 : i32
          scf.if %cond3A_165 {
            %dma_wait3A_180 = arith.constant 0 : i32
            %dma_wait3A_181 = arith.constant 0 : i32
            %dma_wait3A_182 = tpu.memref_slice %arg3[%dma_wait3A_180, %dma_wait3A_181] : memref<2x327680xi32, #tpu.memory_space<hbm>> -> memref<1x128xi32, #tpu.memory_space<hbm>>
            %dma_wait3A_183 = tpu.memref_squeeze %dma_wait3A_182 : memref<1x128xi32, #tpu.memory_space<hbm>> -> memref<128xi32, #tpu.memory_space<hbm>>
            %dma_wait3A_184 = arith.constant 0 : i32
            %dma_wait3A_185 = tpu.memref_slice %arg3[%dma_wait3A_180, %dma_wait3A_184] : memref<2x327680xi32, #tpu.memory_space<hbm>> -> memref<1x128xi32, #tpu.memory_space<hbm>>
            %dma_wait3A_186 = tpu.memref_squeeze %dma_wait3A_185 : memref<1x128xi32, #tpu.memory_space<hbm>> -> memref<128xi32, #tpu.memory_space<hbm>>
            tpu.wait_dma2 semaphore(%arg18 : memref<!tpu.dma_semaphore, #tpu.memory_space<semaphore_mem>>) src(%dma_wait3A_186 : memref<128xi32, #tpu.memory_space<hbm>>) dst(%arg8 : memref<128xi32, #tpu.memory_space<vmem>>)
            %dma_wait3A_187 = arith.constant 0 : i32
            %dma_wait3A_188 = arith.constant 0 : i32
            %dma_wait3A_189 = arith.constant 0 : i32
            %dma_wait3A_190 = tpu.memref_slice %arg4[%dma_wait3A_187, %dma_wait3A_188, %dma_wait3A_189] : memref<2560x1x128xi32, #tpu.memory_space<hbm>> -> memref<1x1x128xi32, #tpu.memory_space<hbm>>
            %dma_wait3A_191 = tpu.memref_squeeze %dma_wait3A_190 : memref<1x1x128xi32, #tpu.memory_space<hbm>> -> memref<1x128xi32, #tpu.memory_space<hbm>>
            %dma_wait3A_192 = arith.constant 0 : i32
            %dma_wait3A_193 = arith.constant 0 : i32
            %dma_wait3A_194 = tpu.memref_slice %arg4[%dma_wait3A_187, %dma_wait3A_192, %dma_wait3A_193] : memref<2560x1x128xi32, #tpu.memory_space<hbm>> -> memref<1x1x128xi32, #tpu.memory_space<hbm>>
            %dma_wait3A_195 = tpu.memref_squeeze %dma_wait3A_194 : memref<1x1x128xi32, #tpu.memory_space<hbm>> -> memref<1x128xi32, #tpu.memory_space<hbm>>
            tpu.wait_dma2 semaphore(%arg18 : memref<!tpu.dma_semaphore, #tpu.memory_space<semaphore_mem>>) src(%dma_wait3A_195 : memref<1x128xi32, #tpu.memory_space<hbm>>) dst(%arg11 : memref<1x128xi32, #tpu.memory_space<vmem>>)
            %ge3A = arith.constant 2 : i32
            %ge3A_196 = arith.cmpi sge, %scan3A_95, %ge3A : i32
            %convert_element_type3A_197 = arith.extui %ge3A_196 : i1 to i32
            %cond3A_198 = arith.constant 0 : i32
            %cond3A_199 = arith.cmpi ne, %convert_element_type3A_197, %cond3A_198 : i32
            scf.if %cond3A_199 {
              %dma_wait3A_203 = arith.constant 0 : i32
              %dma_wait3A_204 = arith.constant 0 : i32
              %dma_wait3A_205 = tpu.memref_slice %arg10[%dma_wait3A_203, %dma_wait3A_204] : memref<1x128xi32, #tpu.memory_space<vmem>> -> memref<1x128xi32, #tpu.memory_space<vmem>>
              %dma_wait3A_206 = tpu.memref_squeeze %dma_wait3A_205 : memref<1x128xi32, #tpu.memory_space<vmem>> -> memref<128xi32, #tpu.memory_space<vmem>>
              %dma_wait3A_207 = arith.constant 0 : i32
              %dma_wait3A_208 = arith.constant 0 : i32
              %dma_wait3A_209 = tpu.memref_slice %arg16[%dma_wait3A_207, %dma_wait3A_208] : memref<10112x128xf32, #tpu.memory_space<vmem_shared>> -> memref<10112x128xf32, #tpu.memory_space<vmem_shared>>
              tpu.wait_indirect_dma semaphore(%arg19 : memref<!tpu.dma_semaphore, #tpu.memory_space<semaphore_mem>>) src(%arg13 : memref<128x128xf32, #tpu.memory_space<vmem>>) dst(%dma_wait3A_209 : memref<10112x128xf32, #tpu.memory_space<vmem_shared>>)
            } else {
            }
            %dma_start3A_200 = arith.constant 0 : i32
            %dma_start3A_201 = arith.constant 0 : i32
            %dma_start3A_202 = tpu.memref_slice %arg2[%dma_start3A_200, %dma_start3A_201] : memref<20000x128xf32, #tpu.memory_space<hbm>> -> memref<20000x128xf32, #tpu.memory_space<hbm>>
            tpu.enqueue_indirect_dma source(%dma_start3A_202 : memref<20000x128xf32, #tpu.memory_space<hbm>>) target(%arg14 : memref<128x128xf32, #tpu.memory_space<vmem>>) offsets(%arg8 : memref<128xi32, #tpu.memory_space<vmem>>) semaphore(%arg17 : memref<!tpu.dma_semaphore, #tpu.memory_space<semaphore_mem>>)
          } else {
          }
          %add3A_166 = arith.constant 2 : i32
          %add3A_167 = arith.addi %scan3A_95, %add3A_166 : i32
          %lt3A_168 = arith.constant 152 : i32
          %lt3A_169 = arith.cmpi slt, %add3A_167, %lt3A_168 : i32
          %convert_element_type3A_170 = arith.extui %lt3A_169 : i1 to i32
          %cond3A_171 = arith.constant 0 : i32
          %cond3A_172 = arith.cmpi ne, %convert_element_type3A_170, %cond3A_171 : i32
          scf.if %cond3A_172 {
            %add3A_180 = arith.addi %mul3A_21, %scan3A_95 : i32
            %add3A_181 = arith.constant 2 : i32
            %add3A_182 = arith.addi %add3A_180, %add3A_181 : i32
            %mul3A_183 = arith.constant 128 : i32
            %mul3A_184 = arith.muli %add3A_182, %mul3A_183 : i32
            %dma_start3A_185 = tpu.memref_slice %arg3[%arg0, %mul3A_184] : memref<2x327680xi32, #tpu.memory_space<hbm>> -> memref<1x128xi32, #tpu.memory_space<hbm>>
            %dma_start3A_186 = tpu.memref_squeeze %dma_start3A_185 : memref<1x128xi32, #tpu.memory_space<hbm>> -> memref<128xi32, #tpu.memory_space<hbm>>
            %dma_start3A_187 = tpu.memref_slice %arg3[%arg0, %mul3A_184] : memref<2x327680xi32, #tpu.memory_space<hbm>> -> memref<1x128xi32, #tpu.memory_space<hbm>>
            %dma_start3A_188 = tpu.memref_squeeze %dma_start3A_187 : memref<1x128xi32, #tpu.memory_space<hbm>> -> memref<128xi32, #tpu.memory_space<hbm>>
            tpu.enqueue_dma source(%dma_start3A_188 : memref<128xi32, #tpu.memory_space<hbm>>) target(%arg9 : memref<128xi32, #tpu.memory_space<vmem>>) target_semaphore(%arg18 : memref<!tpu.dma_semaphore, #tpu.memory_space<semaphore_mem>>)
            %dma_start3A_189 = arith.constant 0 : i32
            %dma_start3A_190 = arith.constant 0 : i32
            %dma_start3A_191 = tpu.memref_slice %arg4[%add3A_182, %dma_start3A_189, %dma_start3A_190] : memref<2560x1x128xi32, #tpu.memory_space<hbm>> -> memref<1x1x128xi32, #tpu.memory_space<hbm>>
            %dma_start3A_192 = tpu.memref_squeeze %dma_start3A_191 : memref<1x1x128xi32, #tpu.memory_space<hbm>> -> memref<1x128xi32, #tpu.memory_space<hbm>>
            %dma_start3A_193 = arith.constant 0 : i32
            %dma_start3A_194 = arith.constant 0 : i32
            %dma_start3A_195 = tpu.memref_slice %arg4[%add3A_182, %dma_start3A_193, %dma_start3A_194] : memref<2560x1x128xi32, #tpu.memory_space<hbm>> -> memref<1x1x128xi32, #tpu.memory_space<hbm>>
            %dma_start3A_196 = tpu.memref_squeeze %dma_start3A_195 : memref<1x1x128xi32, #tpu.memory_space<hbm>> -> memref<1x128xi32, #tpu.memory_space<hbm>>
            tpu.enqueue_dma source(%dma_start3A_196 : memref<1x128xi32, #tpu.memory_space<hbm>>) target(%arg12 : memref<1x128xi32, #tpu.memory_space<vmem>>) target_semaphore(%arg18 : memref<!tpu.dma_semaphore, #tpu.memory_space<semaphore_mem>>)
          } else {
          }
          %dma_start3A_173 = arith.constant 0 : i32
          %dma_start3A_174 = arith.constant 0 : i32
          %dma_start3A_175 = tpu.memref_slice %arg10[%dma_start3A_173, %dma_start3A_174] : memref<1x128xi32, #tpu.memory_space<vmem>> -> memref<1x128xi32, #tpu.memory_space<vmem>>
          %dma_start3A_176 = tpu.memref_squeeze %dma_start3A_175 : memref<1x128xi32, #tpu.memory_space<vmem>> -> memref<128xi32, #tpu.memory_space<vmem>>
          %dma_start3A_177 = arith.constant 0 : i32
          %dma_start3A_178 = arith.constant 0 : i32
          %dma_start3A_179 = tpu.memref_slice %arg16[%dma_start3A_177, %dma_start3A_178] : memref<10112x128xf32, #tpu.memory_space<vmem_shared>> -> memref<10112x128xf32, #tpu.memory_space<vmem_shared>>
          tpu.enqueue_indirect_dma source(%arg13 : memref<128x128xf32, #tpu.memory_space<vmem>>) target(%dma_start3A_179 : memref<10112x128xf32, #tpu.memory_space<vmem_shared>>) offsets(%dma_start3A_176 : memref<128xi32, #tpu.memory_space<vmem>>) semaphore(%arg19 : memref<!tpu.dma_semaphore, #tpu.memory_space<semaphore_mem>>) {add = true}
        } else {
        }
        %jit3A_113 = arith.constant 3 : i32
        %eq3A_114 = arith.constant 0 : i32
        %eq3A_115 = arith.cmpi eq, %jit3A_113, %eq3A_114 : i32
        %jit3A_116 = arith.constant 1 : i32
        %select_n3A_117 = arith.select %eq3A_115, %jit3A_116, %jit3A_113 : i32
        %rem3A_118 = arith.remsi %scan3A_95, %select_n3A_117 : i32
        %ne3A_119 = arith.constant 0 : i32
        %ne3A_120 = arith.cmpi ne, %rem3A_118, %ne3A_119 : i32
        %lt3A_121 = arith.constant 0 : i32
        %lt3A_122 = arith.cmpi slt, %rem3A_118, %lt3A_121 : i32
        %lt3A_123 = arith.constant 0 : i32
        %lt3A_124 = arith.cmpi slt, %select_n3A_117, %lt3A_123 : i32
        %ne3A_125 = arith.xori %lt3A_122, %lt3A_124 : i1
        %and3A_126 = arith.andi %ne3A_125, %ne3A_120 : i1
        %add3A_127 = arith.addi %rem3A_118, %select_n3A_117 : i32
        %select_n3A_128 = arith.select %and3A_126, %add3A_127, %rem3A_118 : i32
        %eq3A_129 = arith.constant 1 : i32
        %eq3A_130 = arith.cmpi eq, %select_n3A_128, %eq3A_129 : i32
        %convert_element_type3A_131 = arith.extui %eq3A_130 : i1 to i32
        %cond3A_132 = arith.constant 0 : i32
        %cond3A_133 = arith.cmpi ne, %convert_element_type3A_131, %cond3A_132 : i32
        scf.if %cond3A_133 {
          %dma_wait3A_156 = arith.constant 0 : i32
          %dma_wait3A_157 = arith.constant 0 : i32
          %dma_wait3A_158 = tpu.memref_slice %arg2[%dma_wait3A_156, %dma_wait3A_157] : memref<20000x128xf32, #tpu.memory_space<hbm>> -> memref<20000x128xf32, #tpu.memory_space<hbm>>
          tpu.wait_indirect_dma semaphore(%arg17 : memref<!tpu.dma_semaphore, #tpu.memory_space<semaphore_mem>>) src(%dma_wait3A_158 : memref<20000x128xf32, #tpu.memory_space<hbm>>) dst(%arg14 : memref<128x128xf32, #tpu.memory_space<vmem>>)
          %add3A_159 = arith.constant 1 : i32
          %add3A_160 = arith.addi %scan3A_95, %add3A_159 : i32
          %lt3A_161 = arith.constant 152 : i32
          %lt3A_162 = arith.cmpi slt, %add3A_160, %lt3A_161 : i32
          %convert_element_type3A_163 = arith.extui %lt3A_162 : i1 to i32
          %cond3A_164 = arith.constant 0 : i32
          %cond3A_165 = arith.cmpi ne, %convert_element_type3A_163, %cond3A_164 : i32
          scf.if %cond3A_165 {
            %dma_wait3A_180 = arith.constant 0 : i32
            %dma_wait3A_181 = arith.constant 0 : i32
            %dma_wait3A_182 = tpu.memref_slice %arg3[%dma_wait3A_180, %dma_wait3A_181] : memref<2x327680xi32, #tpu.memory_space<hbm>> -> memref<1x128xi32, #tpu.memory_space<hbm>>
            %dma_wait3A_183 = tpu.memref_squeeze %dma_wait3A_182 : memref<1x128xi32, #tpu.memory_space<hbm>> -> memref<128xi32, #tpu.memory_space<hbm>>
            %dma_wait3A_184 = arith.constant 0 : i32
            %dma_wait3A_185 = tpu.memref_slice %arg3[%dma_wait3A_180, %dma_wait3A_184] : memref<2x327680xi32, #tpu.memory_space<hbm>> -> memref<1x128xi32, #tpu.memory_space<hbm>>
            %dma_wait3A_186 = tpu.memref_squeeze %dma_wait3A_185 : memref<1x128xi32, #tpu.memory_space<hbm>> -> memref<128xi32, #tpu.memory_space<hbm>>
            tpu.wait_dma2 semaphore(%arg18 : memref<!tpu.dma_semaphore, #tpu.memory_space<semaphore_mem>>) src(%dma_wait3A_186 : memref<128xi32, #tpu.memory_space<hbm>>) dst(%arg9 : memref<128xi32, #tpu.memory_space<vmem>>)
            %dma_wait3A_187 = arith.constant 0 : i32
            %dma_wait3A_188 = arith.constant 0 : i32
            %dma_wait3A_189 = arith.constant 0 : i32
            %dma_wait3A_190 = tpu.memref_slice %arg4[%dma_wait3A_187, %dma_wait3A_188, %dma_wait3A_189] : memref<2560x1x128xi32, #tpu.memory_space<hbm>> -> memref<1x1x128xi32, #tpu.memory_space<hbm>>
            %dma_wait3A_191 = tpu.memref_squeeze %dma_wait3A_190 : memref<1x1x128xi32, #tpu.memory_space<hbm>> -> memref<1x128xi32, #tpu.memory_space<hbm>>
            %dma_wait3A_192 = arith.constant 0 : i32
            %dma_wait3A_193 = arith.constant 0 : i32
            %dma_wait3A_194 = tpu.memref_slice %arg4[%dma_wait3A_187, %dma_wait3A_192, %dma_wait3A_193] : memref<2560x1x128xi32, #tpu.memory_space<hbm>> -> memref<1x1x128xi32, #tpu.memory_space<hbm>>
            %dma_wait3A_195 = tpu.memref_squeeze %dma_wait3A_194 : memref<1x1x128xi32, #tpu.memory_space<hbm>> -> memref<1x128xi32, #tpu.memory_space<hbm>>
            tpu.wait_dma2 semaphore(%arg18 : memref<!tpu.dma_semaphore, #tpu.memory_space<semaphore_mem>>) src(%dma_wait3A_195 : memref<1x128xi32, #tpu.memory_space<hbm>>) dst(%arg12 : memref<1x128xi32, #tpu.memory_space<vmem>>)
            %ge3A = arith.constant 2 : i32
            %ge3A_196 = arith.cmpi sge, %scan3A_95, %ge3A : i32
            %convert_element_type3A_197 = arith.extui %ge3A_196 : i1 to i32
            %cond3A_198 = arith.constant 0 : i32
            %cond3A_199 = arith.cmpi ne, %convert_element_type3A_197, %cond3A_198 : i32
            scf.if %cond3A_199 {
              %dma_wait3A_203 = arith.constant 0 : i32
              %dma_wait3A_204 = arith.constant 0 : i32
              %dma_wait3A_205 = tpu.memref_slice %arg10[%dma_wait3A_203, %dma_wait3A_204] : memref<1x128xi32, #tpu.memory_space<vmem>> -> memref<1x128xi32, #tpu.memory_space<vmem>>
              %dma_wait3A_206 = tpu.memref_squeeze %dma_wait3A_205 : memref<1x128xi32, #tpu.memory_space<vmem>> -> memref<128xi32, #tpu.memory_space<vmem>>
              %dma_wait3A_207 = arith.constant 0 : i32
              %dma_wait3A_208 = arith.constant 0 : i32
              %dma_wait3A_209 = tpu.memref_slice %arg16[%dma_wait3A_207, %dma_wait3A_208] : memref<10112x128xf32, #tpu.memory_space<vmem_shared>> -> memref<10112x128xf32, #tpu.memory_space<vmem_shared>>
              tpu.wait_indirect_dma semaphore(%arg19 : memref<!tpu.dma_semaphore, #tpu.memory_space<semaphore_mem>>) src(%arg13 : memref<128x128xf32, #tpu.memory_space<vmem>>) dst(%dma_wait3A_209 : memref<10112x128xf32, #tpu.memory_space<vmem_shared>>)
            } else {
            }
            %dma_start3A_200 = arith.constant 0 : i32
            %dma_start3A_201 = arith.constant 0 : i32
            %dma_start3A_202 = tpu.memref_slice %arg2[%dma_start3A_200, %dma_start3A_201] : memref<20000x128xf32, #tpu.memory_space<hbm>> -> memref<20000x128xf32, #tpu.memory_space<hbm>>
            tpu.enqueue_indirect_dma source(%dma_start3A_202 : memref<20000x128xf32, #tpu.memory_space<hbm>>) target(%arg15 : memref<128x128xf32, #tpu.memory_space<vmem>>) offsets(%arg9 : memref<128xi32, #tpu.memory_space<vmem>>) semaphore(%arg17 : memref<!tpu.dma_semaphore, #tpu.memory_space<semaphore_mem>>)
          } else {
          }
          %add3A_166 = arith.constant 2 : i32
          %add3A_167 = arith.addi %scan3A_95, %add3A_166 : i32
          %lt3A_168 = arith.constant 152 : i32
          %lt3A_169 = arith.cmpi slt, %add3A_167, %lt3A_168 : i32
          %convert_element_type3A_170 = arith.extui %lt3A_169 : i1 to i32
          %cond3A_171 = arith.constant 0 : i32
          %cond3A_172 = arith.cmpi ne, %convert_element_type3A_170, %cond3A_171 : i32
          scf.if %cond3A_172 {
            %add3A_180 = arith.addi %mul3A_21, %scan3A_95 : i32
            %add3A_181 = arith.constant 2 : i32
            %add3A_182 = arith.addi %add3A_180, %add3A_181 : i32
            %mul3A_183 = arith.constant 128 : i32
            %mul3A_184 = arith.muli %add3A_182, %mul3A_183 : i32
            %dma_start3A_185 = tpu.memref_slice %arg3[%arg0, %mul3A_184] : memref<2x327680xi32, #tpu.memory_space<hbm>> -> memref<1x128xi32, #tpu.memory_space<hbm>>
            %dma_start3A_186 = tpu.memref_squeeze %dma_start3A_185 : memref<1x128xi32, #tpu.memory_space<hbm>> -> memref<128xi32, #tpu.memory_space<hbm>>
            %dma_start3A_187 = tpu.memref_slice %arg3[%arg0, %mul3A_184] : memref<2x327680xi32, #tpu.memory_space<hbm>> -> memref<1x128xi32, #tpu.memory_space<hbm>>
            %dma_start3A_188 = tpu.memref_squeeze %dma_start3A_187 : memref<1x128xi32, #tpu.memory_space<hbm>> -> memref<128xi32, #tpu.memory_space<hbm>>
            tpu.enqueue_dma source(%dma_start3A_188 : memref<128xi32, #tpu.memory_space<hbm>>) target(%arg7 : memref<128xi32, #tpu.memory_space<vmem>>) target_semaphore(%arg18 : memref<!tpu.dma_semaphore, #tpu.memory_space<semaphore_mem>>)
            %dma_start3A_189 = arith.constant 0 : i32
            %dma_start3A_190 = arith.constant 0 : i32
            %dma_start3A_191 = tpu.memref_slice %arg4[%add3A_182, %dma_start3A_189, %dma_start3A_190] : memref<2560x1x128xi32, #tpu.memory_space<hbm>> -> memref<1x1x128xi32, #tpu.memory_space<hbm>>
            %dma_start3A_192 = tpu.memref_squeeze %dma_start3A_191 : memref<1x1x128xi32, #tpu.memory_space<hbm>> -> memref<1x128xi32, #tpu.memory_space<hbm>>
            %dma_start3A_193 = arith.constant 0 : i32
            %dma_start3A_194 = arith.constant 0 : i32
            %dma_start3A_195 = tpu.memref_slice %arg4[%add3A_182, %dma_start3A_193, %dma_start3A_194] : memref<2560x1x128xi32, #tpu.memory_space<hbm>> -> memref<1x1x128xi32, #tpu.memory_space<hbm>>
            %dma_start3A_196 = tpu.memref_squeeze %dma_start3A_195 : memref<1x1x128xi32, #tpu.memory_space<hbm>> -> memref<1x128xi32, #tpu.memory_space<hbm>>
            tpu.enqueue_dma source(%dma_start3A_196 : memref<1x128xi32, #tpu.memory_space<hbm>>) target(%arg10 : memref<1x128xi32, #tpu.memory_space<vmem>>) target_semaphore(%arg18 : memref<!tpu.dma_semaphore, #tpu.memory_space<semaphore_mem>>)
          } else {
          }
          %dma_start3A_173 = arith.constant 0 : i32
          %dma_start3A_174 = arith.constant 0 : i32
          %dma_start3A_175 = tpu.memref_slice %arg11[%dma_start3A_173, %dma_start3A_174] : memref<1x128xi32, #tpu.memory_space<vmem>> -> memref<1x128xi32, #tpu.memory_space<vmem>>
          %dma_start3A_176 = tpu.memref_squeeze %dma_start3A_175 : memref<1x128xi32, #tpu.memory_space<vmem>> -> memref<128xi32, #tpu.memory_space<vmem>>
          %dma_start3A_177 = arith.constant 0 : i32
          %dma_start3A_178 = arith.constant 0 : i32
          %dma_start3A_179 = tpu.memref_slice %arg16[%dma_start3A_177, %dma_start3A_178] : memref<10112x128xf32, #tpu.memory_space<vmem_shared>> -> memref<10112x128xf32, #tpu.memory_space<vmem_shared>>
          tpu.enqueue_indirect_dma source(%arg14 : memref<128x128xf32, #tpu.memory_space<vmem>>) target(%dma_start3A_179 : memref<10112x128xf32, #tpu.memory_space<vmem_shared>>) offsets(%dma_start3A_176 : memref<128xi32, #tpu.memory_space<vmem>>) semaphore(%arg19 : memref<!tpu.dma_semaphore, #tpu.memory_space<semaphore_mem>>) {add = true}
        } else {
        }
        %jit3A_134 = arith.constant 3 : i32
        %eq3A_135 = arith.constant 0 : i32
        %eq3A_136 = arith.cmpi eq, %jit3A_134, %eq3A_135 : i32
        %jit3A_137 = arith.constant 1 : i32
        %select_n3A_138 = arith.select %eq3A_136, %jit3A_137, %jit3A_134 : i32
        %rem3A_139 = arith.remsi %scan3A_95, %select_n3A_138 : i32
        %ne3A_140 = arith.constant 0 : i32
        %ne3A_141 = arith.cmpi ne, %rem3A_139, %ne3A_140 : i32
        %lt3A_142 = arith.constant 0 : i32
        %lt3A_143 = arith.cmpi slt, %rem3A_139, %lt3A_142 : i32
        %lt3A_144 = arith.constant 0 : i32
        %lt3A_145 = arith.cmpi slt, %select_n3A_138, %lt3A_144 : i32
        %ne3A_146 = arith.xori %lt3A_143, %lt3A_145 : i1
        %and3A_147 = arith.andi %ne3A_146, %ne3A_141 : i1
        %add3A_148 = arith.addi %rem3A_139, %select_n3A_138 : i32
        %select_n3A_149 = arith.select %and3A_147, %add3A_148, %rem3A_139 : i32
        %eq3A_150 = arith.constant 2 : i32
        %eq3A_151 = arith.cmpi eq, %select_n3A_149, %eq3A_150 : i32
        %convert_element_type3A_152 = arith.extui %eq3A_151 : i1 to i32
        %cond3A_153 = arith.constant 0 : i32
        %cond3A_154 = arith.cmpi ne, %convert_element_type3A_152, %cond3A_153 : i32
        scf.if %cond3A_154 {
          %dma_wait3A_156 = arith.constant 0 : i32
          %dma_wait3A_157 = arith.constant 0 : i32
          %dma_wait3A_158 = tpu.memref_slice %arg2[%dma_wait3A_156, %dma_wait3A_157] : memref<20000x128xf32, #tpu.memory_space<hbm>> -> memref<20000x128xf32, #tpu.memory_space<hbm>>
          tpu.wait_indirect_dma semaphore(%arg17 : memref<!tpu.dma_semaphore, #tpu.memory_space<semaphore_mem>>) src(%dma_wait3A_158 : memref<20000x128xf32, #tpu.memory_space<hbm>>) dst(%arg15 : memref<128x128xf32, #tpu.memory_space<vmem>>)
          %add3A_159 = arith.constant 1 : i32
          %add3A_160 = arith.addi %scan3A_95, %add3A_159 : i32
          %lt3A_161 = arith.constant 152 : i32
          %lt3A_162 = arith.cmpi slt, %add3A_160, %lt3A_161 : i32
          %convert_element_type3A_163 = arith.extui %lt3A_162 : i1 to i32
          %cond3A_164 = arith.constant 0 : i32
          %cond3A_165 = arith.cmpi ne, %convert_element_type3A_163, %cond3A_164 : i32
          scf.if %cond3A_165 {
            %dma_wait3A_180 = arith.constant 0 : i32
            %dma_wait3A_181 = arith.constant 0 : i32
            %dma_wait3A_182 = tpu.memref_slice %arg3[%dma_wait3A_180, %dma_wait3A_181] : memref<2x327680xi32, #tpu.memory_space<hbm>> -> memref<1x128xi32, #tpu.memory_space<hbm>>
            %dma_wait3A_183 = tpu.memref_squeeze %dma_wait3A_182 : memref<1x128xi32, #tpu.memory_space<hbm>> -> memref<128xi32, #tpu.memory_space<hbm>>
            %dma_wait3A_184 = arith.constant 0 : i32
            %dma_wait3A_185 = tpu.memref_slice %arg3[%dma_wait3A_180, %dma_wait3A_184] : memref<2x327680xi32, #tpu.memory_space<hbm>> -> memref<1x128xi32, #tpu.memory_space<hbm>>
            %dma_wait3A_186 = tpu.memref_squeeze %dma_wait3A_185 : memref<1x128xi32, #tpu.memory_space<hbm>> -> memref<128xi32, #tpu.memory_space<hbm>>
            tpu.wait_dma2 semaphore(%arg18 : memref<!tpu.dma_semaphore, #tpu.memory_space<semaphore_mem>>) src(%dma_wait3A_186 : memref<128xi32, #tpu.memory_space<hbm>>) dst(%arg7 : memref<128xi32, #tpu.memory_space<vmem>>)
            %dma_wait3A_187 = arith.constant 0 : i32
            %dma_wait3A_188 = arith.constant 0 : i32
            %dma_wait3A_189 = arith.constant 0 : i32
            %dma_wait3A_190 = tpu.memref_slice %arg4[%dma_wait3A_187, %dma_wait3A_188, %dma_wait3A_189] : memref<2560x1x128xi32, #tpu.memory_space<hbm>> -> memref<1x1x128xi32, #tpu.memory_space<hbm>>
            %dma_wait3A_191 = tpu.memref_squeeze %dma_wait3A_190 : memref<1x1x128xi32, #tpu.memory_space<hbm>> -> memref<1x128xi32, #tpu.memory_space<hbm>>
            %dma_wait3A_192 = arith.constant 0 : i32
            %dma_wait3A_193 = arith.constant 0 : i32
            %dma_wait3A_194 = tpu.memref_slice %arg4[%dma_wait3A_187, %dma_wait3A_192, %dma_wait3A_193] : memref<2560x1x128xi32, #tpu.memory_space<hbm>> -> memref<1x1x128xi32, #tpu.memory_space<hbm>>
            %dma_wait3A_195 = tpu.memref_squeeze %dma_wait3A_194 : memref<1x1x128xi32, #tpu.memory_space<hbm>> -> memref<1x128xi32, #tpu.memory_space<hbm>>
            tpu.wait_dma2 semaphore(%arg18 : memref<!tpu.dma_semaphore, #tpu.memory_space<semaphore_mem>>) src(%dma_wait3A_195 : memref<1x128xi32, #tpu.memory_space<hbm>>) dst(%arg10 : memref<1x128xi32, #tpu.memory_space<vmem>>)
            %ge3A = arith.constant 2 : i32
            %ge3A_196 = arith.cmpi sge, %scan3A_95, %ge3A : i32
            %convert_element_type3A_197 = arith.extui %ge3A_196 : i1 to i32
            %cond3A_198 = arith.constant 0 : i32
            %cond3A_199 = arith.cmpi ne, %convert_element_type3A_197, %cond3A_198 : i32
            scf.if %cond3A_199 {
              %dma_wait3A_203 = arith.constant 0 : i32
              %dma_wait3A_204 = arith.constant 0 : i32
              %dma_wait3A_205 = tpu.memref_slice %arg10[%dma_wait3A_203, %dma_wait3A_204] : memref<1x128xi32, #tpu.memory_space<vmem>> -> memref<1x128xi32, #tpu.memory_space<vmem>>
              %dma_wait3A_206 = tpu.memref_squeeze %dma_wait3A_205 : memref<1x128xi32, #tpu.memory_space<vmem>> -> memref<128xi32, #tpu.memory_space<vmem>>
              %dma_wait3A_207 = arith.constant 0 : i32
              %dma_wait3A_208 = arith.constant 0 : i32
              %dma_wait3A_209 = tpu.memref_slice %arg16[%dma_wait3A_207, %dma_wait3A_208] : memref<10112x128xf32, #tpu.memory_space<vmem_shared>> -> memref<10112x128xf32, #tpu.memory_space<vmem_shared>>
              tpu.wait_indirect_dma semaphore(%arg19 : memref<!tpu.dma_semaphore, #tpu.memory_space<semaphore_mem>>) src(%arg13 : memref<128x128xf32, #tpu.memory_space<vmem>>) dst(%dma_wait3A_209 : memref<10112x128xf32, #tpu.memory_space<vmem_shared>>)
            } else {
            }
            %dma_start3A_200 = arith.constant 0 : i32
            %dma_start3A_201 = arith.constant 0 : i32
            %dma_start3A_202 = tpu.memref_slice %arg2[%dma_start3A_200, %dma_start3A_201] : memref<20000x128xf32, #tpu.memory_space<hbm>> -> memref<20000x128xf32, #tpu.memory_space<hbm>>
            tpu.enqueue_indirect_dma source(%dma_start3A_202 : memref<20000x128xf32, #tpu.memory_space<hbm>>) target(%arg13 : memref<128x128xf32, #tpu.memory_space<vmem>>) offsets(%arg7 : memref<128xi32, #tpu.memory_space<vmem>>) semaphore(%arg17 : memref<!tpu.dma_semaphore, #tpu.memory_space<semaphore_mem>>)
          } else {
          }
          %add3A_166 = arith.constant 2 : i32
          %add3A_167 = arith.addi %scan3A_95, %add3A_166 : i32
          %lt3A_168 = arith.constant 152 : i32
          %lt3A_169 = arith.cmpi slt, %add3A_167, %lt3A_168 : i32
          %convert_element_type3A_170 = arith.extui %lt3A_169 : i1 to i32
          %cond3A_171 = arith.constant 0 : i32
          %cond3A_172 = arith.cmpi ne, %convert_element_type3A_170, %cond3A_171 : i32
          scf.if %cond3A_172 {
            %add3A_180 = arith.addi %mul3A_21, %scan3A_95 : i32
            %add3A_181 = arith.constant 2 : i32
            %add3A_182 = arith.addi %add3A_180, %add3A_181 : i32
            %mul3A_183 = arith.constant 128 : i32
            %mul3A_184 = arith.muli %add3A_182, %mul3A_183 : i32
            %dma_start3A_185 = tpu.memref_slice %arg3[%arg0, %mul3A_184] : memref<2x327680xi32, #tpu.memory_space<hbm>> -> memref<1x128xi32, #tpu.memory_space<hbm>>
            %dma_start3A_186 = tpu.memref_squeeze %dma_start3A_185 : memref<1x128xi32, #tpu.memory_space<hbm>> -> memref<128xi32, #tpu.memory_space<hbm>>
            %dma_start3A_187 = tpu.memref_slice %arg3[%arg0, %mul3A_184] : memref<2x327680xi32, #tpu.memory_space<hbm>> -> memref<1x128xi32, #tpu.memory_space<hbm>>
            %dma_start3A_188 = tpu.memref_squeeze %dma_start3A_187 : memref<1x128xi32, #tpu.memory_space<hbm>> -> memref<128xi32, #tpu.memory_space<hbm>>
            tpu.enqueue_dma source(%dma_start3A_188 : memref<128xi32, #tpu.memory_space<hbm>>) target(%arg8 : memref<128xi32, #tpu.memory_space<vmem>>) target_semaphore(%arg18 : memref<!tpu.dma_semaphore, #tpu.memory_space<semaphore_mem>>)
            %dma_start3A_189 = arith.constant 0 : i32
            %dma_start3A_190 = arith.constant 0 : i32
            %dma_start3A_191 = tpu.memref_slice %arg4[%add3A_182, %dma_start3A_189, %dma_start3A_190] : memref<2560x1x128xi32, #tpu.memory_space<hbm>> -> memref<1x1x128xi32, #tpu.memory_space<hbm>>
            %dma_start3A_192 = tpu.memref_squeeze %dma_start3A_191 : memref<1x1x128xi32, #tpu.memory_space<hbm>> -> memref<1x128xi32, #tpu.memory_space<hbm>>
            %dma_start3A_193 = arith.constant 0 : i32
            %dma_start3A_194 = arith.constant 0 : i32
            %dma_start3A_195 = tpu.memref_slice %arg4[%add3A_182, %dma_start3A_193, %dma_start3A_194] : memref<2560x1x128xi32, #tpu.memory_space<hbm>> -> memref<1x1x128xi32, #tpu.memory_space<hbm>>
            %dma_start3A_196 = tpu.memref_squeeze %dma_start3A_195 : memref<1x1x128xi32, #tpu.memory_space<hbm>> -> memref<1x128xi32, #tpu.memory_space<hbm>>
            tpu.enqueue_dma source(%dma_start3A_196 : memref<1x128xi32, #tpu.memory_space<hbm>>) target(%arg11 : memref<1x128xi32, #tpu.memory_space<vmem>>) target_semaphore(%arg18 : memref<!tpu.dma_semaphore, #tpu.memory_space<semaphore_mem>>)
          } else {
          }
          %dma_start3A_173 = arith.constant 0 : i32
          %dma_start3A_174 = arith.constant 0 : i32
          %dma_start3A_175 = tpu.memref_slice %arg12[%dma_start3A_173, %dma_start3A_174] : memref<1x128xi32, #tpu.memory_space<vmem>> -> memref<1x128xi32, #tpu.memory_space<vmem>>
          %dma_start3A_176 = tpu.memref_squeeze %dma_start3A_175 : memref<1x128xi32, #tpu.memory_space<vmem>> -> memref<128xi32, #tpu.memory_space<vmem>>
          %dma_start3A_177 = arith.constant 0 : i32
          %dma_start3A_178 = arith.constant 0 : i32
          %dma_start3A_179 = tpu.memref_slice %arg16[%dma_start3A_177, %dma_start3A_178] : memref<10112x128xf32, #tpu.memory_space<vmem_shared>> -> memref<10112x128xf32, #tpu.memory_space<vmem_shared>>
          tpu.enqueue_indirect_dma source(%arg15 : memref<128x128xf32, #tpu.memory_space<vmem>>) target(%dma_start3A_179 : memref<10112x128xf32, #tpu.memory_space<vmem_shared>>) offsets(%dma_start3A_176 : memref<128xi32, #tpu.memory_space<vmem>>) semaphore(%arg19 : memref<!tpu.dma_semaphore, #tpu.memory_space<semaphore_mem>>) {add = true}
        } else {
        }
        %scan3A_155 = arith.constant 0 : i32
        scf.yield %scan3A_155 : i32
      }
      %scan3A_73 = arith.constant 152 : i32
      %dma_wait3A_74 = arith.constant 0 : i32
      %dma_wait3A_75 = arith.constant 0 : i32
      %dma_wait3A_76 = tpu.memref_slice %arg10[%dma_wait3A_74, %dma_wait3A_75] : memref<1x128xi32, #tpu.memory_space<vmem>> -> memref<1x128xi32, #tpu.memory_space<vmem>>
      %dma_wait3A_77 = tpu.memref_squeeze %dma_wait3A_76 : memref<1x128xi32, #tpu.memory_space<vmem>> -> memref<128xi32, #tpu.memory_space<vmem>>
      %dma_wait3A_78 = arith.constant 0 : i32
      %dma_wait3A_79 = arith.constant 0 : i32
      %dma_wait3A_80 = tpu.memref_slice %arg16[%dma_wait3A_78, %dma_wait3A_79] : memref<10112x128xf32, #tpu.memory_space<vmem_shared>> -> memref<10112x128xf32, #tpu.memory_space<vmem_shared>>
      tpu.wait_indirect_dma semaphore(%arg19 : memref<!tpu.dma_semaphore, #tpu.memory_space<semaphore_mem>>) src(%arg13 : memref<128x128xf32, #tpu.memory_space<vmem>>) dst(%dma_wait3A_80 : memref<10112x128xf32, #tpu.memory_space<vmem_shared>>)
      %dma_wait3A_81 = arith.constant 0 : i32
      %dma_wait3A_82 = arith.constant 0 : i32
      %dma_wait3A_83 = tpu.memref_slice %arg10[%dma_wait3A_81, %dma_wait3A_82] : memref<1x128xi32, #tpu.memory_space<vmem>> -> memref<1x128xi32, #tpu.memory_space<vmem>>
      %dma_wait3A_84 = tpu.memref_squeeze %dma_wait3A_83 : memref<1x128xi32, #tpu.memory_space<vmem>> -> memref<128xi32, #tpu.memory_space<vmem>>
      %dma_wait3A_85 = arith.constant 0 : i32
      %dma_wait3A_86 = arith.constant 0 : i32
      %dma_wait3A_87 = tpu.memref_slice %arg16[%dma_wait3A_85, %dma_wait3A_86] : memref<10112x128xf32, #tpu.memory_space<vmem_shared>> -> memref<10112x128xf32, #tpu.memory_space<vmem_shared>>
      tpu.wait_indirect_dma semaphore(%arg19 : memref<!tpu.dma_semaphore, #tpu.memory_space<semaphore_mem>>) src(%arg13 : memref<128x128xf32, #tpu.memory_space<vmem>>) dst(%dma_wait3A_87 : memref<10112x128xf32, #tpu.memory_space<vmem_shared>>)
      %dma_wait3A_88 = arith.constant 0 : i32
      %dma_wait3A_89 = arith.constant 0 : i32
      %dma_wait3A_90 = tpu.memref_slice %arg10[%dma_wait3A_88, %dma_wait3A_89] : memref<1x128xi32, #tpu.memory_space<vmem>> -> memref<1x128xi32, #tpu.memory_space<vmem>>
      %dma_wait3A_91 = tpu.memref_squeeze %dma_wait3A_90 : memref<1x128xi32, #tpu.memory_space<vmem>> -> memref<128xi32, #tpu.memory_space<vmem>>
      %dma_wait3A_92 = arith.constant 0 : i32
      %dma_wait3A_93 = arith.constant 0 : i32
      %dma_wait3A_94 = tpu.memref_slice %arg16[%dma_wait3A_92, %dma_wait3A_93] : memref<10112x128xf32, #tpu.memory_space<vmem_shared>> -> memref<10112x128xf32, #tpu.memory_space<vmem_shared>>
      tpu.wait_indirect_dma semaphore(%arg19 : memref<!tpu.dma_semaphore, #tpu.memory_space<semaphore_mem>>) src(%arg13 : memref<128x128xf32, #tpu.memory_space<vmem>>) dst(%dma_wait3A_94 : memref<10112x128xf32, #tpu.memory_space<vmem_shared>>)
    } else {
    }
    %eq3A_5 = arith.constant 1 : i32
    %eq3A_6 = arith.cmpi eq, %arg0, %eq3A_5 : i32
    %convert_element_type3A_7 = arith.extui %eq3A_6 : i1 to i32
    %cond3A_8 = arith.constant 0 : i32
    %cond3A_9 = arith.cmpi ne, %convert_element_type3A_7, %cond3A_8 : i32
    scf.if %cond3A_9 {
      %mul3A_20 = arith.constant 8 : i32
      %mul3A_21 = arith.muli %arg1, %mul3A_20 : i32
      %add3A = arith.constant 2432 : i32
      %add3A_22 = arith.addi %add3A, %mul3A_21 : i32
      %mul3A_23 = arith.constant 128 : i32
      %mul3A_24 = arith.muli %add3A_22, %mul3A_23 : i32
      %dma_start3A = tpu.memref_slice %arg3[%arg0, %mul3A_24] : memref<2x327680xi32, #tpu.memory_space<hbm>> -> memref<1x128xi32, #tpu.memory_space<hbm>>
      %dma_start3A_25 = tpu.memref_squeeze %dma_start3A : memref<1x128xi32, #tpu.memory_space<hbm>> -> memref<128xi32, #tpu.memory_space<hbm>>
      %dma_start3A_26 = tpu.memref_slice %arg3[%arg0, %mul3A_24] : memref<2x327680xi32, #tpu.memory_space<hbm>> -> memref<1x128xi32, #tpu.memory_space<hbm>>
      %dma_start3A_27 = tpu.memref_squeeze %dma_start3A_26 : memref<1x128xi32, #tpu.memory_space<hbm>> -> memref<128xi32, #tpu.memory_space<hbm>>
      tpu.enqueue_dma source(%dma_start3A_27 : memref<128xi32, #tpu.memory_space<hbm>>) target(%arg7 : memref<128xi32, #tpu.memory_space<vmem>>) target_semaphore(%arg18 : memref<!tpu.dma_semaphore, #tpu.memory_space<semaphore_mem>>)
      %dma_start3A_28 = arith.constant 0 : i32
      %dma_start3A_29 = arith.constant 0 : i32
      %dma_start3A_30 = tpu.memref_slice %arg4[%add3A_22, %dma_start3A_28, %dma_start3A_29] : memref<2560x1x128xi32, #tpu.memory_space<hbm>> -> memref<1x1x128xi32, #tpu.memory_space<hbm>>
      %dma_start3A_31 = tpu.memref_squeeze %dma_start3A_30 : memref<1x1x128xi32, #tpu.memory_space<hbm>> -> memref<1x128xi32, #tpu.memory_space<hbm>>
      %dma_start3A_32 = arith.constant 0 : i32
      %dma_start3A_33 = arith.constant 0 : i32
      %dma_start3A_34 = tpu.memref_slice %arg4[%add3A_22, %dma_start3A_32, %dma_start3A_33] : memref<2560x1x128xi32, #tpu.memory_space<hbm>> -> memref<1x1x128xi32, #tpu.memory_space<hbm>>
      %dma_start3A_35 = tpu.memref_squeeze %dma_start3A_34 : memref<1x1x128xi32, #tpu.memory_space<hbm>> -> memref<1x128xi32, #tpu.memory_space<hbm>>
      tpu.enqueue_dma source(%dma_start3A_35 : memref<1x128xi32, #tpu.memory_space<hbm>>) target(%arg10 : memref<1x128xi32, #tpu.memory_space<vmem>>) target_semaphore(%arg18 : memref<!tpu.dma_semaphore, #tpu.memory_space<semaphore_mem>>)
      %dma_wait3A = arith.constant 0 : i32
      %dma_wait3A_36 = arith.constant 0 : i32
      %dma_wait3A_37 = tpu.memref_slice %arg3[%dma_wait3A, %dma_wait3A_36] : memref<2x327680xi32, #tpu.memory_space<hbm>> -> memref<1x128xi32, #tpu.memory_space<hbm>>
      %dma_wait3A_38 = tpu.memref_squeeze %dma_wait3A_37 : memref<1x128xi32, #tpu.memory_space<hbm>> -> memref<128xi32, #tpu.memory_space<hbm>>
      %dma_wait3A_39 = arith.constant 0 : i32
      %dma_wait3A_40 = tpu.memref_slice %arg3[%dma_wait3A, %dma_wait3A_39] : memref<2x327680xi32, #tpu.memory_space<hbm>> -> memref<1x128xi32, #tpu.memory_space<hbm>>
      %dma_wait3A_41 = tpu.memref_squeeze %dma_wait3A_40 : memref<1x128xi32, #tpu.memory_space<hbm>> -> memref<128xi32, #tpu.memory_space<hbm>>
      tpu.wait_dma2 semaphore(%arg18 : memref<!tpu.dma_semaphore, #tpu.memory_space<semaphore_mem>>) src(%dma_wait3A_41 : memref<128xi32, #tpu.memory_space<hbm>>) dst(%arg7 : memref<128xi32, #tpu.memory_space<vmem>>)
      %dma_wait3A_42 = arith.constant 0 : i32
      %dma_wait3A_43 = arith.constant 0 : i32
      %dma_wait3A_44 = arith.constant 0 : i32
      %dma_wait3A_45 = tpu.memref_slice %arg4[%dma_wait3A_42, %dma_wait3A_43, %dma_wait3A_44] : memref<2560x1x128xi32, #tpu.memory_space<hbm>> -> memref<1x1x128xi32, #tpu.memory_space<hbm>>
      %dma_wait3A_46 = tpu.memref_squeeze %dma_wait3A_45 : memref<1x1x128xi32, #tpu.memory_space<hbm>> -> memref<1x128xi32, #tpu.memory_space<hbm>>
      %dma_wait3A_47 = arith.constant 0 : i32
      %dma_wait3A_48 = arith.constant 0 : i32
      %dma_wait3A_49 = tpu.memref_slice %arg4[%dma_wait3A_42, %dma_wait3A_47, %dma_wait3A_48] : memref<2560x1x128xi32, #tpu.memory_space<hbm>> -> memref<1x1x128xi32, #tpu.memory_space<hbm>>
      %dma_wait3A_50 = tpu.memref_squeeze %dma_wait3A_49 : memref<1x1x128xi32, #tpu.memory_space<hbm>> -> memref<1x128xi32, #tpu.memory_space<hbm>>
      tpu.wait_dma2 semaphore(%arg18 : memref<!tpu.dma_semaphore, #tpu.memory_space<semaphore_mem>>) src(%dma_wait3A_50 : memref<1x128xi32, #tpu.memory_space<hbm>>) dst(%arg10 : memref<1x128xi32, #tpu.memory_space<vmem>>)
      %dma_start3A_51 = arith.constant 0 : i32
      %dma_start3A_52 = arith.constant 0 : i32
      %dma_start3A_53 = tpu.memref_slice %arg2[%dma_start3A_51, %dma_start3A_52] : memref<20000x128xf32, #tpu.memory_space<hbm>> -> memref<20000x128xf32, #tpu.memory_space<hbm>>
      tpu.enqueue_indirect_dma source(%dma_start3A_53 : memref<20000x128xf32, #tpu.memory_space<hbm>>) target(%arg13 : memref<128x128xf32, #tpu.memory_space<vmem>>) offsets(%arg7 : memref<128xi32, #tpu.memory_space<vmem>>) semaphore(%arg17 : memref<!tpu.dma_semaphore, #tpu.memory_space<semaphore_mem>>)
      %add3A_54 = arith.constant 1 : i32
      %add3A_55 = arith.addi %add3A_22, %add3A_54 : i32
      %mul3A_56 = arith.constant 128 : i32
      %mul3A_57 = arith.muli %add3A_55, %mul3A_56 : i32
      %dma_start3A_58 = tpu.memref_slice %arg3[%arg0, %mul3A_57] : memref<2x327680xi32, #tpu.memory_space<hbm>> -> memref<1x128xi32, #tpu.memory_space<hbm>>
      %dma_start3A_59 = tpu.memref_squeeze %dma_start3A_58 : memref<1x128xi32, #tpu.memory_space<hbm>> -> memref<128xi32, #tpu.memory_space<hbm>>
      %dma_start3A_60 = tpu.memref_slice %arg3[%arg0, %mul3A_57] : memref<2x327680xi32, #tpu.memory_space<hbm>> -> memref<1x128xi32, #tpu.memory_space<hbm>>
      %dma_start3A_61 = tpu.memref_squeeze %dma_start3A_60 : memref<1x128xi32, #tpu.memory_space<hbm>> -> memref<128xi32, #tpu.memory_space<hbm>>
      tpu.enqueue_dma source(%dma_start3A_61 : memref<128xi32, #tpu.memory_space<hbm>>) target(%arg8 : memref<128xi32, #tpu.memory_space<vmem>>) target_semaphore(%arg18 : memref<!tpu.dma_semaphore, #tpu.memory_space<semaphore_mem>>)
      %dma_start3A_62 = arith.constant 0 : i32
      %dma_start3A_63 = arith.constant 0 : i32
      %dma_start3A_64 = tpu.memref_slice %arg4[%add3A_55, %dma_start3A_62, %dma_start3A_63] : memref<2560x1x128xi32, #tpu.memory_space<hbm>> -> memref<1x1x128xi32, #tpu.memory_space<hbm>>
      %dma_start3A_65 = tpu.memref_squeeze %dma_start3A_64 : memref<1x1x128xi32, #tpu.memory_space<hbm>> -> memref<1x128xi32, #tpu.memory_space<hbm>>
      %dma_start3A_66 = arith.constant 0 : i32
      %dma_start3A_67 = arith.constant 0 : i32
      %dma_start3A_68 = tpu.memref_slice %arg4[%add3A_55, %dma_start3A_66, %dma_start3A_67] : memref<2560x1x128xi32, #tpu.memory_space<hbm>> -> memref<1x1x128xi32, #tpu.memory_space<hbm>>
      %dma_start3A_69 = tpu.memref_squeeze %dma_start3A_68 : memref<1x1x128xi32, #tpu.memory_space<hbm>> -> memref<1x128xi32, #tpu.memory_space<hbm>>
      tpu.enqueue_dma source(%dma_start3A_69 : memref<1x128xi32, #tpu.memory_space<hbm>>) target(%arg11 : memref<1x128xi32, #tpu.memory_space<vmem>>) target_semaphore(%arg18 : memref<!tpu.dma_semaphore, #tpu.memory_space<semaphore_mem>>)
      %scan3A = arith.constant 0 : i32
      %scan3A_70 = arith.constant 0 : i32
      %scan3A_71 = arith.constant 8 : i32
      %scan3A_72 = arith.addi %scan3A_70, %scan3A_71 : i32
      %scan3A_73 = arith.constant 1 : i32
      %scan3A_74 = scf.for %scan3A_97 = %scan3A_70 to %scan3A_72 step %scan3A_73 iter_args(%scan3A_98 = %scan3A) -> (i32)  : i32 {
        %jit3A = arith.constant 3 : i32
        %eq3A_99 = arith.constant 0 : i32
        %eq3A_100 = arith.cmpi eq, %jit3A, %eq3A_99 : i32
        %jit3A_101 = arith.constant 1 : i32
        %select_n3A = arith.select %eq3A_100, %jit3A_101, %jit3A : i32
        %rem3A = arith.remsi %scan3A_97, %select_n3A : i32
        %ne3A = arith.constant 0 : i32
        %ne3A_102 = arith.cmpi ne, %rem3A, %ne3A : i32
        %lt3A_103 = arith.constant 0 : i32
        %lt3A_104 = arith.cmpi slt, %rem3A, %lt3A_103 : i32
        %lt3A_105 = arith.constant 0 : i32
        %lt3A_106 = arith.cmpi slt, %select_n3A, %lt3A_105 : i32
        %ne3A_107 = arith.xori %lt3A_104, %lt3A_106 : i1
        %and3A = arith.andi %ne3A_107, %ne3A_102 : i1
        %add3A_108 = arith.addi %rem3A, %select_n3A : i32
        %select_n3A_109 = arith.select %and3A, %add3A_108, %rem3A : i32
        %eq3A_110 = arith.constant 0 : i32
        %eq3A_111 = arith.cmpi eq, %select_n3A_109, %eq3A_110 : i32
        %convert_element_type3A_112 = arith.extui %eq3A_111 : i1 to i32
        %cond3A_113 = arith.constant 0 : i32
        %cond3A_114 = arith.cmpi ne, %convert_element_type3A_112, %cond3A_113 : i32
        scf.if %cond3A_114 {
          %dma_wait3A_158 = arith.constant 0 : i32
          %dma_wait3A_159 = arith.constant 0 : i32
          %dma_wait3A_160 = tpu.memref_slice %arg2[%dma_wait3A_158, %dma_wait3A_159] : memref<20000x128xf32, #tpu.memory_space<hbm>> -> memref<20000x128xf32, #tpu.memory_space<hbm>>
          tpu.wait_indirect_dma semaphore(%arg17 : memref<!tpu.dma_semaphore, #tpu.memory_space<semaphore_mem>>) src(%dma_wait3A_160 : memref<20000x128xf32, #tpu.memory_space<hbm>>) dst(%arg13 : memref<128x128xf32, #tpu.memory_space<vmem>>)
          %add3A_161 = arith.constant 1 : i32
          %add3A_162 = arith.addi %scan3A_97, %add3A_161 : i32
          %lt3A_163 = arith.constant 8 : i32
          %lt3A_164 = arith.cmpi slt, %add3A_162, %lt3A_163 : i32
          %convert_element_type3A_165 = arith.extui %lt3A_164 : i1 to i32
          %cond3A_166 = arith.constant 0 : i32
          %cond3A_167 = arith.cmpi ne, %convert_element_type3A_165, %cond3A_166 : i32
          scf.if %cond3A_167 {
            %dma_wait3A_182 = arith.constant 0 : i32
            %dma_wait3A_183 = arith.constant 0 : i32
            %dma_wait3A_184 = tpu.memref_slice %arg3[%dma_wait3A_182, %dma_wait3A_183] : memref<2x327680xi32, #tpu.memory_space<hbm>> -> memref<1x128xi32, #tpu.memory_space<hbm>>
            %dma_wait3A_185 = tpu.memref_squeeze %dma_wait3A_184 : memref<1x128xi32, #tpu.memory_space<hbm>> -> memref<128xi32, #tpu.memory_space<hbm>>
            %dma_wait3A_186 = arith.constant 0 : i32
            %dma_wait3A_187 = tpu.memref_slice %arg3[%dma_wait3A_182, %dma_wait3A_186] : memref<2x327680xi32, #tpu.memory_space<hbm>> -> memref<1x128xi32, #tpu.memory_space<hbm>>
            %dma_wait3A_188 = tpu.memref_squeeze %dma_wait3A_187 : memref<1x128xi32, #tpu.memory_space<hbm>> -> memref<128xi32, #tpu.memory_space<hbm>>
            tpu.wait_dma2 semaphore(%arg18 : memref<!tpu.dma_semaphore, #tpu.memory_space<semaphore_mem>>) src(%dma_wait3A_188 : memref<128xi32, #tpu.memory_space<hbm>>) dst(%arg8 : memref<128xi32, #tpu.memory_space<vmem>>)
            %dma_wait3A_189 = arith.constant 0 : i32
            %dma_wait3A_190 = arith.constant 0 : i32
            %dma_wait3A_191 = arith.constant 0 : i32
            %dma_wait3A_192 = tpu.memref_slice %arg4[%dma_wait3A_189, %dma_wait3A_190, %dma_wait3A_191] : memref<2560x1x128xi32, #tpu.memory_space<hbm>> -> memref<1x1x128xi32, #tpu.memory_space<hbm>>
            %dma_wait3A_193 = tpu.memref_squeeze %dma_wait3A_192 : memref<1x1x128xi32, #tpu.memory_space<hbm>> -> memref<1x128xi32, #tpu.memory_space<hbm>>
            %dma_wait3A_194 = arith.constant 0 : i32
            %dma_wait3A_195 = arith.constant 0 : i32
            %dma_wait3A_196 = tpu.memref_slice %arg4[%dma_wait3A_189, %dma_wait3A_194, %dma_wait3A_195] : memref<2560x1x128xi32, #tpu.memory_space<hbm>> -> memref<1x1x128xi32, #tpu.memory_space<hbm>>
            %dma_wait3A_197 = tpu.memref_squeeze %dma_wait3A_196 : memref<1x1x128xi32, #tpu.memory_space<hbm>> -> memref<1x128xi32, #tpu.memory_space<hbm>>
            tpu.wait_dma2 semaphore(%arg18 : memref<!tpu.dma_semaphore, #tpu.memory_space<semaphore_mem>>) src(%dma_wait3A_197 : memref<1x128xi32, #tpu.memory_space<hbm>>) dst(%arg11 : memref<1x128xi32, #tpu.memory_space<vmem>>)
            %ge3A = arith.constant 2 : i32
            %ge3A_198 = arith.cmpi sge, %scan3A_97, %ge3A : i32
            %convert_element_type3A_199 = arith.extui %ge3A_198 : i1 to i32
            %cond3A_200 = arith.constant 0 : i32
            %cond3A_201 = arith.cmpi ne, %convert_element_type3A_199, %cond3A_200 : i32
            scf.if %cond3A_201 {
              %dma_wait3A_205 = arith.constant 0 : i32
              %dma_wait3A_206 = arith.constant 0 : i32
              %dma_wait3A_207 = tpu.memref_slice %arg10[%dma_wait3A_205, %dma_wait3A_206] : memref<1x128xi32, #tpu.memory_space<vmem>> -> memref<1x128xi32, #tpu.memory_space<vmem>>
              %dma_wait3A_208 = tpu.memref_squeeze %dma_wait3A_207 : memref<1x128xi32, #tpu.memory_space<vmem>> -> memref<128xi32, #tpu.memory_space<vmem>>
              %dma_wait3A_209 = arith.constant 0 : i32
              %dma_wait3A_210 = arith.constant 0 : i32
              %dma_wait3A_211 = tpu.memref_slice %arg16[%dma_wait3A_209, %dma_wait3A_210] : memref<10112x128xf32, #tpu.memory_space<vmem_shared>> -> memref<10112x128xf32, #tpu.memory_space<vmem_shared>>
              tpu.wait_indirect_dma semaphore(%arg19 : memref<!tpu.dma_semaphore, #tpu.memory_space<semaphore_mem>>) src(%arg13 : memref<128x128xf32, #tpu.memory_space<vmem>>) dst(%dma_wait3A_211 : memref<10112x128xf32, #tpu.memory_space<vmem_shared>>)
            } else {
            }
            %dma_start3A_202 = arith.constant 0 : i32
            %dma_start3A_203 = arith.constant 0 : i32
            %dma_start3A_204 = tpu.memref_slice %arg2[%dma_start3A_202, %dma_start3A_203] : memref<20000x128xf32, #tpu.memory_space<hbm>> -> memref<20000x128xf32, #tpu.memory_space<hbm>>
            tpu.enqueue_indirect_dma source(%dma_start3A_204 : memref<20000x128xf32, #tpu.memory_space<hbm>>) target(%arg14 : memref<128x128xf32, #tpu.memory_space<vmem>>) offsets(%arg8 : memref<128xi32, #tpu.memory_space<vmem>>) semaphore(%arg17 : memref<!tpu.dma_semaphore, #tpu.memory_space<semaphore_mem>>)
          } else {
          }
          %add3A_168 = arith.constant 2 : i32
          %add3A_169 = arith.addi %scan3A_97, %add3A_168 : i32
          %lt3A_170 = arith.constant 8 : i32
          %lt3A_171 = arith.cmpi slt, %add3A_169, %lt3A_170 : i32
          %convert_element_type3A_172 = arith.extui %lt3A_171 : i1 to i32
          %cond3A_173 = arith.constant 0 : i32
          %cond3A_174 = arith.cmpi ne, %convert_element_type3A_172, %cond3A_173 : i32
          scf.if %cond3A_174 {
            %add3A_182 = arith.addi %add3A_22, %scan3A_97 : i32
            %add3A_183 = arith.constant 2 : i32
            %add3A_184 = arith.addi %add3A_182, %add3A_183 : i32
            %mul3A_185 = arith.constant 128 : i32
            %mul3A_186 = arith.muli %add3A_184, %mul3A_185 : i32
            %dma_start3A_187 = tpu.memref_slice %arg3[%arg0, %mul3A_186] : memref<2x327680xi32, #tpu.memory_space<hbm>> -> memref<1x128xi32, #tpu.memory_space<hbm>>
            %dma_start3A_188 = tpu.memref_squeeze %dma_start3A_187 : memref<1x128xi32, #tpu.memory_space<hbm>> -> memref<128xi32, #tpu.memory_space<hbm>>
            %dma_start3A_189 = tpu.memref_slice %arg3[%arg0, %mul3A_186] : memref<2x327680xi32, #tpu.memory_space<hbm>> -> memref<1x128xi32, #tpu.memory_space<hbm>>
            %dma_start3A_190 = tpu.memref_squeeze %dma_start3A_189 : memref<1x128xi32, #tpu.memory_space<hbm>> -> memref<128xi32, #tpu.memory_space<hbm>>
            tpu.enqueue_dma source(%dma_start3A_190 : memref<128xi32, #tpu.memory_space<hbm>>) target(%arg9 : memref<128xi32, #tpu.memory_space<vmem>>) target_semaphore(%arg18 : memref<!tpu.dma_semaphore, #tpu.memory_space<semaphore_mem>>)
            %dma_start3A_191 = arith.constant 0 : i32
            %dma_start3A_192 = arith.constant 0 : i32
            %dma_start3A_193 = tpu.memref_slice %arg4[%add3A_184, %dma_start3A_191, %dma_start3A_192] : memref<2560x1x128xi32, #tpu.memory_space<hbm>> -> memref<1x1x128xi32, #tpu.memory_space<hbm>>
            %dma_start3A_194 = tpu.memref_squeeze %dma_start3A_193 : memref<1x1x128xi32, #tpu.memory_space<hbm>> -> memref<1x128xi32, #tpu.memory_space<hbm>>
            %dma_start3A_195 = arith.constant 0 : i32
            %dma_start3A_196 = arith.constant 0 : i32
            %dma_start3A_197 = tpu.memref_slice %arg4[%add3A_184, %dma_start3A_195, %dma_start3A_196] : memref<2560x1x128xi32, #tpu.memory_space<hbm>> -> memref<1x1x128xi32, #tpu.memory_space<hbm>>
            %dma_start3A_198 = tpu.memref_squeeze %dma_start3A_197 : memref<1x1x128xi32, #tpu.memory_space<hbm>> -> memref<1x128xi32, #tpu.memory_space<hbm>>
            tpu.enqueue_dma source(%dma_start3A_198 : memref<1x128xi32, #tpu.memory_space<hbm>>) target(%arg12 : memref<1x128xi32, #tpu.memory_space<vmem>>) target_semaphore(%arg18 : memref<!tpu.dma_semaphore, #tpu.memory_space<semaphore_mem>>)
          } else {
          }
          %dma_start3A_175 = arith.constant 0 : i32
          %dma_start3A_176 = arith.constant 0 : i32
          %dma_start3A_177 = tpu.memref_slice %arg10[%dma_start3A_175, %dma_start3A_176] : memref<1x128xi32, #tpu.memory_space<vmem>> -> memref<1x128xi32, #tpu.memory_space<vmem>>
          %dma_start3A_178 = tpu.memref_squeeze %dma_start3A_177 : memref<1x128xi32, #tpu.memory_space<vmem>> -> memref<128xi32, #tpu.memory_space<vmem>>
          %dma_start3A_179 = arith.constant 0 : i32
          %dma_start3A_180 = arith.constant 0 : i32
          %dma_start3A_181 = tpu.memref_slice %arg16[%dma_start3A_179, %dma_start3A_180] : memref<10112x128xf32, #tpu.memory_space<vmem_shared>> -> memref<10112x128xf32, #tpu.memory_space<vmem_shared>>
          tpu.enqueue_indirect_dma source(%arg13 : memref<128x128xf32, #tpu.memory_space<vmem>>) target(%dma_start3A_181 : memref<10112x128xf32, #tpu.memory_space<vmem_shared>>) offsets(%dma_start3A_178 : memref<128xi32, #tpu.memory_space<vmem>>) semaphore(%arg19 : memref<!tpu.dma_semaphore, #tpu.memory_space<semaphore_mem>>) {add = true}
        } else {
        }
        %jit3A_115 = arith.constant 3 : i32
        %eq3A_116 = arith.constant 0 : i32
        %eq3A_117 = arith.cmpi eq, %jit3A_115, %eq3A_116 : i32
        %jit3A_118 = arith.constant 1 : i32
        %select_n3A_119 = arith.select %eq3A_117, %jit3A_118, %jit3A_115 : i32
        %rem3A_120 = arith.remsi %scan3A_97, %select_n3A_119 : i32
        %ne3A_121 = arith.constant 0 : i32
        %ne3A_122 = arith.cmpi ne, %rem3A_120, %ne3A_121 : i32
        %lt3A_123 = arith.constant 0 : i32
        %lt3A_124 = arith.cmpi slt, %rem3A_120, %lt3A_123 : i32
        %lt3A_125 = arith.constant 0 : i32
        %lt3A_126 = arith.cmpi slt, %select_n3A_119, %lt3A_125 : i32
        %ne3A_127 = arith.xori %lt3A_124, %lt3A_126 : i1
        %and3A_128 = arith.andi %ne3A_127, %ne3A_122 : i1
        %add3A_129 = arith.addi %rem3A_120, %select_n3A_119 : i32
        %select_n3A_130 = arith.select %and3A_128, %add3A_129, %rem3A_120 : i32
        %eq3A_131 = arith.constant 1 : i32
        %eq3A_132 = arith.cmpi eq, %select_n3A_130, %eq3A_131 : i32
        %convert_element_type3A_133 = arith.extui %eq3A_132 : i1 to i32
        %cond3A_134 = arith.constant 0 : i32
        %cond3A_135 = arith.cmpi ne, %convert_element_type3A_133, %cond3A_134 : i32
        scf.if %cond3A_135 {
          %dma_wait3A_158 = arith.constant 0 : i32
          %dma_wait3A_159 = arith.constant 0 : i32
          %dma_wait3A_160 = tpu.memref_slice %arg2[%dma_wait3A_158, %dma_wait3A_159] : memref<20000x128xf32, #tpu.memory_space<hbm>> -> memref<20000x128xf32, #tpu.memory_space<hbm>>
          tpu.wait_indirect_dma semaphore(%arg17 : memref<!tpu.dma_semaphore, #tpu.memory_space<semaphore_mem>>) src(%dma_wait3A_160 : memref<20000x128xf32, #tpu.memory_space<hbm>>) dst(%arg14 : memref<128x128xf32, #tpu.memory_space<vmem>>)
          %add3A_161 = arith.constant 1 : i32
          %add3A_162 = arith.addi %scan3A_97, %add3A_161 : i32
          %lt3A_163 = arith.constant 8 : i32
          %lt3A_164 = arith.cmpi slt, %add3A_162, %lt3A_163 : i32
          %convert_element_type3A_165 = arith.extui %lt3A_164 : i1 to i32
          %cond3A_166 = arith.constant 0 : i32
          %cond3A_167 = arith.cmpi ne, %convert_element_type3A_165, %cond3A_166 : i32
          scf.if %cond3A_167 {
            %dma_wait3A_182 = arith.constant 0 : i32
            %dma_wait3A_183 = arith.constant 0 : i32
            %dma_wait3A_184 = tpu.memref_slice %arg3[%dma_wait3A_182, %dma_wait3A_183] : memref<2x327680xi32, #tpu.memory_space<hbm>> -> memref<1x128xi32, #tpu.memory_space<hbm>>
            %dma_wait3A_185 = tpu.memref_squeeze %dma_wait3A_184 : memref<1x128xi32, #tpu.memory_space<hbm>> -> memref<128xi32, #tpu.memory_space<hbm>>
            %dma_wait3A_186 = arith.constant 0 : i32
            %dma_wait3A_187 = tpu.memref_slice %arg3[%dma_wait3A_182, %dma_wait3A_186] : memref<2x327680xi32, #tpu.memory_space<hbm>> -> memref<1x128xi32, #tpu.memory_space<hbm>>
            %dma_wait3A_188 = tpu.memref_squeeze %dma_wait3A_187 : memref<1x128xi32, #tpu.memory_space<hbm>> -> memref<128xi32, #tpu.memory_space<hbm>>
            tpu.wait_dma2 semaphore(%arg18 : memref<!tpu.dma_semaphore, #tpu.memory_space<semaphore_mem>>) src(%dma_wait3A_188 : memref<128xi32, #tpu.memory_space<hbm>>) dst(%arg9 : memref<128xi32, #tpu.memory_space<vmem>>)
            %dma_wait3A_189 = arith.constant 0 : i32
            %dma_wait3A_190 = arith.constant 0 : i32
            %dma_wait3A_191 = arith.constant 0 : i32
            %dma_wait3A_192 = tpu.memref_slice %arg4[%dma_wait3A_189, %dma_wait3A_190, %dma_wait3A_191] : memref<2560x1x128xi32, #tpu.memory_space<hbm>> -> memref<1x1x128xi32, #tpu.memory_space<hbm>>
            %dma_wait3A_193 = tpu.memref_squeeze %dma_wait3A_192 : memref<1x1x128xi32, #tpu.memory_space<hbm>> -> memref<1x128xi32, #tpu.memory_space<hbm>>
            %dma_wait3A_194 = arith.constant 0 : i32
            %dma_wait3A_195 = arith.constant 0 : i32
            %dma_wait3A_196 = tpu.memref_slice %arg4[%dma_wait3A_189, %dma_wait3A_194, %dma_wait3A_195] : memref<2560x1x128xi32, #tpu.memory_space<hbm>> -> memref<1x1x128xi32, #tpu.memory_space<hbm>>
            %dma_wait3A_197 = tpu.memref_squeeze %dma_wait3A_196 : memref<1x1x128xi32, #tpu.memory_space<hbm>> -> memref<1x128xi32, #tpu.memory_space<hbm>>
            tpu.wait_dma2 semaphore(%arg18 : memref<!tpu.dma_semaphore, #tpu.memory_space<semaphore_mem>>) src(%dma_wait3A_197 : memref<1x128xi32, #tpu.memory_space<hbm>>) dst(%arg12 : memref<1x128xi32, #tpu.memory_space<vmem>>)
            %ge3A = arith.constant 2 : i32
            %ge3A_198 = arith.cmpi sge, %scan3A_97, %ge3A : i32
            %convert_element_type3A_199 = arith.extui %ge3A_198 : i1 to i32
            %cond3A_200 = arith.constant 0 : i32
            %cond3A_201 = arith.cmpi ne, %convert_element_type3A_199, %cond3A_200 : i32
            scf.if %cond3A_201 {
              %dma_wait3A_205 = arith.constant 0 : i32
              %dma_wait3A_206 = arith.constant 0 : i32
              %dma_wait3A_207 = tpu.memref_slice %arg10[%dma_wait3A_205, %dma_wait3A_206] : memref<1x128xi32, #tpu.memory_space<vmem>> -> memref<1x128xi32, #tpu.memory_space<vmem>>
              %dma_wait3A_208 = tpu.memref_squeeze %dma_wait3A_207 : memref<1x128xi32, #tpu.memory_space<vmem>> -> memref<128xi32, #tpu.memory_space<vmem>>
              %dma_wait3A_209 = arith.constant 0 : i32
              %dma_wait3A_210 = arith.constant 0 : i32
              %dma_wait3A_211 = tpu.memref_slice %arg16[%dma_wait3A_209, %dma_wait3A_210] : memref<10112x128xf32, #tpu.memory_space<vmem_shared>> -> memref<10112x128xf32, #tpu.memory_space<vmem_shared>>
              tpu.wait_indirect_dma semaphore(%arg19 : memref<!tpu.dma_semaphore, #tpu.memory_space<semaphore_mem>>) src(%arg13 : memref<128x128xf32, #tpu.memory_space<vmem>>) dst(%dma_wait3A_211 : memref<10112x128xf32, #tpu.memory_space<vmem_shared>>)
            } else {
            }
            %dma_start3A_202 = arith.constant 0 : i32
            %dma_start3A_203 = arith.constant 0 : i32
            %dma_start3A_204 = tpu.memref_slice %arg2[%dma_start3A_202, %dma_start3A_203] : memref<20000x128xf32, #tpu.memory_space<hbm>> -> memref<20000x128xf32, #tpu.memory_space<hbm>>
            tpu.enqueue_indirect_dma source(%dma_start3A_204 : memref<20000x128xf32, #tpu.memory_space<hbm>>) target(%arg15 : memref<128x128xf32, #tpu.memory_space<vmem>>) offsets(%arg9 : memref<128xi32, #tpu.memory_space<vmem>>) semaphore(%arg17 : memref<!tpu.dma_semaphore, #tpu.memory_space<semaphore_mem>>)
          } else {
          }
          %add3A_168 = arith.constant 2 : i32
          %add3A_169 = arith.addi %scan3A_97, %add3A_168 : i32
          %lt3A_170 = arith.constant 8 : i32
          %lt3A_171 = arith.cmpi slt, %add3A_169, %lt3A_170 : i32
          %convert_element_type3A_172 = arith.extui %lt3A_171 : i1 to i32
          %cond3A_173 = arith.constant 0 : i32
          %cond3A_174 = arith.cmpi ne, %convert_element_type3A_172, %cond3A_173 : i32
          scf.if %cond3A_174 {
            %add3A_182 = arith.addi %add3A_22, %scan3A_97 : i32
            %add3A_183 = arith.constant 2 : i32
            %add3A_184 = arith.addi %add3A_182, %add3A_183 : i32
            %mul3A_185 = arith.constant 128 : i32
            %mul3A_186 = arith.muli %add3A_184, %mul3A_185 : i32
            %dma_start3A_187 = tpu.memref_slice %arg3[%arg0, %mul3A_186] : memref<2x327680xi32, #tpu.memory_space<hbm>> -> memref<1x128xi32, #tpu.memory_space<hbm>>
            %dma_start3A_188 = tpu.memref_squeeze %dma_start3A_187 : memref<1x128xi32, #tpu.memory_space<hbm>> -> memref<128xi32, #tpu.memory_space<hbm>>
            %dma_start3A_189 = tpu.memref_slice %arg3[%arg0, %mul3A_186] : memref<2x327680xi32, #tpu.memory_space<hbm>> -> memref<1x128xi32, #tpu.memory_space<hbm>>
            %dma_start3A_190 = tpu.memref_squeeze %dma_start3A_189 : memref<1x128xi32, #tpu.memory_space<hbm>> -> memref<128xi32, #tpu.memory_space<hbm>>
            tpu.enqueue_dma source(%dma_start3A_190 : memref<128xi32, #tpu.memory_space<hbm>>) target(%arg7 : memref<128xi32, #tpu.memory_space<vmem>>) target_semaphore(%arg18 : memref<!tpu.dma_semaphore, #tpu.memory_space<semaphore_mem>>)
            %dma_start3A_191 = arith.constant 0 : i32
            %dma_start3A_192 = arith.constant 0 : i32
            %dma_start3A_193 = tpu.memref_slice %arg4[%add3A_184, %dma_start3A_191, %dma_start3A_192] : memref<2560x1x128xi32, #tpu.memory_space<hbm>> -> memref<1x1x128xi32, #tpu.memory_space<hbm>>
            %dma_start3A_194 = tpu.memref_squeeze %dma_start3A_193 : memref<1x1x128xi32, #tpu.memory_space<hbm>> -> memref<1x128xi32, #tpu.memory_space<hbm>>
            %dma_start3A_195 = arith.constant 0 : i32
            %dma_start3A_196 = arith.constant 0 : i32
            %dma_start3A_197 = tpu.memref_slice %arg4[%add3A_184, %dma_start3A_195, %dma_start3A_196] : memref<2560x1x128xi32, #tpu.memory_space<hbm>> -> memref<1x1x128xi32, #tpu.memory_space<hbm>>
            %dma_start3A_198 = tpu.memref_squeeze %dma_start3A_197 : memref<1x1x128xi32, #tpu.memory_space<hbm>> -> memref<1x128xi32, #tpu.memory_space<hbm>>
            tpu.enqueue_dma source(%dma_start3A_198 : memref<1x128xi32, #tpu.memory_space<hbm>>) target(%arg10 : memref<1x128xi32, #tpu.memory_space<vmem>>) target_semaphore(%arg18 : memref<!tpu.dma_semaphore, #tpu.memory_space<semaphore_mem>>)
          } else {
          }
          %dma_start3A_175 = arith.constant 0 : i32
          %dma_start3A_176 = arith.constant 0 : i32
          %dma_start3A_177 = tpu.memref_slice %arg11[%dma_start3A_175, %dma_start3A_176] : memref<1x128xi32, #tpu.memory_space<vmem>> -> memref<1x128xi32, #tpu.memory_space<vmem>>
          %dma_start3A_178 = tpu.memref_squeeze %dma_start3A_177 : memref<1x128xi32, #tpu.memory_space<vmem>> -> memref<128xi32, #tpu.memory_space<vmem>>
          %dma_start3A_179 = arith.constant 0 : i32
          %dma_start3A_180 = arith.constant 0 : i32
          %dma_start3A_181 = tpu.memref_slice %arg16[%dma_start3A_179, %dma_start3A_180] : memref<10112x128xf32, #tpu.memory_space<vmem_shared>> -> memref<10112x128xf32, #tpu.memory_space<vmem_shared>>
          tpu.enqueue_indirect_dma source(%arg14 : memref<128x128xf32, #tpu.memory_space<vmem>>) target(%dma_start3A_181 : memref<10112x128xf32, #tpu.memory_space<vmem_shared>>) offsets(%dma_start3A_178 : memref<128xi32, #tpu.memory_space<vmem>>) semaphore(%arg19 : memref<!tpu.dma_semaphore, #tpu.memory_space<semaphore_mem>>) {add = true}
        } else {
        }
        %jit3A_136 = arith.constant 3 : i32
        %eq3A_137 = arith.constant 0 : i32
        %eq3A_138 = arith.cmpi eq, %jit3A_136, %eq3A_137 : i32
        %jit3A_139 = arith.constant 1 : i32
        %select_n3A_140 = arith.select %eq3A_138, %jit3A_139, %jit3A_136 : i32
        %rem3A_141 = arith.remsi %scan3A_97, %select_n3A_140 : i32
        %ne3A_142 = arith.constant 0 : i32
        %ne3A_143 = arith.cmpi ne, %rem3A_141, %ne3A_142 : i32
        %lt3A_144 = arith.constant 0 : i32
        %lt3A_145 = arith.cmpi slt, %rem3A_141, %lt3A_144 : i32
        %lt3A_146 = arith.constant 0 : i32
        %lt3A_147 = arith.cmpi slt, %select_n3A_140, %lt3A_146 : i32
        %ne3A_148 = arith.xori %lt3A_145, %lt3A_147 : i1
        %and3A_149 = arith.andi %ne3A_148, %ne3A_143 : i1
        %add3A_150 = arith.addi %rem3A_141, %select_n3A_140 : i32
        %select_n3A_151 = arith.select %and3A_149, %add3A_150, %rem3A_141 : i32
        %eq3A_152 = arith.constant 2 : i32
        %eq3A_153 = arith.cmpi eq, %select_n3A_151, %eq3A_152 : i32
        %convert_element_type3A_154 = arith.extui %eq3A_153 : i1 to i32
        %cond3A_155 = arith.constant 0 : i32
        %cond3A_156 = arith.cmpi ne, %convert_element_type3A_154, %cond3A_155 : i32
        scf.if %cond3A_156 {
          %dma_wait3A_158 = arith.constant 0 : i32
          %dma_wait3A_159 = arith.constant 0 : i32
          %dma_wait3A_160 = tpu.memref_slice %arg2[%dma_wait3A_158, %dma_wait3A_159] : memref<20000x128xf32, #tpu.memory_space<hbm>> -> memref<20000x128xf32, #tpu.memory_space<hbm>>
          tpu.wait_indirect_dma semaphore(%arg17 : memref<!tpu.dma_semaphore, #tpu.memory_space<semaphore_mem>>) src(%dma_wait3A_160 : memref<20000x128xf32, #tpu.memory_space<hbm>>) dst(%arg15 : memref<128x128xf32, #tpu.memory_space<vmem>>)
          %add3A_161 = arith.constant 1 : i32
          %add3A_162 = arith.addi %scan3A_97, %add3A_161 : i32
          %lt3A_163 = arith.constant 8 : i32
          %lt3A_164 = arith.cmpi slt, %add3A_162, %lt3A_163 : i32
          %convert_element_type3A_165 = arith.extui %lt3A_164 : i1 to i32
          %cond3A_166 = arith.constant 0 : i32
          %cond3A_167 = arith.cmpi ne, %convert_element_type3A_165, %cond3A_166 : i32
          scf.if %cond3A_167 {
            %dma_wait3A_182 = arith.constant 0 : i32
            %dma_wait3A_183 = arith.constant 0 : i32
            %dma_wait3A_184 = tpu.memref_slice %arg3[%dma_wait3A_182, %dma_wait3A_183] : memref<2x327680xi32, #tpu.memory_space<hbm>> -> memref<1x128xi32, #tpu.memory_space<hbm>>
            %dma_wait3A_185 = tpu.memref_squeeze %dma_wait3A_184 : memref<1x128xi32, #tpu.memory_space<hbm>> -> memref<128xi32, #tpu.memory_space<hbm>>
            %dma_wait3A_186 = arith.constant 0 : i32
            %dma_wait3A_187 = tpu.memref_slice %arg3[%dma_wait3A_182, %dma_wait3A_186] : memref<2x327680xi32, #tpu.memory_space<hbm>> -> memref<1x128xi32, #tpu.memory_space<hbm>>
            %dma_wait3A_188 = tpu.memref_squeeze %dma_wait3A_187 : memref<1x128xi32, #tpu.memory_space<hbm>> -> memref<128xi32, #tpu.memory_space<hbm>>
            tpu.wait_dma2 semaphore(%arg18 : memref<!tpu.dma_semaphore, #tpu.memory_space<semaphore_mem>>) src(%dma_wait3A_188 : memref<128xi32, #tpu.memory_space<hbm>>) dst(%arg7 : memref<128xi32, #tpu.memory_space<vmem>>)
            %dma_wait3A_189 = arith.constant 0 : i32
            %dma_wait3A_190 = arith.constant 0 : i32
            %dma_wait3A_191 = arith.constant 0 : i32
            %dma_wait3A_192 = tpu.memref_slice %arg4[%dma_wait3A_189, %dma_wait3A_190, %dma_wait3A_191] : memref<2560x1x128xi32, #tpu.memory_space<hbm>> -> memref<1x1x128xi32, #tpu.memory_space<hbm>>
            %dma_wait3A_193 = tpu.memref_squeeze %dma_wait3A_192 : memref<1x1x128xi32, #tpu.memory_space<hbm>> -> memref<1x128xi32, #tpu.memory_space<hbm>>
            %dma_wait3A_194 = arith.constant 0 : i32
            %dma_wait3A_195 = arith.constant 0 : i32
            %dma_wait3A_196 = tpu.memref_slice %arg4[%dma_wait3A_189, %dma_wait3A_194, %dma_wait3A_195] : memref<2560x1x128xi32, #tpu.memory_space<hbm>> -> memref<1x1x128xi32, #tpu.memory_space<hbm>>
            %dma_wait3A_197 = tpu.memref_squeeze %dma_wait3A_196 : memref<1x1x128xi32, #tpu.memory_space<hbm>> -> memref<1x128xi32, #tpu.memory_space<hbm>>
            tpu.wait_dma2 semaphore(%arg18 : memref<!tpu.dma_semaphore, #tpu.memory_space<semaphore_mem>>) src(%dma_wait3A_197 : memref<1x128xi32, #tpu.memory_space<hbm>>) dst(%arg10 : memref<1x128xi32, #tpu.memory_space<vmem>>)
            %ge3A = arith.constant 2 : i32
            %ge3A_198 = arith.cmpi sge, %scan3A_97, %ge3A : i32
            %convert_element_type3A_199 = arith.extui %ge3A_198 : i1 to i32
            %cond3A_200 = arith.constant 0 : i32
            %cond3A_201 = arith.cmpi ne, %convert_element_type3A_199, %cond3A_200 : i32
            scf.if %cond3A_201 {
              %dma_wait3A_205 = arith.constant 0 : i32
              %dma_wait3A_206 = arith.constant 0 : i32
              %dma_wait3A_207 = tpu.memref_slice %arg10[%dma_wait3A_205, %dma_wait3A_206] : memref<1x128xi32, #tpu.memory_space<vmem>> -> memref<1x128xi32, #tpu.memory_space<vmem>>
              %dma_wait3A_208 = tpu.memref_squeeze %dma_wait3A_207 : memref<1x128xi32, #tpu.memory_space<vmem>> -> memref<128xi32, #tpu.memory_space<vmem>>
              %dma_wait3A_209 = arith.constant 0 : i32
              %dma_wait3A_210 = arith.constant 0 : i32
              %dma_wait3A_211 = tpu.memref_slice %arg16[%dma_wait3A_209, %dma_wait3A_210] : memref<10112x128xf32, #tpu.memory_space<vmem_shared>> -> memref<10112x128xf32, #tpu.memory_space<vmem_shared>>
              tpu.wait_indirect_dma semaphore(%arg19 : memref<!tpu.dma_semaphore, #tpu.memory_space<semaphore_mem>>) src(%arg13 : memref<128x128xf32, #tpu.memory_space<vmem>>) dst(%dma_wait3A_211 : memref<10112x128xf32, #tpu.memory_space<vmem_shared>>)
            } else {
            }
            %dma_start3A_202 = arith.constant 0 : i32
            %dma_start3A_203 = arith.constant 0 : i32
            %dma_start3A_204 = tpu.memref_slice %arg2[%dma_start3A_202, %dma_start3A_203] : memref<20000x128xf32, #tpu.memory_space<hbm>> -> memref<20000x128xf32, #tpu.memory_space<hbm>>
            tpu.enqueue_indirect_dma source(%dma_start3A_204 : memref<20000x128xf32, #tpu.memory_space<hbm>>) target(%arg13 : memref<128x128xf32, #tpu.memory_space<vmem>>) offsets(%arg7 : memref<128xi32, #tpu.memory_space<vmem>>) semaphore(%arg17 : memref<!tpu.dma_semaphore, #tpu.memory_space<semaphore_mem>>)
          } else {
          }
          %add3A_168 = arith.constant 2 : i32
          %add3A_169 = arith.addi %scan3A_97, %add3A_168 : i32
          %lt3A_170 = arith.constant 8 : i32
          %lt3A_171 = arith.cmpi slt, %add3A_169, %lt3A_170 : i32
          %convert_element_type3A_172 = arith.extui %lt3A_171 : i1 to i32
          %cond3A_173 = arith.constant 0 : i32
          %cond3A_174 = arith.cmpi ne, %convert_element_type3A_172, %cond3A_173 : i32
          scf.if %cond3A_174 {
            %add3A_182 = arith.addi %add3A_22, %scan3A_97 : i32
            %add3A_183 = arith.constant 2 : i32
            %add3A_184 = arith.addi %add3A_182, %add3A_183 : i32
            %mul3A_185 = arith.constant 128 : i32
            %mul3A_186 = arith.muli %add3A_184, %mul3A_185 : i32
            %dma_start3A_187 = tpu.memref_slice %arg3[%arg0, %mul3A_186] : memref<2x327680xi32, #tpu.memory_space<hbm>> -> memref<1x128xi32, #tpu.memory_space<hbm>>
            %dma_start3A_188 = tpu.memref_squeeze %dma_start3A_187 : memref<1x128xi32, #tpu.memory_space<hbm>> -> memref<128xi32, #tpu.memory_space<hbm>>
            %dma_start3A_189 = tpu.memref_slice %arg3[%arg0, %mul3A_186] : memref<2x327680xi32, #tpu.memory_space<hbm>> -> memref<1x128xi32, #tpu.memory_space<hbm>>
            %dma_start3A_190 = tpu.memref_squeeze %dma_start3A_189 : memref<1x128xi32, #tpu.memory_space<hbm>> -> memref<128xi32, #tpu.memory_space<hbm>>
            tpu.enqueue_dma source(%dma_start3A_190 : memref<128xi32, #tpu.memory_space<hbm>>) target(%arg8 : memref<128xi32, #tpu.memory_space<vmem>>) target_semaphore(%arg18 : memref<!tpu.dma_semaphore, #tpu.memory_space<semaphore_mem>>)
            %dma_start3A_191 = arith.constant 0 : i32
            %dma_start3A_192 = arith.constant 0 : i32
            %dma_start3A_193 = tpu.memref_slice %arg4[%add3A_184, %dma_start3A_191, %dma_start3A_192] : memref<2560x1x128xi32, #tpu.memory_space<hbm>> -> memref<1x1x128xi32, #tpu.memory_space<hbm>>
            %dma_start3A_194 = tpu.memref_squeeze %dma_start3A_193 : memref<1x1x128xi32, #tpu.memory_space<hbm>> -> memref<1x128xi32, #tpu.memory_space<hbm>>
            %dma_start3A_195 = arith.constant 0 : i32
            %dma_start3A_196 = arith.constant 0 : i32
            %dma_start3A_197 = tpu.memref_slice %arg4[%add3A_184, %dma_start3A_195, %dma_start3A_196] : memref<2560x1x128xi32, #tpu.memory_space<hbm>> -> memref<1x1x128xi32, #tpu.memory_space<hbm>>
            %dma_start3A_198 = tpu.memref_squeeze %dma_start3A_197 : memref<1x1x128xi32, #tpu.memory_space<hbm>> -> memref<1x128xi32, #tpu.memory_space<hbm>>
            tpu.enqueue_dma source(%dma_start3A_198 : memref<1x128xi32, #tpu.memory_space<hbm>>) target(%arg11 : memref<1x128xi32, #tpu.memory_space<vmem>>) target_semaphore(%arg18 : memref<!tpu.dma_semaphore, #tpu.memory_space<semaphore_mem>>)
          } else {
          }
          %dma_start3A_175 = arith.constant 0 : i32
          %dma_start3A_176 = arith.constant 0 : i32
          %dma_start3A_177 = tpu.memref_slice %arg12[%dma_start3A_175, %dma_start3A_176] : memref<1x128xi32, #tpu.memory_space<vmem>> -> memref<1x128xi32, #tpu.memory_space<vmem>>
          %dma_start3A_178 = tpu.memref_squeeze %dma_start3A_177 : memref<1x128xi32, #tpu.memory_space<vmem>> -> memref<128xi32, #tpu.memory_space<vmem>>
          %dma_start3A_179 = arith.constant 0 : i32
          %dma_start3A_180 = arith.constant 0 : i32
          %dma_start3A_181 = tpu.memref_slice %arg16[%dma_start3A_179, %dma_start3A_180] : memref<10112x128xf32, #tpu.memory_space<vmem_shared>> -> memref<10112x128xf32, #tpu.memory_space<vmem_shared>>
          tpu.enqueue_indirect_dma source(%arg15 : memref<128x128xf32, #tpu.memory_space<vmem>>) target(%dma_start3A_181 : memref<10112x128xf32, #tpu.memory_space<vmem_shared>>) offsets(%dma_start3A_178 : memref<128xi32, #tpu.memory_space<vmem>>) semaphore(%arg19 : memref<!tpu.dma_semaphore, #tpu.memory_space<semaphore_mem>>) {add = true}
        } else {
        }
        %scan3A_157 = arith.constant 0 : i32
        scf.yield %scan3A_157 : i32
      }
      %scan3A_75 = arith.constant 8 : i32
      %dma_wait3A_76 = arith.constant 0 : i32
      %dma_wait3A_77 = arith.constant 0 : i32
      %dma_wait3A_78 = tpu.memref_slice %arg10[%dma_wait3A_76, %dma_wait3A_77] : memref<1x128xi32, #tpu.memory_space<vmem>> -> memref<1x128xi32, #tpu.memory_space<vmem>>
      %dma_wait3A_79 = tpu.memref_squeeze %dma_wait3A_78 : memref<1x128xi32, #tpu.memory_space<vmem>> -> memref<128xi32, #tpu.memory_space<vmem>>
      %dma_wait3A_80 = arith.constant 0 : i32
      %dma_wait3A_81 = arith.constant 0 : i32
      %dma_wait3A_82 = tpu.memref_slice %arg16[%dma_wait3A_80, %dma_wait3A_81] : memref<10112x128xf32, #tpu.memory_space<vmem_shared>> -> memref<10112x128xf32, #tpu.memory_space<vmem_shared>>
      tpu.wait_indirect_dma semaphore(%arg19 : memref<!tpu.dma_semaphore, #tpu.memory_space<semaphore_mem>>) src(%arg13 : memref<128x128xf32, #tpu.memory_space<vmem>>) dst(%dma_wait3A_82 : memref<10112x128xf32, #tpu.memory_space<vmem_shared>>)
      %dma_wait3A_83 = arith.constant 0 : i32
      %dma_wait3A_84 = arith.constant 0 : i32
      %dma_wait3A_85 = tpu.memref_slice %arg10[%dma_wait3A_83, %dma_wait3A_84] : memref<1x128xi32, #tpu.memory_space<vmem>> -> memref<1x128xi32, #tpu.memory_space<vmem>>
      %dma_wait3A_86 = tpu.memref_squeeze %dma_wait3A_85 : memref<1x128xi32, #tpu.memory_space<vmem>> -> memref<128xi32, #tpu.memory_space<vmem>>
      %dma_wait3A_87 = arith.constant 0 : i32
      %dma_wait3A_88 = arith.constant 0 : i32
      %dma_wait3A_89 = tpu.memref_slice %arg16[%dma_wait3A_87, %dma_wait3A_88] : memref<10112x128xf32, #tpu.memory_space<vmem_shared>> -> memref<10112x128xf32, #tpu.memory_space<vmem_shared>>
      tpu.wait_indirect_dma semaphore(%arg19 : memref<!tpu.dma_semaphore, #tpu.memory_space<semaphore_mem>>) src(%arg13 : memref<128x128xf32, #tpu.memory_space<vmem>>) dst(%dma_wait3A_89 : memref<10112x128xf32, #tpu.memory_space<vmem_shared>>)
      %dma_wait3A_90 = arith.constant 0 : i32
      %dma_wait3A_91 = arith.constant 0 : i32
      %dma_wait3A_92 = tpu.memref_slice %arg10[%dma_wait3A_90, %dma_wait3A_91] : memref<1x128xi32, #tpu.memory_space<vmem>> -> memref<1x128xi32, #tpu.memory_space<vmem>>
      %dma_wait3A_93 = tpu.memref_squeeze %dma_wait3A_92 : memref<1x128xi32, #tpu.memory_space<vmem>> -> memref<128xi32, #tpu.memory_space<vmem>>
      %dma_wait3A_94 = arith.constant 0 : i32
      %dma_wait3A_95 = arith.constant 0 : i32
      %dma_wait3A_96 = tpu.memref_slice %arg16[%dma_wait3A_94, %dma_wait3A_95] : memref<10112x128xf32, #tpu.memory_space<vmem_shared>> -> memref<10112x128xf32, #tpu.memory_space<vmem_shared>>
      tpu.wait_indirect_dma semaphore(%arg19 : memref<!tpu.dma_semaphore, #tpu.memory_space<semaphore_mem>>) src(%arg13 : memref<128x128xf32, #tpu.memory_space<vmem>>) dst(%dma_wait3A_96 : memref<10112x128xf32, #tpu.memory_space<vmem_shared>>)
    } else {
    }
    %barrier3A_10 = arith.constant 0 : index
    tpu.barrier barrier_id(%barrier3A_10)
    %lt3A = arith.constant 15 : i32
    %lt3A_11 = arith.cmpi slt, %arg1, %lt3A : i32
    %convert_element_type3A_12 = arith.extui %lt3A_11 : i1 to i32
    %cond3A_13 = arith.constant 0 : i32
    %cond3A_14 = arith.cmpi ne, %convert_element_type3A_12, %cond3A_13 : i32
    scf.if %cond3A_14 {
      %mul3A_20 = arith.constant 624 : i32
      %mul3A_21 = arith.muli %arg1, %mul3A_20 : i32
      %mul3A_22 = arith.constant 624 : i32
      %mul3A_23 = arith.muli %arg1, %mul3A_22 : i32
      "tpu.region"() ({
        %run_scoped3A = tpu.sem_alloc : memref<!tpu.dma_semaphore, #tpu.memory_space<semaphore_mem>>
        %dma_start3A = arith.constant 0 : i32
        %dma_start3A_24 = tpu.memref_slice %arg6[%arg0, %mul3A_23, %dma_start3A] : memref<2x10000x128xf32, #tpu.memory_space<hbm>> -> memref<1x624x128xf32, #tpu.memory_space<hbm>>
        %dma_start3A_25 = tpu.memref_squeeze %dma_start3A_24 : memref<1x624x128xf32, #tpu.memory_space<hbm>> -> memref<624x128xf32, #tpu.memory_space<hbm>>
        %dma_start3A_26 = arith.constant 0 : i32
        %dma_start3A_27 = tpu.memref_slice %arg16[%mul3A_21, %dma_start3A_26] : memref<10112x128xf32, #tpu.memory_space<vmem_shared>> -> memref<624x128xf32, #tpu.memory_space<vmem_shared>>
        tpu.enqueue_dma source(%dma_start3A_27 : memref<624x128xf32, #tpu.memory_space<vmem_shared>>) target(%dma_start3A_25 : memref<624x128xf32, #tpu.memory_space<hbm>>) target_semaphore(%run_scoped3A : memref<!tpu.dma_semaphore, #tpu.memory_space<semaphore_mem>>)
        %dma_wait3A = arith.constant 0 : i32
        %dma_wait3A_28 = tpu.memref_slice %arg6[%arg0, %mul3A_23, %dma_wait3A] : memref<2x10000x128xf32, #tpu.memory_space<hbm>> -> memref<1x624x128xf32, #tpu.memory_space<hbm>>
        %dma_wait3A_29 = tpu.memref_squeeze %dma_wait3A_28 : memref<1x624x128xf32, #tpu.memory_space<hbm>> -> memref<624x128xf32, #tpu.memory_space<hbm>>
        %dma_wait3A_30 = arith.constant 0 : i32
        %dma_wait3A_31 = tpu.memref_slice %arg16[%mul3A_21, %dma_wait3A_30] : memref<10112x128xf32, #tpu.memory_space<vmem_shared>> -> memref<624x128xf32, #tpu.memory_space<vmem_shared>>
        tpu.wait_dma2 semaphore(%run_scoped3A : memref<!tpu.dma_semaphore, #tpu.memory_space<semaphore_mem>>) src(%dma_wait3A_31 : memref<624x128xf32, #tpu.memory_space<vmem_shared>>) dst(%dma_wait3A_29 : memref<624x128xf32, #tpu.memory_space<hbm>>)
        tpu.yield
      }) : () -> ()
    } else {
    }
    %eq3A_15 = arith.constant 15 : i32
    %eq3A_16 = arith.cmpi eq, %arg1, %eq3A_15 : i32
    %convert_element_type3A_17 = arith.extui %eq3A_16 : i1 to i32
    %cond3A_18 = arith.constant 0 : i32
    %cond3A_19 = arith.cmpi ne, %convert_element_type3A_17, %cond3A_18 : i32
    scf.if %cond3A_19 {
      "tpu.region"() ({
        %run_scoped3A = tpu.sem_alloc : memref<!tpu.dma_semaphore, #tpu.memory_space<semaphore_mem>>
        %dma_start3A = arith.constant 9360 : i32
        %dma_start3A_20 = arith.constant 0 : i32
        %dma_start3A_21 = tpu.memref_slice %arg6[%arg0, %dma_start3A, %dma_start3A_20] : memref<2x10000x128xf32, #tpu.memory_space<hbm>> -> memref<1x640x128xf32, #tpu.memory_space<hbm>>
        %dma_start3A_22 = tpu.memref_squeeze %dma_start3A_21 : memref<1x640x128xf32, #tpu.memory_space<hbm>> -> memref<640x128xf32, #tpu.memory_space<hbm>>
        %dma_start3A_23 = arith.constant 9360 : i32
        %dma_start3A_24 = arith.constant 0 : i32
        %dma_start3A_25 = tpu.memref_slice %arg16[%dma_start3A_23, %dma_start3A_24] : memref<10112x128xf32, #tpu.memory_space<vmem_shared>> -> memref<640x128xf32, #tpu.memory_space<vmem_shared>>
        tpu.enqueue_dma source(%dma_start3A_25 : memref<640x128xf32, #tpu.memory_space<vmem_shared>>) target(%dma_start3A_22 : memref<640x128xf32, #tpu.memory_space<hbm>>) target_semaphore(%run_scoped3A : memref<!tpu.dma_semaphore, #tpu.memory_space<semaphore_mem>>)
        %dma_wait3A = arith.constant 9360 : i32
        %dma_wait3A_26 = arith.constant 0 : i32
        %dma_wait3A_27 = tpu.memref_slice %arg6[%arg0, %dma_wait3A, %dma_wait3A_26] : memref<2x10000x128xf32, #tpu.memory_space<hbm>> -> memref<1x640x128xf32, #tpu.memory_space<hbm>>
        %dma_wait3A_28 = tpu.memref_squeeze %dma_wait3A_27 : memref<1x640x128xf32, #tpu.memory_space<hbm>> -> memref<640x128xf32, #tpu.memory_space<hbm>>
        %dma_wait3A_29 = arith.constant 9360 : i32
        %dma_wait3A_30 = arith.constant 0 : i32
        %dma_wait3A_31 = tpu.memref_slice %arg16[%dma_wait3A_29, %dma_wait3A_30] : memref<10112x128xf32, #tpu.memory_space<vmem_shared>> -> memref<640x128xf32, #tpu.memory_space<vmem_shared>>
        tpu.wait_dma2 semaphore(%run_scoped3A : memref<!tpu.dma_semaphore, #tpu.memory_space<semaphore_mem>>) src(%dma_wait3A_31 : memref<640x128xf32, #tpu.memory_space<vmem_shared>>) dst(%dma_wait3A_28 : memref<640x128xf32, #tpu.memory_space<hbm>>)
        tpu.yield
      }) : () -> ()
    } else {
    }
    return
  }
}

#map = affine_map<(d0, d1) -> (0, 0)>
module attributes {stable_mosaic.version = 14 : i64} {
  func.func @_sc_degree(%arg0: i32, %arg1: i32, %arg2: memref<2560x128xi32, #tpu.memory_space<hbm>>, %arg3: memref<2x10240xf32, #tpu.memory_space<hbm>>, %arg4: memref<80x128xi32, #tpu.memory_space<vmem>>, %arg5: memref<128xf32, #tpu.memory_space<vmem>>, %arg6: memref<640xf32, #tpu.memory_space<vmem>>, %arg7: memref<10240xf32, #tpu.memory_space<vmem_shared>>) attributes {dimension_semantics = [#tpu.dimension_semantics<core_parallel>, #tpu.dimension_semantics<subcore_parallel>], iteration_bounds = array<i64: 2, 16>, scalar_prefetch = 0 : i64, scratch_operands = 4 : i64, tpu.core_type = #tpu.core_type<sc_vector_subcore>, window_params = [{transform_indices = #map}, {transform_indices = #map}]} {
    %broadcast_in_dim3A = arith.constant 1.000000e+00 : f32
    %broadcast_in_dim3A_0 = vector.broadcast %broadcast_in_dim3A : f32 to vector<16xf32>
    %swap3A = arith.constant 0 : index
    %swap3A_1 = tpu.vector_load %arg5[%swap3A] {strides = array<i32>} : memref<128xf32, #tpu.memory_space<vmem>>, vector<16xf32>,
    %swap3A_2 = vector.shape_cast %swap3A_1 : vector<16xf32> to vector<16xf32>
    %swap3A_3 = vector.shape_cast %broadcast_in_dim3A_0 : vector<16xf32> to vector<16xf32>
    tpu.vector_store %arg5[%swap3A], %swap3A_3 {strides = array<i32>} : memref<128xf32, #tpu.memory_space<vmem>>, vector<16xf32>,
    %broadcast_in_dim3A_4 = arith.constant 1.000000e+00 : f32
    %broadcast_in_dim3A_5 = vector.broadcast %broadcast_in_dim3A_4 : f32 to vector<16xf32>
    %swap3A_6 = arith.constant 16 : index
    %swap3A_7 = tpu.vector_load %arg5[%swap3A_6] {strides = array<i32>} : memref<128xf32, #tpu.memory_space<vmem>>, vector<16xf32>,
    %swap3A_8 = vector.shape_cast %swap3A_7 : vector<16xf32> to vector<16xf32>
    %swap3A_9 = vector.shape_cast %broadcast_in_dim3A_5 : vector<16xf32> to vector<16xf32>
    tpu.vector_store %arg5[%swap3A_6], %swap3A_9 {strides = array<i32>} : memref<128xf32, #tpu.memory_space<vmem>>, vector<16xf32>,
    %broadcast_in_dim3A_10 = arith.constant 1.000000e+00 : f32
    %broadcast_in_dim3A_11 = vector.broadcast %broadcast_in_dim3A_10 : f32 to vector<16xf32>
    %swap3A_12 = arith.constant 32 : index
    %swap3A_13 = tpu.vector_load %arg5[%swap3A_12] {strides = array<i32>} : memref<128xf32, #tpu.memory_space<vmem>>, vector<16xf32>,
    %swap3A_14 = vector.shape_cast %swap3A_13 : vector<16xf32> to vector<16xf32>
    %swap3A_15 = vector.shape_cast %broadcast_in_dim3A_11 : vector<16xf32> to vector<16xf32>
    tpu.vector_store %arg5[%swap3A_12], %swap3A_15 {strides = array<i32>} : memref<128xf32, #tpu.memory_space<vmem>>, vector<16xf32>,
    %broadcast_in_dim3A_16 = arith.constant 1.000000e+00 : f32
    %broadcast_in_dim3A_17 = vector.broadcast %broadcast_in_dim3A_16 : f32 to vector<16xf32>
    %swap3A_18 = arith.constant 48 : index
    %swap3A_19 = tpu.vector_load %arg5[%swap3A_18] {strides = array<i32>} : memref<128xf32, #tpu.memory_space<vmem>>, vector<16xf32>,
    %swap3A_20 = vector.shape_cast %swap3A_19 : vector<16xf32> to vector<16xf32>
    %swap3A_21 = vector.shape_cast %broadcast_in_dim3A_17 : vector<16xf32> to vector<16xf32>
    tpu.vector_store %arg5[%swap3A_18], %swap3A_21 {strides = array<i32>} : memref<128xf32, #tpu.memory_space<vmem>>, vector<16xf32>,
    %broadcast_in_dim3A_22 = arith.constant 1.000000e+00 : f32
    %broadcast_in_dim3A_23 = vector.broadcast %broadcast_in_dim3A_22 : f32 to vector<16xf32>
    %swap3A_24 = arith.constant 64 : index
    %swap3A_25 = tpu.vector_load %arg5[%swap3A_24] {strides = array<i32>} : memref<128xf32, #tpu.memory_space<vmem>>, vector<16xf32>,
    %swap3A_26 = vector.shape_cast %swap3A_25 : vector<16xf32> to vector<16xf32>
    %swap3A_27 = vector.shape_cast %broadcast_in_dim3A_23 : vector<16xf32> to vector<16xf32>
    tpu.vector_store %arg5[%swap3A_24], %swap3A_27 {strides = array<i32>} : memref<128xf32, #tpu.memory_space<vmem>>, vector<16xf32>,
    %broadcast_in_dim3A_28 = arith.constant 1.000000e+00 : f32
    %broadcast_in_dim3A_29 = vector.broadcast %broadcast_in_dim3A_28 : f32 to vector<16xf32>
    %swap3A_30 = arith.constant 80 : index
    %swap3A_31 = tpu.vector_load %arg5[%swap3A_30] {strides = array<i32>} : memref<128xf32, #tpu.memory_space<vmem>>, vector<16xf32>,
    %swap3A_32 = vector.shape_cast %swap3A_31 : vector<16xf32> to vector<16xf32>
    %swap3A_33 = vector.shape_cast %broadcast_in_dim3A_29 : vector<16xf32> to vector<16xf32>
    tpu.vector_store %arg5[%swap3A_30], %swap3A_33 {strides = array<i32>} : memref<128xf32, #tpu.memory_space<vmem>>, vector<16xf32>,
    %broadcast_in_dim3A_34 = arith.constant 1.000000e+00 : f32
    %broadcast_in_dim3A_35 = vector.broadcast %broadcast_in_dim3A_34 : f32 to vector<16xf32>
    %swap3A_36 = arith.constant 96 : index
    %swap3A_37 = tpu.vector_load %arg5[%swap3A_36] {strides = array<i32>} : memref<128xf32, #tpu.memory_space<vmem>>, vector<16xf32>,
    %swap3A_38 = vector.shape_cast %swap3A_37 : vector<16xf32> to vector<16xf32>
    %swap3A_39 = vector.shape_cast %broadcast_in_dim3A_35 : vector<16xf32> to vector<16xf32>
    tpu.vector_store %arg5[%swap3A_36], %swap3A_39 {strides = array<i32>} : memref<128xf32, #tpu.memory_space<vmem>>, vector<16xf32>,
    %broadcast_in_dim3A_40 = arith.constant 1.000000e+00 : f32
    %broadcast_in_dim3A_41 = vector.broadcast %broadcast_in_dim3A_40 : f32 to vector<16xf32>
    %swap3A_42 = arith.constant 112 : index
    %swap3A_43 = tpu.vector_load %arg5[%swap3A_42] {strides = array<i32>} : memref<128xf32, #tpu.memory_space<vmem>>, vector<16xf32>,
    %swap3A_44 = vector.shape_cast %swap3A_43 : vector<16xf32> to vector<16xf32>
    %swap3A_45 = vector.shape_cast %broadcast_in_dim3A_41 : vector<16xf32> to vector<16xf32>
    tpu.vector_store %arg5[%swap3A_42], %swap3A_45 {strides = array<i32>} : memref<128xf32, #tpu.memory_space<vmem>>, vector<16xf32>,
    %scan3A = arith.constant 0 : i32
    %scan3A_46 = arith.constant 0 : i32
    %scan3A_47 = arith.constant 40 : i32
    %scan3A_48 = arith.addi %scan3A_46, %scan3A_47 : i32
    %scan3A_49 = arith.constant 1 : i32
    %scan3A_50 = scf.for %scan3A_69 = %scan3A_46 to %scan3A_48 step %scan3A_49 iter_args(%scan3A_70 = %scan3A) -> (i32)  : i32 {
      %broadcast_in_dim3A_71 = arith.constant 0.000000e+00 : f32
      %broadcast_in_dim3A_72 = vector.broadcast %broadcast_in_dim3A_71 : f32 to vector<16xf32>
      %mul3A_73 = arith.constant 16 : i32
      %mul3A_74 = arith.muli %scan3A_69, %mul3A_73 : i32
      %swap3A_75 = arith.index_cast %mul3A_74 : i32 to index
      %swap3A_76 = tpu.vector_load %arg6[%swap3A_75] {strides = array<i32>} : memref<640xf32, #tpu.memory_space<vmem>>, vector<16xf32>,
      %swap3A_77 = vector.shape_cast %swap3A_76 : vector<16xf32> to vector<16xf32>
      %swap3A_78 = vector.shape_cast %broadcast_in_dim3A_72 : vector<16xf32> to vector<16xf32>
      tpu.vector_store %arg6[%swap3A_75], %swap3A_78 {strides = array<i32>} : memref<640xf32, #tpu.memory_space<vmem>>, vector<16xf32>,
      %scan3A_79 = arith.constant 0 : i32
      scf.yield %scan3A_79 : i32
    }
    %scan3A_51 = arith.constant 40 : i32
    %mul3A = arith.constant 640 : i32
    %mul3A_52 = arith.muli %arg1, %mul3A : i32
    "tpu.region"() ({
      %run_scoped3A = tpu.sem_alloc : memref<!tpu.dma_semaphore, #tpu.memory_space<semaphore_mem>>
      %dma_start3A = tpu.memref_slice %arg7[%mul3A_52] : memref<10240xf32, #tpu.memory_space<vmem_shared>> -> memref<640xf32, #tpu.memory_space<vmem_shared>>
      %dma_start3A_69 = tpu.memref_slice %arg7[%mul3A_52] : memref<10240xf32, #tpu.memory_space<vmem_shared>> -> memref<640xf32, #tpu.memory_space<vmem_shared>>
      tpu.enqueue_dma source(%arg6 : memref<640xf32, #tpu.memory_space<vmem>>) target(%dma_start3A_69 : memref<640xf32, #tpu.memory_space<vmem_shared>>) target_semaphore(%run_scoped3A : memref<!tpu.dma_semaphore, #tpu.memory_space<semaphore_mem>>)
      %dma_wait3A = tpu.memref_slice %arg7[%mul3A_52] : memref<10240xf32, #tpu.memory_space<vmem_shared>> -> memref<640xf32, #tpu.memory_space<vmem_shared>>
      %dma_wait3A_70 = tpu.memref_slice %arg7[%mul3A_52] : memref<10240xf32, #tpu.memory_space<vmem_shared>> -> memref<640xf32, #tpu.memory_space<vmem_shared>>
      tpu.wait_dma2 semaphore(%run_scoped3A : memref<!tpu.dma_semaphore, #tpu.memory_space<semaphore_mem>>) src(%arg6 : memref<640xf32, #tpu.memory_space<vmem>>) dst(%dma_wait3A_70 : memref<640xf32, #tpu.memory_space<vmem_shared>>)
      tpu.yield
    }) : () -> ()
    %mul3A_53 = arith.constant 16 : i32
    %mul3A_54 = arith.muli %arg0, %mul3A_53 : i32
    %add3A = arith.addi %mul3A_54, %arg1 : i32
    %mul3A_55 = arith.constant 80 : i32
    %mul3A_56 = arith.muli %add3A, %mul3A_55 : i32
    "tpu.region"() ({
      %run_scoped3A = tpu.sem_alloc : memref<!tpu.dma_semaphore, #tpu.memory_space<semaphore_mem>>
      %dma_start3A = arith.constant 0 : i32
      %dma_start3A_69 = tpu.memref_slice %arg2[%mul3A_56, %dma_start3A] : memref<2560x128xi32, #tpu.memory_space<hbm>> -> memref<80x128xi32, #tpu.memory_space<hbm>>
      %dma_start3A_70 = arith.constant 0 : i32
      %dma_start3A_71 = tpu.memref_slice %arg2[%mul3A_56, %dma_start3A_70] : memref<2560x128xi32, #tpu.memory_space<hbm>> -> memref<80x128xi32, #tpu.memory_space<hbm>>
      tpu.enqueue_dma source(%dma_start3A_71 : memref<80x128xi32, #tpu.memory_space<hbm>>) target(%arg4 : memref<80x128xi32, #tpu.memory_space<vmem>>) target_semaphore(%run_scoped3A : memref<!tpu.dma_semaphore, #tpu.memory_space<semaphore_mem>>)
      %dma_wait3A = arith.constant 0 : i32
      %dma_wait3A_72 = tpu.memref_slice %arg2[%mul3A_56, %dma_wait3A] : memref<2560x128xi32, #tpu.memory_space<hbm>> -> memref<80x128xi32, #tpu.memory_space<hbm>>
      %dma_wait3A_73 = arith.constant 0 : i32
      %dma_wait3A_74 = tpu.memref_slice %arg2[%mul3A_56, %dma_wait3A_73] : memref<2560x128xi32, #tpu.memory_space<hbm>> -> memref<80x128xi32, #tpu.memory_space<hbm>>
      tpu.wait_dma2 semaphore(%run_scoped3A : memref<!tpu.dma_semaphore, #tpu.memory_space<semaphore_mem>>) src(%dma_wait3A_74 : memref<80x128xi32, #tpu.memory_space<hbm>>) dst(%arg4 : memref<80x128xi32, #tpu.memory_space<vmem>>)
      tpu.yield
    }) : () -> ()
    %barrier3A = arith.constant 0 : index
    tpu.barrier barrier_id(%barrier3A)
    %scan3A_57 = arith.constant 0 : i32
    %scan3A_58 = arith.constant 0 : i32
    %scan3A_59 = arith.constant 80 : i32
    %scan3A_60 = arith.addi %scan3A_58, %scan3A_59 : i32
    %scan3A_61 = arith.constant 1 : i32
    %scan3A_62 = scf.for %scan3A_69 = %scan3A_58 to %scan3A_60 step %scan3A_61 iter_args(%scan3A_70 = %scan3A_57) -> (i32)  : i32 {
      "tpu.region"() ({
        %run_scoped3A = tpu.sem_alloc : memref<!tpu.dma_semaphore, #tpu.memory_space<semaphore_mem>>
        %dma_start3A = arith.constant 0 : i32
        %dma_start3A_72 = tpu.memref_slice %arg4[%scan3A_69, %dma_start3A] : memref<80x128xi32, #tpu.memory_space<vmem>> -> memref<1x128xi32, #tpu.memory_space<vmem>>
        %dma_start3A_73 = tpu.memref_squeeze %dma_start3A_72 : memref<1x128xi32, #tpu.memory_space<vmem>> -> memref<128xi32, #tpu.memory_space<vmem>>
        %dma_start3A_74 = arith.constant 0 : i32
        %dma_start3A_75 = tpu.memref_slice %arg7[%dma_start3A_74] : memref<10240xf32, #tpu.memory_space<vmem_shared>> -> memref<10240xf32, #tpu.memory_space<vmem_shared>>
        tpu.enqueue_indirect_dma source(%arg5 : memref<128xf32, #tpu.memory_space<vmem>>) target(%dma_start3A_75 : memref<10240xf32, #tpu.memory_space<vmem_shared>>) offsets(%dma_start3A_73 : memref<128xi32, #tpu.memory_space<vmem>>) semaphore(%run_scoped3A : memref<!tpu.dma_semaphore, #tpu.memory_space<semaphore_mem>>) {add = true}
        %dma_wait3A = arith.constant 0 : i32
        %dma_wait3A_76 = tpu.memref_slice %arg4[%scan3A_69, %dma_wait3A] : memref<80x128xi32, #tpu.memory_space<vmem>> -> memref<1x128xi32, #tpu.memory_space<vmem>>
        %dma_wait3A_77 = tpu.memref_squeeze %dma_wait3A_76 : memref<1x128xi32, #tpu.memory_space<vmem>> -> memref<128xi32, #tpu.memory_space<vmem>>
        %dma_wait3A_78 = arith.constant 0 : i32
        %dma_wait3A_79 = tpu.memref_slice %arg7[%dma_wait3A_78] : memref<10240xf32, #tpu.memory_space<vmem_shared>> -> memref<10240xf32, #tpu.memory_space<vmem_shared>>
        tpu.wait_indirect_dma semaphore(%run_scoped3A : memref<!tpu.dma_semaphore, #tpu.memory_space<semaphore_mem>>) src(%arg5 : memref<128xf32, #tpu.memory_space<vmem>>) dst(%dma_wait3A_79 : memref<10240xf32, #tpu.memory_space<vmem_shared>>)
        tpu.yield
      }) : () -> ()
      %scan3A_71 = arith.constant 0 : i32
      scf.yield %scan3A_71 : i32
    }
    %scan3A_63 = arith.constant 80 : i32
    %barrier3A_64 = arith.constant 0 : index
    tpu.barrier barrier_id(%barrier3A_64)
    %mul3A_65 = arith.constant 640 : i32
    %mul3A_66 = arith.muli %arg1, %mul3A_65 : i32
    %mul3A_67 = arith.constant 640 : i32
    %mul3A_68 = arith.muli %arg1, %mul3A_67 : i32
    "tpu.region"() ({
      %run_scoped3A = tpu.sem_alloc : memref<!tpu.dma_semaphore, #tpu.memory_space<semaphore_mem>>
      %dma_start3A = tpu.memref_slice %arg3[%arg0, %mul3A_68] : memref<2x10240xf32, #tpu.memory_space<hbm>> -> memref<1x640xf32, #tpu.memory_space<hbm>>
      %dma_start3A_69 = tpu.memref_squeeze %dma_start3A : memref<1x640xf32, #tpu.memory_space<hbm>> -> memref<640xf32, #tpu.memory_space<hbm>>
      %dma_start3A_70 = tpu.memref_slice %arg7[%mul3A_66] : memref<10240xf32, #tpu.memory_space<vmem_shared>> -> memref<640xf32, #tpu.memory_space<vmem_shared>>
      tpu.enqueue_dma source(%dma_start3A_70 : memref<640xf32, #tpu.memory_space<vmem_shared>>) target(%dma_start3A_69 : memref<640xf32, #tpu.memory_space<hbm>>) target_semaphore(%run_scoped3A : memref<!tpu.dma_semaphore, #tpu.memory_space<semaphore_mem>>)
      %dma_wait3A = tpu.memref_slice %arg3[%arg0, %mul3A_68] : memref<2x10240xf32, #tpu.memory_space<hbm>> -> memref<1x640xf32, #tpu.memory_space<hbm>>
      %dma_wait3A_71 = tpu.memref_squeeze %dma_wait3A : memref<1x640xf32, #tpu.memory_space<hbm>> -> memref<640xf32, #tpu.memory_space<hbm>>
      %dma_wait3A_72 = tpu.memref_slice %arg7[%mul3A_66] : memref<10240xf32, #tpu.memory_space<vmem_shared>> -> memref<640xf32, #tpu.memory_space<vmem_shared>>
      tpu.wait_dma2 semaphore(%run_scoped3A : memref<!tpu.dma_semaphore, #tpu.memory_space<semaphore_mem>>) src(%dma_wait3A_72 : memref<640xf32, #tpu.memory_space<vmem_shared>>) dst(%dma_wait3A_71 : memref<640xf32, #tpu.memory_space<hbm>>)
      tpu.yield
    }) : () -> ()
    return
  }
}

#map = affine_map<(d0, d1) -> (0, 0)>
#map1 = affine_map<(d0, d1) -> (0, 0, 0)>
module attributes {stable_mosaic.version = 14 : i64} {
  func.func @_sc_message(%arg0: i32, %arg1: i32, %arg2: memref<20000x128xf32, #tpu.memory_space<hbm>>, %arg3: memref<2x327680xi32, #tpu.memory_space<hbm>>, %arg4: memref<2560x1x128xi32, #tpu.memory_space<hbm>>, %arg5: memref<10112x128xf32, #tpu.memory_space<hbm>>, %arg6: memref<2x10000x128xf32, #tpu.memory_space<hbm>>, %arg7: memref<128xi32, #tpu.memory_space<vmem>>, %arg8: memref<128xi32, #tpu.memory_space<vmem>>, %arg9: memref<128xi32, #tpu.memory_space<vmem>>, %arg10: memref<1x128xi32, #tpu.memory_space<vmem>>, %arg11: memref<1x128xi32, #tpu.memory_space<vmem>>, %arg12: memref<1x128xi32, #tpu.memory_space<vmem>>, %arg13: memref<128x128xf32, #tpu.memory_space<vmem>>, %arg14: memref<128x128xf32, #tpu.memory_space<vmem>>, %arg15: memref<128x128xf32, #tpu.memory_space<vmem>>, %arg16: memref<10112x128xf32, #tpu.memory_space<vmem_shared>>, %arg17: memref<!tpu.dma_semaphore, #tpu.memory_space<semaphore_mem>>, %arg18: memref<!tpu.dma_semaphore, #tpu.memory_space<semaphore_mem>>, %arg19: memref<!tpu.dma_semaphore, #tpu.memory_space<semaphore_mem>>) attributes {dimension_semantics = [#tpu.dimension_semantics<core_parallel>, #tpu.dimension_semantics<subcore_parallel>], iteration_bounds = array<i64: 2, 16>, scalar_prefetch = 0 : i64, scratch_operands = 13 : i64, tpu.core_type = #tpu.core_type<sc_vector_subcore>, window_params = [{transform_indices = #map}, {transform_indices = #map}, {transform_indices = #map1}, {transform_indices = #map}, {transform_indices = #map1}]} {
    %mul3A = arith.constant 632 : i32
    %mul3A_0 = arith.muli %arg1, %mul3A : i32
    %mul3A_1 = arith.constant 632 : i32
    %mul3A_2 = arith.muli %arg1, %mul3A_1 : i32
    "tpu.region"() ({
      %run_scoped3A = tpu.sem_alloc : memref<!tpu.dma_semaphore, #tpu.memory_space<semaphore_mem>>
      %dma_start3A = arith.constant 0 : i32
      %dma_start3A_20 = tpu.memref_slice %arg16[%mul3A_2, %dma_start3A] : memref<10112x128xf32, #tpu.memory_space<vmem_shared>> -> memref<632x128xf32, #tpu.memory_space<vmem_shared>>
      %dma_start3A_21 = arith.constant 0 : i32
      %dma_start3A_22 = tpu.memref_slice %arg5[%mul3A_0, %dma_start3A_21] : memref<10112x128xf32, #tpu.memory_space<hbm>> -> memref<632x128xf32, #tpu.memory_space<hbm>>
      tpu.enqueue_dma source(%dma_start3A_22 : memref<632x128xf32, #tpu.memory_space<hbm>>) target(%dma_start3A_20 : memref<632x128xf32, #tpu.memory_space<vmem_shared>>) target_semaphore(%run_scoped3A : memref<!tpu.dma_semaphore, #tpu.memory_space<semaphore_mem>>)
      %dma_wait3A = arith.constant 0 : i32
      %dma_wait3A_23 = tpu.memref_slice %arg16[%mul3A_2, %dma_wait3A] : memref<10112x128xf32, #tpu.memory_space<vmem_shared>> -> memref<632x128xf32, #tpu.memory_space<vmem_shared>>
      %dma_wait3A_24 = arith.constant 0 : i32
      %dma_wait3A_25 = tpu.memref_slice %arg5[%mul3A_0, %dma_wait3A_24] : memref<10112x128xf32, #tpu.memory_space<hbm>> -> memref<632x128xf32, #tpu.memory_space<hbm>>
      tpu.wait_dma2 semaphore(%run_scoped3A : memref<!tpu.dma_semaphore, #tpu.memory_space<semaphore_mem>>) src(%dma_wait3A_25 : memref<632x128xf32, #tpu.memory_space<hbm>>) dst(%dma_wait3A_23 : memref<632x128xf32, #tpu.memory_space<vmem_shared>>)
      tpu.yield
    }) : () -> ()
    %barrier3A = arith.constant 0 : index
    tpu.barrier barrier_id(%barrier3A)
    %eq3A = arith.constant 0 : i32
    %eq3A_3 = arith.cmpi eq, %arg0, %eq3A : i32
    %convert_element_type3A = arith.extui %eq3A_3 : i1 to i32
    %cond3A = arith.constant 0 : i32
    %cond3A_4 = arith.cmpi ne, %convert_element_type3A, %cond3A : i32
    scf.if %cond3A_4 {
      %mul3A_20 = arith.constant 152 : i32
      %mul3A_21 = arith.muli %arg1, %mul3A_20 : i32
      %mul3A_22 = arith.constant 128 : i32
      %mul3A_23 = arith.muli %mul3A_21, %mul3A_22 : i32
      %dma_start3A = tpu.memref_slice %arg3[%arg0, %mul3A_23] : memref<2x327680xi32, #tpu.memory_space<hbm>> -> memref<1x128xi32, #tpu.memory_space<hbm>>
      %dma_start3A_24 = tpu.memref_squeeze %dma_start3A : memref<1x128xi32, #tpu.memory_space<hbm>> -> memref<128xi32, #tpu.memory_space<hbm>>
      %dma_start3A_25 = tpu.memref_slice %arg3[%arg0, %mul3A_23] : memref<2x327680xi32, #tpu.memory_space<hbm>> -> memref<1x128xi32, #tpu.memory_space<hbm>>
      %dma_start3A_26 = tpu.memref_squeeze %dma_start3A_25 : memref<1x128xi32, #tpu.memory_space<hbm>> -> memref<128xi32, #tpu.memory_space<hbm>>
      tpu.enqueue_dma source(%dma_start3A_26 : memref<128xi32, #tpu.memory_space<hbm>>) target(%arg7 : memref<128xi32, #tpu.memory_space<vmem>>) target_semaphore(%arg18 : memref<!tpu.dma_semaphore, #tpu.memory_space<semaphore_mem>>)
      %dma_start3A_27 = arith.constant 0 : i32
      %dma_start3A_28 = arith.constant 0 : i32
      %dma_start3A_29 = tpu.memref_slice %arg4[%mul3A_21, %dma_start3A_27, %dma_start3A_28] : memref<2560x1x128xi32, #tpu.memory_space<hbm>> -> memref<1x1x128xi32, #tpu.memory_space<hbm>>
      %dma_start3A_30 = tpu.memref_squeeze %dma_start3A_29 : memref<1x1x128xi32, #tpu.memory_space<hbm>> -> memref<1x128xi32, #tpu.memory_space<hbm>>
      %dma_start3A_31 = arith.constant 0 : i32
      %dma_start3A_32 = arith.constant 0 : i32
      %dma_start3A_33 = tpu.memref_slice %arg4[%mul3A_21, %dma_start3A_31, %dma_start3A_32] : memref<2560x1x128xi32, #tpu.memory_space<hbm>> -> memref<1x1x128xi32, #tpu.memory_space<hbm>>
      %dma_start3A_34 = tpu.memref_squeeze %dma_start3A_33 : memref<1x1x128xi32, #tpu.memory_space<hbm>> -> memref<1x128xi32, #tpu.memory_space<hbm>>
      tpu.enqueue_dma source(%dma_start3A_34 : memref<1x128xi32, #tpu.memory_space<hbm>>) target(%arg10 : memref<1x128xi32, #tpu.memory_space<vmem>>) target_semaphore(%arg18 : memref<!tpu.dma_semaphore, #tpu.memory_space<semaphore_mem>>)
      %dma_wait3A = arith.constant 0 : i32
      %dma_wait3A_35 = arith.constant 0 : i32
      %dma_wait3A_36 = tpu.memref_slice %arg3[%dma_wait3A, %dma_wait3A_35] : memref<2x327680xi32, #tpu.memory_space<hbm>> -> memref<1x128xi32, #tpu.memory_space<hbm>>
      %dma_wait3A_37 = tpu.memref_squeeze %dma_wait3A_36 : memref<1x128xi32, #tpu.memory_space<hbm>> -> memref<128xi32, #tpu.memory_space<hbm>>
      %dma_wait3A_38 = arith.constant 0 : i32
      %dma_wait3A_39 = tpu.memref_slice %arg3[%dma_wait3A, %dma_wait3A_38] : memref<2x327680xi32, #tpu.memory_space<hbm>> -> memref<1x128xi32, #tpu.memory_space<hbm>>
      %dma_wait3A_40 = tpu.memref_squeeze %dma_wait3A_39 : memref<1x128xi32, #tpu.memory_space<hbm>> -> memref<128xi32, #tpu.memory_space<hbm>>
      tpu.wait_dma2 semaphore(%arg18 : memref<!tpu.dma_semaphore, #tpu.memory_space<semaphore_mem>>) src(%dma_wait3A_40 : memref<128xi32, #tpu.memory_space<hbm>>) dst(%arg7 : memref<128xi32, #tpu.memory_space<vmem>>)
      %dma_wait3A_41 = arith.constant 0 : i32
      %dma_wait3A_42 = arith.constant 0 : i32
      %dma_wait3A_43 = arith.constant 0 : i32
      %dma_wait3A_44 = tpu.memref_slice %arg4[%dma_wait3A_41, %dma_wait3A_42, %dma_wait3A_43] : memref<2560x1x128xi32, #tpu.memory_space<hbm>> -> memref<1x1x128xi32, #tpu.memory_space<hbm>>
      %dma_wait3A_45 = tpu.memref_squeeze %dma_wait3A_44 : memref<1x1x128xi32, #tpu.memory_space<hbm>> -> memref<1x128xi32, #tpu.memory_space<hbm>>
      %dma_wait3A_46 = arith.constant 0 : i32
      %dma_wait3A_47 = arith.constant 0 : i32
      %dma_wait3A_48 = tpu.memref_slice %arg4[%dma_wait3A_41, %dma_wait3A_46, %dma_wait3A_47] : memref<2560x1x128xi32, #tpu.memory_space<hbm>> -> memref<1x1x128xi32, #tpu.memory_space<hbm>>
      %dma_wait3A_49 = tpu.memref_squeeze %dma_wait3A_48 : memref<1x1x128xi32, #tpu.memory_space<hbm>> -> memref<1x128xi32, #tpu.memory_space<hbm>>
      tpu.wait_dma2 semaphore(%arg18 : memref<!tpu.dma_semaphore, #tpu.memory_space<semaphore_mem>>) src(%dma_wait3A_49 : memref<1x128xi32, #tpu.memory_space<hbm>>) dst(%arg10 : memref<1x128xi32, #tpu.memory_space<vmem>>)
      %dma_start3A_50 = arith.constant 0 : i32
      %dma_start3A_51 = arith.constant 0 : i32
      %dma_start3A_52 = tpu.memref_slice %arg2[%dma_start3A_50, %dma_start3A_51] : memref<20000x128xf32, #tpu.memory_space<hbm>> -> memref<20000x128xf32, #tpu.memory_space<hbm>>
      tpu.enqueue_indirect_dma source(%dma_start3A_52 : memref<20000x128xf32, #tpu.memory_space<hbm>>) target(%arg13 : memref<128x128xf32, #tpu.memory_space<vmem>>) offsets(%arg7 : memref<128xi32, #tpu.memory_space<vmem>>) semaphore(%arg17 : memref<!tpu.dma_semaphore, #tpu.memory_space<semaphore_mem>>)
      %add3A = arith.constant 1 : i32
      %add3A_53 = arith.addi %mul3A_21, %add3A : i32
      %mul3A_54 = arith.constant 128 : i32
      %mul3A_55 = arith.muli %add3A_53, %mul3A_54 : i32
      %dma_start3A_56 = tpu.memref_slice %arg3[%arg0, %mul3A_55] : memref<2x327680xi32, #tpu.memory_space<hbm>> -> memref<1x128xi32, #tpu.memory_space<hbm>>
      %dma_start3A_57 = tpu.memref_squeeze %dma_start3A_56 : memref<1x128xi32, #tpu.memory_space<hbm>> -> memref<128xi32, #tpu.memory_space<hbm>>
      %dma_start3A_58 = tpu.memref_slice %arg3[%arg0, %mul3A_55] : memref<2x327680xi32, #tpu.memory_space<hbm>> -> memref<1x128xi32, #tpu.memory_space<hbm>>
      %dma_start3A_59 = tpu.memref_squeeze %dma_start3A_58 : memref<1x128xi32, #tpu.memory_space<hbm>> -> memref<128xi32, #tpu.memory_space<hbm>>
      tpu.enqueue_dma source(%dma_start3A_59 : memref<128xi32, #tpu.memory_space<hbm>>) target(%arg8 : memref<128xi32, #tpu.memory_space<vmem>>) target_semaphore(%arg18 : memref<!tpu.dma_semaphore, #tpu.memory_space<semaphore_mem>>)
      %dma_start3A_60 = arith.constant 0 : i32
      %dma_start3A_61 = arith.constant 0 : i32
      %dma_start3A_62 = tpu.memref_slice %arg4[%add3A_53, %dma_start3A_60, %dma_start3A_61] : memref<2560x1x128xi32, #tpu.memory_space<hbm>> -> memref<1x1x128xi32, #tpu.memory_space<hbm>>
      %dma_start3A_63 = tpu.memref_squeeze %dma_start3A_62 : memref<1x1x128xi32, #tpu.memory_space<hbm>> -> memref<1x128xi32, #tpu.memory_space<hbm>>
      %dma_start3A_64 = arith.constant 0 : i32
      %dma_start3A_65 = arith.constant 0 : i32
      %dma_start3A_66 = tpu.memref_slice %arg4[%add3A_53, %dma_start3A_64, %dma_start3A_65] : memref<2560x1x128xi32, #tpu.memory_space<hbm>> -> memref<1x1x128xi32, #tpu.memory_space<hbm>>
      %dma_start3A_67 = tpu.memref_squeeze %dma_start3A_66 : memref<1x1x128xi32, #tpu.memory_space<hbm>> -> memref<1x128xi32, #tpu.memory_space<hbm>>
      tpu.enqueue_dma source(%dma_start3A_67 : memref<1x128xi32, #tpu.memory_space<hbm>>) target(%arg11 : memref<1x128xi32, #tpu.memory_space<vmem>>) target_semaphore(%arg18 : memref<!tpu.dma_semaphore, #tpu.memory_space<semaphore_mem>>)
      %scan3A = arith.constant 0 : i32
      %scan3A_68 = arith.constant 0 : i32
      %scan3A_69 = arith.constant 152 : i32
      %scan3A_70 = arith.addi %scan3A_68, %scan3A_69 : i32
      %scan3A_71 = arith.constant 1 : i32
      %scan3A_72 = scf.for %scan3A_95 = %scan3A_68 to %scan3A_70 step %scan3A_71 iter_args(%scan3A_96 = %scan3A) -> (i32)  : i32 {
        %jit3A = arith.constant 3 : i32
        %eq3A_97 = arith.constant 0 : i32
        %eq3A_98 = arith.cmpi eq, %jit3A, %eq3A_97 : i32
        %jit3A_99 = arith.constant 1 : i32
        %select_n3A = arith.select %eq3A_98, %jit3A_99, %jit3A : i32
        %rem3A = arith.remsi %scan3A_95, %select_n3A : i32
        %ne3A = arith.constant 0 : i32
        %ne3A_100 = arith.cmpi ne, %rem3A, %ne3A : i32
        %lt3A_101 = arith.constant 0 : i32
        %lt3A_102 = arith.cmpi slt, %rem3A, %lt3A_101 : i32
        %lt3A_103 = arith.constant 0 : i32
        %lt3A_104 = arith.cmpi slt, %select_n3A, %lt3A_103 : i32
        %ne3A_105 = arith.xori %lt3A_102, %lt3A_104 : i1
        %and3A = arith.andi %ne3A_105, %ne3A_100 : i1
        %add3A_106 = arith.addi %rem3A, %select_n3A : i32
        %select_n3A_107 = arith.select %and3A, %add3A_106, %rem3A : i32
        %eq3A_108 = arith.constant 0 : i32
        %eq3A_109 = arith.cmpi eq, %select_n3A_107, %eq3A_108 : i32
        %convert_element_type3A_110 = arith.extui %eq3A_109 : i1 to i32
        %cond3A_111 = arith.constant 0 : i32
        %cond3A_112 = arith.cmpi ne, %convert_element_type3A_110, %cond3A_111 : i32
        scf.if %cond3A_112 {
          %dma_wait3A_156 = arith.constant 0 : i32
          %dma_wait3A_157 = arith.constant 0 : i32
          %dma_wait3A_158 = tpu.memref_slice %arg2[%dma_wait3A_156, %dma_wait3A_157] : memref<20000x128xf32, #tpu.memory_space<hbm>> -> memref<20000x128xf32, #tpu.memory_space<hbm>>
          tpu.wait_indirect_dma semaphore(%arg17 : memref<!tpu.dma_semaphore, #tpu.memory_space<semaphore_mem>>) src(%dma_wait3A_158 : memref<20000x128xf32, #tpu.memory_space<hbm>>) dst(%arg13 : memref<128x128xf32, #tpu.memory_space<vmem>>)
          %add3A_159 = arith.constant 1 : i32
          %add3A_160 = arith.addi %scan3A_95, %add3A_159 : i32
          %lt3A_161 = arith.constant 152 : i32
          %lt3A_162 = arith.cmpi slt, %add3A_160, %lt3A_161 : i32
          %convert_element_type3A_163 = arith.extui %lt3A_162 : i1 to i32
          %cond3A_164 = arith.constant 0 : i32
          %cond3A_165 = arith.cmpi ne, %convert_element_type3A_163, %cond3A_164 : i32
          scf.if %cond3A_165 {
            %dma_wait3A_180 = arith.constant 0 : i32
            %dma_wait3A_181 = arith.constant 0 : i32
            %dma_wait3A_182 = tpu.memref_slice %arg3[%dma_wait3A_180, %dma_wait3A_181] : memref<2x327680xi32, #tpu.memory_space<hbm>> -> memref<1x128xi32, #tpu.memory_space<hbm>>
            %dma_wait3A_183 = tpu.memref_squeeze %dma_wait3A_182 : memref<1x128xi32, #tpu.memory_space<hbm>> -> memref<128xi32, #tpu.memory_space<hbm>>
            %dma_wait3A_184 = arith.constant 0 : i32
            %dma_wait3A_185 = tpu.memref_slice %arg3[%dma_wait3A_180, %dma_wait3A_184] : memref<2x327680xi32, #tpu.memory_space<hbm>> -> memref<1x128xi32, #tpu.memory_space<hbm>>
            %dma_wait3A_186 = tpu.memref_squeeze %dma_wait3A_185 : memref<1x128xi32, #tpu.memory_space<hbm>> -> memref<128xi32, #tpu.memory_space<hbm>>
            tpu.wait_dma2 semaphore(%arg18 : memref<!tpu.dma_semaphore, #tpu.memory_space<semaphore_mem>>) src(%dma_wait3A_186 : memref<128xi32, #tpu.memory_space<hbm>>) dst(%arg8 : memref<128xi32, #tpu.memory_space<vmem>>)
            %dma_wait3A_187 = arith.constant 0 : i32
            %dma_wait3A_188 = arith.constant 0 : i32
            %dma_wait3A_189 = arith.constant 0 : i32
            %dma_wait3A_190 = tpu.memref_slice %arg4[%dma_wait3A_187, %dma_wait3A_188, %dma_wait3A_189] : memref<2560x1x128xi32, #tpu.memory_space<hbm>> -> memref<1x1x128xi32, #tpu.memory_space<hbm>>
            %dma_wait3A_191 = tpu.memref_squeeze %dma_wait3A_190 : memref<1x1x128xi32, #tpu.memory_space<hbm>> -> memref<1x128xi32, #tpu.memory_space<hbm>>
            %dma_wait3A_192 = arith.constant 0 : i32
            %dma_wait3A_193 = arith.constant 0 : i32
            %dma_wait3A_194 = tpu.memref_slice %arg4[%dma_wait3A_187, %dma_wait3A_192, %dma_wait3A_193] : memref<2560x1x128xi32, #tpu.memory_space<hbm>> -> memref<1x1x128xi32, #tpu.memory_space<hbm>>
            %dma_wait3A_195 = tpu.memref_squeeze %dma_wait3A_194 : memref<1x1x128xi32, #tpu.memory_space<hbm>> -> memref<1x128xi32, #tpu.memory_space<hbm>>
            tpu.wait_dma2 semaphore(%arg18 : memref<!tpu.dma_semaphore, #tpu.memory_space<semaphore_mem>>) src(%dma_wait3A_195 : memref<1x128xi32, #tpu.memory_space<hbm>>) dst(%arg11 : memref<1x128xi32, #tpu.memory_space<vmem>>)
            %ge3A = arith.constant 2 : i32
            %ge3A_196 = arith.cmpi sge, %scan3A_95, %ge3A : i32
            %convert_element_type3A_197 = arith.extui %ge3A_196 : i1 to i32
            %cond3A_198 = arith.constant 0 : i32
            %cond3A_199 = arith.cmpi ne, %convert_element_type3A_197, %cond3A_198 : i32
            scf.if %cond3A_199 {
              %dma_wait3A_203 = arith.constant 0 : i32
              %dma_wait3A_204 = arith.constant 0 : i32
              %dma_wait3A_205 = tpu.memref_slice %arg10[%dma_wait3A_203, %dma_wait3A_204] : memref<1x128xi32, #tpu.memory_space<vmem>> -> memref<1x128xi32, #tpu.memory_space<vmem>>
              %dma_wait3A_206 = tpu.memref_squeeze %dma_wait3A_205 : memref<1x128xi32, #tpu.memory_space<vmem>> -> memref<128xi32, #tpu.memory_space<vmem>>
              %dma_wait3A_207 = arith.constant 0 : i32
              %dma_wait3A_208 = arith.constant 0 : i32
              %dma_wait3A_209 = tpu.memref_slice %arg16[%dma_wait3A_207, %dma_wait3A_208] : memref<10112x128xf32, #tpu.memory_space<vmem_shared>> -> memref<10112x128xf32, #tpu.memory_space<vmem_shared>>
              tpu.wait_indirect_dma semaphore(%arg19 : memref<!tpu.dma_semaphore, #tpu.memory_space<semaphore_mem>>) src(%arg13 : memref<128x128xf32, #tpu.memory_space<vmem>>) dst(%dma_wait3A_209 : memref<10112x128xf32, #tpu.memory_space<vmem_shared>>)
            } else {
            }
            %dma_start3A_200 = arith.constant 0 : i32
            %dma_start3A_201 = arith.constant 0 : i32
            %dma_start3A_202 = tpu.memref_slice %arg2[%dma_start3A_200, %dma_start3A_201] : memref<20000x128xf32, #tpu.memory_space<hbm>> -> memref<20000x128xf32, #tpu.memory_space<hbm>>
            tpu.enqueue_indirect_dma source(%dma_start3A_202 : memref<20000x128xf32, #tpu.memory_space<hbm>>) target(%arg14 : memref<128x128xf32, #tpu.memory_space<vmem>>) offsets(%arg8 : memref<128xi32, #tpu.memory_space<vmem>>) semaphore(%arg17 : memref<!tpu.dma_semaphore, #tpu.memory_space<semaphore_mem>>)
          } else {
          }
          %add3A_166 = arith.constant 2 : i32
          %add3A_167 = arith.addi %scan3A_95, %add3A_166 : i32
          %lt3A_168 = arith.constant 152 : i32
          %lt3A_169 = arith.cmpi slt, %add3A_167, %lt3A_168 : i32
          %convert_element_type3A_170 = arith.extui %lt3A_169 : i1 to i32
          %cond3A_171 = arith.constant 0 : i32
          %cond3A_172 = arith.cmpi ne, %convert_element_type3A_170, %cond3A_171 : i32
          scf.if %cond3A_172 {
            %add3A_180 = arith.addi %mul3A_21, %scan3A_95 : i32
            %add3A_181 = arith.constant 2 : i32
            %add3A_182 = arith.addi %add3A_180, %add3A_181 : i32
            %mul3A_183 = arith.constant 128 : i32
            %mul3A_184 = arith.muli %add3A_182, %mul3A_183 : i32
            %dma_start3A_185 = tpu.memref_slice %arg3[%arg0, %mul3A_184] : memref<2x327680xi32, #tpu.memory_space<hbm>> -> memref<1x128xi32, #tpu.memory_space<hbm>>
            %dma_start3A_186 = tpu.memref_squeeze %dma_start3A_185 : memref<1x128xi32, #tpu.memory_space<hbm>> -> memref<128xi32, #tpu.memory_space<hbm>>
            %dma_start3A_187 = tpu.memref_slice %arg3[%arg0, %mul3A_184] : memref<2x327680xi32, #tpu.memory_space<hbm>> -> memref<1x128xi32, #tpu.memory_space<hbm>>
            %dma_start3A_188 = tpu.memref_squeeze %dma_start3A_187 : memref<1x128xi32, #tpu.memory_space<hbm>> -> memref<128xi32, #tpu.memory_space<hbm>>
            tpu.enqueue_dma source(%dma_start3A_188 : memref<128xi32, #tpu.memory_space<hbm>>) target(%arg9 : memref<128xi32, #tpu.memory_space<vmem>>) target_semaphore(%arg18 : memref<!tpu.dma_semaphore, #tpu.memory_space<semaphore_mem>>)
            %dma_start3A_189 = arith.constant 0 : i32
            %dma_start3A_190 = arith.constant 0 : i32
            %dma_start3A_191 = tpu.memref_slice %arg4[%add3A_182, %dma_start3A_189, %dma_start3A_190] : memref<2560x1x128xi32, #tpu.memory_space<hbm>> -> memref<1x1x128xi32, #tpu.memory_space<hbm>>
            %dma_start3A_192 = tpu.memref_squeeze %dma_start3A_191 : memref<1x1x128xi32, #tpu.memory_space<hbm>> -> memref<1x128xi32, #tpu.memory_space<hbm>>
            %dma_start3A_193 = arith.constant 0 : i32
            %dma_start3A_194 = arith.constant 0 : i32
            %dma_start3A_195 = tpu.memref_slice %arg4[%add3A_182, %dma_start3A_193, %dma_start3A_194] : memref<2560x1x128xi32, #tpu.memory_space<hbm>> -> memref<1x1x128xi32, #tpu.memory_space<hbm>>
            %dma_start3A_196 = tpu.memref_squeeze %dma_start3A_195 : memref<1x1x128xi32, #tpu.memory_space<hbm>> -> memref<1x128xi32, #tpu.memory_space<hbm>>
            tpu.enqueue_dma source(%dma_start3A_196 : memref<1x128xi32, #tpu.memory_space<hbm>>) target(%arg12 : memref<1x128xi32, #tpu.memory_space<vmem>>) target_semaphore(%arg18 : memref<!tpu.dma_semaphore, #tpu.memory_space<semaphore_mem>>)
          } else {
          }
          %dma_start3A_173 = arith.constant 0 : i32
          %dma_start3A_174 = arith.constant 0 : i32
          %dma_start3A_175 = tpu.memref_slice %arg10[%dma_start3A_173, %dma_start3A_174] : memref<1x128xi32, #tpu.memory_space<vmem>> -> memref<1x128xi32, #tpu.memory_space<vmem>>
          %dma_start3A_176 = tpu.memref_squeeze %dma_start3A_175 : memref<1x128xi32, #tpu.memory_space<vmem>> -> memref<128xi32, #tpu.memory_space<vmem>>
          %dma_start3A_177 = arith.constant 0 : i32
          %dma_start3A_178 = arith.constant 0 : i32
          %dma_start3A_179 = tpu.memref_slice %arg16[%dma_start3A_177, %dma_start3A_178] : memref<10112x128xf32, #tpu.memory_space<vmem_shared>> -> memref<10112x128xf32, #tpu.memory_space<vmem_shared>>
          tpu.enqueue_indirect_dma source(%arg13 : memref<128x128xf32, #tpu.memory_space<vmem>>) target(%dma_start3A_179 : memref<10112x128xf32, #tpu.memory_space<vmem_shared>>) offsets(%dma_start3A_176 : memref<128xi32, #tpu.memory_space<vmem>>) semaphore(%arg19 : memref<!tpu.dma_semaphore, #tpu.memory_space<semaphore_mem>>) {add = true}
        } else {
        }
        %jit3A_113 = arith.constant 3 : i32
        %eq3A_114 = arith.constant 0 : i32
        %eq3A_115 = arith.cmpi eq, %jit3A_113, %eq3A_114 : i32
        %jit3A_116 = arith.constant 1 : i32
        %select_n3A_117 = arith.select %eq3A_115, %jit3A_116, %jit3A_113 : i32
        %rem3A_118 = arith.remsi %scan3A_95, %select_n3A_117 : i32
        %ne3A_119 = arith.constant 0 : i32
        %ne3A_120 = arith.cmpi ne, %rem3A_118, %ne3A_119 : i32
        %lt3A_121 = arith.constant 0 : i32
        %lt3A_122 = arith.cmpi slt, %rem3A_118, %lt3A_121 : i32
        %lt3A_123 = arith.constant 0 : i32
        %lt3A_124 = arith.cmpi slt, %select_n3A_117, %lt3A_123 : i32
        %ne3A_125 = arith.xori %lt3A_122, %lt3A_124 : i1
        %and3A_126 = arith.andi %ne3A_125, %ne3A_120 : i1
        %add3A_127 = arith.addi %rem3A_118, %select_n3A_117 : i32
        %select_n3A_128 = arith.select %and3A_126, %add3A_127, %rem3A_118 : i32
        %eq3A_129 = arith.constant 1 : i32
        %eq3A_130 = arith.cmpi eq, %select_n3A_128, %eq3A_129 : i32
        %convert_element_type3A_131 = arith.extui %eq3A_130 : i1 to i32
        %cond3A_132 = arith.constant 0 : i32
        %cond3A_133 = arith.cmpi ne, %convert_element_type3A_131, %cond3A_132 : i32
        scf.if %cond3A_133 {
          %dma_wait3A_156 = arith.constant 0 : i32
          %dma_wait3A_157 = arith.constant 0 : i32
          %dma_wait3A_158 = tpu.memref_slice %arg2[%dma_wait3A_156, %dma_wait3A_157] : memref<20000x128xf32, #tpu.memory_space<hbm>> -> memref<20000x128xf32, #tpu.memory_space<hbm>>
          tpu.wait_indirect_dma semaphore(%arg17 : memref<!tpu.dma_semaphore, #tpu.memory_space<semaphore_mem>>) src(%dma_wait3A_158 : memref<20000x128xf32, #tpu.memory_space<hbm>>) dst(%arg14 : memref<128x128xf32, #tpu.memory_space<vmem>>)
          %add3A_159 = arith.constant 1 : i32
          %add3A_160 = arith.addi %scan3A_95, %add3A_159 : i32
          %lt3A_161 = arith.constant 152 : i32
          %lt3A_162 = arith.cmpi slt, %add3A_160, %lt3A_161 : i32
          %convert_element_type3A_163 = arith.extui %lt3A_162 : i1 to i32
          %cond3A_164 = arith.constant 0 : i32
          %cond3A_165 = arith.cmpi ne, %convert_element_type3A_163, %cond3A_164 : i32
          scf.if %cond3A_165 {
            %dma_wait3A_180 = arith.constant 0 : i32
            %dma_wait3A_181 = arith.constant 0 : i32
            %dma_wait3A_182 = tpu.memref_slice %arg3[%dma_wait3A_180, %dma_wait3A_181] : memref<2x327680xi32, #tpu.memory_space<hbm>> -> memref<1x128xi32, #tpu.memory_space<hbm>>
            %dma_wait3A_183 = tpu.memref_squeeze %dma_wait3A_182 : memref<1x128xi32, #tpu.memory_space<hbm>> -> memref<128xi32, #tpu.memory_space<hbm>>
            %dma_wait3A_184 = arith.constant 0 : i32
            %dma_wait3A_185 = tpu.memref_slice %arg3[%dma_wait3A_180, %dma_wait3A_184] : memref<2x327680xi32, #tpu.memory_space<hbm>> -> memref<1x128xi32, #tpu.memory_space<hbm>>
            %dma_wait3A_186 = tpu.memref_squeeze %dma_wait3A_185 : memref<1x128xi32, #tpu.memory_space<hbm>> -> memref<128xi32, #tpu.memory_space<hbm>>
            tpu.wait_dma2 semaphore(%arg18 : memref<!tpu.dma_semaphore, #tpu.memory_space<semaphore_mem>>) src(%dma_wait3A_186 : memref<128xi32, #tpu.memory_space<hbm>>) dst(%arg9 : memref<128xi32, #tpu.memory_space<vmem>>)
            %dma_wait3A_187 = arith.constant 0 : i32
            %dma_wait3A_188 = arith.constant 0 : i32
            %dma_wait3A_189 = arith.constant 0 : i32
            %dma_wait3A_190 = tpu.memref_slice %arg4[%dma_wait3A_187, %dma_wait3A_188, %dma_wait3A_189] : memref<2560x1x128xi32, #tpu.memory_space<hbm>> -> memref<1x1x128xi32, #tpu.memory_space<hbm>>
            %dma_wait3A_191 = tpu.memref_squeeze %dma_wait3A_190 : memref<1x1x128xi32, #tpu.memory_space<hbm>> -> memref<1x128xi32, #tpu.memory_space<hbm>>
            %dma_wait3A_192 = arith.constant 0 : i32
            %dma_wait3A_193 = arith.constant 0 : i32
            %dma_wait3A_194 = tpu.memref_slice %arg4[%dma_wait3A_187, %dma_wait3A_192, %dma_wait3A_193] : memref<2560x1x128xi32, #tpu.memory_space<hbm>> -> memref<1x1x128xi32, #tpu.memory_space<hbm>>
            %dma_wait3A_195 = tpu.memref_squeeze %dma_wait3A_194 : memref<1x1x128xi32, #tpu.memory_space<hbm>> -> memref<1x128xi32, #tpu.memory_space<hbm>>
            tpu.wait_dma2 semaphore(%arg18 : memref<!tpu.dma_semaphore, #tpu.memory_space<semaphore_mem>>) src(%dma_wait3A_195 : memref<1x128xi32, #tpu.memory_space<hbm>>) dst(%arg12 : memref<1x128xi32, #tpu.memory_space<vmem>>)
            %ge3A = arith.constant 2 : i32
            %ge3A_196 = arith.cmpi sge, %scan3A_95, %ge3A : i32
            %convert_element_type3A_197 = arith.extui %ge3A_196 : i1 to i32
            %cond3A_198 = arith.constant 0 : i32
            %cond3A_199 = arith.cmpi ne, %convert_element_type3A_197, %cond3A_198 : i32
            scf.if %cond3A_199 {
              %dma_wait3A_203 = arith.constant 0 : i32
              %dma_wait3A_204 = arith.constant 0 : i32
              %dma_wait3A_205 = tpu.memref_slice %arg10[%dma_wait3A_203, %dma_wait3A_204] : memref<1x128xi32, #tpu.memory_space<vmem>> -> memref<1x128xi32, #tpu.memory_space<vmem>>
              %dma_wait3A_206 = tpu.memref_squeeze %dma_wait3A_205 : memref<1x128xi32, #tpu.memory_space<vmem>> -> memref<128xi32, #tpu.memory_space<vmem>>
              %dma_wait3A_207 = arith.constant 0 : i32
              %dma_wait3A_208 = arith.constant 0 : i32
              %dma_wait3A_209 = tpu.memref_slice %arg16[%dma_wait3A_207, %dma_wait3A_208] : memref<10112x128xf32, #tpu.memory_space<vmem_shared>> -> memref<10112x128xf32, #tpu.memory_space<vmem_shared>>
              tpu.wait_indirect_dma semaphore(%arg19 : memref<!tpu.dma_semaphore, #tpu.memory_space<semaphore_mem>>) src(%arg13 : memref<128x128xf32, #tpu.memory_space<vmem>>) dst(%dma_wait3A_209 : memref<10112x128xf32, #tpu.memory_space<vmem_shared>>)
            } else {
            }
            %dma_start3A_200 = arith.constant 0 : i32
            %dma_start3A_201 = arith.constant 0 : i32
            %dma_start3A_202 = tpu.memref_slice %arg2[%dma_start3A_200, %dma_start3A_201] : memref<20000x128xf32, #tpu.memory_space<hbm>> -> memref<20000x128xf32, #tpu.memory_space<hbm>>
            tpu.enqueue_indirect_dma source(%dma_start3A_202 : memref<20000x128xf32, #tpu.memory_space<hbm>>) target(%arg15 : memref<128x128xf32, #tpu.memory_space<vmem>>) offsets(%arg9 : memref<128xi32, #tpu.memory_space<vmem>>) semaphore(%arg17 : memref<!tpu.dma_semaphore, #tpu.memory_space<semaphore_mem>>)
          } else {
          }
          %add3A_166 = arith.constant 2 : i32
          %add3A_167 = arith.addi %scan3A_95, %add3A_166 : i32
          %lt3A_168 = arith.constant 152 : i32
          %lt3A_169 = arith.cmpi slt, %add3A_167, %lt3A_168 : i32
          %convert_element_type3A_170 = arith.extui %lt3A_169 : i1 to i32
          %cond3A_171 = arith.constant 0 : i32
          %cond3A_172 = arith.cmpi ne, %convert_element_type3A_170, %cond3A_171 : i32
          scf.if %cond3A_172 {
            %add3A_180 = arith.addi %mul3A_21, %scan3A_95 : i32
            %add3A_181 = arith.constant 2 : i32
            %add3A_182 = arith.addi %add3A_180, %add3A_181 : i32
            %mul3A_183 = arith.constant 128 : i32
            %mul3A_184 = arith.muli %add3A_182, %mul3A_183 : i32
            %dma_start3A_185 = tpu.memref_slice %arg3[%arg0, %mul3A_184] : memref<2x327680xi32, #tpu.memory_space<hbm>> -> memref<1x128xi32, #tpu.memory_space<hbm>>
            %dma_start3A_186 = tpu.memref_squeeze %dma_start3A_185 : memref<1x128xi32, #tpu.memory_space<hbm>> -> memref<128xi32, #tpu.memory_space<hbm>>
            %dma_start3A_187 = tpu.memref_slice %arg3[%arg0, %mul3A_184] : memref<2x327680xi32, #tpu.memory_space<hbm>> -> memref<1x128xi32, #tpu.memory_space<hbm>>
            %dma_start3A_188 = tpu.memref_squeeze %dma_start3A_187 : memref<1x128xi32, #tpu.memory_space<hbm>> -> memref<128xi32, #tpu.memory_space<hbm>>
            tpu.enqueue_dma source(%dma_start3A_188 : memref<128xi32, #tpu.memory_space<hbm>>) target(%arg7 : memref<128xi32, #tpu.memory_space<vmem>>) target_semaphore(%arg18 : memref<!tpu.dma_semaphore, #tpu.memory_space<semaphore_mem>>)
            %dma_start3A_189 = arith.constant 0 : i32
            %dma_start3A_190 = arith.constant 0 : i32
            %dma_start3A_191 = tpu.memref_slice %arg4[%add3A_182, %dma_start3A_189, %dma_start3A_190] : memref<2560x1x128xi32, #tpu.memory_space<hbm>> -> memref<1x1x128xi32, #tpu.memory_space<hbm>>
            %dma_start3A_192 = tpu.memref_squeeze %dma_start3A_191 : memref<1x1x128xi32, #tpu.memory_space<hbm>> -> memref<1x128xi32, #tpu.memory_space<hbm>>
            %dma_start3A_193 = arith.constant 0 : i32
            %dma_start3A_194 = arith.constant 0 : i32
            %dma_start3A_195 = tpu.memref_slice %arg4[%add3A_182, %dma_start3A_193, %dma_start3A_194] : memref<2560x1x128xi32, #tpu.memory_space<hbm>> -> memref<1x1x128xi32, #tpu.memory_space<hbm>>
            %dma_start3A_196 = tpu.memref_squeeze %dma_start3A_195 : memref<1x1x128xi32, #tpu.memory_space<hbm>> -> memref<1x128xi32, #tpu.memory_space<hbm>>
            tpu.enqueue_dma source(%dma_start3A_196 : memref<1x128xi32, #tpu.memory_space<hbm>>) target(%arg10 : memref<1x128xi32, #tpu.memory_space<vmem>>) target_semaphore(%arg18 : memref<!tpu.dma_semaphore, #tpu.memory_space<semaphore_mem>>)
          } else {
          }
          %dma_start3A_173 = arith.constant 0 : i32
          %dma_start3A_174 = arith.constant 0 : i32
          %dma_start3A_175 = tpu.memref_slice %arg11[%dma_start3A_173, %dma_start3A_174] : memref<1x128xi32, #tpu.memory_space<vmem>> -> memref<1x128xi32, #tpu.memory_space<vmem>>
          %dma_start3A_176 = tpu.memref_squeeze %dma_start3A_175 : memref<1x128xi32, #tpu.memory_space<vmem>> -> memref<128xi32, #tpu.memory_space<vmem>>
          %dma_start3A_177 = arith.constant 0 : i32
          %dma_start3A_178 = arith.constant 0 : i32
          %dma_start3A_179 = tpu.memref_slice %arg16[%dma_start3A_177, %dma_start3A_178] : memref<10112x128xf32, #tpu.memory_space<vmem_shared>> -> memref<10112x128xf32, #tpu.memory_space<vmem_shared>>
          tpu.enqueue_indirect_dma source(%arg14 : memref<128x128xf32, #tpu.memory_space<vmem>>) target(%dma_start3A_179 : memref<10112x128xf32, #tpu.memory_space<vmem_shared>>) offsets(%dma_start3A_176 : memref<128xi32, #tpu.memory_space<vmem>>) semaphore(%arg19 : memref<!tpu.dma_semaphore, #tpu.memory_space<semaphore_mem>>) {add = true}
        } else {
        }
        %jit3A_134 = arith.constant 3 : i32
        %eq3A_135 = arith.constant 0 : i32
        %eq3A_136 = arith.cmpi eq, %jit3A_134, %eq3A_135 : i32
        %jit3A_137 = arith.constant 1 : i32
        %select_n3A_138 = arith.select %eq3A_136, %jit3A_137, %jit3A_134 : i32
        %rem3A_139 = arith.remsi %scan3A_95, %select_n3A_138 : i32
        %ne3A_140 = arith.constant 0 : i32
        %ne3A_141 = arith.cmpi ne, %rem3A_139, %ne3A_140 : i32
        %lt3A_142 = arith.constant 0 : i32
        %lt3A_143 = arith.cmpi slt, %rem3A_139, %lt3A_142 : i32
        %lt3A_144 = arith.constant 0 : i32
        %lt3A_145 = arith.cmpi slt, %select_n3A_138, %lt3A_144 : i32
        %ne3A_146 = arith.xori %lt3A_143, %lt3A_145 : i1
        %and3A_147 = arith.andi %ne3A_146, %ne3A_141 : i1
        %add3A_148 = arith.addi %rem3A_139, %select_n3A_138 : i32
        %select_n3A_149 = arith.select %and3A_147, %add3A_148, %rem3A_139 : i32
        %eq3A_150 = arith.constant 2 : i32
        %eq3A_151 = arith.cmpi eq, %select_n3A_149, %eq3A_150 : i32
        %convert_element_type3A_152 = arith.extui %eq3A_151 : i1 to i32
        %cond3A_153 = arith.constant 0 : i32
        %cond3A_154 = arith.cmpi ne, %convert_element_type3A_152, %cond3A_153 : i32
        scf.if %cond3A_154 {
          %dma_wait3A_156 = arith.constant 0 : i32
          %dma_wait3A_157 = arith.constant 0 : i32
          %dma_wait3A_158 = tpu.memref_slice %arg2[%dma_wait3A_156, %dma_wait3A_157] : memref<20000x128xf32, #tpu.memory_space<hbm>> -> memref<20000x128xf32, #tpu.memory_space<hbm>>
          tpu.wait_indirect_dma semaphore(%arg17 : memref<!tpu.dma_semaphore, #tpu.memory_space<semaphore_mem>>) src(%dma_wait3A_158 : memref<20000x128xf32, #tpu.memory_space<hbm>>) dst(%arg15 : memref<128x128xf32, #tpu.memory_space<vmem>>)
          %add3A_159 = arith.constant 1 : i32
          %add3A_160 = arith.addi %scan3A_95, %add3A_159 : i32
          %lt3A_161 = arith.constant 152 : i32
          %lt3A_162 = arith.cmpi slt, %add3A_160, %lt3A_161 : i32
          %convert_element_type3A_163 = arith.extui %lt3A_162 : i1 to i32
          %cond3A_164 = arith.constant 0 : i32
          %cond3A_165 = arith.cmpi ne, %convert_element_type3A_163, %cond3A_164 : i32
          scf.if %cond3A_165 {
            %dma_wait3A_180 = arith.constant 0 : i32
            %dma_wait3A_181 = arith.constant 0 : i32
            %dma_wait3A_182 = tpu.memref_slice %arg3[%dma_wait3A_180, %dma_wait3A_181] : memref<2x327680xi32, #tpu.memory_space<hbm>> -> memref<1x128xi32, #tpu.memory_space<hbm>>
            %dma_wait3A_183 = tpu.memref_squeeze %dma_wait3A_182 : memref<1x128xi32, #tpu.memory_space<hbm>> -> memref<128xi32, #tpu.memory_space<hbm>>
            %dma_wait3A_184 = arith.constant 0 : i32
            %dma_wait3A_185 = tpu.memref_slice %arg3[%dma_wait3A_180, %dma_wait3A_184] : memref<2x327680xi32, #tpu.memory_space<hbm>> -> memref<1x128xi32, #tpu.memory_space<hbm>>
            %dma_wait3A_186 = tpu.memref_squeeze %dma_wait3A_185 : memref<1x128xi32, #tpu.memory_space<hbm>> -> memref<128xi32, #tpu.memory_space<hbm>>
            tpu.wait_dma2 semaphore(%arg18 : memref<!tpu.dma_semaphore, #tpu.memory_space<semaphore_mem>>) src(%dma_wait3A_186 : memref<128xi32, #tpu.memory_space<hbm>>) dst(%arg7 : memref<128xi32, #tpu.memory_space<vmem>>)
            %dma_wait3A_187 = arith.constant 0 : i32
            %dma_wait3A_188 = arith.constant 0 : i32
            %dma_wait3A_189 = arith.constant 0 : i32
            %dma_wait3A_190 = tpu.memref_slice %arg4[%dma_wait3A_187, %dma_wait3A_188, %dma_wait3A_189] : memref<2560x1x128xi32, #tpu.memory_space<hbm>> -> memref<1x1x128xi32, #tpu.memory_space<hbm>>
            %dma_wait3A_191 = tpu.memref_squeeze %dma_wait3A_190 : memref<1x1x128xi32, #tpu.memory_space<hbm>> -> memref<1x128xi32, #tpu.memory_space<hbm>>
            %dma_wait3A_192 = arith.constant 0 : i32
            %dma_wait3A_193 = arith.constant 0 : i32
            %dma_wait3A_194 = tpu.memref_slice %arg4[%dma_wait3A_187, %dma_wait3A_192, %dma_wait3A_193] : memref<2560x1x128xi32, #tpu.memory_space<hbm>> -> memref<1x1x128xi32, #tpu.memory_space<hbm>>
            %dma_wait3A_195 = tpu.memref_squeeze %dma_wait3A_194 : memref<1x1x128xi32, #tpu.memory_space<hbm>> -> memref<1x128xi32, #tpu.memory_space<hbm>>
            tpu.wait_dma2 semaphore(%arg18 : memref<!tpu.dma_semaphore, #tpu.memory_space<semaphore_mem>>) src(%dma_wait3A_195 : memref<1x128xi32, #tpu.memory_space<hbm>>) dst(%arg10 : memref<1x128xi32, #tpu.memory_space<vmem>>)
            %ge3A = arith.constant 2 : i32
            %ge3A_196 = arith.cmpi sge, %scan3A_95, %ge3A : i32
            %convert_element_type3A_197 = arith.extui %ge3A_196 : i1 to i32
            %cond3A_198 = arith.constant 0 : i32
            %cond3A_199 = arith.cmpi ne, %convert_element_type3A_197, %cond3A_198 : i32
            scf.if %cond3A_199 {
              %dma_wait3A_203 = arith.constant 0 : i32
              %dma_wait3A_204 = arith.constant 0 : i32
              %dma_wait3A_205 = tpu.memref_slice %arg10[%dma_wait3A_203, %dma_wait3A_204] : memref<1x128xi32, #tpu.memory_space<vmem>> -> memref<1x128xi32, #tpu.memory_space<vmem>>
              %dma_wait3A_206 = tpu.memref_squeeze %dma_wait3A_205 : memref<1x128xi32, #tpu.memory_space<vmem>> -> memref<128xi32, #tpu.memory_space<vmem>>
              %dma_wait3A_207 = arith.constant 0 : i32
              %dma_wait3A_208 = arith.constant 0 : i32
              %dma_wait3A_209 = tpu.memref_slice %arg16[%dma_wait3A_207, %dma_wait3A_208] : memref<10112x128xf32, #tpu.memory_space<vmem_shared>> -> memref<10112x128xf32, #tpu.memory_space<vmem_shared>>
              tpu.wait_indirect_dma semaphore(%arg19 : memref<!tpu.dma_semaphore, #tpu.memory_space<semaphore_mem>>) src(%arg13 : memref<128x128xf32, #tpu.memory_space<vmem>>) dst(%dma_wait3A_209 : memref<10112x128xf32, #tpu.memory_space<vmem_shared>>)
            } else {
            }
            %dma_start3A_200 = arith.constant 0 : i32
            %dma_start3A_201 = arith.constant 0 : i32
            %dma_start3A_202 = tpu.memref_slice %arg2[%dma_start3A_200, %dma_start3A_201] : memref<20000x128xf32, #tpu.memory_space<hbm>> -> memref<20000x128xf32, #tpu.memory_space<hbm>>
            tpu.enqueue_indirect_dma source(%dma_start3A_202 : memref<20000x128xf32, #tpu.memory_space<hbm>>) target(%arg13 : memref<128x128xf32, #tpu.memory_space<vmem>>) offsets(%arg7 : memref<128xi32, #tpu.memory_space<vmem>>) semaphore(%arg17 : memref<!tpu.dma_semaphore, #tpu.memory_space<semaphore_mem>>)
          } else {
          }
          %add3A_166 = arith.constant 2 : i32
          %add3A_167 = arith.addi %scan3A_95, %add3A_166 : i32
          %lt3A_168 = arith.constant 152 : i32
          %lt3A_169 = arith.cmpi slt, %add3A_167, %lt3A_168 : i32
          %convert_element_type3A_170 = arith.extui %lt3A_169 : i1 to i32
          %cond3A_171 = arith.constant 0 : i32
          %cond3A_172 = arith.cmpi ne, %convert_element_type3A_170, %cond3A_171 : i32
          scf.if %cond3A_172 {
            %add3A_180 = arith.addi %mul3A_21, %scan3A_95 : i32
            %add3A_181 = arith.constant 2 : i32
            %add3A_182 = arith.addi %add3A_180, %add3A_181 : i32
            %mul3A_183 = arith.constant 128 : i32
            %mul3A_184 = arith.muli %add3A_182, %mul3A_183 : i32
            %dma_start3A_185 = tpu.memref_slice %arg3[%arg0, %mul3A_184] : memref<2x327680xi32, #tpu.memory_space<hbm>> -> memref<1x128xi32, #tpu.memory_space<hbm>>
            %dma_start3A_186 = tpu.memref_squeeze %dma_start3A_185 : memref<1x128xi32, #tpu.memory_space<hbm>> -> memref<128xi32, #tpu.memory_space<hbm>>
            %dma_start3A_187 = tpu.memref_slice %arg3[%arg0, %mul3A_184] : memref<2x327680xi32, #tpu.memory_space<hbm>> -> memref<1x128xi32, #tpu.memory_space<hbm>>
            %dma_start3A_188 = tpu.memref_squeeze %dma_start3A_187 : memref<1x128xi32, #tpu.memory_space<hbm>> -> memref<128xi32, #tpu.memory_space<hbm>>
            tpu.enqueue_dma source(%dma_start3A_188 : memref<128xi32, #tpu.memory_space<hbm>>) target(%arg8 : memref<128xi32, #tpu.memory_space<vmem>>) target_semaphore(%arg18 : memref<!tpu.dma_semaphore, #tpu.memory_space<semaphore_mem>>)
            %dma_start3A_189 = arith.constant 0 : i32
            %dma_start3A_190 = arith.constant 0 : i32
            %dma_start3A_191 = tpu.memref_slice %arg4[%add3A_182, %dma_start3A_189, %dma_start3A_190] : memref<2560x1x128xi32, #tpu.memory_space<hbm>> -> memref<1x1x128xi32, #tpu.memory_space<hbm>>
            %dma_start3A_192 = tpu.memref_squeeze %dma_start3A_191 : memref<1x1x128xi32, #tpu.memory_space<hbm>> -> memref<1x128xi32, #tpu.memory_space<hbm>>
            %dma_start3A_193 = arith.constant 0 : i32
            %dma_start3A_194 = arith.constant 0 : i32
            %dma_start3A_195 = tpu.memref_slice %arg4[%add3A_182, %dma_start3A_193, %dma_start3A_194] : memref<2560x1x128xi32, #tpu.memory_space<hbm>> -> memref<1x1x128xi32, #tpu.memory_space<hbm>>
            %dma_start3A_196 = tpu.memref_squeeze %dma_start3A_195 : memref<1x1x128xi32, #tpu.memory_space<hbm>> -> memref<1x128xi32, #tpu.memory_space<hbm>>
            tpu.enqueue_dma source(%dma_start3A_196 : memref<1x128xi32, #tpu.memory_space<hbm>>) target(%arg11 : memref<1x128xi32, #tpu.memory_space<vmem>>) target_semaphore(%arg18 : memref<!tpu.dma_semaphore, #tpu.memory_space<semaphore_mem>>)
          } else {
          }
          %dma_start3A_173 = arith.constant 0 : i32
          %dma_start3A_174 = arith.constant 0 : i32
          %dma_start3A_175 = tpu.memref_slice %arg12[%dma_start3A_173, %dma_start3A_174] : memref<1x128xi32, #tpu.memory_space<vmem>> -> memref<1x128xi32, #tpu.memory_space<vmem>>
          %dma_start3A_176 = tpu.memref_squeeze %dma_start3A_175 : memref<1x128xi32, #tpu.memory_space<vmem>> -> memref<128xi32, #tpu.memory_space<vmem>>
          %dma_start3A_177 = arith.constant 0 : i32
          %dma_start3A_178 = arith.constant 0 : i32
          %dma_start3A_179 = tpu.memref_slice %arg16[%dma_start3A_177, %dma_start3A_178] : memref<10112x128xf32, #tpu.memory_space<vmem_shared>> -> memref<10112x128xf32, #tpu.memory_space<vmem_shared>>
          tpu.enqueue_indirect_dma source(%arg15 : memref<128x128xf32, #tpu.memory_space<vmem>>) target(%dma_start3A_179 : memref<10112x128xf32, #tpu.memory_space<vmem_shared>>) offsets(%dma_start3A_176 : memref<128xi32, #tpu.memory_space<vmem>>) semaphore(%arg19 : memref<!tpu.dma_semaphore, #tpu.memory_space<semaphore_mem>>) {add = true}
        } else {
        }
        %scan3A_155 = arith.constant 0 : i32
        scf.yield %scan3A_155 : i32
      }
      %scan3A_73 = arith.constant 152 : i32
      %dma_wait3A_74 = arith.constant 0 : i32
      %dma_wait3A_75 = arith.constant 0 : i32
      %dma_wait3A_76 = tpu.memref_slice %arg10[%dma_wait3A_74, %dma_wait3A_75] : memref<1x128xi32, #tpu.memory_space<vmem>> -> memref<1x128xi32, #tpu.memory_space<vmem>>
      %dma_wait3A_77 = tpu.memref_squeeze %dma_wait3A_76 : memref<1x128xi32, #tpu.memory_space<vmem>> -> memref<128xi32, #tpu.memory_space<vmem>>
      %dma_wait3A_78 = arith.constant 0 : i32
      %dma_wait3A_79 = arith.constant 0 : i32
      %dma_wait3A_80 = tpu.memref_slice %arg16[%dma_wait3A_78, %dma_wait3A_79] : memref<10112x128xf32, #tpu.memory_space<vmem_shared>> -> memref<10112x128xf32, #tpu.memory_space<vmem_shared>>
      tpu.wait_indirect_dma semaphore(%arg19 : memref<!tpu.dma_semaphore, #tpu.memory_space<semaphore_mem>>) src(%arg13 : memref<128x128xf32, #tpu.memory_space<vmem>>) dst(%dma_wait3A_80 : memref<10112x128xf32, #tpu.memory_space<vmem_shared>>)
      %dma_wait3A_81 = arith.constant 0 : i32
      %dma_wait3A_82 = arith.constant 0 : i32
      %dma_wait3A_83 = tpu.memref_slice %arg10[%dma_wait3A_81, %dma_wait3A_82] : memref<1x128xi32, #tpu.memory_space<vmem>> -> memref<1x128xi32, #tpu.memory_space<vmem>>
      %dma_wait3A_84 = tpu.memref_squeeze %dma_wait3A_83 : memref<1x128xi32, #tpu.memory_space<vmem>> -> memref<128xi32, #tpu.memory_space<vmem>>
      %dma_wait3A_85 = arith.constant 0 : i32
      %dma_wait3A_86 = arith.constant 0 : i32
      %dma_wait3A_87 = tpu.memref_slice %arg16[%dma_wait3A_85, %dma_wait3A_86] : memref<10112x128xf32, #tpu.memory_space<vmem_shared>> -> memref<10112x128xf32, #tpu.memory_space<vmem_shared>>
      tpu.wait_indirect_dma semaphore(%arg19 : memref<!tpu.dma_semaphore, #tpu.memory_space<semaphore_mem>>) src(%arg13 : memref<128x128xf32, #tpu.memory_space<vmem>>) dst(%dma_wait3A_87 : memref<10112x128xf32, #tpu.memory_space<vmem_shared>>)
      %dma_wait3A_88 = arith.constant 0 : i32
      %dma_wait3A_89 = arith.constant 0 : i32
      %dma_wait3A_90 = tpu.memref_slice %arg10[%dma_wait3A_88, %dma_wait3A_89] : memref<1x128xi32, #tpu.memory_space<vmem>> -> memref<1x128xi32, #tpu.memory_space<vmem>>
      %dma_wait3A_91 = tpu.memref_squeeze %dma_wait3A_90 : memref<1x128xi32, #tpu.memory_space<vmem>> -> memref<128xi32, #tpu.memory_space<vmem>>
      %dma_wait3A_92 = arith.constant 0 : i32
      %dma_wait3A_93 = arith.constant 0 : i32
      %dma_wait3A_94 = tpu.memref_slice %arg16[%dma_wait3A_92, %dma_wait3A_93] : memref<10112x128xf32, #tpu.memory_space<vmem_shared>> -> memref<10112x128xf32, #tpu.memory_space<vmem_shared>>
      tpu.wait_indirect_dma semaphore(%arg19 : memref<!tpu.dma_semaphore, #tpu.memory_space<semaphore_mem>>) src(%arg13 : memref<128x128xf32, #tpu.memory_space<vmem>>) dst(%dma_wait3A_94 : memref<10112x128xf32, #tpu.memory_space<vmem_shared>>)
    } else {
    }
    %eq3A_5 = arith.constant 1 : i32
    %eq3A_6 = arith.cmpi eq, %arg0, %eq3A_5 : i32
    %convert_element_type3A_7 = arith.extui %eq3A_6 : i1 to i32
    %cond3A_8 = arith.constant 0 : i32
    %cond3A_9 = arith.cmpi ne, %convert_element_type3A_7, %cond3A_8 : i32
    scf.if %cond3A_9 {
      %mul3A_20 = arith.constant 8 : i32
      %mul3A_21 = arith.muli %arg1, %mul3A_20 : i32
      %add3A = arith.constant 2432 : i32
      %add3A_22 = arith.addi %add3A, %mul3A_21 : i32
      %mul3A_23 = arith.constant 128 : i32
      %mul3A_24 = arith.muli %add3A_22, %mul3A_23 : i32
      %dma_start3A = tpu.memref_slice %arg3[%arg0, %mul3A_24] : memref<2x327680xi32, #tpu.memory_space<hbm>> -> memref<1x128xi32, #tpu.memory_space<hbm>>
      %dma_start3A_25 = tpu.memref_squeeze %dma_start3A : memref<1x128xi32, #tpu.memory_space<hbm>> -> memref<128xi32, #tpu.memory_space<hbm>>
      %dma_start3A_26 = tpu.memref_slice %arg3[%arg0, %mul3A_24] : memref<2x327680xi32, #tpu.memory_space<hbm>> -> memref<1x128xi32, #tpu.memory_space<hbm>>
      %dma_start3A_27 = tpu.memref_squeeze %dma_start3A_26 : memref<1x128xi32, #tpu.memory_space<hbm>> -> memref<128xi32, #tpu.memory_space<hbm>>
      tpu.enqueue_dma source(%dma_start3A_27 : memref<128xi32, #tpu.memory_space<hbm>>) target(%arg7 : memref<128xi32, #tpu.memory_space<vmem>>) target_semaphore(%arg18 : memref<!tpu.dma_semaphore, #tpu.memory_space<semaphore_mem>>)
      %dma_start3A_28 = arith.constant 0 : i32
      %dma_start3A_29 = arith.constant 0 : i32
      %dma_start3A_30 = tpu.memref_slice %arg4[%add3A_22, %dma_start3A_28, %dma_start3A_29] : memref<2560x1x128xi32, #tpu.memory_space<hbm>> -> memref<1x1x128xi32, #tpu.memory_space<hbm>>
      %dma_start3A_31 = tpu.memref_squeeze %dma_start3A_30 : memref<1x1x128xi32, #tpu.memory_space<hbm>> -> memref<1x128xi32, #tpu.memory_space<hbm>>
      %dma_start3A_32 = arith.constant 0 : i32
      %dma_start3A_33 = arith.constant 0 : i32
      %dma_start3A_34 = tpu.memref_slice %arg4[%add3A_22, %dma_start3A_32, %dma_start3A_33] : memref<2560x1x128xi32, #tpu.memory_space<hbm>> -> memref<1x1x128xi32, #tpu.memory_space<hbm>>
      %dma_start3A_35 = tpu.memref_squeeze %dma_start3A_34 : memref<1x1x128xi32, #tpu.memory_space<hbm>> -> memref<1x128xi32, #tpu.memory_space<hbm>>
      tpu.enqueue_dma source(%dma_start3A_35 : memref<1x128xi32, #tpu.memory_space<hbm>>) target(%arg10 : memref<1x128xi32, #tpu.memory_space<vmem>>) target_semaphore(%arg18 : memref<!tpu.dma_semaphore, #tpu.memory_space<semaphore_mem>>)
      %dma_wait3A = arith.constant 0 : i32
      %dma_wait3A_36 = arith.constant 0 : i32
      %dma_wait3A_37 = tpu.memref_slice %arg3[%dma_wait3A, %dma_wait3A_36] : memref<2x327680xi32, #tpu.memory_space<hbm>> -> memref<1x128xi32, #tpu.memory_space<hbm>>
      %dma_wait3A_38 = tpu.memref_squeeze %dma_wait3A_37 : memref<1x128xi32, #tpu.memory_space<hbm>> -> memref<128xi32, #tpu.memory_space<hbm>>
      %dma_wait3A_39 = arith.constant 0 : i32
      %dma_wait3A_40 = tpu.memref_slice %arg3[%dma_wait3A, %dma_wait3A_39] : memref<2x327680xi32, #tpu.memory_space<hbm>> -> memref<1x128xi32, #tpu.memory_space<hbm>>
      %dma_wait3A_41 = tpu.memref_squeeze %dma_wait3A_40 : memref<1x128xi32, #tpu.memory_space<hbm>> -> memref<128xi32, #tpu.memory_space<hbm>>
      tpu.wait_dma2 semaphore(%arg18 : memref<!tpu.dma_semaphore, #tpu.memory_space<semaphore_mem>>) src(%dma_wait3A_41 : memref<128xi32, #tpu.memory_space<hbm>>) dst(%arg7 : memref<128xi32, #tpu.memory_space<vmem>>)
      %dma_wait3A_42 = arith.constant 0 : i32
      %dma_wait3A_43 = arith.constant 0 : i32
      %dma_wait3A_44 = arith.constant 0 : i32
      %dma_wait3A_45 = tpu.memref_slice %arg4[%dma_wait3A_42, %dma_wait3A_43, %dma_wait3A_44] : memref<2560x1x128xi32, #tpu.memory_space<hbm>> -> memref<1x1x128xi32, #tpu.memory_space<hbm>>
      %dma_wait3A_46 = tpu.memref_squeeze %dma_wait3A_45 : memref<1x1x128xi32, #tpu.memory_space<hbm>> -> memref<1x128xi32, #tpu.memory_space<hbm>>
      %dma_wait3A_47 = arith.constant 0 : i32
      %dma_wait3A_48 = arith.constant 0 : i32
      %dma_wait3A_49 = tpu.memref_slice %arg4[%dma_wait3A_42, %dma_wait3A_47, %dma_wait3A_48] : memref<2560x1x128xi32, #tpu.memory_space<hbm>> -> memref<1x1x128xi32, #tpu.memory_space<hbm>>
      %dma_wait3A_50 = tpu.memref_squeeze %dma_wait3A_49 : memref<1x1x128xi32, #tpu.memory_space<hbm>> -> memref<1x128xi32, #tpu.memory_space<hbm>>
      tpu.wait_dma2 semaphore(%arg18 : memref<!tpu.dma_semaphore, #tpu.memory_space<semaphore_mem>>) src(%dma_wait3A_50 : memref<1x128xi32, #tpu.memory_space<hbm>>) dst(%arg10 : memref<1x128xi32, #tpu.memory_space<vmem>>)
      %dma_start3A_51 = arith.constant 0 : i32
      %dma_start3A_52 = arith.constant 0 : i32
      %dma_start3A_53 = tpu.memref_slice %arg2[%dma_start3A_51, %dma_start3A_52] : memref<20000x128xf32, #tpu.memory_space<hbm>> -> memref<20000x128xf32, #tpu.memory_space<hbm>>
      tpu.enqueue_indirect_dma source(%dma_start3A_53 : memref<20000x128xf32, #tpu.memory_space<hbm>>) target(%arg13 : memref<128x128xf32, #tpu.memory_space<vmem>>) offsets(%arg7 : memref<128xi32, #tpu.memory_space<vmem>>) semaphore(%arg17 : memref<!tpu.dma_semaphore, #tpu.memory_space<semaphore_mem>>)
      %add3A_54 = arith.constant 1 : i32
      %add3A_55 = arith.addi %add3A_22, %add3A_54 : i32
      %mul3A_56 = arith.constant 128 : i32
      %mul3A_57 = arith.muli %add3A_55, %mul3A_56 : i32
      %dma_start3A_58 = tpu.memref_slice %arg3[%arg0, %mul3A_57] : memref<2x327680xi32, #tpu.memory_space<hbm>> -> memref<1x128xi32, #tpu.memory_space<hbm>>
      %dma_start3A_59 = tpu.memref_squeeze %dma_start3A_58 : memref<1x128xi32, #tpu.memory_space<hbm>> -> memref<128xi32, #tpu.memory_space<hbm>>
      %dma_start3A_60 = tpu.memref_slice %arg3[%arg0, %mul3A_57] : memref<2x327680xi32, #tpu.memory_space<hbm>> -> memref<1x128xi32, #tpu.memory_space<hbm>>
      %dma_start3A_61 = tpu.memref_squeeze %dma_start3A_60 : memref<1x128xi32, #tpu.memory_space<hbm>> -> memref<128xi32, #tpu.memory_space<hbm>>
      tpu.enqueue_dma source(%dma_start3A_61 : memref<128xi32, #tpu.memory_space<hbm>>) target(%arg8 : memref<128xi32, #tpu.memory_space<vmem>>) target_semaphore(%arg18 : memref<!tpu.dma_semaphore, #tpu.memory_space<semaphore_mem>>)
      %dma_start3A_62 = arith.constant 0 : i32
      %dma_start3A_63 = arith.constant 0 : i32
      %dma_start3A_64 = tpu.memref_slice %arg4[%add3A_55, %dma_start3A_62, %dma_start3A_63] : memref<2560x1x128xi32, #tpu.memory_space<hbm>> -> memref<1x1x128xi32, #tpu.memory_space<hbm>>
      %dma_start3A_65 = tpu.memref_squeeze %dma_start3A_64 : memref<1x1x128xi32, #tpu.memory_space<hbm>> -> memref<1x128xi32, #tpu.memory_space<hbm>>
      %dma_start3A_66 = arith.constant 0 : i32
      %dma_start3A_67 = arith.constant 0 : i32
      %dma_start3A_68 = tpu.memref_slice %arg4[%add3A_55, %dma_start3A_66, %dma_start3A_67] : memref<2560x1x128xi32, #tpu.memory_space<hbm>> -> memref<1x1x128xi32, #tpu.memory_space<hbm>>
      %dma_start3A_69 = tpu.memref_squeeze %dma_start3A_68 : memref<1x1x128xi32, #tpu.memory_space<hbm>> -> memref<1x128xi32, #tpu.memory_space<hbm>>
      tpu.enqueue_dma source(%dma_start3A_69 : memref<1x128xi32, #tpu.memory_space<hbm>>) target(%arg11 : memref<1x128xi32, #tpu.memory_space<vmem>>) target_semaphore(%arg18 : memref<!tpu.dma_semaphore, #tpu.memory_space<semaphore_mem>>)
      %scan3A = arith.constant 0 : i32
      %scan3A_70 = arith.constant 0 : i32
      %scan3A_71 = arith.constant 8 : i32
      %scan3A_72 = arith.addi %scan3A_70, %scan3A_71 : i32
      %scan3A_73 = arith.constant 1 : i32
      %scan3A_74 = scf.for %scan3A_97 = %scan3A_70 to %scan3A_72 step %scan3A_73 iter_args(%scan3A_98 = %scan3A) -> (i32)  : i32 {
        %jit3A = arith.constant 3 : i32
        %eq3A_99 = arith.constant 0 : i32
        %eq3A_100 = arith.cmpi eq, %jit3A, %eq3A_99 : i32
        %jit3A_101 = arith.constant 1 : i32
        %select_n3A = arith.select %eq3A_100, %jit3A_101, %jit3A : i32
        %rem3A = arith.remsi %scan3A_97, %select_n3A : i32
        %ne3A = arith.constant 0 : i32
        %ne3A_102 = arith.cmpi ne, %rem3A, %ne3A : i32
        %lt3A_103 = arith.constant 0 : i32
        %lt3A_104 = arith.cmpi slt, %rem3A, %lt3A_103 : i32
        %lt3A_105 = arith.constant 0 : i32
        %lt3A_106 = arith.cmpi slt, %select_n3A, %lt3A_105 : i32
        %ne3A_107 = arith.xori %lt3A_104, %lt3A_106 : i1
        %and3A = arith.andi %ne3A_107, %ne3A_102 : i1
        %add3A_108 = arith.addi %rem3A, %select_n3A : i32
        %select_n3A_109 = arith.select %and3A, %add3A_108, %rem3A : i32
        %eq3A_110 = arith.constant 0 : i32
        %eq3A_111 = arith.cmpi eq, %select_n3A_109, %eq3A_110 : i32
        %convert_element_type3A_112 = arith.extui %eq3A_111 : i1 to i32
        %cond3A_113 = arith.constant 0 : i32
        %cond3A_114 = arith.cmpi ne, %convert_element_type3A_112, %cond3A_113 : i32
        scf.if %cond3A_114 {
          %dma_wait3A_158 = arith.constant 0 : i32
          %dma_wait3A_159 = arith.constant 0 : i32
          %dma_wait3A_160 = tpu.memref_slice %arg2[%dma_wait3A_158, %dma_wait3A_159] : memref<20000x128xf32, #tpu.memory_space<hbm>> -> memref<20000x128xf32, #tpu.memory_space<hbm>>
          tpu.wait_indirect_dma semaphore(%arg17 : memref<!tpu.dma_semaphore, #tpu.memory_space<semaphore_mem>>) src(%dma_wait3A_160 : memref<20000x128xf32, #tpu.memory_space<hbm>>) dst(%arg13 : memref<128x128xf32, #tpu.memory_space<vmem>>)
          %add3A_161 = arith.constant 1 : i32
          %add3A_162 = arith.addi %scan3A_97, %add3A_161 : i32
          %lt3A_163 = arith.constant 8 : i32
          %lt3A_164 = arith.cmpi slt, %add3A_162, %lt3A_163 : i32
          %convert_element_type3A_165 = arith.extui %lt3A_164 : i1 to i32
          %cond3A_166 = arith.constant 0 : i32
          %cond3A_167 = arith.cmpi ne, %convert_element_type3A_165, %cond3A_166 : i32
          scf.if %cond3A_167 {
            %dma_wait3A_182 = arith.constant 0 : i32
            %dma_wait3A_183 = arith.constant 0 : i32
            %dma_wait3A_184 = tpu.memref_slice %arg3[%dma_wait3A_182, %dma_wait3A_183] : memref<2x327680xi32, #tpu.memory_space<hbm>> -> memref<1x128xi32, #tpu.memory_space<hbm>>
            %dma_wait3A_185 = tpu.memref_squeeze %dma_wait3A_184 : memref<1x128xi32, #tpu.memory_space<hbm>> -> memref<128xi32, #tpu.memory_space<hbm>>
            %dma_wait3A_186 = arith.constant 0 : i32
            %dma_wait3A_187 = tpu.memref_slice %arg3[%dma_wait3A_182, %dma_wait3A_186] : memref<2x327680xi32, #tpu.memory_space<hbm>> -> memref<1x128xi32, #tpu.memory_space<hbm>>
            %dma_wait3A_188 = tpu.memref_squeeze %dma_wait3A_187 : memref<1x128xi32, #tpu.memory_space<hbm>> -> memref<128xi32, #tpu.memory_space<hbm>>
            tpu.wait_dma2 semaphore(%arg18 : memref<!tpu.dma_semaphore, #tpu.memory_space<semaphore_mem>>) src(%dma_wait3A_188 : memref<128xi32, #tpu.memory_space<hbm>>) dst(%arg8 : memref<128xi32, #tpu.memory_space<vmem>>)
            %dma_wait3A_189 = arith.constant 0 : i32
            %dma_wait3A_190 = arith.constant 0 : i32
            %dma_wait3A_191 = arith.constant 0 : i32
            %dma_wait3A_192 = tpu.memref_slice %arg4[%dma_wait3A_189, %dma_wait3A_190, %dma_wait3A_191] : memref<2560x1x128xi32, #tpu.memory_space<hbm>> -> memref<1x1x128xi32, #tpu.memory_space<hbm>>
            %dma_wait3A_193 = tpu.memref_squeeze %dma_wait3A_192 : memref<1x1x128xi32, #tpu.memory_space<hbm>> -> memref<1x128xi32, #tpu.memory_space<hbm>>
            %dma_wait3A_194 = arith.constant 0 : i32
            %dma_wait3A_195 = arith.constant 0 : i32
            %dma_wait3A_196 = tpu.memref_slice %arg4[%dma_wait3A_189, %dma_wait3A_194, %dma_wait3A_195] : memref<2560x1x128xi32, #tpu.memory_space<hbm>> -> memref<1x1x128xi32, #tpu.memory_space<hbm>>
            %dma_wait3A_197 = tpu.memref_squeeze %dma_wait3A_196 : memref<1x1x128xi32, #tpu.memory_space<hbm>> -> memref<1x128xi32, #tpu.memory_space<hbm>>
            tpu.wait_dma2 semaphore(%arg18 : memref<!tpu.dma_semaphore, #tpu.memory_space<semaphore_mem>>) src(%dma_wait3A_197 : memref<1x128xi32, #tpu.memory_space<hbm>>) dst(%arg11 : memref<1x128xi32, #tpu.memory_space<vmem>>)
            %ge3A = arith.constant 2 : i32
            %ge3A_198 = arith.cmpi sge, %scan3A_97, %ge3A : i32
            %convert_element_type3A_199 = arith.extui %ge3A_198 : i1 to i32
            %cond3A_200 = arith.constant 0 : i32
            %cond3A_201 = arith.cmpi ne, %convert_element_type3A_199, %cond3A_200 : i32
            scf.if %cond3A_201 {
              %dma_wait3A_205 = arith.constant 0 : i32
              %dma_wait3A_206 = arith.constant 0 : i32
              %dma_wait3A_207 = tpu.memref_slice %arg10[%dma_wait3A_205, %dma_wait3A_206] : memref<1x128xi32, #tpu.memory_space<vmem>> -> memref<1x128xi32, #tpu.memory_space<vmem>>
              %dma_wait3A_208 = tpu.memref_squeeze %dma_wait3A_207 : memref<1x128xi32, #tpu.memory_space<vmem>> -> memref<128xi32, #tpu.memory_space<vmem>>
              %dma_wait3A_209 = arith.constant 0 : i32
              %dma_wait3A_210 = arith.constant 0 : i32
              %dma_wait3A_211 = tpu.memref_slice %arg16[%dma_wait3A_209, %dma_wait3A_210] : memref<10112x128xf32, #tpu.memory_space<vmem_shared>> -> memref<10112x128xf32, #tpu.memory_space<vmem_shared>>
              tpu.wait_indirect_dma semaphore(%arg19 : memref<!tpu.dma_semaphore, #tpu.memory_space<semaphore_mem>>) src(%arg13 : memref<128x128xf32, #tpu.memory_space<vmem>>) dst(%dma_wait3A_211 : memref<10112x128xf32, #tpu.memory_space<vmem_shared>>)
            } else {
            }
            %dma_start3A_202 = arith.constant 0 : i32
            %dma_start3A_203 = arith.constant 0 : i32
            %dma_start3A_204 = tpu.memref_slice %arg2[%dma_start3A_202, %dma_start3A_203] : memref<20000x128xf32, #tpu.memory_space<hbm>> -> memref<20000x128xf32, #tpu.memory_space<hbm>>
            tpu.enqueue_indirect_dma source(%dma_start3A_204 : memref<20000x128xf32, #tpu.memory_space<hbm>>) target(%arg14 : memref<128x128xf32, #tpu.memory_space<vmem>>) offsets(%arg8 : memref<128xi32, #tpu.memory_space<vmem>>) semaphore(%arg17 : memref<!tpu.dma_semaphore, #tpu.memory_space<semaphore_mem>>)
          } else {
          }
          %add3A_168 = arith.constant 2 : i32
          %add3A_169 = arith.addi %scan3A_97, %add3A_168 : i32
          %lt3A_170 = arith.constant 8 : i32
          %lt3A_171 = arith.cmpi slt, %add3A_169, %lt3A_170 : i32
          %convert_element_type3A_172 = arith.extui %lt3A_171 : i1 to i32
          %cond3A_173 = arith.constant 0 : i32
          %cond3A_174 = arith.cmpi ne, %convert_element_type3A_172, %cond3A_173 : i32
          scf.if %cond3A_174 {
            %add3A_182 = arith.addi %add3A_22, %scan3A_97 : i32
            %add3A_183 = arith.constant 2 : i32
            %add3A_184 = arith.addi %add3A_182, %add3A_183 : i32
            %mul3A_185 = arith.constant 128 : i32
            %mul3A_186 = arith.muli %add3A_184, %mul3A_185 : i32
            %dma_start3A_187 = tpu.memref_slice %arg3[%arg0, %mul3A_186] : memref<2x327680xi32, #tpu.memory_space<hbm>> -> memref<1x128xi32, #tpu.memory_space<hbm>>
            %dma_start3A_188 = tpu.memref_squeeze %dma_start3A_187 : memref<1x128xi32, #tpu.memory_space<hbm>> -> memref<128xi32, #tpu.memory_space<hbm>>
            %dma_start3A_189 = tpu.memref_slice %arg3[%arg0, %mul3A_186] : memref<2x327680xi32, #tpu.memory_space<hbm>> -> memref<1x128xi32, #tpu.memory_space<hbm>>
            %dma_start3A_190 = tpu.memref_squeeze %dma_start3A_189 : memref<1x128xi32, #tpu.memory_space<hbm>> -> memref<128xi32, #tpu.memory_space<hbm>>
            tpu.enqueue_dma source(%dma_start3A_190 : memref<128xi32, #tpu.memory_space<hbm>>) target(%arg9 : memref<128xi32, #tpu.memory_space<vmem>>) target_semaphore(%arg18 : memref<!tpu.dma_semaphore, #tpu.memory_space<semaphore_mem>>)
            %dma_start3A_191 = arith.constant 0 : i32
            %dma_start3A_192 = arith.constant 0 : i32
            %dma_start3A_193 = tpu.memref_slice %arg4[%add3A_184, %dma_start3A_191, %dma_start3A_192] : memref<2560x1x128xi32, #tpu.memory_space<hbm>> -> memref<1x1x128xi32, #tpu.memory_space<hbm>>
            %dma_start3A_194 = tpu.memref_squeeze %dma_start3A_193 : memref<1x1x128xi32, #tpu.memory_space<hbm>> -> memref<1x128xi32, #tpu.memory_space<hbm>>
            %dma_start3A_195 = arith.constant 0 : i32
            %dma_start3A_196 = arith.constant 0 : i32
            %dma_start3A_197 = tpu.memref_slice %arg4[%add3A_184, %dma_start3A_195, %dma_start3A_196] : memref<2560x1x128xi32, #tpu.memory_space<hbm>> -> memref<1x1x128xi32, #tpu.memory_space<hbm>>
            %dma_start3A_198 = tpu.memref_squeeze %dma_start3A_197 : memref<1x1x128xi32, #tpu.memory_space<hbm>> -> memref<1x128xi32, #tpu.memory_space<hbm>>
            tpu.enqueue_dma source(%dma_start3A_198 : memref<1x128xi32, #tpu.memory_space<hbm>>) target(%arg12 : memref<1x128xi32, #tpu.memory_space<vmem>>) target_semaphore(%arg18 : memref<!tpu.dma_semaphore, #tpu.memory_space<semaphore_mem>>)
          } else {
          }
          %dma_start3A_175 = arith.constant 0 : i32
          %dma_start3A_176 = arith.constant 0 : i32
          %dma_start3A_177 = tpu.memref_slice %arg10[%dma_start3A_175, %dma_start3A_176] : memref<1x128xi32, #tpu.memory_space<vmem>> -> memref<1x128xi32, #tpu.memory_space<vmem>>
          %dma_start3A_178 = tpu.memref_squeeze %dma_start3A_177 : memref<1x128xi32, #tpu.memory_space<vmem>> -> memref<128xi32, #tpu.memory_space<vmem>>
          %dma_start3A_179 = arith.constant 0 : i32
          %dma_start3A_180 = arith.constant 0 : i32
          %dma_start3A_181 = tpu.memref_slice %arg16[%dma_start3A_179, %dma_start3A_180] : memref<10112x128xf32, #tpu.memory_space<vmem_shared>> -> memref<10112x128xf32, #tpu.memory_space<vmem_shared>>
          tpu.enqueue_indirect_dma source(%arg13 : memref<128x128xf32, #tpu.memory_space<vmem>>) target(%dma_start3A_181 : memref<10112x128xf32, #tpu.memory_space<vmem_shared>>) offsets(%dma_start3A_178 : memref<128xi32, #tpu.memory_space<vmem>>) semaphore(%arg19 : memref<!tpu.dma_semaphore, #tpu.memory_space<semaphore_mem>>) {add = true}
        } else {
        }
        %jit3A_115 = arith.constant 3 : i32
        %eq3A_116 = arith.constant 0 : i32
        %eq3A_117 = arith.cmpi eq, %jit3A_115, %eq3A_116 : i32
        %jit3A_118 = arith.constant 1 : i32
        %select_n3A_119 = arith.select %eq3A_117, %jit3A_118, %jit3A_115 : i32
        %rem3A_120 = arith.remsi %scan3A_97, %select_n3A_119 : i32
        %ne3A_121 = arith.constant 0 : i32
        %ne3A_122 = arith.cmpi ne, %rem3A_120, %ne3A_121 : i32
        %lt3A_123 = arith.constant 0 : i32
        %lt3A_124 = arith.cmpi slt, %rem3A_120, %lt3A_123 : i32
        %lt3A_125 = arith.constant 0 : i32
        %lt3A_126 = arith.cmpi slt, %select_n3A_119, %lt3A_125 : i32
        %ne3A_127 = arith.xori %lt3A_124, %lt3A_126 : i1
        %and3A_128 = arith.andi %ne3A_127, %ne3A_122 : i1
        %add3A_129 = arith.addi %rem3A_120, %select_n3A_119 : i32
        %select_n3A_130 = arith.select %and3A_128, %add3A_129, %rem3A_120 : i32
        %eq3A_131 = arith.constant 1 : i32
        %eq3A_132 = arith.cmpi eq, %select_n3A_130, %eq3A_131 : i32
        %convert_element_type3A_133 = arith.extui %eq3A_132 : i1 to i32
        %cond3A_134 = arith.constant 0 : i32
        %cond3A_135 = arith.cmpi ne, %convert_element_type3A_133, %cond3A_134 : i32
        scf.if %cond3A_135 {
          %dma_wait3A_158 = arith.constant 0 : i32
          %dma_wait3A_159 = arith.constant 0 : i32
          %dma_wait3A_160 = tpu.memref_slice %arg2[%dma_wait3A_158, %dma_wait3A_159] : memref<20000x128xf32, #tpu.memory_space<hbm>> -> memref<20000x128xf32, #tpu.memory_space<hbm>>
          tpu.wait_indirect_dma semaphore(%arg17 : memref<!tpu.dma_semaphore, #tpu.memory_space<semaphore_mem>>) src(%dma_wait3A_160 : memref<20000x128xf32, #tpu.memory_space<hbm>>) dst(%arg14 : memref<128x128xf32, #tpu.memory_space<vmem>>)
          %add3A_161 = arith.constant 1 : i32
          %add3A_162 = arith.addi %scan3A_97, %add3A_161 : i32
          %lt3A_163 = arith.constant 8 : i32
          %lt3A_164 = arith.cmpi slt, %add3A_162, %lt3A_163 : i32
          %convert_element_type3A_165 = arith.extui %lt3A_164 : i1 to i32
          %cond3A_166 = arith.constant 0 : i32
          %cond3A_167 = arith.cmpi ne, %convert_element_type3A_165, %cond3A_166 : i32
          scf.if %cond3A_167 {
            %dma_wait3A_182 = arith.constant 0 : i32
            %dma_wait3A_183 = arith.constant 0 : i32
            %dma_wait3A_184 = tpu.memref_slice %arg3[%dma_wait3A_182, %dma_wait3A_183] : memref<2x327680xi32, #tpu.memory_space<hbm>> -> memref<1x128xi32, #tpu.memory_space<hbm>>
            %dma_wait3A_185 = tpu.memref_squeeze %dma_wait3A_184 : memref<1x128xi32, #tpu.memory_space<hbm>> -> memref<128xi32, #tpu.memory_space<hbm>>
            %dma_wait3A_186 = arith.constant 0 : i32
            %dma_wait3A_187 = tpu.memref_slice %arg3[%dma_wait3A_182, %dma_wait3A_186] : memref<2x327680xi32, #tpu.memory_space<hbm>> -> memref<1x128xi32, #tpu.memory_space<hbm>>
            %dma_wait3A_188 = tpu.memref_squeeze %dma_wait3A_187 : memref<1x128xi32, #tpu.memory_space<hbm>> -> memref<128xi32, #tpu.memory_space<hbm>>
            tpu.wait_dma2 semaphore(%arg18 : memref<!tpu.dma_semaphore, #tpu.memory_space<semaphore_mem>>) src(%dma_wait3A_188 : memref<128xi32, #tpu.memory_space<hbm>>) dst(%arg9 : memref<128xi32, #tpu.memory_space<vmem>>)
            %dma_wait3A_189 = arith.constant 0 : i32
            %dma_wait3A_190 = arith.constant 0 : i32
            %dma_wait3A_191 = arith.constant 0 : i32
            %dma_wait3A_192 = tpu.memref_slice %arg4[%dma_wait3A_189, %dma_wait3A_190, %dma_wait3A_191] : memref<2560x1x128xi32, #tpu.memory_space<hbm>> -> memref<1x1x128xi32, #tpu.memory_space<hbm>>
            %dma_wait3A_193 = tpu.memref_squeeze %dma_wait3A_192 : memref<1x1x128xi32, #tpu.memory_space<hbm>> -> memref<1x128xi32, #tpu.memory_space<hbm>>
            %dma_wait3A_194 = arith.constant 0 : i32
            %dma_wait3A_195 = arith.constant 0 : i32
            %dma_wait3A_196 = tpu.memref_slice %arg4[%dma_wait3A_189, %dma_wait3A_194, %dma_wait3A_195] : memref<2560x1x128xi32, #tpu.memory_space<hbm>> -> memref<1x1x128xi32, #tpu.memory_space<hbm>>
            %dma_wait3A_197 = tpu.memref_squeeze %dma_wait3A_196 : memref<1x1x128xi32, #tpu.memory_space<hbm>> -> memref<1x128xi32, #tpu.memory_space<hbm>>
            tpu.wait_dma2 semaphore(%arg18 : memref<!tpu.dma_semaphore, #tpu.memory_space<semaphore_mem>>) src(%dma_wait3A_197 : memref<1x128xi32, #tpu.memory_space<hbm>>) dst(%arg12 : memref<1x128xi32, #tpu.memory_space<vmem>>)
            %ge3A = arith.constant 2 : i32
            %ge3A_198 = arith.cmpi sge, %scan3A_97, %ge3A : i32
            %convert_element_type3A_199 = arith.extui %ge3A_198 : i1 to i32
            %cond3A_200 = arith.constant 0 : i32
            %cond3A_201 = arith.cmpi ne, %convert_element_type3A_199, %cond3A_200 : i32
            scf.if %cond3A_201 {
              %dma_wait3A_205 = arith.constant 0 : i32
              %dma_wait3A_206 = arith.constant 0 : i32
              %dma_wait3A_207 = tpu.memref_slice %arg10[%dma_wait3A_205, %dma_wait3A_206] : memref<1x128xi32, #tpu.memory_space<vmem>> -> memref<1x128xi32, #tpu.memory_space<vmem>>
              %dma_wait3A_208 = tpu.memref_squeeze %dma_wait3A_207 : memref<1x128xi32, #tpu.memory_space<vmem>> -> memref<128xi32, #tpu.memory_space<vmem>>
              %dma_wait3A_209 = arith.constant 0 : i32
              %dma_wait3A_210 = arith.constant 0 : i32
              %dma_wait3A_211 = tpu.memref_slice %arg16[%dma_wait3A_209, %dma_wait3A_210] : memref<10112x128xf32, #tpu.memory_space<vmem_shared>> -> memref<10112x128xf32, #tpu.memory_space<vmem_shared>>
              tpu.wait_indirect_dma semaphore(%arg19 : memref<!tpu.dma_semaphore, #tpu.memory_space<semaphore_mem>>) src(%arg13 : memref<128x128xf32, #tpu.memory_space<vmem>>) dst(%dma_wait3A_211 : memref<10112x128xf32, #tpu.memory_space<vmem_shared>>)
            } else {
            }
            %dma_start3A_202 = arith.constant 0 : i32
            %dma_start3A_203 = arith.constant 0 : i32
            %dma_start3A_204 = tpu.memref_slice %arg2[%dma_start3A_202, %dma_start3A_203] : memref<20000x128xf32, #tpu.memory_space<hbm>> -> memref<20000x128xf32, #tpu.memory_space<hbm>>
            tpu.enqueue_indirect_dma source(%dma_start3A_204 : memref<20000x128xf32, #tpu.memory_space<hbm>>) target(%arg15 : memref<128x128xf32, #tpu.memory_space<vmem>>) offsets(%arg9 : memref<128xi32, #tpu.memory_space<vmem>>) semaphore(%arg17 : memref<!tpu.dma_semaphore, #tpu.memory_space<semaphore_mem>>)
          } else {
          }
          %add3A_168 = arith.constant 2 : i32
          %add3A_169 = arith.addi %scan3A_97, %add3A_168 : i32
          %lt3A_170 = arith.constant 8 : i32
          %lt3A_171 = arith.cmpi slt, %add3A_169, %lt3A_170 : i32
          %convert_element_type3A_172 = arith.extui %lt3A_171 : i1 to i32
          %cond3A_173 = arith.constant 0 : i32
          %cond3A_174 = arith.cmpi ne, %convert_element_type3A_172, %cond3A_173 : i32
          scf.if %cond3A_174 {
            %add3A_182 = arith.addi %add3A_22, %scan3A_97 : i32
            %add3A_183 = arith.constant 2 : i32
            %add3A_184 = arith.addi %add3A_182, %add3A_183 : i32
            %mul3A_185 = arith.constant 128 : i32
            %mul3A_186 = arith.muli %add3A_184, %mul3A_185 : i32
            %dma_start3A_187 = tpu.memref_slice %arg3[%arg0, %mul3A_186] : memref<2x327680xi32, #tpu.memory_space<hbm>> -> memref<1x128xi32, #tpu.memory_space<hbm>>
            %dma_start3A_188 = tpu.memref_squeeze %dma_start3A_187 : memref<1x128xi32, #tpu.memory_space<hbm>> -> memref<128xi32, #tpu.memory_space<hbm>>
            %dma_start3A_189 = tpu.memref_slice %arg3[%arg0, %mul3A_186] : memref<2x327680xi32, #tpu.memory_space<hbm>> -> memref<1x128xi32, #tpu.memory_space<hbm>>
            %dma_start3A_190 = tpu.memref_squeeze %dma_start3A_189 : memref<1x128xi32, #tpu.memory_space<hbm>> -> memref<128xi32, #tpu.memory_space<hbm>>
            tpu.enqueue_dma source(%dma_start3A_190 : memref<128xi32, #tpu.memory_space<hbm>>) target(%arg7 : memref<128xi32, #tpu.memory_space<vmem>>) target_semaphore(%arg18 : memref<!tpu.dma_semaphore, #tpu.memory_space<semaphore_mem>>)
            %dma_start3A_191 = arith.constant 0 : i32
            %dma_start3A_192 = arith.constant 0 : i32
            %dma_start3A_193 = tpu.memref_slice %arg4[%add3A_184, %dma_start3A_191, %dma_start3A_192] : memref<2560x1x128xi32, #tpu.memory_space<hbm>> -> memref<1x1x128xi32, #tpu.memory_space<hbm>>
            %dma_start3A_194 = tpu.memref_squeeze %dma_start3A_193 : memref<1x1x128xi32, #tpu.memory_space<hbm>> -> memref<1x128xi32, #tpu.memory_space<hbm>>
            %dma_start3A_195 = arith.constant 0 : i32
            %dma_start3A_196 = arith.constant 0 : i32
            %dma_start3A_197 = tpu.memref_slice %arg4[%add3A_184, %dma_start3A_195, %dma_start3A_196] : memref<2560x1x128xi32, #tpu.memory_space<hbm>> -> memref<1x1x128xi32, #tpu.memory_space<hbm>>
            %dma_start3A_198 = tpu.memref_squeeze %dma_start3A_197 : memref<1x1x128xi32, #tpu.memory_space<hbm>> -> memref<1x128xi32, #tpu.memory_space<hbm>>
            tpu.enqueue_dma source(%dma_start3A_198 : memref<1x128xi32, #tpu.memory_space<hbm>>) target(%arg10 : memref<1x128xi32, #tpu.memory_space<vmem>>) target_semaphore(%arg18 : memref<!tpu.dma_semaphore, #tpu.memory_space<semaphore_mem>>)
          } else {
          }
          %dma_start3A_175 = arith.constant 0 : i32
          %dma_start3A_176 = arith.constant 0 : i32
          %dma_start3A_177 = tpu.memref_slice %arg11[%dma_start3A_175, %dma_start3A_176] : memref<1x128xi32, #tpu.memory_space<vmem>> -> memref<1x128xi32, #tpu.memory_space<vmem>>
          %dma_start3A_178 = tpu.memref_squeeze %dma_start3A_177 : memref<1x128xi32, #tpu.memory_space<vmem>> -> memref<128xi32, #tpu.memory_space<vmem>>
          %dma_start3A_179 = arith.constant 0 : i32
          %dma_start3A_180 = arith.constant 0 : i32
          %dma_start3A_181 = tpu.memref_slice %arg16[%dma_start3A_179, %dma_start3A_180] : memref<10112x128xf32, #tpu.memory_space<vmem_shared>> -> memref<10112x128xf32, #tpu.memory_space<vmem_shared>>
          tpu.enqueue_indirect_dma source(%arg14 : memref<128x128xf32, #tpu.memory_space<vmem>>) target(%dma_start3A_181 : memref<10112x128xf32, #tpu.memory_space<vmem_shared>>) offsets(%dma_start3A_178 : memref<128xi32, #tpu.memory_space<vmem>>) semaphore(%arg19 : memref<!tpu.dma_semaphore, #tpu.memory_space<semaphore_mem>>) {add = true}
        } else {
        }
        %jit3A_136 = arith.constant 3 : i32
        %eq3A_137 = arith.constant 0 : i32
        %eq3A_138 = arith.cmpi eq, %jit3A_136, %eq3A_137 : i32
        %jit3A_139 = arith.constant 1 : i32
        %select_n3A_140 = arith.select %eq3A_138, %jit3A_139, %jit3A_136 : i32
        %rem3A_141 = arith.remsi %scan3A_97, %select_n3A_140 : i32
        %ne3A_142 = arith.constant 0 : i32
        %ne3A_143 = arith.cmpi ne, %rem3A_141, %ne3A_142 : i32
        %lt3A_144 = arith.constant 0 : i32
        %lt3A_145 = arith.cmpi slt, %rem3A_141, %lt3A_144 : i32
        %lt3A_146 = arith.constant 0 : i32
        %lt3A_147 = arith.cmpi slt, %select_n3A_140, %lt3A_146 : i32
        %ne3A_148 = arith.xori %lt3A_145, %lt3A_147 : i1
        %and3A_149 = arith.andi %ne3A_148, %ne3A_143 : i1
        %add3A_150 = arith.addi %rem3A_141, %select_n3A_140 : i32
        %select_n3A_151 = arith.select %and3A_149, %add3A_150, %rem3A_141 : i32
        %eq3A_152 = arith.constant 2 : i32
        %eq3A_153 = arith.cmpi eq, %select_n3A_151, %eq3A_152 : i32
        %convert_element_type3A_154 = arith.extui %eq3A_153 : i1 to i32
        %cond3A_155 = arith.constant 0 : i32
        %cond3A_156 = arith.cmpi ne, %convert_element_type3A_154, %cond3A_155 : i32
        scf.if %cond3A_156 {
          %dma_wait3A_158 = arith.constant 0 : i32
          %dma_wait3A_159 = arith.constant 0 : i32
          %dma_wait3A_160 = tpu.memref_slice %arg2[%dma_wait3A_158, %dma_wait3A_159] : memref<20000x128xf32, #tpu.memory_space<hbm>> -> memref<20000x128xf32, #tpu.memory_space<hbm>>
          tpu.wait_indirect_dma semaphore(%arg17 : memref<!tpu.dma_semaphore, #tpu.memory_space<semaphore_mem>>) src(%dma_wait3A_160 : memref<20000x128xf32, #tpu.memory_space<hbm>>) dst(%arg15 : memref<128x128xf32, #tpu.memory_space<vmem>>)
          %add3A_161 = arith.constant 1 : i32
          %add3A_162 = arith.addi %scan3A_97, %add3A_161 : i32
          %lt3A_163 = arith.constant 8 : i32
          %lt3A_164 = arith.cmpi slt, %add3A_162, %lt3A_163 : i32
          %convert_element_type3A_165 = arith.extui %lt3A_164 : i1 to i32
          %cond3A_166 = arith.constant 0 : i32
          %cond3A_167 = arith.cmpi ne, %convert_element_type3A_165, %cond3A_166 : i32
          scf.if %cond3A_167 {
            %dma_wait3A_182 = arith.constant 0 : i32
            %dma_wait3A_183 = arith.constant 0 : i32
            %dma_wait3A_184 = tpu.memref_slice %arg3[%dma_wait3A_182, %dma_wait3A_183] : memref<2x327680xi32, #tpu.memory_space<hbm>> -> memref<1x128xi32, #tpu.memory_space<hbm>>
            %dma_wait3A_185 = tpu.memref_squeeze %dma_wait3A_184 : memref<1x128xi32, #tpu.memory_space<hbm>> -> memref<128xi32, #tpu.memory_space<hbm>>
            %dma_wait3A_186 = arith.constant 0 : i32
            %dma_wait3A_187 = tpu.memref_slice %arg3[%dma_wait3A_182, %dma_wait3A_186] : memref<2x327680xi32, #tpu.memory_space<hbm>> -> memref<1x128xi32, #tpu.memory_space<hbm>>
            %dma_wait3A_188 = tpu.memref_squeeze %dma_wait3A_187 : memref<1x128xi32, #tpu.memory_space<hbm>> -> memref<128xi32, #tpu.memory_space<hbm>>
            tpu.wait_dma2 semaphore(%arg18 : memref<!tpu.dma_semaphore, #tpu.memory_space<semaphore_mem>>) src(%dma_wait3A_188 : memref<128xi32, #tpu.memory_space<hbm>>) dst(%arg7 : memref<128xi32, #tpu.memory_space<vmem>>)
            %dma_wait3A_189 = arith.constant 0 : i32
            %dma_wait3A_190 = arith.constant 0 : i32
            %dma_wait3A_191 = arith.constant 0 : i32
            %dma_wait3A_192 = tpu.memref_slice %arg4[%dma_wait3A_189, %dma_wait3A_190, %dma_wait3A_191] : memref<2560x1x128xi32, #tpu.memory_space<hbm>> -> memref<1x1x128xi32, #tpu.memory_space<hbm>>
            %dma_wait3A_193 = tpu.memref_squeeze %dma_wait3A_192 : memref<1x1x128xi32, #tpu.memory_space<hbm>> -> memref<1x128xi32, #tpu.memory_space<hbm>>
            %dma_wait3A_194 = arith.constant 0 : i32
            %dma_wait3A_195 = arith.constant 0 : i32
            %dma_wait3A_196 = tpu.memref_slice %arg4[%dma_wait3A_189, %dma_wait3A_194, %dma_wait3A_195] : memref<2560x1x128xi32, #tpu.memory_space<hbm>> -> memref<1x1x128xi32, #tpu.memory_space<hbm>>
            %dma_wait3A_197 = tpu.memref_squeeze %dma_wait3A_196 : memref<1x1x128xi32, #tpu.memory_space<hbm>> -> memref<1x128xi32, #tpu.memory_space<hbm>>
            tpu.wait_dma2 semaphore(%arg18 : memref<!tpu.dma_semaphore, #tpu.memory_space<semaphore_mem>>) src(%dma_wait3A_197 : memref<1x128xi32, #tpu.memory_space<hbm>>) dst(%arg10 : memref<1x128xi32, #tpu.memory_space<vmem>>)
            %ge3A = arith.constant 2 : i32
            %ge3A_198 = arith.cmpi sge, %scan3A_97, %ge3A : i32
            %convert_element_type3A_199 = arith.extui %ge3A_198 : i1 to i32
            %cond3A_200 = arith.constant 0 : i32
            %cond3A_201 = arith.cmpi ne, %convert_element_type3A_199, %cond3A_200 : i32
            scf.if %cond3A_201 {
              %dma_wait3A_205 = arith.constant 0 : i32
              %dma_wait3A_206 = arith.constant 0 : i32
              %dma_wait3A_207 = tpu.memref_slice %arg10[%dma_wait3A_205, %dma_wait3A_206] : memref<1x128xi32, #tpu.memory_space<vmem>> -> memref<1x128xi32, #tpu.memory_space<vmem>>
              %dma_wait3A_208 = tpu.memref_squeeze %dma_wait3A_207 : memref<1x128xi32, #tpu.memory_space<vmem>> -> memref<128xi32, #tpu.memory_space<vmem>>
              %dma_wait3A_209 = arith.constant 0 : i32
              %dma_wait3A_210 = arith.constant 0 : i32
              %dma_wait3A_211 = tpu.memref_slice %arg16[%dma_wait3A_209, %dma_wait3A_210] : memref<10112x128xf32, #tpu.memory_space<vmem_shared>> -> memref<10112x128xf32, #tpu.memory_space<vmem_shared>>
              tpu.wait_indirect_dma semaphore(%arg19 : memref<!tpu.dma_semaphore, #tpu.memory_space<semaphore_mem>>) src(%arg13 : memref<128x128xf32, #tpu.memory_space<vmem>>) dst(%dma_wait3A_211 : memref<10112x128xf32, #tpu.memory_space<vmem_shared>>)
            } else {
            }
            %dma_start3A_202 = arith.constant 0 : i32
            %dma_start3A_203 = arith.constant 0 : i32
            %dma_start3A_204 = tpu.memref_slice %arg2[%dma_start3A_202, %dma_start3A_203] : memref<20000x128xf32, #tpu.memory_space<hbm>> -> memref<20000x128xf32, #tpu.memory_space<hbm>>
            tpu.enqueue_indirect_dma source(%dma_start3A_204 : memref<20000x128xf32, #tpu.memory_space<hbm>>) target(%arg13 : memref<128x128xf32, #tpu.memory_space<vmem>>) offsets(%arg7 : memref<128xi32, #tpu.memory_space<vmem>>) semaphore(%arg17 : memref<!tpu.dma_semaphore, #tpu.memory_space<semaphore_mem>>)
          } else {
          }
          %add3A_168 = arith.constant 2 : i32
          %add3A_169 = arith.addi %scan3A_97, %add3A_168 : i32
          %lt3A_170 = arith.constant 8 : i32
          %lt3A_171 = arith.cmpi slt, %add3A_169, %lt3A_170 : i32
          %convert_element_type3A_172 = arith.extui %lt3A_171 : i1 to i32
          %cond3A_173 = arith.constant 0 : i32
          %cond3A_174 = arith.cmpi ne, %convert_element_type3A_172, %cond3A_173 : i32
          scf.if %cond3A_174 {
            %add3A_182 = arith.addi %add3A_22, %scan3A_97 : i32
            %add3A_183 = arith.constant 2 : i32
            %add3A_184 = arith.addi %add3A_182, %add3A_183 : i32
            %mul3A_185 = arith.constant 128 : i32
            %mul3A_186 = arith.muli %add3A_184, %mul3A_185 : i32
            %dma_start3A_187 = tpu.memref_slice %arg3[%arg0, %mul3A_186] : memref<2x327680xi32, #tpu.memory_space<hbm>> -> memref<1x128xi32, #tpu.memory_space<hbm>>
            %dma_start3A_188 = tpu.memref_squeeze %dma_start3A_187 : memref<1x128xi32, #tpu.memory_space<hbm>> -> memref<128xi32, #tpu.memory_space<hbm>>
            %dma_start3A_189 = tpu.memref_slice %arg3[%arg0, %mul3A_186] : memref<2x327680xi32, #tpu.memory_space<hbm>> -> memref<1x128xi32, #tpu.memory_space<hbm>>
            %dma_start3A_190 = tpu.memref_squeeze %dma_start3A_189 : memref<1x128xi32, #tpu.memory_space<hbm>> -> memref<128xi32, #tpu.memory_space<hbm>>
            tpu.enqueue_dma source(%dma_start3A_190 : memref<128xi32, #tpu.memory_space<hbm>>) target(%arg8 : memref<128xi32, #tpu.memory_space<vmem>>) target_semaphore(%arg18 : memref<!tpu.dma_semaphore, #tpu.memory_space<semaphore_mem>>)
            %dma_start3A_191 = arith.constant 0 : i32
            %dma_start3A_192 = arith.constant 0 : i32
            %dma_start3A_193 = tpu.memref_slice %arg4[%add3A_184, %dma_start3A_191, %dma_start3A_192] : memref<2560x1x128xi32, #tpu.memory_space<hbm>> -> memref<1x1x128xi32, #tpu.memory_space<hbm>>
            %dma_start3A_194 = tpu.memref_squeeze %dma_start3A_193 : memref<1x1x128xi32, #tpu.memory_space<hbm>> -> memref<1x128xi32, #tpu.memory_space<hbm>>
            %dma_start3A_195 = arith.constant 0 : i32
            %dma_start3A_196 = arith.constant 0 : i32
            %dma_start3A_197 = tpu.memref_slice %arg4[%add3A_184, %dma_start3A_195, %dma_start3A_196] : memref<2560x1x128xi32, #tpu.memory_space<hbm>> -> memref<1x1x128xi32, #tpu.memory_space<hbm>>
            %dma_start3A_198 = tpu.memref_squeeze %dma_start3A_197 : memref<1x1x128xi32, #tpu.memory_space<hbm>> -> memref<1x128xi32, #tpu.memory_space<hbm>>
            tpu.enqueue_dma source(%dma_start3A_198 : memref<1x128xi32, #tpu.memory_space<hbm>>) target(%arg11 : memref<1x128xi32, #tpu.memory_space<vmem>>) target_semaphore(%arg18 : memref<!tpu.dma_semaphore, #tpu.memory_space<semaphore_mem>>)
          } else {
          }
          %dma_start3A_175 = arith.constant 0 : i32
          %dma_start3A_176 = arith.constant 0 : i32
          %dma_start3A_177 = tpu.memref_slice %arg12[%dma_start3A_175, %dma_start3A_176] : memref<1x128xi32, #tpu.memory_space<vmem>> -> memref<1x128xi32, #tpu.memory_space<vmem>>
          %dma_start3A_178 = tpu.memref_squeeze %dma_start3A_177 : memref<1x128xi32, #tpu.memory_space<vmem>> -> memref<128xi32, #tpu.memory_space<vmem>>
          %dma_start3A_179 = arith.constant 0 : i32
          %dma_start3A_180 = arith.constant 0 : i32
          %dma_start3A_181 = tpu.memref_slice %arg16[%dma_start3A_179, %dma_start3A_180] : memref<10112x128xf32, #tpu.memory_space<vmem_shared>> -> memref<10112x128xf32, #tpu.memory_space<vmem_shared>>
          tpu.enqueue_indirect_dma source(%arg15 : memref<128x128xf32, #tpu.memory_space<vmem>>) target(%dma_start3A_181 : memref<10112x128xf32, #tpu.memory_space<vmem_shared>>) offsets(%dma_start3A_178 : memref<128xi32, #tpu.memory_space<vmem>>) semaphore(%arg19 : memref<!tpu.dma_semaphore, #tpu.memory_space<semaphore_mem>>) {add = true}
        } else {
        }
        %scan3A_157 = arith.constant 0 : i32
        scf.yield %scan3A_157 : i32
      }
      %scan3A_75 = arith.constant 8 : i32
      %dma_wait3A_76 = arith.constant 0 : i32
      %dma_wait3A_77 = arith.constant 0 : i32
      %dma_wait3A_78 = tpu.memref_slice %arg10[%dma_wait3A_76, %dma_wait3A_77] : memref<1x128xi32, #tpu.memory_space<vmem>> -> memref<1x128xi32, #tpu.memory_space<vmem>>
      %dma_wait3A_79 = tpu.memref_squeeze %dma_wait3A_78 : memref<1x128xi32, #tpu.memory_space<vmem>> -> memref<128xi32, #tpu.memory_space<vmem>>
      %dma_wait3A_80 = arith.constant 0 : i32
      %dma_wait3A_81 = arith.constant 0 : i32
      %dma_wait3A_82 = tpu.memref_slice %arg16[%dma_wait3A_80, %dma_wait3A_81] : memref<10112x128xf32, #tpu.memory_space<vmem_shared>> -> memref<10112x128xf32, #tpu.memory_space<vmem_shared>>
      tpu.wait_indirect_dma semaphore(%arg19 : memref<!tpu.dma_semaphore, #tpu.memory_space<semaphore_mem>>) src(%arg13 : memref<128x128xf32, #tpu.memory_space<vmem>>) dst(%dma_wait3A_82 : memref<10112x128xf32, #tpu.memory_space<vmem_shared>>)
      %dma_wait3A_83 = arith.constant 0 : i32
      %dma_wait3A_84 = arith.constant 0 : i32
      %dma_wait3A_85 = tpu.memref_slice %arg10[%dma_wait3A_83, %dma_wait3A_84] : memref<1x128xi32, #tpu.memory_space<vmem>> -> memref<1x128xi32, #tpu.memory_space<vmem>>
      %dma_wait3A_86 = tpu.memref_squeeze %dma_wait3A_85 : memref<1x128xi32, #tpu.memory_space<vmem>> -> memref<128xi32, #tpu.memory_space<vmem>>
      %dma_wait3A_87 = arith.constant 0 : i32
      %dma_wait3A_88 = arith.constant 0 : i32
      %dma_wait3A_89 = tpu.memref_slice %arg16[%dma_wait3A_87, %dma_wait3A_88] : memref<10112x128xf32, #tpu.memory_space<vmem_shared>> -> memref<10112x128xf32, #tpu.memory_space<vmem_shared>>
      tpu.wait_indirect_dma semaphore(%arg19 : memref<!tpu.dma_semaphore, #tpu.memory_space<semaphore_mem>>) src(%arg13 : memref<128x128xf32, #tpu.memory_space<vmem>>) dst(%dma_wait3A_89 : memref<10112x128xf32, #tpu.memory_space<vmem_shared>>)
      %dma_wait3A_90 = arith.constant 0 : i32
      %dma_wait3A_91 = arith.constant 0 : i32
      %dma_wait3A_92 = tpu.memref_slice %arg10[%dma_wait3A_90, %dma_wait3A_91] : memref<1x128xi32, #tpu.memory_space<vmem>> -> memref<1x128xi32, #tpu.memory_space<vmem>>
      %dma_wait3A_93 = tpu.memref_squeeze %dma_wait3A_92 : memref<1x128xi32, #tpu.memory_space<vmem>> -> memref<128xi32, #tpu.memory_space<vmem>>
      %dma_wait3A_94 = arith.constant 0 : i32
      %dma_wait3A_95 = arith.constant 0 : i32
      %dma_wait3A_96 = tpu.memref_slice %arg16[%dma_wait3A_94, %dma_wait3A_95] : memref<10112x128xf32, #tpu.memory_space<vmem_shared>> -> memref<10112x128xf32, #tpu.memory_space<vmem_shared>>
      tpu.wait_indirect_dma semaphore(%arg19 : memref<!tpu.dma_semaphore, #tpu.memory_space<semaphore_mem>>) src(%arg13 : memref<128x128xf32, #tpu.memory_space<vmem>>) dst(%dma_wait3A_96 : memref<10112x128xf32, #tpu.memory_space<vmem_shared>>)
    } else {
    }
    %barrier3A_10 = arith.constant 0 : index
    tpu.barrier barrier_id(%barrier3A_10)
    %lt3A = arith.constant 15 : i32
    %lt3A_11 = arith.cmpi slt, %arg1, %lt3A : i32
    %convert_element_type3A_12 = arith.extui %lt3A_11 : i1 to i32
    %cond3A_13 = arith.constant 0 : i32
    %cond3A_14 = arith.cmpi ne, %convert_element_type3A_12, %cond3A_13 : i32
    scf.if %cond3A_14 {
      %mul3A_20 = arith.constant 624 : i32
      %mul3A_21 = arith.muli %arg1, %mul3A_20 : i32
      %mul3A_22 = arith.constant 624 : i32
      %mul3A_23 = arith.muli %arg1, %mul3A_22 : i32
      "tpu.region"() ({
        %run_scoped3A = tpu.sem_alloc : memref<!tpu.dma_semaphore, #tpu.memory_space<semaphore_mem>>
        %dma_start3A = arith.constant 0 : i32
        %dma_start3A_24 = tpu.memref_slice %arg6[%arg0, %mul3A_23, %dma_start3A] : memref<2x10000x128xf32, #tpu.memory_space<hbm>> -> memref<1x624x128xf32, #tpu.memory_space<hbm>>
        %dma_start3A_25 = tpu.memref_squeeze %dma_start3A_24 : memref<1x624x128xf32, #tpu.memory_space<hbm>> -> memref<624x128xf32, #tpu.memory_space<hbm>>
        %dma_start3A_26 = arith.constant 0 : i32
        %dma_start3A_27 = tpu.memref_slice %arg16[%mul3A_21, %dma_start3A_26] : memref<10112x128xf32, #tpu.memory_space<vmem_shared>> -> memref<624x128xf32, #tpu.memory_space<vmem_shared>>
        tpu.enqueue_dma source(%dma_start3A_27 : memref<624x128xf32, #tpu.memory_space<vmem_shared>>) target(%dma_start3A_25 : memref<624x128xf32, #tpu.memory_space<hbm>>) target_semaphore(%run_scoped3A : memref<!tpu.dma_semaphore, #tpu.memory_space<semaphore_mem>>)
        %dma_wait3A = arith.constant 0 : i32
        %dma_wait3A_28 = tpu.memref_slice %arg6[%arg0, %mul3A_23, %dma_wait3A] : memref<2x10000x128xf32, #tpu.memory_space<hbm>> -> memref<1x624x128xf32, #tpu.memory_space<hbm>>
        %dma_wait3A_29 = tpu.memref_squeeze %dma_wait3A_28 : memref<1x624x128xf32, #tpu.memory_space<hbm>> -> memref<624x128xf32, #tpu.memory_space<hbm>>
        %dma_wait3A_30 = arith.constant 0 : i32
        %dma_wait3A_31 = tpu.memref_slice %arg16[%mul3A_21, %dma_wait3A_30] : memref<10112x128xf32, #tpu.memory_space<vmem_shared>> -> memref<624x128xf32, #tpu.memory_space<vmem_shared>>
        tpu.wait_dma2 semaphore(%run_scoped3A : memref<!tpu.dma_semaphore, #tpu.memory_space<semaphore_mem>>) src(%dma_wait3A_31 : memref<624x128xf32, #tpu.memory_space<vmem_shared>>) dst(%dma_wait3A_29 : memref<624x128xf32, #tpu.memory_space<hbm>>)
        tpu.yield
      }) : () -> ()
    } else {
    }
    %eq3A_15 = arith.constant 15 : i32
    %eq3A_16 = arith.cmpi eq, %arg1, %eq3A_15 : i32
    %convert_element_type3A_17 = arith.extui %eq3A_16 : i1 to i32
    %cond3A_18 = arith.constant 0 : i32
    %cond3A_19 = arith.cmpi ne, %convert_element_type3A_17, %cond3A_18 : i32
    scf.if %cond3A_19 {
      "tpu.region"() ({
        %run_scoped3A = tpu.sem_alloc : memref<!tpu.dma_semaphore, #tpu.memory_space<semaphore_mem>>
        %dma_start3A = arith.constant 9360 : i32
        %dma_start3A_20 = arith.constant 0 : i32
        %dma_start3A_21 = tpu.memref_slice %arg6[%arg0, %dma_start3A, %dma_start3A_20] : memref<2x10000x128xf32, #tpu.memory_space<hbm>> -> memref<1x640x128xf32, #tpu.memory_space<hbm>>
        %dma_start3A_22 = tpu.memref_squeeze %dma_start3A_21 : memref<1x640x128xf32, #tpu.memory_space<hbm>> -> memref<640x128xf32, #tpu.memory_space<hbm>>
        %dma_start3A_23 = arith.constant 9360 : i32
        %dma_start3A_24 = arith.constant 0 : i32
        %dma_start3A_25 = tpu.memref_slice %arg16[%dma_start3A_23, %dma_start3A_24] : memref<10112x128xf32, #tpu.memory_space<vmem_shared>> -> memref<640x128xf32, #tpu.memory_space<vmem_shared>>
        tpu.enqueue_dma source(%dma_start3A_25 : memref<640x128xf32, #tpu.memory_space<vmem_shared>>) target(%dma_start3A_22 : memref<640x128xf32, #tpu.memory_space<hbm>>) target_semaphore(%run_scoped3A : memref<!tpu.dma_semaphore, #tpu.memory_space<semaphore_mem>>)
        %dma_wait3A = arith.constant 9360 : i32
        %dma_wait3A_26 = arith.constant 0 : i32
        %dma_wait3A_27 = tpu.memref_slice %arg6[%arg0, %dma_wait3A, %dma_wait3A_26] : memref<2x10000x128xf32, #tpu.memory_space<hbm>> -> memref<1x640x128xf32, #tpu.memory_space<hbm>>
        %dma_wait3A_28 = tpu.memref_squeeze %dma_wait3A_27 : memref<1x640x128xf32, #tpu.memory_space<hbm>> -> memref<640x128xf32, #tpu.memory_space<hbm>>
        %dma_wait3A_29 = arith.constant 9360 : i32
        %dma_wait3A_30 = arith.constant 0 : i32
        %dma_wait3A_31 = tpu.memref_slice %arg16[%dma_wait3A_29, %dma_wait3A_30] : memref<10112x128xf32, #tpu.memory_space<vmem_shared>> -> memref<640x128xf32, #tpu.memory_space<vmem_shared>>
        tpu.wait_dma2 semaphore(%run_scoped3A : memref<!tpu.dma_semaphore, #tpu.memory_space<semaphore_mem>>) src(%dma_wait3A_31 : memref<640x128xf32, #tpu.memory_space<vmem_shared>>) dst(%dma_wait3A_28 : memref<640x128xf32, #tpu.memory_space<hbm>>)
        tpu.yield
      }) : () -> ()
    } else {
    }
    return
  }
}

module attributes {stable_mosaic.version = 14 : i64} {
  func.func @body(%arg0: i32, %arg1: memref<1000x128xf32, #tpu.memory_space<vmem>>, %arg2: memref<128x128xf32, #tpu.memory_space<vmem>>, %arg3: memref<2x1000x1xf32, #tpu.memory_space<vmem>>, %arg4: memref<2x1000x128xf32, #tpu.memory_space<vmem>>) attributes {dimension_semantics = [#tpu.dimension_semantics<arbitrary>], iteration_bounds = array<i64: 10>, scalar_prefetch = 0 : i64, scratch_operands = 0 : i64, tpu.core_type = #tpu.core_type<tc>, window_params = [{transform_indices = @transform_0, window_bounds = array<i64: 1000, 128>}, {pipeline_mode = #tpu.pipeline_mode<synchronous>, transform_indices = @transform_1, window_bounds = array<i64: 128, 128>}, {transform_indices = @transform_2, window_bounds = array<i64: 2, 1000, 1>}, {transform_indices = @transform_3, window_bounds = array<i64: 2, 1000, 128>}]} {
    %get3A = arith.constant 0 : index
    %get3A_0 = arith.constant 0 : index
    %get3A_1 = arith.constant 0 : index
    %get3A_2 = vector.load %arg3[%get3A, %get3A_0, %get3A_1] : memref<2x1000x1xf32, #tpu.memory_space<vmem>>, vector<1x1000x1xf32>
    %get3A_3 = vector.shape_cast %get3A_2 : vector<1x1000x1xf32> to vector<1000x1xf32>
    %get3A_4 = arith.constant 1 : index
    %get3A_5 = arith.constant 0 : index
    %get3A_6 = arith.constant 0 : index
    %get3A_7 = vector.load %arg3[%get3A_4, %get3A_5, %get3A_6] : memref<2x1000x1xf32, #tpu.memory_space<vmem>>, vector<1x1000x1xf32>
    %get3A_8 = vector.shape_cast %get3A_7 : vector<1x1000x1xf32> to vector<1000x1xf32>
    %add3A = arith.addf %get3A_3, %get3A_8 : vector<1000x1xf32>
    %add3A_9 = arith.constant 1.000000e+00 : f32
    %add3A_10 = vector.broadcast %add3A_9 : f32 to vector<1000x1xf32>
    %add3A_11 = arith.addf %add3A, %add3A_10 : vector<1000x1xf32>
    %rsqrt3A = math.rsqrt %add3A_11 : vector<1000x1xf32>
    %get3A_12 = arith.constant 0 : index
    %get3A_13 = arith.constant 0 : index
    %get3A_14 = vector.load %arg1[%get3A_12, %get3A_13] : memref<1000x128xf32, #tpu.memory_space<vmem>>, vector<1000x128xf32>
    %get3A_15 = arith.constant 0 : index
    %get3A_16 = arith.constant 0 : index
    %get3A_17 = vector.load %arg2[%get3A_15, %get3A_16] : memref<128x128xf32, #tpu.memory_space<vmem>>, vector<128x128xf32>
    %dot_general3A = arith.constant dense<0.000000e+00> : vector<1000x128xf32>
    %dot_general3A_18 = tpu.matmul %get3A_14, %get3A_17, %dot_general3A {dimension_numbers = #tpu.dot_dimension_numbers<[1], [0], [0], [1], [0, 0, 1, 1], [], []>, transpose_lhs_hint = false} : vector<1000x128xf32>, vector<128x128xf32>, vector<1000x128xf32> -> vector<1000x128xf32>
    %mul3A = vector.broadcast %rsqrt3A : vector<1000x1xf32> to vector<1000x128xf32>
    %mul3A_19 = arith.mulf %dot_general3A_18, %mul3A : vector<1000x128xf32>
    %swap3A = arith.constant 0 : index
    %swap3A_20 = arith.constant 0 : index
    %swap3A_21 = arith.constant 0 : index
    %swap3A_22 = vector.load %arg4[%swap3A, %swap3A_20, %swap3A_21] : memref<2x1000x128xf32, #tpu.memory_space<vmem>>, vector<1x1000x128xf32>
    %swap3A_23 = vector.shape_cast %swap3A_22 : vector<1x1000x128xf32> to vector<1000x128xf32>
    %swap3A_24 = vector.shape_cast %mul3A_19 : vector<1000x128xf32> to vector<1x1000x128xf32>
    tpu.vector_store %arg4[%swap3A, %swap3A_20, %swap3A_21], %swap3A_24 {strides = array<i32>} : memref<2x1000x128xf32, #tpu.memory_space<vmem>>, vector<1x1000x128xf32>,
    %swap3A_25 = arith.constant 1 : index
    %swap3A_26 = arith.constant 0 : index
    %swap3A_27 = arith.constant 0 : index
    %swap3A_28 = vector.load %arg4[%swap3A_25, %swap3A_26, %swap3A_27] : memref<2x1000x128xf32, #tpu.memory_space<vmem>>, vector<1x1000x128xf32>
    %swap3A_29 = vector.shape_cast %swap3A_28 : vector<1x1000x128xf32> to vector<1000x128xf32>
    %swap3A_30 = vector.shape_cast %mul3A_19 : vector<1000x128xf32> to vector<1x1000x128xf32>
    tpu.vector_store %arg4[%swap3A_25, %swap3A_26, %swap3A_27], %swap3A_30 {strides = array<i32>} : memref<2x1000x128xf32, #tpu.memory_space<vmem>>, vector<1x1000x128xf32>,
    return
  }
  func.func @transform_0(%arg0: i32) -> (i32, i32) {
    %c0_i32 = arith.constant 0 : i32
    %c0_i32_0 = arith.constant 0 : i32
    return %arg0, %c0_i32 : i32, i32
  }
  func.func @transform_1(%arg0: i32) -> (i32, i32) {
    %c0_i32 = arith.constant 0 : i32
    %c0_i32_0 = arith.constant 0 : i32
    %c0_i32_1 = arith.constant 0 : i32
    return %c0_i32, %c0_i32_0 : i32, i32
  }
  func.func @transform_2(%arg0: i32) -> (i32, i32, i32) {
    %c0_i32 = arith.constant 0 : i32
    %c0_i32_0 = arith.constant 0 : i32
    %c0_i32_1 = arith.constant 0 : i32
    return %c0_i32, %arg0, %c0_i32_0 : i32, i32, i32
  }
  func.func @transform_3(%arg0: i32) -> (i32, i32, i32) {
    %c0_i32 = arith.constant 0 : i32
    %c0_i32_0 = arith.constant 0 : i32
    %c0_i32_1 = arith.constant 0 : i32
    return %c0_i32, %arg0, %c0_i32_0 : i32, i32, i32
  }
}

module attributes {stable_mosaic.version = 14 : i64} {
  func.func @body(%arg0: i32, %arg1: memref<2x1000x128xf32, #tpu.memory_space<vmem>>, %arg2: memref<2x1000x128xf32, #tpu.memory_space<vmem>>, %arg3: memref<2x1000x1xf32, #tpu.memory_space<vmem>>, %arg4: memref<1x128xf32, #tpu.memory_space<vmem>>, %arg5: memref<128x128xf32, #tpu.memory_space<vmem>>, %arg6: memref<2x1000x128xf32, #tpu.memory_space<vmem>>) attributes {dimension_semantics = [#tpu.dimension_semantics<arbitrary>], iteration_bounds = array<i64: 10>, scalar_prefetch = 0 : i64, scratch_operands = 0 : i64, tpu.core_type = #tpu.core_type<tc>, window_params = [{transform_indices = @transform_0, window_bounds = array<i64: 2, 1000, 128>}, {transform_indices = @transform_1, window_bounds = array<i64: 2, 1000, 128>}, {transform_indices = @transform_2, window_bounds = array<i64: 2, 1000, 1>}, {pipeline_mode = #tpu.pipeline_mode<synchronous>, transform_indices = @transform_3, window_bounds = array<i64: 1, 128>}, {pipeline_mode = #tpu.pipeline_mode<synchronous>, transform_indices = @transform_4, window_bounds = array<i64: 128, 128>}, {transform_indices = @transform_5, window_bounds = array<i64: 2, 1000, 128>}]} {
    %get3A = arith.constant 0 : index
    %get3A_0 = arith.constant 0 : index
    %get3A_1 = arith.constant 0 : index
    %get3A_2 = vector.load %arg3[%get3A, %get3A_0, %get3A_1] : memref<2x1000x1xf32, #tpu.memory_space<vmem>>, vector<1x1000x1xf32>
    %get3A_3 = vector.shape_cast %get3A_2 : vector<1x1000x1xf32> to vector<1000x1xf32>
    %get3A_4 = arith.constant 1 : index
    %get3A_5 = arith.constant 0 : index
    %get3A_6 = arith.constant 0 : index
    %get3A_7 = vector.load %arg3[%get3A_4, %get3A_5, %get3A_6] : memref<2x1000x1xf32, #tpu.memory_space<vmem>>, vector<1x1000x1xf32>
    %get3A_8 = vector.shape_cast %get3A_7 : vector<1x1000x1xf32> to vector<1000x1xf32>
    %add3A = arith.addf %get3A_3, %get3A_8 : vector<1000x1xf32>
    %add3A_9 = arith.constant 1.000000e+00 : f32
    %add3A_10 = vector.broadcast %add3A_9 : f32 to vector<1000x1xf32>
    %add3A_11 = arith.addf %add3A, %add3A_10 : vector<1000x1xf32>
    %rsqrt3A = math.rsqrt %add3A_11 : vector<1000x1xf32>
    %get3A_12 = arith.constant 0 : index
    %get3A_13 = arith.constant 0 : index
    %get3A_14 = arith.constant 0 : index
    %get3A_15 = vector.load %arg1[%get3A_12, %get3A_13, %get3A_14] : memref<2x1000x128xf32, #tpu.memory_space<vmem>>, vector<1x1000x128xf32>
    %get3A_16 = vector.shape_cast %get3A_15 : vector<1x1000x128xf32> to vector<1000x128xf32>
    %get3A_17 = arith.constant 1 : index
    %get3A_18 = arith.constant 0 : index
    %get3A_19 = arith.constant 0 : index
    %get3A_20 = vector.load %arg1[%get3A_17, %get3A_18, %get3A_19] : memref<2x1000x128xf32, #tpu.memory_space<vmem>>, vector<1x1000x128xf32>
    %get3A_21 = vector.shape_cast %get3A_20 : vector<1x1000x128xf32> to vector<1000x128xf32>
    %add3A_22 = arith.addf %get3A_16, %get3A_21 : vector<1000x128xf32>
    %get3A_23 = arith.constant 0 : index
    %get3A_24 = arith.constant 0 : index
    %get3A_25 = arith.constant 0 : index
    %get3A_26 = vector.load %arg2[%get3A_23, %get3A_24, %get3A_25] : memref<2x1000x128xf32, #tpu.memory_space<vmem>>, vector<1x1000x128xf32>
    %get3A_27 = vector.shape_cast %get3A_26 : vector<1x1000x128xf32> to vector<1000x128xf32>
    %add3A_28 = arith.addf %add3A_22, %get3A_27 : vector<1000x128xf32>
    %mul3A = vector.broadcast %rsqrt3A : vector<1000x1xf32> to vector<1000x128xf32>
    %mul3A_29 = arith.mulf %add3A_28, %mul3A : vector<1000x128xf32>
    %get3A_30 = arith.constant 0 : index
    %get3A_31 = arith.constant 0 : index
    %get3A_32 = vector.load %arg4[%get3A_30, %get3A_31] : memref<1x128xf32, #tpu.memory_space<vmem>>, vector<1x128xf32>
    %add3A_33 = vector.broadcast %get3A_32 : vector<1x128xf32> to vector<1000x128xf32>
    %add3A_34 = arith.addf %mul3A_29, %add3A_33 : vector<1000x128xf32>
    %max3A = arith.constant 0.000000e+00 : f32
    %max3A_35 = vector.broadcast %max3A : f32 to vector<1000x128xf32>
    %max3A_36 = arith.maximumf %add3A_34, %max3A_35 : vector<1000x128xf32>
    %get3A_37 = arith.constant 0 : index
    %get3A_38 = arith.constant 0 : index
    %get3A_39 = vector.load %arg5[%get3A_37, %get3A_38] : memref<128x128xf32, #tpu.memory_space<vmem>>, vector<128x128xf32>
    %dot_general3A = arith.constant dense<0.000000e+00> : vector<1000x128xf32>
    %dot_general3A_40 = tpu.matmul %max3A_36, %get3A_39, %dot_general3A {dimension_numbers = #tpu.dot_dimension_numbers<[1], [0], [0], [1], [0, 0, 1, 1], [], []>, transpose_lhs_hint = false} : vector<1000x128xf32>, vector<128x128xf32>, vector<1000x128xf32> -> vector<1000x128xf32>
    %mul3A_41 = vector.broadcast %rsqrt3A : vector<1000x1xf32> to vector<1000x128xf32>
    %mul3A_42 = arith.mulf %dot_general3A_40, %mul3A_41 : vector<1000x128xf32>
    %swap3A = arith.constant 0 : index
    %swap3A_43 = arith.constant 0 : index
    %swap3A_44 = arith.constant 0 : index
    %swap3A_45 = vector.load %arg6[%swap3A, %swap3A_43, %swap3A_44] : memref<2x1000x128xf32, #tpu.memory_space<vmem>>, vector<1x1000x128xf32>
    %swap3A_46 = vector.shape_cast %swap3A_45 : vector<1x1000x128xf32> to vector<1000x128xf32>
    %swap3A_47 = vector.shape_cast %mul3A_42 : vector<1000x128xf32> to vector<1x1000x128xf32>
    tpu.vector_store %arg6[%swap3A, %swap3A_43, %swap3A_44], %swap3A_47 {strides = array<i32>} : memref<2x1000x128xf32, #tpu.memory_space<vmem>>, vector<1x1000x128xf32>,
    %swap3A_48 = arith.constant 1 : index
    %swap3A_49 = arith.constant 0 : index
    %swap3A_50 = arith.constant 0 : index
    %swap3A_51 = vector.load %arg6[%swap3A_48, %swap3A_49, %swap3A_50] : memref<2x1000x128xf32, #tpu.memory_space<vmem>>, vector<1x1000x128xf32>
    %swap3A_52 = vector.shape_cast %swap3A_51 : vector<1x1000x128xf32> to vector<1000x128xf32>
    %swap3A_53 = vector.shape_cast %mul3A_42 : vector<1000x128xf32> to vector<1x1000x128xf32>
    tpu.vector_store %arg6[%swap3A_48, %swap3A_49, %swap3A_50], %swap3A_53 {strides = array<i32>} : memref<2x1000x128xf32, #tpu.memory_space<vmem>>, vector<1x1000x128xf32>,
    return
  }
  func.func @transform_0(%arg0: i32) -> (i32, i32, i32) {
    %c0_i32 = arith.constant 0 : i32
    %c0_i32_0 = arith.constant 0 : i32
    %c0_i32_1 = arith.constant 0 : i32
    return %c0_i32, %arg0, %c0_i32_0 : i32, i32, i32
  }
  func.func @transform_1(%arg0: i32) -> (i32, i32, i32) {
    %c0_i32 = arith.constant 0 : i32
    %c0_i32_0 = arith.constant 0 : i32
    %c0_i32_1 = arith.constant 0 : i32
    return %c0_i32, %arg0, %c0_i32_0 : i32, i32, i32
  }
  func.func @transform_2(%arg0: i32) -> (i32, i32, i32) {
    %c0_i32 = arith.constant 0 : i32
    %c0_i32_0 = arith.constant 0 : i32
    %c0_i32_1 = arith.constant 0 : i32
    return %c0_i32, %arg0, %c0_i32_0 : i32, i32, i32
  }
  func.func @transform_3(%arg0: i32) -> (i32, i32) {
    %c0_i32 = arith.constant 0 : i32
    %c0_i32_0 = arith.constant 0 : i32
    %c0_i32_1 = arith.constant 0 : i32
    return %c0_i32, %c0_i32_0 : i32, i32
  }
  func.func @transform_4(%arg0: i32) -> (i32, i32) {
    %c0_i32 = arith.constant 0 : i32
    %c0_i32_0 = arith.constant 0 : i32
    %c0_i32_1 = arith.constant 0 : i32
    return %c0_i32, %c0_i32_0 : i32, i32
  }
  func.func @transform_5(%arg0: i32) -> (i32, i32, i32) {
    %c0_i32 = arith.constant 0 : i32
    %c0_i32_0 = arith.constant 0 : i32
    %c0_i32_1 = arith.constant 0 : i32
    return %c0_i32, %arg0, %c0_i32_0 : i32, i32, i32
  }
}

module attributes {stable_mosaic.version = 14 : i64} {
  func.func @body(%arg0: i32, %arg1: memref<2x1000x128xf32, #tpu.memory_space<vmem>>, %arg2: memref<2x1000x128xf32, #tpu.memory_space<vmem>>, %arg3: memref<2x1000x1xf32, #tpu.memory_space<vmem>>, %arg4: memref<1x128xf32, #tpu.memory_space<vmem>>, %arg5: memref<128x128xf32, #tpu.memory_space<vmem>>, %arg6: memref<128x128xf32, #tpu.memory_space<vmem>>, %arg7: memref<1x128xf32, #tpu.memory_space<vmem>>, %arg8: memref<1x128xf32, #tpu.memory_space<vmem>>, %arg9: memref<1x128xf32, #tpu.memory_space<vmem>>, %arg10: memref<1x128xf32, #tpu.memory_space<vmem>>) attributes {dimension_semantics = [#tpu.dimension_semantics<arbitrary>], iteration_bounds = array<i64: 10>, scalar_prefetch = 0 : i64, scratch_operands = 2 : i64, tpu.core_type = #tpu.core_type<tc>, window_params = [{transform_indices = @transform_0, window_bounds = array<i64: 2, 1000, 128>}, {transform_indices = @transform_1, window_bounds = array<i64: 2, 1000, 128>}, {transform_indices = @transform_2, window_bounds = array<i64: 2, 1000, 1>}, {pipeline_mode = #tpu.pipeline_mode<synchronous>, transform_indices = @transform_3, window_bounds = array<i64: 1, 128>}, {pipeline_mode = #tpu.pipeline_mode<synchronous>, transform_indices = @transform_4, window_bounds = array<i64: 128, 128>}, {pipeline_mode = #tpu.pipeline_mode<synchronous>, transform_indices = @transform_5, window_bounds = array<i64: 128, 128>}, {pipeline_mode = #tpu.pipeline_mode<synchronous>, transform_indices = @transform_6, window_bounds = array<i64: 1, 128>}, {pipeline_mode = #tpu.pipeline_mode<synchronous>, transform_indices = @transform_7, window_bounds = array<i64: 1, 128>}]} {
    %get3A = arith.constant 0 : index
    %get3A_0 = arith.constant 0 : index
    %get3A_1 = arith.constant 0 : index
    %get3A_2 = vector.load %arg3[%get3A, %get3A_0, %get3A_1] : memref<2x1000x1xf32, #tpu.memory_space<vmem>>, vector<1x1000x1xf32>
    %get3A_3 = vector.shape_cast %get3A_2 : vector<1x1000x1xf32> to vector<1000x1xf32>
    %get3A_4 = arith.constant 1 : index
    %get3A_5 = arith.constant 0 : index
    %get3A_6 = arith.constant 0 : index
    %get3A_7 = vector.load %arg3[%get3A_4, %get3A_5, %get3A_6] : memref<2x1000x1xf32, #tpu.memory_space<vmem>>, vector<1x1000x1xf32>
    %get3A_8 = vector.shape_cast %get3A_7 : vector<1x1000x1xf32> to vector<1000x1xf32>
    %add3A = arith.addf %get3A_3, %get3A_8 : vector<1000x1xf32>
    %add3A_9 = arith.constant 1.000000e+00 : f32
    %add3A_10 = vector.broadcast %add3A_9 : f32 to vector<1000x1xf32>
    %add3A_11 = arith.addf %add3A, %add3A_10 : vector<1000x1xf32>
    %rsqrt3A = math.rsqrt %add3A_11 : vector<1000x1xf32>
    %get3A_12 = arith.constant 0 : index
    %get3A_13 = arith.constant 0 : index
    %get3A_14 = arith.constant 0 : index
    %get3A_15 = vector.load %arg1[%get3A_12, %get3A_13, %get3A_14] : memref<2x1000x128xf32, #tpu.memory_space<vmem>>, vector<1x1000x128xf32>
    %get3A_16 = vector.shape_cast %get3A_15 : vector<1x1000x128xf32> to vector<1000x128xf32>
    %get3A_17 = arith.constant 1 : index
    %get3A_18 = arith.constant 0 : index
    %get3A_19 = arith.constant 0 : index
    %get3A_20 = vector.load %arg1[%get3A_17, %get3A_18, %get3A_19] : memref<2x1000x128xf32, #tpu.memory_space<vmem>>, vector<1x1000x128xf32>
    %get3A_21 = vector.shape_cast %get3A_20 : vector<1x1000x128xf32> to vector<1000x128xf32>
    %add3A_22 = arith.addf %get3A_16, %get3A_21 : vector<1000x128xf32>
    %get3A_23 = arith.constant 0 : index
    %get3A_24 = arith.constant 0 : index
    %get3A_25 = arith.constant 0 : index
    %get3A_26 = vector.load %arg2[%get3A_23, %get3A_24, %get3A_25] : memref<2x1000x128xf32, #tpu.memory_space<vmem>>, vector<1x1000x128xf32>
    %get3A_27 = vector.shape_cast %get3A_26 : vector<1x1000x128xf32> to vector<1000x128xf32>
    %add3A_28 = arith.addf %add3A_22, %get3A_27 : vector<1000x128xf32>
    %mul3A = vector.broadcast %rsqrt3A : vector<1000x1xf32> to vector<1000x128xf32>
    %mul3A_29 = arith.mulf %add3A_28, %mul3A : vector<1000x128xf32>
    %get3A_30 = arith.constant 0 : index
    %get3A_31 = arith.constant 0 : index
    %get3A_32 = vector.load %arg4[%get3A_30, %get3A_31] : memref<1x128xf32, #tpu.memory_space<vmem>>, vector<1x128xf32>
    %add3A_33 = vector.broadcast %get3A_32 : vector<1x128xf32> to vector<1000x128xf32>
    %add3A_34 = arith.addf %mul3A_29, %add3A_33 : vector<1000x128xf32>
    %max3A = arith.constant 0.000000e+00 : f32
    %max3A_35 = vector.broadcast %max3A : f32 to vector<1000x128xf32>
    %max3A_36 = arith.maximumf %add3A_34, %max3A_35 : vector<1000x128xf32>
    %reduce_sum3A = arith.constant dense<0.000000e+00> : vector<128xf32>
    %reduce_sum3A_37 = vector.multi_reduction <add>, %max3A_36, %reduce_sum3A [0] : vector<1000x128xf32> to vector<128xf32>
    %broadcast_in_dim3A = vector.shape_cast %reduce_sum3A_37 : vector<128xf32> to vector<1x128xf32>
    %reduce_max3A = arith.constant dense<0xFF800000> : vector<128xf32>
    %reduce_max3A_38 = vector.multi_reduction <maximumf>, %max3A_36, %reduce_max3A [0] : vector<1000x128xf32> to vector<128xf32>
    %broadcast_in_dim3A_39 = vector.shape_cast %reduce_max3A_38 : vector<128xf32> to vector<1x128xf32>
    %eq3A = arith.constant 0 : i32
    %eq3A_40 = arith.cmpi eq, %arg0, %eq3A : i32
    %convert_element_type3A = arith.extui %eq3A_40 : i1 to i32
    %cond3A = arith.constant 0 : i32
    %cond3A_41 = arith.cmpi ne, %convert_element_type3A, %cond3A : i32
    scf.if %cond3A_41 {
      %swap3A = arith.constant 0 : index
      %swap3A_51 = arith.constant 0 : index
      %swap3A_52 = vector.load %arg9[%swap3A, %swap3A_51] : memref<1x128xf32, #tpu.memory_space<vmem>>, vector<1x128xf32>
      tpu.vector_store %arg9[%swap3A, %swap3A_51], %broadcast_in_dim3A {strides = array<i32>} : memref<1x128xf32, #tpu.memory_space<vmem>>, vector<1x128xf32>,
      %swap3A_53 = arith.constant 0 : index
      %swap3A_54 = arith.constant 0 : index
      %swap3A_55 = vector.load %arg10[%swap3A_53, %swap3A_54] : memref<1x128xf32, #tpu.memory_space<vmem>>, vector<1x128xf32>
      tpu.vector_store %arg10[%swap3A_53, %swap3A_54], %broadcast_in_dim3A_39 {strides = array<i32>} : memref<1x128xf32, #tpu.memory_space<vmem>>, vector<1x128xf32>,
    } else {
    }
    %gt3A = arith.constant 0 : i32
    %gt3A_42 = arith.cmpi sgt, %arg0, %gt3A : i32
    %convert_element_type3A_43 = arith.extui %gt3A_42 : i1 to i32
    %cond3A_44 = arith.constant 0 : i32
    %cond3A_45 = arith.cmpi ne, %convert_element_type3A_43, %cond3A_44 : i32
    scf.if %cond3A_45 {
      %get3A_51 = arith.constant 0 : index
      %get3A_52 = arith.constant 0 : index
      %get3A_53 = vector.load %arg9[%get3A_51, %get3A_52] : memref<1x128xf32, #tpu.memory_space<vmem>>, vector<1x128xf32>
      %add3A_54 = arith.addf %get3A_53, %broadcast_in_dim3A : vector<1x128xf32>
      %swap3A = arith.constant 0 : index
      %swap3A_55 = arith.constant 0 : index
      %swap3A_56 = vector.load %arg9[%swap3A, %swap3A_55] : memref<1x128xf32, #tpu.memory_space<vmem>>, vector<1x128xf32>
      tpu.vector_store %arg9[%swap3A, %swap3A_55], %add3A_54 {strides = array<i32>} : memref<1x128xf32, #tpu.memory_space<vmem>>, vector<1x128xf32>,
      %get3A_57 = arith.constant 0 : index
      %get3A_58 = arith.constant 0 : index
      %get3A_59 = vector.load %arg10[%get3A_57, %get3A_58] : memref<1x128xf32, #tpu.memory_space<vmem>>, vector<1x128xf32>
      %max3A_60 = arith.maximumf %get3A_59, %broadcast_in_dim3A_39 : vector<1x128xf32>
      %swap3A_61 = arith.constant 0 : index
      %swap3A_62 = arith.constant 0 : index
      %swap3A_63 = vector.load %arg10[%swap3A_61, %swap3A_62] : memref<1x128xf32, #tpu.memory_space<vmem>>, vector<1x128xf32>
      tpu.vector_store %arg10[%swap3A_61, %swap3A_62], %max3A_60 {strides = array<i32>} : memref<1x128xf32, #tpu.memory_space<vmem>>, vector<1x128xf32>,
    } else {
    }
    %eq3A_46 = arith.constant 9 : i32
    %eq3A_47 = arith.cmpi eq, %arg0, %eq3A_46 : i32
    %convert_element_type3A_48 = arith.extui %eq3A_47 : i1 to i32
    %cond3A_49 = arith.constant 0 : i32
    %cond3A_50 = arith.cmpi ne, %convert_element_type3A_48, %cond3A_49 : i32
    scf.if %cond3A_50 {
      %get3A_51 = arith.constant 0 : index
      %get3A_52 = arith.constant 0 : index
      %get3A_53 = vector.load %arg9[%get3A_51, %get3A_52] : memref<1x128xf32, #tpu.memory_space<vmem>>, vector<1x128xf32>
      %mul3A_54 = arith.constant 9.99999974E-5 : f32
      %mul3A_55 = vector.broadcast %mul3A_54 : f32 to vector<1x128xf32>
      %mul3A_56 = arith.mulf %get3A_53, %mul3A_55 : vector<1x128xf32>
      %get3A_57 = arith.constant 0 : index
      %get3A_58 = arith.constant 0 : index
      %get3A_59 = vector.load %arg5[%get3A_57, %get3A_58] : memref<128x128xf32, #tpu.memory_space<vmem>>, vector<128x128xf32>
      %dot_general3A = arith.constant dense<0.000000e+00> : vector<1x128xf32>
      %dot_general3A_60 = tpu.matmul %mul3A_56, %get3A_59, %dot_general3A {dimension_numbers = #tpu.dot_dimension_numbers<[1], [0], [0], [1], [0, 0, 1, 1], [], []>, transpose_lhs_hint = false} : vector<1x128xf32>, vector<128x128xf32>, vector<1x128xf32> -> vector<1x128xf32>
      %get3A_61 = arith.constant 0 : index
      %get3A_62 = arith.constant 0 : index
      %get3A_63 = vector.load %arg10[%get3A_61, %get3A_62] : memref<1x128xf32, #tpu.memory_space<vmem>>, vector<1x128xf32>
      %get3A_64 = arith.constant 0 : index
      %get3A_65 = arith.constant 0 : index
      %get3A_66 = vector.load %arg6[%get3A_64, %get3A_65] : memref<128x128xf32, #tpu.memory_space<vmem>>, vector<128x128xf32>
      %dot_general3A_67 = arith.constant dense<0.000000e+00> : vector<1x128xf32>
      %dot_general3A_68 = tpu.matmul %get3A_63, %get3A_66, %dot_general3A_67 {dimension_numbers = #tpu.dot_dimension_numbers<[1], [0], [0], [1], [0, 0, 1, 1], [], []>, transpose_lhs_hint = false} : vector<1x128xf32>, vector<128x128xf32>, vector<1x128xf32> -> vector<1x128xf32>
      %add3A_69 = arith.addf %dot_general3A_60, %dot_general3A_68 : vector<1x128xf32>
      %get3A_70 = arith.constant 0 : index
      %get3A_71 = arith.constant 0 : index
      %get3A_72 = vector.load %arg7[%get3A_70, %get3A_71] : memref<1x128xf32, #tpu.memory_space<vmem>>, vector<1x128xf32>
      %add3A_73 = arith.addf %add3A_69, %get3A_72 : vector<1x128xf32>
      %swap3A = arith.constant 0 : index
      %swap3A_74 = arith.constant 0 : index
      %swap3A_75 = vector.load %arg8[%swap3A, %swap3A_74] : memref<1x128xf32, #tpu.memory_space<vmem>>, vector<1x128xf32>
      tpu.vector_store %arg8[%swap3A, %swap3A_74], %add3A_73 {strides = array<i32>} : memref<1x128xf32, #tpu.memory_space<vmem>>, vector<1x128xf32>,
    } else {
    }
    return
  }
  func.func @transform_0(%arg0: i32) -> (i32, i32, i32) {
    %c0_i32 = arith.constant 0 : i32
    %c0_i32_0 = arith.constant 0 : i32
    %c0_i32_1 = arith.constant 0 : i32
    return %c0_i32, %arg0, %c0_i32_0 : i32, i32, i32
  }
  func.func @transform_1(%arg0: i32) -> (i32, i32, i32) {
    %c0_i32 = arith.constant 0 : i32
    %c0_i32_0 = arith.constant 0 : i32
    %c0_i32_1 = arith.constant 0 : i32
    return %c0_i32, %arg0, %c0_i32_0 : i32, i32, i32
  }
  func.func @transform_2(%arg0: i32) -> (i32, i32, i32) {
    %c0_i32 = arith.constant 0 : i32
    %c0_i32_0 = arith.constant 0 : i32
    %c0_i32_1 = arith.constant 0 : i32
    return %c0_i32, %arg0, %c0_i32_0 : i32, i32, i32
  }
  func.func @transform_3(%arg0: i32) -> (i32, i32) {
    %c0_i32 = arith.constant 0 : i32
    %c0_i32_0 = arith.constant 0 : i32
    %c0_i32_1 = arith.constant 0 : i32
    return %c0_i32, %c0_i32_0 : i32, i32
  }
  func.func @transform_4(%arg0: i32) -> (i32, i32) {
    %c0_i32 = arith.constant 0 : i32
    %c0_i32_0 = arith.constant 0 : i32
    %c0_i32_1 = arith.constant 0 : i32
    return %c0_i32, %c0_i32_0 : i32, i32
  }
  func.func @transform_5(%arg0: i32) -> (i32, i32) {
    %c0_i32 = arith.constant 0 : i32
    %c0_i32_0 = arith.constant 0 : i32
    %c0_i32_1 = arith.constant 0 : i32
    return %c0_i32, %c0_i32_0 : i32, i32
  }
  func.func @transform_6(%arg0: i32) -> (i32, i32) {
    %c0_i32 = arith.constant 0 : i32
    %c0_i32_0 = arith.constant 0 : i32
    %c0_i32_1 = arith.constant 0 : i32
    return %c0_i32, %c0_i32_0 : i32, i32
  }
  func.func @transform_7(%arg0: i32) -> (i32, i32) {
    %c0_i32 = arith.constant 0 : i32
    %c0_i32_0 = arith.constant 0 : i32
    %c0_i32_1 = arith.constant 0 : i32
    return %c0_i32, %c0_i32_0 : i32, i32
  }
}

</mosaic_0001>

<sc_bundles>
// kernel: kernel.11.cloned.1.call-start
scs
__scs_entry_jumppad:
0x0: {  	(pc) =	sbr.rel $0x88, $3  }
0x1: {  	(tag) =	ssettag $0x0;
	lr =	simm.s32 $0x1  }
0x2: {  	[smem:$0x3F99] =	sst lr;
	_ =	strace $0xD0000000  }
0x3: {  	_ = 	snop  }
0x4: {  	_ = 	snop  }
0x5: {  	_ = 	snop  }
0x6: {  	_ = 	snop  }
0x7: {  	_ = 	snop  }
__scs_overlays_trampoline_lowered:
0x8: {  	[smem:$0x3FA8] =	sst s0  }
0x9: {  	[smem:$0x3FA9] =	sst s1  }
0xa: {  	[smem:$0x3FAA] =	sst s2  }
0xb: {  	[smem:$0x3FAB] =	sst s3  }
0xc: {  	[smem:$0x3FAC] =	sst s4  }
0xd: {  	[smem:$0x3FAD] =	sst s5  }
0xe: {  	[smem:$0x3FAE] =	sst s6  }
0xf: {  	[smem:$0x3FAF] =	sst s7  }
0x10: {  	[smem:$0x3FB0] =	sst s8  }
0x11: {  	[smem:$0x3FB1] =	sst s9;
	s0 =	simm.s32 @!p0 $0x0  }
0x12: {  	s1 =	sld [smem:$0x3F97];
	s0 =	simm.s32 @p0 $0x1  }
0x13: {  	[smem:$0x3FB2] =	sst s0;
	s0 =	simm.s32 @!p1 $0x0  }
0x14: {  	s2 =	sld [smem:$0x3F96];
	s0 =	simm.s32 @p1 $0x1  }
0x15: {  	[smem:$0x3FB3] =	sst s0;
	s0 =	simm.s32 @!p2 $0x0  }
0x16: {  	s3 =	sld [smem:$0x3FDB];
	s0 =	simm.s32 @p2 $0x1  }
0x17: {  	s4 =	simm.s32 $0x1BF5;
	[smem:$0x3FB5] =	sst s0  }
0x18: {  	s0 =	sld [smem:$0x3F98];
	_ =	swait.ge [sflag:s4], $0x0  }
0x19: {  	s7 =	sld [smem:$0x3F99]  }
0x1a: {  	s8 =	sadd.s32 $0xFFFFE003, lr  }
0x1b: {  	s9 =	sadd.s32 $0xFFFFFEF7, lr;
	s5 =	simm.s32 $0xFFFFFFFF;
	p2 =	slt.u32 s8, $0xFFFFF086  }
0x1c: {  	p1 =	slt.u32 s9, $0xF7A;
	s5 =	simm.s32 @!p2 $0x0  }
0x1d: {  	s5 =	simm.s32 @p1 $0x1;
	p0 =	seq.s32 s7, s2  }
0x1e: {  	s7 =	smul.u32 @!p0 $0xF7A, s2;
	p2 =	seq.s32 @!p0 s5, $0x0  }
0x1f: {  	s9 =	smul.u32 $0xF7A, s1;
	s8 =	simm.s32 @!p0 $0x1BF5;
	p2 =	por !p2, p0  }
0x20: {  	[sflag:s8] =	ssyncset.s32 @!p0 $0xFFFFF086;
	s6 =	sadd.s32 @!p0 s3, s7;
	s7 =	simm.s32 @!p0 $0x108  }
0x21: {  	s3 =	sadd.s32 s3, s9;
	s6 =	sadd.s32 @!p0 $0x88, s6;
	s7 =	simm.s32 @p2 $0x1082  }
0x22: {  	[simem:s7], [sflag:s8] =	dma.local @!p0 [hbm:s6], $0xF7A  }
0x23: {  	s9 =	sor.u32 $0xD0000000, s2;
	s6 =	simm.s32 $0x108;
	_ =	swait.ge @!p0 [sflag:s8], $0x0  }
0x24: {  	s3 =	sadd.s32 $0x88, s3;
	s6 =	simm.s32 @!p1 $0x1082;
	[sflag:s4] =	ssyncset.s32 $0xFFFFF086  }
0x25: {  	[simem:s6], [sflag:s4] =	dma.local [hbm:s3], $0xF7A  }
0x26: {  	[smem:$0x3F99] =	sst s1;
	(tag) =	ssettag s2;
	_ =	strace s9  }
0x27: {  	s1 =	sld [smem:$0x3FA9]  }
0x28: {  	s2 =	sld [smem:$0x3FAA]  }
0x29: {  	s4 =	sld [smem:$0x3FAC]  }
0x2a: {  	p0 =	seq.s32 s5, $0x0;
	s5 =	sld [smem:$0x3FAD]  }
0x2b: {  	s6 =	sld [smem:$0x3FAE]  }
0x2c: {  	s7 =	sld [smem:$0x3FAF]  }
0x2d: {  	s3 =	simm.s32 $0x108;
	s8 =	sld [smem:$0x3FB0]  }
0x2e: {  	s3 =	simm.s32 @!p0 $0x1082;
	s9 =	sld [smem:$0x3FB1]  }
0x2f: {  	lr =	sadd.s32 s0, s3;
	s0 =	sld [smem:$0x3FA8]  }
0x30: {  	s3 =	sld [smem:$0x3FAB]  }
0x31: {  	[smem:$0x3FB4] =	sst s10  }
0x32: {  	s10 =	sld [smem:$0x3FB2];
	_ =	sdelay $0x3  }
0x33: {  	p0 =	seq.s32 s10, $0x1;
	s10 =	sld [smem:$0x3FB4];
	_ =	sdelay $0x3  }
0x34: {  	[smem:$0x3FB4] =	sst s10  }
0x35: {  	s10 =	sld [smem:$0x3FB3];
	_ =	sdelay $0x3  }
0x36: {  	p1 =	seq.s32 s10, $0x1;
	s10 =	sld [smem:$0x3FB4];
	_ =	sdelay $0x3  }
0x37: {  	[smem:$0x3FB4] =	sst s10  }
0x38: {  	s10 =	sld [smem:$0x3FB5]  }
0x39: {  	_ = 	snop;
	(pc) =	sbr.ind lr, $3  }
0x3a: {  	_ = 	snop  }
0x3b: {  	_ = 	snop  }
0x3c: {  	p2 =	seq.s32 s10, $0x1;
	s10 =	sld [smem:$0x3FB4]  }
0x3d: {  	_ =	shalt  }
0x3e: {  	_ =	shalt  }
0x3f: {  	_ =	shalt  }
0x40: {  	_ =	shalt  }
0x41: {  	_ =	shalt  }
0x42: {  	_ =	shalt  }
0x43: {  	_ =	shalt  }
0x44: {  	_ =	shalt  }
0x45: {  	_ =	shalt  }
0x46: {  	_ =	shalt  }
0x47: {  	_ =	shalt  }
0x48: {  	_ =	shalt  }
0x49: {  	_ =	shalt  }
0x4a: {  	_ =	shalt  }
0x4b: {  	_ =	shalt  }
0x4c: {  	_ =	shalt  }
0x4d: {  	_ =	shalt  }
0x4e: {  	_ =	shalt  }
0x4f: {  	_ =	shalt  }
0x50: {  	_ =	shalt  }
0x51: {  	_ =	shalt  }
0x52: {  	_ =	shalt  }
0x53: {  	_ =	shalt  }
0x54: {  	_ =	shalt  }
0x55: {  	_ =	shalt  }
0x56: {  	_ =	shalt  }
0x57: {  	_ =	shalt  }
0x58: {  	_ =	shalt  }
0x59: {  	_ =	shalt  }
0x5a: {  	_ =	shalt  }
0x5b: {  	_ =	shalt  }
0x5c: {  	_ =	shalt  }
0x5d: {  	_ =	shalt  }
0x5e: {  	_ =	shalt  }
0x5f: {  	_ =	shalt  }
0x60: {  	_ =	shalt  }
0x61: {  	_ =	shalt  }
0x62: {  	_ =	shalt  }
0x63: {  	_ =	shalt  }
0x64: {  	_ =	shalt  }
0x65: {  	_ =	shalt  }
0x66: {  	_ =	shalt  }
0x67: {  	_ =	shalt  }
0x68: {  	_ =	shalt  }
0x69: {  	_ =	shalt  }
0x6a: {  	_ =	shalt  }
0x6b: {  	_ =	shalt  }
0x6c: {  	_ =	shalt  }
0x6d: {  	_ =	shalt  }
0x6e: {  	_ =	shalt  }
0x6f: {  	_ =	shalt  }
0x70: {  	_ =	shalt  }
0x71: {  	_ =	shalt  }
0x72: {  	_ =	shalt  }
0x73: {  	_ =	shalt  }
0x74: {  	_ =	shalt  }
0x75: {  	_ =	shalt  }
0x76: {  	_ =	shalt  }
0x77: {  	_ =	shalt  }
0x78: {  	_ =	shalt  }
0x79: {  	_ =	shalt  }
0x7a: {  	_ =	shalt  }
0x7b: {  	_ =	shalt  }
0x7c: {  	_ =	shalt  }
0x7d: {  	_ =	shalt  }
0x7e: {  	_ =	shalt  }
0x7f: {  	_ =	shalt  }
0x80: {  	_ =	shalt  }
0x81: {  	_ =	shalt  }
0x82: {  	_ =	shalt  }
0x83: {  	_ =	shalt  }
0x84: {  	_ =	shalt  }
0x85: {  	_ =	shalt  }
0x86: {  	_ =	shalt  }
0x87: {  	_ =	shalt  }
.Lfunc_end0:
.L_simem_size_0:
called_computation.1_lowered:
.L_overlay_start_0:
0x88: {  	s2 =	sld [smem:$0x3FD9]  }
0x89: {  	s3 =	sld [smem:$0x3FFE];
	_ =	sdelay $0x1  }
0x8a: {  	s1 =	srdreg.scid  }
0x8b: {  	s0 =	sand.u32 $0x1, s1  }
0x8c: {  	s16 =	sshll.u32 s0, $0xA;
	s2 =	sadd.s32 s3, s2  }
0x8d: {  	s2 =	sadd.s32 s2, s16  }
0x8e: {  	[smem:$0x3FC0] =	sst s2  }
0x8f: {  	_ = 	snop  }
0x90: {  	(tm) =	ssettm $0x1  }
0x91: {  	s17 =	sld [smem:$0x3FFB];
	_ =	sdelay $0x3  }
0x92: {  	_ =	strace s17  }
0x93: {  	s2 =	sld [smem:$0x3FFC];
	_ =	sdelay $0x3  }
0x94: {  	_ =	strace s2  }
0x95: {  	s2 =	sld [smem:$0x3FFD];
	_ =	sdelay $0x3  }
0x96: {  	_ =	strace s2  }
0x97: {  	_ =	strace $0x8FFFFFFF  }
0x98: {  	s18 =	sld [smem:$0x3FDB];
	_ =	sdelay $0x1  }
0x99: {  	s19 =	simm.s32 $_scs_section_size  }
0x9a: {  	s4 =	simm.s32 $_size__tile_overlayer_lowered;
	s5 =	simm.s32 $_tile_overlayer_lowered  }
0x9b: {  	s22 =	simm.s32 $0x1BFF;
	s21 =	sshll.u32 s5, $0x1;
	s2 =	sadd.s32 s19, s18  }
0x9c: {  	s6 =	simm.s32 $0x0;
	s20 =	sshll.u32 s4, $0x1;
	s4 =	sadd.s32 s21, s2  }
0x9d: {  	[timem:s6], [sflag:s22] =	dma.local [hbm:s4], s20  }
0x9e: {  	_ =	swait.ge [sflag:s22], s20  }
0x9f: {  	s3 =	ssub.s32 $0x0, s20;
	[sflag:s22] =	ssyncset.done $0x0  }
0xa0: {  	[sflag:s22] =	ssyncadd.s32 s3;
	_ =	sdelay $0x1  }
0xa1: {  	s23 =	simm.s32 $0x1B8B  }
0xa2: {  	_ =	swait.ge [sflag:s23], $0x1  }
0xa3: {  	[sflag:s23] =	ssyncset.done $0x0  }
0xa4: {  	s25 =	simm.s32 $0x1B8E;
	s24 =	sld [smem:$0x3FFE];
	[sflag:s23] =	ssyncadd.s32 $0xFFFFFFFF  }
0xa5: {  	s26 =	simm.s32 $execute0_lowered;
	[smem:$0x3FD2] =	sst s25  }
0xa6: {  	s4 =	sshll.u32 s26, $0x1;
	_ =	strace $0x80000049;
	[dreg:$0x1] =	wrdreg $0xFFFFFFFF  }
0xa7: {  	s28 =	simm.s32 $_size_execute0_lowered;
	s2 =	sadd.s32 s2, s4;
	[dreg:$0x0] =	wrdreg $0x0  }
0xa8: {  	s4 =	sshll.u32 s28, $0x1;
	[dreg:$0x2] =	wrdreg s2  }
0xa9: {  	[dreg:$0x3] =	wrdreg s4  }
0xaa: {  	[dreg:$0x4] =	wrdreg $0xC0  }
0xab: {  	_ =	task [dreg:s6], $0x5FFFF  }
0xac: {  	[dreg:$0x1] =	wrdreg $0xFFFFFFFF  }
0xad: {  	[dreg:$0x0] =	wrdreg $0x60  }
0xae: {  	[dreg:$0x2] =	wrdreg s24  }
0xaf: {  	[dreg:$0x3] =	wrdreg $0xC3000  }
0xb0: {  	[dreg:$0x4] =	wrdreg $0x9  }
0xb1: {  	_ =	task.clear_ibuf [dreg:s6], $0x5FFFF;
	_ =	strace $0x90000049  }
0xb2: {  	s29 =	simm.s32 $0x9;
	_ =	strace $0x8000004B  }
0xb3: {  	_ =	swait.ge [sflag:s29], $0x1  }
0xb4: {  	[sflag:s29] =	ssyncadd.s32 $0xFFFFFFFF  }
0xb5: {  	_ =	strace $0x9000004B  }
0xb6: {  	_ =	sfence  }
0xb7: {  	s30 =	sld [smem:$0x0];
	_ =	sdelay $0x2  }
0xb8: {  	s31 =	sshll.u32 s1, $0xD;
	s1 =	sshrl.u32 s1, $0x2  }
0xb9: {  	s3 =	sand.u32 $0x4000, s31;
	s1 =	sadd.s32 s1, s30  }
0xba: {  	s0 =	sor.u32 s3, s0;
	s1 =	sshll.u32 s1, $0x11  }
0xbb: {  	s0 =	sor.u32 s1, s0  }
0xbc: {  	s0 =	sadd.s32 $0x8F2B, s0  }
0xbd: {  	[sflag:s0] =	ssyncadd.remote.s32 $0x1  }
0xbe: {  	_ =	sfence.sel $0xFFFF  }
0xbf: {  	[dreg:$0x0] =	wrdreg $0xFFFFFFFF;
	(pc) =	sbr.abs _section_cstart, $3  }
0xc0: {  	[dreg:$0x1] =	wrdreg $0xFFFFFFFF  }
0xc1: {  	_ =	task.clear_ibuf [dreg:s6], $0x2FFFF;
	_ =	strace $0x9FFFFFFF  }
0xc2: {  	(tm) =	ssettm $0x7FFFFFFF  }
0xc3: {  	_ =	shalt  }
tec
execute0_lowered:
.L_overlay_start_1:
0x0: {  	(tag) =	ssettag $0x1  }
0x1: {  	s0 =	rddreg [dreg:$0x0]  }
0x2: {  	s17 =	stileid.u32;
	s2 =	srdreg.scid  }
0x3: {  	s1 =	simm.s32 $0x0;
	s3 =	sand.u32 $0x1, s2;
	s18 =	smul.u32 $0x4C00, s17  }
0x4: {  	[smem:$0x7FF] =	sst s1;
	s4 =	sadd.s32 $0x17A00, s0;
	s7 =	smul.u32 $0x1300, s17  }
0x5: {  	s9 =	sadd.s32 $0xEF600, s0;
	s20 =	sshll.u32 s17, $0x3;
	s21 =	sshll.u32 s17, $0xA  }
0x6: {  	s22 =	smul.u32 $0x13800, s17;
	s11 =	sadd.s32 $0x17A10, s0;
	p1 =	seq.s32 s17, $0xF  }
0x7: {  	s5 =	ssub.s32 $0x2, s3;
	p0 =	seq.s32 s3, $0x1;
	s3 =	smul.u32 $0x138800, s3  }
0x8: {  	s26 =	sor.u32 $0x4C180, s21;
	s14 =	sor.u32 $0x4C200, s21;
	s6 =	sshrl.u32 s5, $0x1  }
0x9: {  	s8 =	sor.u32 $0x80, s18;
	s18 =	sadd.s32 s4, s7;
	s7 =	sor.u32 $0x4C080, s21  }
0xa: {  	s15 =	sshrl.u32 s26, $0x2;
	s13 =	sshrl.u32 s14, $0x2;
	s2 =	ssub.s32 s5, s6  }
0xb: {  	s19 =	sshrl.u32 s8, $0x2;
	s12 =	sshrl.u32 s7, $0x2;
	s6 =	sadd.s32 s22, s3  }
0xc: {  	s3 =	sshrl.u32 s3, $0x3;
	s16 =	sadd.s32 s13, s11;
	s5 =	sor.u32 $0x4C380, s21  }
0xd: {  	s8 =	sshrl.u32 s8, $0x3;
	s22 =	sadd.s32 $0xD000, s0;
	s4 =	sadd.s32 s4, s19  }
0xe: {  	s23 =	sadd.s32 s12, s11;
	s6 =	sshrl.u32 s6, $0x3;
	[dreg:$0x9] =	wrdreg s16  }
0xf: {  	s3 =	sadd.s32 s9, s3;
	s16 =	sshrl.u32 s5, $0x2;
	[dreg:$0x4] =	wrdreg s4  }
0x10: {  	s8 =	sadd.s32 s22, s8;
	s30 =	smax.u32 s2, $0x1;
	[dreg:$0x6] =	wrdreg s23  }
0x11: {  	s4 =	sor.u32 $0x980, s20;
	s6 =	sadd.s32 s9, s6;
	[dreg:$0xe] =	wrdreg s8  }
0x12: {  	s23 =	sshrl.u32 s7, $0x3;
	s8 =	sshrl.u32 s14, $0x3;
	s14 =	sshrl.u32 s5, $0x3  }
0x13: {  	s29 =	sadd.s32 $0x24900, s3;
	s10 =	sshll.u32 s4, $0x5;
	s24 =	sshll.u32 s4, $0x7  }
0x14: {  	s4 =	sshll.u32 s4, $0x4;
	s10 =	sadd.s32 s10, s11;
	s25 =	sor.u32 $0x100, s24  }
0x15: {  	s4 =	sadd.s32 s22, s4;
	[dreg:$0x5] =	wrdreg s10;
	s10 =	sshrl.u32 s25, $0x2  }
0x16: {  	[dreg:$0xf] =	wrdreg s4;
	s24 =	sshrl.u32 s25, $0x3;
	s25 =	sshrl.u32 s26, $0x3  }
0x17: {  	s4 =	sadd.s32 s22, s23;
	s23 =	rddreg [dreg:$0x1];
	s10 =	sadd.s32 s10, s11  }
0x18: {  	[dreg:$0x10] =	wrdreg s4;
	s26 =	sadd.s32 s22, s24;
	s7 =	sadd.s32 s22, s25  }
0x19: {  	s4 =	sadd.s32 s22, s8;
	s25 =	sadd.s32 $0x79C00, s0;
	[dreg:$0x7] =	wrdreg s10  }
0x1a: {  	s2 =	sadd.s32 $0x124800, s23;
	s24 =	sadd.s32 $0x40, s18;
	[dreg:$0x11] =	wrdreg s26  }
0x1b: {  	s8 =	simm.s32 $0x80;
	s10 =	sadd.s32 s15, s11;
	[dreg:$0x12] =	wrdreg s7  }
0x1c: {  	s15 =	sor.u32 $0x4C300, s21;
	[dreg:$0x13] =	wrdreg s4;
	s4 =	sadd.s32 s22, s14  }
0x1d: {  	s7 =	simm.s32 $0x2;
	s14 =	simm.s32 $0x100;
	[dreg:$0x8] =	wrdreg s10  }
0x1e: {  	s10 =	sor.u32 $0x4C280, s21;
	s20 =	sshrl.u32 s15, $0x2;
	s21 =	smul.u32 $0x980, s17  }
0x1f: {  	[dreg:$0x16] =	wrdreg s4;
	s19 =	sshrl.u32 s10, $0x2;
	s9 =	sshrl.u32 s10, $0x3  }
0x20: {  	s10 =	sshrl.u32 s15, $0x3;
	s15 =	smul.u32 $0x4F000, s17;
	s13 =	sadd.s32 s19, s11  }
0x21: {  	s12 =	sadd.s32 s22, s9;
	s19 =	smul.u32 $0x4E000, s17;
	s9 =	simm.s32 $0x300  }
0x22: {  	[dreg:$0xa] =	wrdreg s13;
	s13 =	sadd.s32 s20, s11;
	s11 =	sadd.s32 s16, s11  }
0x23: {  	[dreg:$0x14] =	wrdreg s12;
	s16 =	smul.u32 $0x2780, s17;
	s5 =	sshrl.u32 s15, $0x2  }
0x24: {  	s12 =	simm.s32 $0x4300;
	s15 =	simm.s32 $0x280;
	[dreg:$0xb] =	wrdreg s13  }
0x25: {  	[dreg:$0xc] =	wrdreg s11;
	s11 =	sadd.s32 s22, s21;
	s13 =	sadd.s32 s22, s10  }
0x26: {  	s20 =	sadd.s32 s5, s23;
	s21 =	sshrl.u32 s19, $0x2;
	s22 =	sshll.u32 s17, $0x6  }
0x27: {  	s5 =	simm.s32 $0x4;
	s10 =	simm.s32 $0x200;
	s17 =	simm.s32 $0x3  }
0x28: {  	[dreg:$0x15] =	wrdreg s13;
	s4 =	sadd.s32 s16, s0;
	s28 =	sor.u32 $0x1C04, s22  }
.Ltmp0:
0x29: {  	s31 =	sshrl.u32 s20, $0x3;
	s20 =	sshrl.u32 @p1 s2, $0x3;
	(pc) =	sbr.rel .LBB2_1-.Ltmp0, $4  }
0x2a: {  	s2 =	simm.s32 $0x180;
	_ =	strace $0x8000004A;
	[dreg:$0x3] =	wrdreg s18  }
0x2b: {  	s16 =	simm.s32 $0x8300;
	s26 =	sadd.s32 $0xC7E00, s4;
	[dreg:$0x17] =	wrdreg s24  }
0x2c: {  	s4 =	sadd.s32 s21, s23;
	[dreg:$0xd] =	wrdreg s11;
	s21 =	sadd.s32 $0x20, s11  }
0x2d: {  	s11 =	simm.s32 $0x1;
	s18 =	simm.s32 $0x0;
	s0 =	sshrl.u32 @!p1 s4, $0x3  }
.LBB2_19:
0x2e: {  	s3 =	rddreg [dreg:$0x5]  }
0x2f: {  	[tilespmem:s1], [sflag:$0x2] =	stream.linear.gather [hbm4b:s3+s1], $0x80, $0x38;
	[tilespmem:$0x1FF00] =	vst v63  }
0x30: {  	s4 =	rddreg [dreg:$0xf]  }
0x31: {  	[tilespmem:s2], [sflag:$0x2] =	stream.linear.gather [hbm4b:s4+s1], $0x80, $0x38;
	[tilespmem:$0x1FF00] =	vst v63  }
0x32: {  	_ =	swait.ge [sflag:s7], $0x80  }
0x33: {  	[sflag:s7] =	ssyncset.done $0x0  }
0x34: {  	[sflag:s7] =	ssyncadd.s32 $0xFFFFFF80  }
0x35: {  	_ =	swait.ge [sflag:s7], $0x80  }
0x36: {  	[sflag:s7] =	ssyncset.done $0x0  }
0x37: {  	[sflag:s7] =	ssyncadd.s32 $0xFFFFFF80  }
0x38: {  	[tilespmem:s9], [sflag:$0x1] =	stream.indirect.gather [hbm4b:s25+s8], $0x80, s1, s8, $0xb8;
	[tilespmem:$0x1FF00] =	vst v63  }
0x39: {  	s13 =	rddreg [dreg:$0x6]  }
0x3a: {  	[tilespmem:s8], [sflag:$0x2] =	stream.linear.gather [hbm4b:s13+s1], $0x80, $0x38;
	[tilespmem:$0x1FF00] =	vst v63  }
0x3b: {  	s19 =	rddreg [dreg:$0x10]  }
0x3c: {  	[tilespmem:s10], [sflag:$0x2] =	stream.linear.gather [hbm4b:s19+s1], $0x80, $0x38;
	[tilespmem:$0x1FF00] =	vst v63  }
0x3d: {  	_ =	swait.ge [sflag:s11], $0x4000  }
0x3e: {  	[sflag:s11] =	ssyncset.done $0x0  }
0x3f: {  	[sflag:s11] =	ssyncadd.s32 $0xFFFFC000  }
0x40: {  	_ =	swait.ge [sflag:s7], $0x80  }
0x41: {  	[sflag:s7] =	ssyncset.done $0x0  }
0x42: {  	[sflag:s7] =	ssyncadd.s32 $0xFFFFFF80  }
0x43: {  	_ =	swait.ge [sflag:s7], $0x80  }
0x44: {  	[sflag:s7] =	ssyncset.done $0x0  }
0x45: {  	[sflag:s7] =	ssyncadd.s32 $0xFFFFFF80  }
0x46: {  	[tilespmem:s12], [sflag:$0x1] =	stream.indirect.gather [hbm4b:s25+s8], $0x80, s8, s8, $0xb8;
	[tilespmem:$0x1FF00] =	vst v63  }
0x47: {  	s22 =	rddreg [dreg:$0x7]  }
0x48: {  	[tilespmem:s14], [sflag:$0x2] =	stream.linear.gather [hbm4b:s22+s1], $0x80, $0x38;
	[tilespmem:$0x1FF00] =	vst v63  }
0x49: {  	s24 =	rddreg [dreg:$0x11]  }
0x4a: {  	[tilespmem:s15], [sflag:$0x2] =	stream.linear.gather [hbm4b:s24+s1], $0x80, $0x38;
	[tilespmem:$0x1FF00] =	vst v63  }
0x4b: {  	_ = 	snop  }
0x4c: {  	[spmem:s23] =	stream.indirect.scatter.add.f32 [tilespmem:s9], [sflag:$0x3], $0x80, s2, s8, $0xb8;
	[tilespmem:$0x1FF00] =	vst v63  }
0x4d: {  	_ =	swait.ge [sflag:s11], $0x4000  }
0x4e: {  	[sflag:s11] =	ssyncset.done $0x0  }
0x4f: {  	[sflag:s11] =	ssyncadd.s32 $0xFFFFC000  }
0x50: {  	_ =	swait.ge [sflag:s7], $0x80  }
0x51: {  	[sflag:s7] =	ssyncset.done $0x0  }
0x52: {  	[sflag:s7] =	ssyncadd.s32 $0xFFFFFF80  }
0x53: {  	_ =	swait.ge [sflag:s7], $0x80  }
0x54: {  	[sflag:s7] =	ssyncset.done $0x0  }
0x55: {  	[sflag:s7] =	ssyncadd.s32 $0xFFFFFF80  }
0x56: {  	[tilespmem:s16], [sflag:$0x1] =	stream.indirect.gather [hbm4b:s25+s8], $0x80, s14, s8, $0xb8;
	[tilespmem:$0x1FF00] =	vst v63  }
0x57: {  	s4 =	rddreg [dreg:$0x8]  }
0x58: {  	[tilespmem:s1], [sflag:$0x2] =	stream.linear.gather [hbm4b:s4+s1], $0x80, $0x38;
	[tilespmem:$0x1FF00] =	vst v63  }
0x59: {  	s13 =	rddreg [dreg:$0x12]  }
0x5a: {  	[tilespmem:s2], [sflag:$0x2] =	stream.linear.gather [hbm4b:s13+s1], $0x80, $0x38;
	[tilespmem:$0x1FF00] =	vst v63  }
0x5b: {  	_ = 	snop  }
0x5c: {  	[spmem:s23] =	stream.indirect.scatter.add.f32 [tilespmem:s12], [sflag:$0x3], $0x80, s10, s8, $0xb8;
	[tilespmem:$0x1FF00] =	vst v63  }
0x5d: {  	_ =	swait.ge [sflag:s11], $0x4000  }
0x5e: {  	[sflag:s11] =	ssyncset.done $0x0  }
0x5f: {  	[sflag:s11] =	ssyncadd.s32 $0xFFFFC000  }
0x60: {  	_ =	swait.ge [sflag:s7], $0x80  }
0x61: {  	[sflag:s7] =	ssyncset.done $0x0  }
0x62: {  	[sflag:s7] =	ssyncadd.s32 $0xFFFFFF80  }
0x63: {  	_ =	swait.ge [sflag:s7], $0x80  }
0x64: {  	[sflag:s7] =	ssyncset.done $0x0  }
0x65: {  	[sflag:s7] =	ssyncadd.s32 $0xFFFFFF80  }
0x66: {  	_ =	swait.ge [sflag:s17], $0x4000  }
0x67: {  	[sflag:s17] =	ssyncset.done $0x0  }
0x68: {  	[sflag:s17] =	ssyncadd.s32 $0xFFFFC000  }
0x69: {  	[tilespmem:s9], [sflag:$0x1] =	stream.indirect.gather [hbm4b:s25+s8], $0x80, s1, s8, $0xb8;
	[tilespmem:$0x1FF00] =	vst v63  }
0x6a: {  	s19 =	rddreg [dreg:$0x9]  }
0x6b: {  	[tilespmem:s8], [sflag:$0x2] =	stream.linear.gather [hbm4b:s19+s1], $0x80, $0x38;
	[tilespmem:$0x1FF00] =	vst v63  }
0x6c: {  	s22 =	rddreg [dreg:$0x13]  }
0x6d: {  	[tilespmem:s10], [sflag:$0x2] =	stream.linear.gather [hbm4b:s22+s1], $0x80, $0x38;
	[tilespmem:$0x1FF00] =	vst v63  }
0x6e: {  	_ = 	snop  }
0x6f: {  	[spmem:s23] =	stream.indirect.scatter.add.f32 [tilespmem:s16], [sflag:$0x3], $0x80, s15, s8, $0xb8;
	[tilespmem:$0x1FF00] =	vst v63  }
0x70: {  	_ =	swait.ge [sflag:s11], $0x4000  }
0x71: {  	[sflag:s11] =	ssyncset.done $0x0  }
0x72: {  	[sflag:s11] =	ssyncadd.s32 $0xFFFFC000  }
0x73: {  	_ =	swait.ge [sflag:s7], $0x80  }
0x74: {  	[sflag:s7] =	ssyncset.done $0x0  }
0x75: {  	[sflag:s7] =	ssyncadd.s32 $0xFFFFFF80  }
0x76: {  	_ =	swait.ge [sflag:s7], $0x80  }
0x77: {  	[sflag:s7] =	ssyncset.done $0x0  }
0x78: {  	[sflag:s7] =	ssyncadd.s32 $0xFFFFFF80  }
0x79: {  	_ =	swait.ge [sflag:s17], $0x4000  }
0x7a: {  	[sflag:s17] =	ssyncset.done $0x0  }
0x7b: {  	[sflag:s17] =	ssyncadd.s32 $0xFFFFC000  }
0x7c: {  	[tilespmem:s12], [sflag:$0x1] =	stream.indirect.gather [hbm4b:s25+s8], $0x80, s8, s8, $0xb8;
	[tilespmem:$0x1FF00] =	vst v63  }
0x7d: {  	s24 =	rddreg [dreg:$0xa]  }
0x7e: {  	[tilespmem:s14], [sflag:$0x2] =	stream.linear.gather [hbm4b:s24+s1], $0x80, $0x38;
	[tilespmem:$0x1FF00] =	vst v63  }
0x7f: {  	s4 =	rddreg [dreg:$0x14]  }
0x80: {  	[tilespmem:s15], [sflag:$0x2] =	stream.linear.gather [hbm4b:s4+s1], $0x80, $0x38;
	[tilespmem:$0x1FF00] =	vst v63  }
0x81: {  	_ = 	snop  }
0x82: {  	[spmem:s23] =	stream.indirect.scatter.add.f32 [tilespmem:s9], [sflag:$0x3], $0x80, s2, s8, $0xb8;
	[tilespmem:$0x1FF00] =	vst v63  }
0x83: {  	_ =	swait.ge [sflag:s11], $0x4000  }
0x84: {  	[sflag:s11] =	ssyncset.done $0x0  }
0x85: {  	[sflag:s11] =	ssyncadd.s32 $0xFFFFC000  }
0x86: {  	_ =	swait.ge [sflag:s7], $0x80  }
0x87: {  	[sflag:s7] =	ssyncset.done $0x0  }
0x88: {  	[sflag:s7] =	ssyncadd.s32 $0xFFFFFF80  }
0x89: {  	_ =	swait.ge [sflag:s7], $0x80  }
0x8a: {  	[sflag:s7] =	ssyncset.done $0x0  }
0x8b: {  	[sflag:s7] =	ssyncadd.s32 $0xFFFFFF80  }
0x8c: {  	_ =	swait.ge [sflag:s17], $0x4000  }
0x8d: {  	[sflag:s17] =	ssyncset.done $0x0  }
0x8e: {  	[sflag:s17] =	ssyncadd.s32 $0xFFFFC000  }
0x8f: {  	[tilespmem:s16], [sflag:$0x1] =	stream.indirect.gather [hbm4b:s25+s8], $0x80, s14, s8, $0xb8;
	[tilespmem:$0x1FF00] =	vst v63  }
0x90: {  	s13 =	rddreg [dreg:$0xb]  }
0x91: {  	[tilespmem:s1], [sflag:$0x2] =	stream.linear.gather [hbm4b:s13+s1], $0x80, $0x38;
	[tilespmem:$0x1FF00] =	vst v63  }
0x92: {  	s19 =	rddreg [dreg:$0x15]  }
0x93: {  	[tilespmem:s2], [sflag:$0x2] =	stream.linear.gather [hbm4b:s19+s1], $0x80, $0x38;
	[tilespmem:$0x1FF00] =	vst v63  }
0x94: {  	_ = 	snop  }
0x95: {  	[spmem:s23] =	stream.indirect.scatter.add.f32 [tilespmem:s12], [sflag:$0x3], $0x80, s10, s8, $0xb8;
	[tilespmem:$0x1FF00] =	vst v63  }
0x96: {  	_ =	swait.ge [sflag:s11], $0x4000  }
0x97: {  	[sflag:s11] =	ssyncset.done $0x0  }
0x98: {  	[sflag:s11] =	ssyncadd.s32 $0xFFFFC000  }
0x99: {  	_ =	swait.ge [sflag:s7], $0x80  }
0x9a: {  	[sflag:s7] =	ssyncset.done $0x0  }
0x9b: {  	[sflag:s7] =	ssyncadd.s32 $0xFFFFFF80  }
0x9c: {  	_ =	swait.ge [sflag:s7], $0x80  }
0x9d: {  	[sflag:s7] =	ssyncset.done $0x0  }
0x9e: {  	[sflag:s7] =	ssyncadd.s32 $0xFFFFFF80  }
0x9f: {  	_ =	swait.ge [sflag:s17], $0x4000  }
0xa0: {  	[sflag:s17] =	ssyncset.done $0x0  }
0xa1: {  	[sflag:s17] =	ssyncadd.s32 $0xFFFFC000  }
0xa2: {  	[tilespmem:s9], [sflag:$0x1] =	stream.indirect.gather [hbm4b:s25+s8], $0x80, s1, s8, $0xb8;
	[tilespmem:$0x1FF00] =	vst v63  }
0xa3: {  	s22 =	rddreg [dreg:$0xc]  }
0xa4: {  	[tilespmem:s8], [sflag:$0x2] =	stream.linear.gather [hbm4b:s22+s1], $0x80, $0x38;
	[tilespmem:$0x1FF00] =	vst v63  }
0xa5: {  	s24 =	rddreg [dreg:$0x16]  }
0xa6: {  	[tilespmem:s10], [sflag:$0x2] =	stream.linear.gather [hbm4b:s24+s1], $0x80, $0x38;
	[tilespmem:$0x1FF00] =	vst v63  }
0xa7: {  	_ = 	snop  }
0xa8: {  	[spmem:s23] =	stream.indirect.scatter.add.f32 [tilespmem:s16], [sflag:$0x3], $0x80, s15, s8, $0xb8;
	[tilespmem:$0x1FF00] =	vst v63  }
0xa9: {  	_ =	swait.ge [sflag:s11], $0x4000  }
0xaa: {  	[sflag:s11] =	ssyncset.done $0x0  }
0xab: {  	[sflag:s11] =	ssyncadd.s32 $0xFFFFC000  }
0xac: {  	_ =	swait.ge [sflag:s7], $0x80  }
0xad: {  	[sflag:s7] =	ssyncset.done $0x0  }
0xae: {  	[sflag:s7] =	ssyncadd.s32 $0xFFFFFF80  }
0xaf: {  	_ =	swait.ge [sflag:s7], $0x80  }
0xb0: {  	[sflag:s7] =	ssyncset.done $0x0  }
0xb1: {  	[sflag:s7] =	ssyncadd.s32 $0xFFFFFF80  }
0xb2: {  	_ =	swait.ge [sflag:s17], $0x4000  }
0xb3: {  	[sflag:s17] =	ssyncset.done $0x0  }
0xb4: {  	[sflag:s17] =	ssyncadd.s32 $0xFFFFC000  }
0xb5: {  	[tilespmem:s12], [sflag:$0x1] =	stream.indirect.gather [hbm4b:s25+s8], $0x80, s8, s8, $0xb8;
	[tilespmem:$0x1FF00] =	vst v63  }
0xb6: {  	_ = 	snop  }
0xb7: {  	[spmem:s23] =	stream.indirect.scatter.add.f32 [tilespmem:s9], [sflag:$0x3], $0x80, s2, s8, $0xb8;
	[tilespmem:$0x1FF00] =	vst v63  }
0xb8: {  	_ =	swait.ge [sflag:s11], $0x4000  }
0xb9: {  	[sflag:s11] =	ssyncset.done $0x0  }
0xba: {  	[sflag:s11] =	ssyncadd.s32 $0xFFFFC000  }
0xbb: {  	[spmem:s23] =	stream.indirect.scatter.add.f32 [tilespmem:s12], [sflag:$0x3], $0x80, s10, s8, $0xb8;
	[tilespmem:$0x1FF00] =	vst v63  }
.LBB2_20:
0xbc: {  	_ =	swait.ge [sflag:s17], $0x4000  }
0xbd: {  	[sflag:s17] =	ssyncset.done $0x0  }
0xbe: {  	[sflag:s17] =	ssyncadd.s32 $0xFFFFC000  }
0xbf: {  	_ =	swait.ge [sflag:s17], $0x4000  }
0xc0: {  	[sflag:s17] =	ssyncset.done $0x0  }
0xc1: {  	[sflag:s17] =	ssyncadd.s32 $0xFFFFC000  }
0xc2: {  	_ =	swait.ge [sflag:s17], $0x4000  }
0xc3: {  	[sflag:s17] =	ssyncset.done $0x0  }
0xc4: {  	[sflag:s17] =	ssyncadd.s32 $0xFFFFC000  }
0xc5: {  	s3 =	simm.s32 @p1 $0x4;
	[bflag:$0x0] =	sbarrier.arrive $0xFFFF  }
0xc6: {  	[hbm:s29], [sflag:s28] =	dma.local @p1 [spmem:s20], $0x2800  }
0xc7: {  	s18 =	sadd.s32 $0x1, s18;
	_ =	swait.ge @p1 [sflag:s3], $0x2800  }
0xc8: {  	p2 =	sne.s32 s18, s30;
	[sflag:s3] =	ssyncset.done @p1 $0x0  }
.Ltmp1:
0xc9: {  	[sflag:s3] =	ssyncadd.s32 @p1 $0xFFFFD800;
	s3 =	simm.s32 @!p1 $0x4;
	(pc) =	sbr.rel @!p2 .LBB2_21-.Ltmp1, $4  }
0xca: {  	[hbm:s6], [sflag:s28] =	dma.local @!p1 [spmem:s0], $0x2700  }
0xcb: {  	_ =	swait.ge @!p1 [sflag:s3], $0x2700  }
0xcc: {  	[sflag:s3] =	ssyncset.done @!p1 $0x0  }
0xcd: {  	[sflag:s3] =	ssyncadd.s32 @!p1 $0xFFFFD900  }
.LBB2_1:
0xce: {  	[spmem:s31], [sflag:s28] =	dma.local [hbm:s26], $0x2780  }
.Ltmp2:
0xcf: {  	_ =	swait.ge [sflag:s5], $0x2780;
	(pc) =	sbr.rel @p0 .LBB2_19-.Ltmp2, $3  }
0xd0: {  	[sflag:s5] =	ssyncset.done $0x0  }
0xd1: {  	[sflag:s5] =	ssyncadd.s32 $0xFFFFD880  }
0xd2: {  	[bflag:$0x0] =	sbarrier.arrive $0xFFFF;
	_ =	sdelay $0x1  }
0xd3: {  	s19 =	simm.s32 $0x0;
	s3 =	rddreg [dreg:$0x3]  }
0xd4: {  	[tilespmem:s19], [sflag:$0x2] =	stream.linear.gather [hbm4b:s3+s19], $0x80, $0x38;
	[tilespmem:$0x1FF00] =	vst v63  }
0xd5: {  	s13 =	rddreg [dreg:$0xd]  }
0xd6: {  	[tilespmem:s2], [sflag:$0x2] =	stream.linear.gather [hbm4b:s13+s19], $0x80, $0x38;
	[tilespmem:$0x1FF00] =	vst v63  }
0xd7: {  	_ =	swait.ge [sflag:s7], $0x80  }
0xd8: {  	[sflag:s7] =	ssyncset.done $0x0  }
0xd9: {  	[sflag:s7] =	ssyncadd.s32 $0xFFFFFF80  }
0xda: {  	_ =	swait.ge [sflag:s7], $0x80  }
0xdb: {  	[sflag:s7] =	ssyncset.done $0x0  }
0xdc: {  	[sflag:s7] =	ssyncadd.s32 $0xFFFFFF80  }
0xdd: {  	[tilespmem:s9], [sflag:$0x1] =	stream.indirect.gather [hbm4b:s25+s8], $0x80, s19, s8, $0xb8;
	[tilespmem:$0x1FF00] =	vst v63  }
.Ltmp3:
0xde: {  	s22 =	rddreg [dreg:$0x4];
	(pc) =	sbr.rel .LBB2_3-.Ltmp3, $4  }
0xdf: {  	s24 =	rddreg [dreg:$0xe]  }
0xe0: {  	[tilespmem:s8], [sflag:$0x2] =	stream.linear.gather [hbm4b:s22+s19], $0x80, $0x38;
	[tilespmem:$0x1FF00] =	vst v63  }
0xe1: {  	s4 =	smov.u32 s21;
	s3 =	rddreg [dreg:$0x17]  }
0xe2: {  	[tilespmem:s10], [sflag:$0x2] =	stream.linear.gather [hbm4b:s24+s19], $0x80, $0x38;
	[tilespmem:$0x1FF00] =	vst v63  }
.LBB2_13:
0xe3: {  	[tilespmem:s16], [sflag:$0x1] =	stream.indirect.gather [hbm4b:s25+s8], $0x80, s14, s8, $0xb8;
	[tilespmem:$0x1FF00] =	vst v63  }
.LBB2_15:
0xe4: {  	[tilespmem:s1], [sflag:$0x2] =	stream.linear.gather [hbm4b:s3+s1], $0x80, $0x38;
	[tilespmem:$0x1FF00] =	vst v63  }
0xe5: {  	_ = 	snop  }
0xe6: {  	[tilespmem:s2], [sflag:$0x2] =	stream.linear.gather [hbm4b:s4+s1], $0x80, $0x38;
	[tilespmem:$0x1FF00] =	vst v63  }
.LBB2_16:
0xe7: {  	[spmem:s23] =	stream.indirect.scatter.add.f32 [tilespmem:s12], [sflag:$0x3], $0x80, s10, s8, $0xb8;
	[tilespmem:$0x1FF00] =	vst v63  }
.LBB2_18:
0xe8: {  	s19 =	sadd.s32 $0x1, s19  }
0xe9: {  	p2 =	seq.s32 s19, $0x98  }
.Ltmp4:
0xea: {  	_ = 	snop;
	(pc) =	sbr.rel @p2 .LBB2_20-.Ltmp4, $2  }
0xeb: {  	_ =	sdelay $0x2  }
0xec: {  	s3 =	sadd.s32 $0x20, s3;
	s4 =	sadd.s32 $0x10, s4  }
.LBB2_3:
0xed: {  	s24 =	smul.u32 $0xAB, s19;
	_ =	sdelay $0x1  }
0xee: {  	s24 =	sshrl.u32 s24, $0x9  }
0xef: {  	s24 =	sand.u32 $0x7F, s24  }
0xf0: {  	s24 =	smul.u32 $0x3, s24;
	_ =	sdelay $0x1  }
0xf1: {  	s24 =	ssub.s32 s19, s24  }
0xf2: {  	s24 =	sand.u32 $0xFF, s24  }
0xf3: {  	p2 =	seq.s32 s24, $0x2  }
.Ltmp5:
0xf4: {  	_ = 	snop;
	(pc) =	sbr.rel @p2 .LBB2_17-.Ltmp5, $4  }
0xf5: {  	_ = 	snop  }
0xf6: {  	_ =	swait.ge [sflag:s11], $0x4000  }
0xf7: {  	[sflag:s11] =	ssyncset.done $0x0  }
0xf8: {  	[sflag:s11] =	ssyncadd.s32 $0xFFFFC000  }
0xf9: {  	p2 =	seq.s32 s24, $0x1  }
.Ltmp6:
0xfa: {  	_ = 	snop;
	(pc) =	sbr.rel @!p2 .LBB2_5-.Ltmp6, $1  }
0xfb: {  	_ =	sdelay $0x3  }
0xfc: {  	p2 =	seq.s32 s19, $0x97  }
.Ltmp7:
0xfd: {  	_ = 	snop;
	(pc) =	sbr.rel @p2 .LBB2_16-.Ltmp7, $1  }
0xfe: {  	_ =	sdelay $0x3  }
0xff: {  	_ =	swait.ge [sflag:s7], $0x80;
	p2 =	sgt.u32 s19, $0x1  }
.Ltmp8:
0x100: {  	[sflag:s7] =	ssyncset.done $0x0;
	(pc) =	sbr.rel @!p2 .LBB2_13-.Ltmp8, $4  }
0x101: {  	[sflag:s7] =	ssyncadd.s32 $0xFFFFFF80  }
0x102: {  	_ =	swait.ge [sflag:s7], $0x80  }
0x103: {  	[sflag:s7] =	ssyncset.done $0x0  }
0x104: {  	[sflag:s7] =	ssyncadd.s32 $0xFFFFFF80  }
0x105: {  	p2 =	sgt.u32 s19, $0x95  }
.Ltmp9:
0x106: {  	_ = 	snop;
	(pc) =	sbr.rel @p2 .LBB2_16-.Ltmp9, $4  }
.Ltmp10:
0x107: {  	_ =	swait.ge [sflag:s17], $0x4000;
	(pc) =	sbr.rel @!p2 .LBB2_15-.Ltmp10, $4  }
0x108: {  	[sflag:s17] =	ssyncset.done $0x0  }
0x109: {  	[sflag:s17] =	ssyncadd.s32 $0xFFFFC000  }
0x10a: {  	[tilespmem:s16], [sflag:$0x1] =	stream.indirect.gather [hbm4b:s25+s8], $0x80, s14, s8, $0xb8;
	[tilespmem:$0x1FF00] =	vst v63  }
0x10b: {  	_ = 	snop  }
.LBB2_17:
0x10c: {  	p2 =	seq.s32 s19, $0x97  }
0x10d: {  	s24 =	simm.s32 @!p2 $0x2  }
0x10e: {  	_ =	swait.ge @!p2 [sflag:s24], $0x80  }
0x10f: {  	[sflag:s24] =	ssyncset.done @!p2 $0x0  }
0x110: {  	[sflag:s24] =	ssyncadd.s32 @!p2 $0xFFFFFF80  }
0x111: {  	_ =	swait.ge @!p2 [sflag:s24], $0x80  }
0x112: {  	[sflag:s24] =	ssyncset.done @!p2 $0x0  }
0x113: {  	[sflag:s24] =	ssyncadd.s32 @!p2 $0xFFFFFF80;
	s24 =	simm.s32 @!p2 $0x3  }
0x114: {  	_ =	swait.ge @!p2 [sflag:s24], $0x4000  }
0x115: {  	s13 =	simm.s32 @!p2 $0x0;
	s22 =	simm.s32 @!p2 $0x300;
	[sflag:s24] =	ssyncset.done @!p2 $0x0  }
0x116: {  	p3 =	sgt.u32 @!p2 s19, $0x95;
	[sflag:s24] =	ssyncadd.s32 @!p2 $0xFFFFC000;
	s24 =	simm.s32 @!p2 $0x80  }
0x117: {  	[tilespmem:s22], [sflag:$0x1] =	stream.indirect.gather @!p2 [hbm4b:s25+s24], $0x80, s13, s24, $0xb8;
	[tilespmem:$0x1FF00] =	vst v63  }
0x118: {  	p2 =	por p3, p2  }
0x119: {  	s13 =	simm.s32 @!p2 $0x0;
	s22 =	simm.s32 @!p2 $0x80  }
0x11a: {  	[tilespmem:s22], [sflag:$0x2] =	stream.linear.gather @!p2 [hbm4b:s3+s13], $0x80, $0x38;
	[tilespmem:$0x1FF00] =	vst v63  }
.Ltmp11:
0x11b: {  	_ = 	snop;
	(pc) =	sbr.rel .LBB2_18-.Ltmp11, $4  }
0x11c: {  	s22 =	simm.s32 @!p2 $0x200  }
0x11d: {  	[tilespmem:s22], [sflag:$0x2] =	stream.linear.gather @!p2 [hbm4b:s4+s13], $0x80, $0x38;
	[tilespmem:$0x1FF00] =	vst v63  }
0x11e: {  	_ = 	snop  }
0x11f: {  	[spmem:s23] =	stream.indirect.scatter.add.f32 [tilespmem:s16], [sflag:$0x3], $0x80, s15, s8, $0xb8;
	[tilespmem:$0x1FF00] =	vst v63  }
.LBB2_5:
0x120: {  	p2 =	seq.s32 s19, $0x97  }
.Ltmp12:
0x121: {  	_ = 	snop;
	(pc) =	sbr.rel @p2 .LBB2_10-.Ltmp12, $1  }
0x122: {  	_ =	sdelay $0x3  }
0x123: {  	_ =	swait.ge [sflag:s7], $0x80;
	p2 =	sgt.u32 s19, $0x1  }
.Ltmp13:
0x124: {  	[sflag:s7] =	ssyncset.done $0x0;
	(pc) =	sbr.rel @!p2 .LBB2_7-.Ltmp13, $4  }
0x125: {  	[sflag:s7] =	ssyncadd.s32 $0xFFFFFF80  }
0x126: {  	_ =	swait.ge [sflag:s7], $0x80  }
0x127: {  	[sflag:s7] =	ssyncset.done $0x0  }
0x128: {  	[sflag:s7] =	ssyncadd.s32 $0xFFFFFF80  }
0x129: {  	p2 =	sgt.u32 s19, $0x95  }
.Ltmp14:
0x12a: {  	_ = 	snop;
	(pc) =	sbr.rel @p2 .LBB2_10-.Ltmp14, $4  }
.Ltmp15:
0x12b: {  	_ =	swait.ge [sflag:s17], $0x4000;
	(pc) =	sbr.rel @!p2 .LBB2_9-.Ltmp15, $4  }
0x12c: {  	[sflag:s17] =	ssyncset.done $0x0  }
0x12d: {  	[sflag:s17] =	ssyncadd.s32 $0xFFFFC000  }
0x12e: {  	[tilespmem:s12], [sflag:$0x1] =	stream.indirect.gather [hbm4b:s25+s8], $0x80, s8, s8, $0xb8;
	[tilespmem:$0x1FF00] =	vst v63  }
0x12f: {  	_ = 	snop  }
.LBB2_7:
0x130: {  	[tilespmem:s12], [sflag:$0x1] =	stream.indirect.gather [hbm4b:s25+s8], $0x80, s8, s8, $0xb8;
	[tilespmem:$0x1FF00] =	vst v63  }
.LBB2_9:
0x131: {  	[tilespmem:s14], [sflag:$0x2] =	stream.linear.gather [hbm4b:s3+s1], $0x80, $0x38;
	[tilespmem:$0x1FF00] =	vst v63  }
0x132: {  	_ = 	snop  }
0x133: {  	[tilespmem:s15], [sflag:$0x2] =	stream.linear.gather [hbm4b:s4+s1], $0x80, $0x38;
	[tilespmem:$0x1FF00] =	vst v63  }
.LBB2_10:
.Ltmp16:
0x134: {  	(pc) =	sbr.rel .LBB2_18-.Ltmp16, $2  }
0x135: {  	_ =	sdelay $0x2  }
0x136: {  	[spmem:s23] =	stream.indirect.scatter.add.f32 [tilespmem:s9], [sflag:$0x3], $0x80, s2, s8, $0xb8;
	[tilespmem:$0x1FF00] =	vst v63  }
.LBB2_21:
0x137: {  	_ =	sfence.sel $0x180000  }
0x138: {  	[bflag:$0x0] =	sbarrier.arrive $0xFFFF  }
0x139: {  	_ =	strace $0x9000004A  }
0x13a: {  	s0 =	stileid.u32;
	[bflag:$0x2] =	sbarrier.arrive $0xFFFF  }
0x13b: {  	p0 =	sne.s32 s0, $0x0;
	s0 =	rddreg [dreg:$0x2]  }
0x13c: {  	s0 =	sadd.s32 @!p0 $0x100000, s0  }
0x13d: {  	[sflag:s0] =	ssyncadd.tile.s32 @!p0 $0x1;
	_ =	shalt  }
.Lfunc_end2:
_tile_overlayer_lowered:
.L_overlay_start_2:
0x13e: {  	(tag) =	ssettag $0x2  }
0x13f: {  	s0 =	rddreg [dreg:$0x0];
	s2 =	stileid.u32  }
0x140: {  	s1 =	rddreg [dreg:$0x1];
	p0 =	sne.s32 s2, $0x0  }
0x141: {  	s3 =	rddreg [dreg:$0x2];
	[bflag:$0x3] =	sbarrier.arrive $0xFFFF;
	s2 =	simm.s32 @!p0 $0x1C04  }
0x142: {  	[timem:s3], [sflag:s2] =	dma.local @!p0 [hbm:s0], s1  }
0x143: {  	s0 =	simm.s32 @!p0 $0x4  }
0x144: {  	_ =	swait.ge @!p0 [sflag:s0], s1  }
0x145: {  	s1 =	ssub.s32 @!p0 $0x0, s1;
	[sflag:s0] =	ssyncset.done @!p0 $0x0  }
0x146: {  	[sflag:s0] =	ssyncadd.s32 @!p0 s1  }
0x147: {  	[bflag:$0x3] =	sbarrier.arrive $0xFFFF  }
0x148: {  	_ =	shalt  }

// kernel: kernel.14.cloned.1.call-start
scs
__scs_entry_jumppad:
0x0: {  	(pc) =	sbr.rel $0x88, $3  }
0x1: {  	(tag) =	ssettag $0x0;
	lr =	simm.s32 $0x1  }
0x2: {  	[smem:$0x3F99] =	sst lr;
	_ =	strace $0xD0000000  }
0x3: {  	_ = 	snop  }
0x4: {  	_ = 	snop  }
0x5: {  	_ = 	snop  }
0x6: {  	_ = 	snop  }
0x7: {  	_ = 	snop  }
__scs_overlays_trampoline_lowered:
0x8: {  	[smem:$0x3FA8] =	sst s0  }
0x9: {  	[smem:$0x3FA9] =	sst s1  }
0xa: {  	[smem:$0x3FAA] =	sst s2  }
0xb: {  	[smem:$0x3FAB] =	sst s3  }
0xc: {  	[smem:$0x3FAC] =	sst s4  }
0xd: {  	[smem:$0x3FAD] =	sst s5  }
0xe: {  	[smem:$0x3FAE] =	sst s6  }
0xf: {  	[smem:$0x3FAF] =	sst s7  }
0x10: {  	[smem:$0x3FB0] =	sst s8  }
0x11: {  	[smem:$0x3FB1] =	sst s9;
	s0 =	simm.s32 @!p0 $0x0  }
0x12: {  	s1 =	sld [smem:$0x3F97];
	s0 =	simm.s32 @p0 $0x1  }
0x13: {  	[smem:$0x3FB2] =	sst s0;
	s0 =	simm.s32 @!p1 $0x0  }
0x14: {  	s2 =	sld [smem:$0x3F96];
	s0 =	simm.s32 @p1 $0x1  }
0x15: {  	[smem:$0x3FB3] =	sst s0;
	s0 =	simm.s32 @!p2 $0x0  }
0x16: {  	s3 =	sld [smem:$0x3FDB];
	s0 =	simm.s32 @p2 $0x1  }
0x17: {  	s4 =	simm.s32 $0x1BF5;
	[smem:$0x3FB5] =	sst s0  }
0x18: {  	s0 =	sld [smem:$0x3F98];
	_ =	swait.ge [sflag:s4], $0x0  }
0x19: {  	s7 =	sld [smem:$0x3F99]  }
0x1a: {  	s8 =	sadd.s32 $0xFFFFE003, lr  }
0x1b: {  	s9 =	sadd.s32 $0xFFFFFEF7, lr;
	s5 =	simm.s32 $0xFFFFFFFF;
	p2 =	slt.u32 s8, $0xFFFFF086  }
0x1c: {  	p1 =	slt.u32 s9, $0xF7A;
	s5 =	simm.s32 @!p2 $0x0  }
0x1d: {  	s5 =	simm.s32 @p1 $0x1;
	p0 =	seq.s32 s7, s2  }
0x1e: {  	s7 =	smul.u32 @!p0 $0xF7A, s2;
	p2 =	seq.s32 @!p0 s5, $0x0  }
0x1f: {  	s9 =	smul.u32 $0xF7A, s1;
	s8 =	simm.s32 @!p0 $0x1BF5;
	p2 =	por !p2, p0  }
0x20: {  	[sflag:s8] =	ssyncset.s32 @!p0 $0xFFFFF086;
	s6 =	sadd.s32 @!p0 s3, s7;
	s7 =	simm.s32 @!p0 $0x108  }
0x21: {  	s3 =	sadd.s32 s3, s9;
	s6 =	sadd.s32 @!p0 $0x88, s6;
	s7 =	simm.s32 @p2 $0x1082  }
0x22: {  	[simem:s7], [sflag:s8] =	dma.local @!p0 [hbm:s6], $0xF7A  }
0x23: {  	s9 =	sor.u32 $0xD0000000, s2;
	s6 =	simm.s32 $0x108;
	_ =	swait.ge @!p0 [sflag:s8], $0x0  }
0x24: {  	s3 =	sadd.s32 $0x88, s3;
	s6 =	simm.s32 @!p1 $0x1082;
	[sflag:s4] =	ssyncset.s32 $0xFFFFF086  }
0x25: {  	[simem:s6], [sflag:s4] =	dma.local [hbm:s3], $0xF7A  }
0x26: {  	[smem:$0x3F99] =	sst s1;
	(tag) =	ssettag s2;
	_ =	strace s9  }
0x27: {  	s1 =	sld [smem:$0x3FA9]  }
0x28: {  	s2 =	sld [smem:$0x3FAA]  }
0x29: {  	s4 =	sld [smem:$0x3FAC]  }
0x2a: {  	p0 =	seq.s32 s5, $0x0;
	s5 =	sld [smem:$0x3FAD]  }
0x2b: {  	s6 =	sld [smem:$0x3FAE]  }
0x2c: {  	s7 =	sld [smem:$0x3FAF]  }
0x2d: {  	s3 =	simm.s32 $0x108;
	s8 =	sld [smem:$0x3FB0]  }
0x2e: {  	s3 =	simm.s32 @!p0 $0x1082;
	s9 =	sld [smem:$0x3FB1]  }
0x2f: {  	lr =	sadd.s32 s0, s3;
	s0 =	sld [smem:$0x3FA8]  }
0x30: {  	s3 =	sld [smem:$0x3FAB]  }
0x31: {  	[smem:$0x3FB4] =	sst s10  }
0x32: {  	s10 =	sld [smem:$0x3FB2];
	_ =	sdelay $0x3  }
0x33: {  	p0 =	seq.s32 s10, $0x1;
	s10 =	sld [smem:$0x3FB4];
	_ =	sdelay $0x3  }
0x34: {  	[smem:$0x3FB4] =	sst s10  }
0x35: {  	s10 =	sld [smem:$0x3FB3];
	_ =	sdelay $0x3  }
0x36: {  	p1 =	seq.s32 s10, $0x1;
	s10 =	sld [smem:$0x3FB4];
	_ =	sdelay $0x3  }
0x37: {  	[smem:$0x3FB4] =	sst s10  }
0x38: {  	s10 =	sld [smem:$0x3FB5]  }
0x39: {  	_ = 	snop;
	(pc) =	sbr.ind lr, $3  }
0x3a: {  	_ = 	snop  }
0x3b: {  	_ = 	snop  }
0x3c: {  	p2 =	seq.s32 s10, $0x1;
	s10 =	sld [smem:$0x3FB4]  }
0x3d: {  	_ =	shalt  }
0x3e: {  	_ =	shalt  }
0x3f: {  	_ =	shalt  }
0x40: {  	_ =	shalt  }
0x41: {  	_ =	shalt  }
0x42: {  	_ =	shalt  }
0x43: {  	_ =	shalt  }
0x44: {  	_ =	shalt  }
0x45: {  	_ =	shalt  }
0x46: {  	_ =	shalt  }
0x47: {  	_ =	shalt  }
0x48: {  	_ =	shalt  }
0x49: {  	_ =	shalt  }
0x4a: {  	_ =	shalt  }
0x4b: {  	_ =	shalt  }
0x4c: {  	_ =	shalt  }
0x4d: {  	_ =	shalt  }
0x4e: {  	_ =	shalt  }
0x4f: {  	_ =	shalt  }
0x50: {  	_ =	shalt  }
0x51: {  	_ =	shalt  }
0x52: {  	_ =	shalt  }
0x53: {  	_ =	shalt  }
0x54: {  	_ =	shalt  }
0x55: {  	_ =	shalt  }
0x56: {  	_ =	shalt  }
0x57: {  	_ =	shalt  }
0x58: {  	_ =	shalt  }
0x59: {  	_ =	shalt  }
0x5a: {  	_ =	shalt  }
0x5b: {  	_ =	shalt  }
0x5c: {  	_ =	shalt  }
0x5d: {  	_ =	shalt  }
0x5e: {  	_ =	shalt  }
0x5f: {  	_ =	shalt  }
0x60: {  	_ =	shalt  }
0x61: {  	_ =	shalt  }
0x62: {  	_ =	shalt  }
0x63: {  	_ =	shalt  }
0x64: {  	_ =	shalt  }
0x65: {  	_ =	shalt  }
0x66: {  	_ =	shalt  }
0x67: {  	_ =	shalt  }
0x68: {  	_ =	shalt  }
0x69: {  	_ =	shalt  }
0x6a: {  	_ =	shalt  }
0x6b: {  	_ =	shalt  }
0x6c: {  	_ =	shalt  }
0x6d: {  	_ =	shalt  }
0x6e: {  	_ =	shalt  }
0x6f: {  	_ =	shalt  }
0x70: {  	_ =	shalt  }
0x71: {  	_ =	shalt  }
0x72: {  	_ =	shalt  }
0x73: {  	_ =	shalt  }
0x74: {  	_ =	shalt  }
0x75: {  	_ =	shalt  }
0x76: {  	_ =	shalt  }
0x77: {  	_ =	shalt  }
0x78: {  	_ =	shalt  }
0x79: {  	_ =	shalt  }
0x7a: {  	_ =	shalt  }
0x7b: {  	_ =	shalt  }
0x7c: {  	_ =	shalt  }
0x7d: {  	_ =	shalt  }
0x7e: {  	_ =	shalt  }
0x7f: {  	_ =	shalt  }
0x80: {  	_ =	shalt  }
0x81: {  	_ =	shalt  }
0x82: {  	_ =	shalt  }
0x83: {  	_ =	shalt  }
0x84: {  	_ =	shalt  }
0x85: {  	_ =	shalt  }
0x86: {  	_ =	shalt  }
0x87: {  	_ =	shalt  }
.Lfunc_end0:
.L_simem_size_0:
called_computation.2_lowered:
.L_overlay_start_0:
0x88: {  	s2 =	sld [smem:$0x3FD9]  }
0x89: {  	s3 =	sld [smem:$0x3FFE];
	_ =	sdelay $0x1  }
0x8a: {  	s1 =	srdreg.scid  }
0x8b: {  	s0 =	sand.u32 $0x1, s1  }
0x8c: {  	s16 =	sshll.u32 s0, $0xA;
	s2 =	sadd.s32 s3, s2  }
0x8d: {  	s2 =	sadd.s32 s2, s16  }
0x8e: {  	[smem:$0x3FC0] =	sst s2  }
0x8f: {  	_ = 	snop  }
0x90: {  	(tm) =	ssettm $0x1  }
0x91: {  	s17 =	sld [smem:$0x3FFB];
	_ =	sdelay $0x3  }
0x92: {  	_ =	strace s17  }
0x93: {  	s2 =	sld [smem:$0x3FFC];
	_ =	sdelay $0x3  }
0x94: {  	_ =	strace s2  }
0x95: {  	s2 =	sld [smem:$0x3FFD];
	_ =	sdelay $0x3  }
0x96: {  	_ =	strace s2  }
0x97: {  	_ =	strace $0x8FFFFFFF  }
0x98: {  	s18 =	sld [smem:$0x3FDB];
	_ =	sdelay $0x1  }
0x99: {  	s19 =	simm.s32 $_scs_section_size  }
0x9a: {  	s4 =	simm.s32 $_size__tile_overlayer_lowered;
	s5 =	simm.s32 $_tile_overlayer_lowered  }
0x9b: {  	s22 =	simm.s32 $0x1BFF;
	s21 =	sshll.u32 s5, $0x1;
	s2 =	sadd.s32 s19, s18  }
0x9c: {  	s6 =	simm.s32 $0x0;
	s20 =	sshll.u32 s4, $0x1;
	s4 =	sadd.s32 s21, s2  }
0x9d: {  	[timem:s6], [sflag:s22] =	dma.local [hbm:s4], s20  }
0x9e: {  	_ =	swait.ge [sflag:s22], s20  }
0x9f: {  	s3 =	ssub.s32 $0x0, s20;
	[sflag:s22] =	ssyncset.done $0x0  }
0xa0: {  	[sflag:s22] =	ssyncadd.s32 s3;
	_ =	sdelay $0x1  }
0xa1: {  	s23 =	simm.s32 $0x1B8B  }
0xa2: {  	_ =	swait.ge [sflag:s23], $0x1  }
0xa3: {  	[sflag:s23] =	ssyncset.done $0x0  }
0xa4: {  	s25 =	simm.s32 $0x1B8E;
	s24 =	sld [smem:$0x3FFE];
	[sflag:s23] =	ssyncadd.s32 $0xFFFFFFFF  }
0xa5: {  	s26 =	simm.s32 $execute0_lowered;
	[smem:$0x3FD2] =	sst s25  }
0xa6: {  	s4 =	sshll.u32 s26, $0x1;
	_ =	strace $0x8000004C;
	[dreg:$0x1] =	wrdreg $0xFFFFFFFF  }
0xa7: {  	s28 =	simm.s32 $_size_execute0_lowered;
	s2 =	sadd.s32 s2, s4;
	[dreg:$0x0] =	wrdreg $0x0  }
0xa8: {  	s4 =	sshll.u32 s28, $0x1;
	[dreg:$0x2] =	wrdreg s2  }
0xa9: {  	[dreg:$0x3] =	wrdreg s4  }
0xaa: {  	[dreg:$0x4] =	wrdreg $0xC0  }
0xab: {  	_ =	task [dreg:s6], $0x5FFFF  }
0xac: {  	[dreg:$0x1] =	wrdreg $0xFFFFFFFF  }
0xad: {  	[dreg:$0x0] =	wrdreg $0x60  }
0xae: {  	[dreg:$0x2] =	wrdreg s24  }
0xaf: {  	[dreg:$0x3] =	wrdreg $0xC3000  }
0xb0: {  	[dreg:$0x4] =	wrdreg $0x9  }
0xb1: {  	_ =	task.clear_ibuf [dreg:s6], $0x5FFFF;
	_ =	strace $0x9000004C  }
0xb2: {  	s29 =	simm.s32 $0x9;
	_ =	strace $0x8000004E  }
0xb3: {  	_ =	swait.ge [sflag:s29], $0x1  }
0xb4: {  	[sflag:s29] =	ssyncadd.s32 $0xFFFFFFFF  }
0xb5: {  	_ =	strace $0x9000004E  }
0xb6: {  	_ =	sfence  }
0xb7: {  	s30 =	sld [smem:$0x0];
	_ =	sdelay $0x2  }
0xb8: {  	s31 =	sshll.u32 s1, $0xD;
	s1 =	sshrl.u32 s1, $0x2  }
0xb9: {  	s3 =	sand.u32 $0x4000, s31;
	s1 =	sadd.s32 s1, s30  }
0xba: {  	s0 =	sor.u32 s3, s0;
	s1 =	sshll.u32 s1, $0x11  }
0xbb: {  	s0 =	sor.u32 s1, s0  }
0xbc: {  	s0 =	sadd.s32 $0x8F2B, s0  }
0xbd: {  	[sflag:s0] =	ssyncadd.remote.s32 $0x1  }
0xbe: {  	_ =	sfence.sel $0xFFFF  }
0xbf: {  	[dreg:$0x0] =	wrdreg $0xFFFFFFFF;
	(pc) =	sbr.abs _section_cstart, $3  }
0xc0: {  	[dreg:$0x1] =	wrdreg $0xFFFFFFFF  }
0xc1: {  	_ =	task.clear_ibuf [dreg:s6], $0x2FFFF;
	_ =	strace $0x9FFFFFFF  }
0xc2: {  	(tm) =	ssettm $0x7FFFFFFF  }
0xc3: {  	_ =	shalt  }
tec
execute0_lowered:
.L_overlay_start_1:
0x0: {  	(tag) =	ssettag $0x1  }
0x1: {  	s0 =	rddreg [dreg:$0x0]  }
0x2: {  	s17 =	stileid.u32;
	s2 =	srdreg.scid  }
0x3: {  	s1 =	simm.s32 $0x0;
	s3 =	sand.u32 $0x1, s2;
	s18 =	smul.u32 $0x4C00, s17  }
0x4: {  	[smem:$0x7FF] =	sst s1;
	s4 =	sadd.s32 $0x17A00, s0;
	s7 =	smul.u32 $0x1300, s17  }
0x5: {  	s9 =	sadd.s32 $0xEF600, s0;
	s20 =	sshll.u32 s17, $0x3;
	s21 =	sshll.u32 s17, $0xA  }
0x6: {  	s22 =	smul.u32 $0x13800, s17;
	s11 =	sadd.s32 $0x17A10, s0;
	p1 =	seq.s32 s17, $0xF  }
0x7: {  	s5 =	ssub.s32 $0x2, s3;
	p0 =	seq.s32 s3, $0x1;
	s3 =	smul.u32 $0x138800, s3  }
0x8: {  	s26 =	sor.u32 $0x4C180, s21;
	s14 =	sor.u32 $0x4C200, s21;
	s6 =	sshrl.u32 s5, $0x1  }
0x9: {  	s8 =	sor.u32 $0x80, s18;
	s18 =	sadd.s32 s4, s7;
	s7 =	sor.u32 $0x4C080, s21  }
0xa: {  	s15 =	sshrl.u32 s26, $0x2;
	s13 =	sshrl.u32 s14, $0x2;
	s2 =	ssub.s32 s5, s6  }
0xb: {  	s19 =	sshrl.u32 s8, $0x2;
	s12 =	sshrl.u32 s7, $0x2;
	s6 =	sadd.s32 s22, s3  }
0xc: {  	s3 =	sshrl.u32 s3, $0x3;
	s16 =	sadd.s32 s13, s11;
	s5 =	sor.u32 $0x4C380, s21  }
0xd: {  	s8 =	sshrl.u32 s8, $0x3;
	s22 =	sadd.s32 $0xD000, s0;
	s4 =	sadd.s32 s4, s19  }
0xe: {  	s23 =	sadd.s32 s12, s11;
	s6 =	sshrl.u32 s6, $0x3;
	[dreg:$0x9] =	wrdreg s16  }
0xf: {  	s3 =	sadd.s32 s9, s3;
	s16 =	sshrl.u32 s5, $0x2;
	[dreg:$0x4] =	wrdreg s4  }
0x10: {  	s8 =	sadd.s32 s22, s8;
	s30 =	smax.u32 s2, $0x1;
	[dreg:$0x6] =	wrdreg s23  }
0x11: {  	s4 =	sor.u32 $0x980, s20;
	s6 =	sadd.s32 s9, s6;
	[dreg:$0xe] =	wrdreg s8  }
0x12: {  	s23 =	sshrl.u32 s7, $0x3;
	s8 =	sshrl.u32 s14, $0x3;
	s14 =	sshrl.u32 s5, $0x3  }
0x13: {  	s29 =	sadd.s32 $0x24900, s3;
	s10 =	sshll.u32 s4, $0x5;
	s24 =	sshll.u32 s4, $0x7  }
0x14: {  	s4 =	sshll.u32 s4, $0x4;
	s10 =	sadd.s32 s10, s11;
	s25 =	sor.u32 $0x100, s24  }
0x15: {  	s4 =	sadd.s32 s22, s4;
	[dreg:$0x5] =	wrdreg s10;
	s10 =	sshrl.u32 s25, $0x2  }
0x16: {  	[dreg:$0xf] =	wrdreg s4;
	s24 =	sshrl.u32 s25, $0x3;
	s25 =	sshrl.u32 s26, $0x3  }
0x17: {  	s4 =	sadd.s32 s22, s23;
	s23 =	rddreg [dreg:$0x1];
	s10 =	sadd.s32 s10, s11  }
0x18: {  	[dreg:$0x10] =	wrdreg s4;
	s26 =	sadd.s32 s22, s24;
	s7 =	sadd.s32 s22, s25  }
0x19: {  	s4 =	sadd.s32 s22, s8;
	s25 =	sadd.s32 $0x79C00, s0;
	[dreg:$0x7] =	wrdreg s10  }
0x1a: {  	s2 =	sadd.s32 $0x124800, s23;
	s24 =	sadd.s32 $0x40, s18;
	[dreg:$0x11] =	wrdreg s26  }
0x1b: {  	s8 =	simm.s32 $0x80;
	s10 =	sadd.s32 s15, s11;
	[dreg:$0x12] =	wrdreg s7  }
0x1c: {  	s15 =	sor.u32 $0x4C300, s21;
	[dreg:$0x13] =	wrdreg s4;
	s4 =	sadd.s32 s22, s14  }
0x1d: {  	s7 =	simm.s32 $0x2;
	s14 =	simm.s32 $0x100;
	[dreg:$0x8] =	wrdreg s10  }
0x1e: {  	s10 =	sor.u32 $0x4C280, s21;
	s20 =	sshrl.u32 s15, $0x2;
	s21 =	smul.u32 $0x980, s17  }
0x1f: {  	[dreg:$0x16] =	wrdreg s4;
	s19 =	sshrl.u32 s10, $0x2;
	s9 =	sshrl.u32 s10, $0x3  }
0x20: {  	s10 =	sshrl.u32 s15, $0x3;
	s15 =	smul.u32 $0x4F000, s17;
	s13 =	sadd.s32 s19, s11  }
0x21: {  	s12 =	sadd.s32 s22, s9;
	s19 =	smul.u32 $0x4E000, s17;
	s9 =	simm.s32 $0x300  }
0x22: {  	[dreg:$0xa] =	wrdreg s13;
	s13 =	sadd.s32 s20, s11;
	s11 =	sadd.s32 s16, s11  }
0x23: {  	[dreg:$0x14] =	wrdreg s12;
	s16 =	smul.u32 $0x2780, s17;
	s5 =	sshrl.u32 s15, $0x2  }
0x24: {  	s12 =	simm.s32 $0x4300;
	s15 =	simm.s32 $0x280;
	[dreg:$0xb] =	wrdreg s13  }
0x25: {  	[dreg:$0xc] =	wrdreg s11;
	s11 =	sadd.s32 s22, s21;
	s13 =	sadd.s32 s22, s10  }
0x26: {  	s20 =	sadd.s32 s5, s23;
	s21 =	sshrl.u32 s19, $0x2;
	s22 =	sshll.u32 s17, $0x6  }
0x27: {  	s5 =	simm.s32 $0x4;
	s10 =	simm.s32 $0x200;
	s17 =	simm.s32 $0x3  }
0x28: {  	[dreg:$0x15] =	wrdreg s13;
	s4 =	sadd.s32 s16, s0;
	s28 =	sor.u32 $0x1C04, s22  }
.Ltmp0:
0x29: {  	s31 =	sshrl.u32 s20, $0x3;
	s20 =	sshrl.u32 @p1 s2, $0x3;
	(pc) =	sbr.rel .LBB2_1-.Ltmp0, $4  }
0x2a: {  	s2 =	simm.s32 $0x180;
	_ =	strace $0x8000004D;
	[dreg:$0x3] =	wrdreg s18  }
0x2b: {  	s16 =	simm.s32 $0x8300;
	s26 =	sadd.s32 $0xC7E00, s4;
	[dreg:$0x17] =	wrdreg s24  }
0x2c: {  	s4 =	sadd.s32 s21, s23;
	[dreg:$0xd] =	wrdreg s11;
	s21 =	sadd.s32 $0x20, s11  }
0x2d: {  	s11 =	simm.s32 $0x1;
	s18 =	simm.s32 $0x0;
	s0 =	sshrl.u32 @!p1 s4, $0x3  }
.LBB2_19:
0x2e: {  	s3 =	rddreg [dreg:$0x5]  }
0x2f: {  	[tilespmem:s1], [sflag:$0x2] =	stream.linear.gather [hbm4b:s3+s1], $0x80, $0x38;
	[tilespmem:$0x1FF00] =	vst v63  }
0x30: {  	s4 =	rddreg [dreg:$0xf]  }
0x31: {  	[tilespmem:s2], [sflag:$0x2] =	stream.linear.gather [hbm4b:s4+s1], $0x80, $0x38;
	[tilespmem:$0x1FF00] =	vst v63  }
0x32: {  	_ =	swait.ge [sflag:s7], $0x80  }
0x33: {  	[sflag:s7] =	ssyncset.done $0x0  }
0x34: {  	[sflag:s7] =	ssyncadd.s32 $0xFFFFFF80  }
0x35: {  	_ =	swait.ge [sflag:s7], $0x80  }
0x36: {  	[sflag:s7] =	ssyncset.done $0x0  }
0x37: {  	[sflag:s7] =	ssyncadd.s32 $0xFFFFFF80  }
0x38: {  	[tilespmem:s9], [sflag:$0x1] =	stream.indirect.gather [hbm4b:s25+s8], $0x80, s1, s8, $0xb8;
	[tilespmem:$0x1FF00] =	vst v63  }
0x39: {  	s13 =	rddreg [dreg:$0x6]  }
0x3a: {  	[tilespmem:s8], [sflag:$0x2] =	stream.linear.gather [hbm4b:s13+s1], $0x80, $0x38;
	[tilespmem:$0x1FF00] =	vst v63  }
0x3b: {  	s19 =	rddreg [dreg:$0x10]  }
0x3c: {  	[tilespmem:s10], [sflag:$0x2] =	stream.linear.gather [hbm4b:s19+s1], $0x80, $0x38;
	[tilespmem:$0x1FF00] =	vst v63  }
0x3d: {  	_ =	swait.ge [sflag:s11], $0x4000  }
0x3e: {  	[sflag:s11] =	ssyncset.done $0x0  }
0x3f: {  	[sflag:s11] =	ssyncadd.s32 $0xFFFFC000  }
0x40: {  	_ =	swait.ge [sflag:s7], $0x80  }
0x41: {  	[sflag:s7] =	ssyncset.done $0x0  }
0x42: {  	[sflag:s7] =	ssyncadd.s32 $0xFFFFFF80  }
0x43: {  	_ =	swait.ge [sflag:s7], $0x80  }
0x44: {  	[sflag:s7] =	ssyncset.done $0x0  }
0x45: {  	[sflag:s7] =	ssyncadd.s32 $0xFFFFFF80  }
0x46: {  	[tilespmem:s12], [sflag:$0x1] =	stream.indirect.gather [hbm4b:s25+s8], $0x80, s8, s8, $0xb8;
	[tilespmem:$0x1FF00] =	vst v63  }
0x47: {  	s22 =	rddreg [dreg:$0x7]  }
0x48: {  	[tilespmem:s14], [sflag:$0x2] =	stream.linear.gather [hbm4b:s22+s1], $0x80, $0x38;
	[tilespmem:$0x1FF00] =	vst v63  }
0x49: {  	s24 =	rddreg [dreg:$0x11]  }
0x4a: {  	[tilespmem:s15], [sflag:$0x2] =	stream.linear.gather [hbm4b:s24+s1], $0x80, $0x38;
	[tilespmem:$0x1FF00] =	vst v63  }
0x4b: {  	_ = 	snop  }
0x4c: {  	[spmem:s23] =	stream.indirect.scatter.add.f32 [tilespmem:s9], [sflag:$0x3], $0x80, s2, s8, $0xb8;
	[tilespmem:$0x1FF00] =	vst v63  }
0x4d: {  	_ =	swait.ge [sflag:s11], $0x4000  }
0x4e: {  	[sflag:s11] =	ssyncset.done $0x0  }
0x4f: {  	[sflag:s11] =	ssyncadd.s32 $0xFFFFC000  }
0x50: {  	_ =	swait.ge [sflag:s7], $0x80  }
0x51: {  	[sflag:s7] =	ssyncset.done $0x0  }
0x52: {  	[sflag:s7] =	ssyncadd.s32 $0xFFFFFF80  }
0x53: {  	_ =	swait.ge [sflag:s7], $0x80  }
0x54: {  	[sflag:s7] =	ssyncset.done $0x0  }
0x55: {  	[sflag:s7] =	ssyncadd.s32 $0xFFFFFF80  }
0x56: {  	[tilespmem:s16], [sflag:$0x1] =	stream.indirect.gather [hbm4b:s25+s8], $0x80, s14, s8, $0xb8;
	[tilespmem:$0x1FF00] =	vst v63  }
0x57: {  	s4 =	rddreg [dreg:$0x8]  }
0x58: {  	[tilespmem:s1], [sflag:$0x2] =	stream.linear.gather [hbm4b:s4+s1], $0x80, $0x38;
	[tilespmem:$0x1FF00] =	vst v63  }
0x59: {  	s13 =	rddreg [dreg:$0x12]  }
0x5a: {  	[tilespmem:s2], [sflag:$0x2] =	stream.linear.gather [hbm4b:s13+s1], $0x80, $0x38;
	[tilespmem:$0x1FF00] =	vst v63  }
0x5b: {  	_ = 	snop  }
0x5c: {  	[spmem:s23] =	stream.indirect.scatter.add.f32 [tilespmem:s12], [sflag:$0x3], $0x80, s10, s8, $0xb8;
	[tilespmem:$0x1FF00] =	vst v63  }
0x5d: {  	_ =	swait.ge [sflag:s11], $0x4000  }
0x5e: {  	[sflag:s11] =	ssyncset.done $0x0  }
0x5f: {  	[sflag:s11] =	ssyncadd.s32 $0xFFFFC000  }
0x60: {  	_ =	swait.ge [sflag:s7], $0x80  }
0x61: {  	[sflag:s7] =	ssyncset.done $0x0  }
0x62: {  	[sflag:s7] =	ssyncadd.s32 $0xFFFFFF80  }
0x63: {  	_ =	swait.ge [sflag:s7], $0x80  }
0x64: {  	[sflag:s7] =	ssyncset.done $0x0  }
0x65: {  	[sflag:s7] =	ssyncadd.s32 $0xFFFFFF80  }
0x66: {  	_ =	swait.ge [sflag:s17], $0x4000  }
0x67: {  	[sflag:s17] =	ssyncset.done $0x0  }
0x68: {  	[sflag:s17] =	ssyncadd.s32 $0xFFFFC000  }
0x69: {  	[tilespmem:s9], [sflag:$0x1] =	stream.indirect.gather [hbm4b:s25+s8], $0x80, s1, s8, $0xb8;
	[tilespmem:$0x1FF00] =	vst v63  }
0x6a: {  	s19 =	rddreg [dreg:$0x9]  }
0x6b: {  	[tilespmem:s8], [sflag:$0x2] =	stream.linear.gather [hbm4b:s19+s1], $0x80, $0x38;
	[tilespmem:$0x1FF00] =	vst v63  }
0x6c: {  	s22 =	rddreg [dreg:$0x13]  }
0x6d: {  	[tilespmem:s10], [sflag:$0x2] =	stream.linear.gather [hbm4b:s22+s1], $0x80, $0x38;
	[tilespmem:$0x1FF00] =	vst v63  }
0x6e: {  	_ = 	snop  }
0x6f: {  	[spmem:s23] =	stream.indirect.scatter.add.f32 [tilespmem:s16], [sflag:$0x3], $0x80, s15, s8, $0xb8;
	[tilespmem:$0x1FF00] =	vst v63  }
0x70: {  	_ =	swait.ge [sflag:s11], $0x4000  }
0x71: {  	[sflag:s11] =	ssyncset.done $0x0  }
0x72: {  	[sflag:s11] =	ssyncadd.s32 $0xFFFFC000  }
0x73: {  	_ =	swait.ge [sflag:s7], $0x80  }
0x74: {  	[sflag:s7] =	ssyncset.done $0x0  }
0x75: {  	[sflag:s7] =	ssyncadd.s32 $0xFFFFFF80  }
0x76: {  	_ =	swait.ge [sflag:s7], $0x80  }
0x77: {  	[sflag:s7] =	ssyncset.done $0x0  }
0x78: {  	[sflag:s7] =	ssyncadd.s32 $0xFFFFFF80  }
0x79: {  	_ =	swait.ge [sflag:s17], $0x4000  }
0x7a: {  	[sflag:s17] =	ssyncset.done $0x0  }
0x7b: {  	[sflag:s17] =	ssyncadd.s32 $0xFFFFC000  }
0x7c: {  	[tilespmem:s12], [sflag:$0x1] =	stream.indirect.gather [hbm4b:s25+s8], $0x80, s8, s8, $0xb8;
	[tilespmem:$0x1FF00] =	vst v63  }
0x7d: {  	s24 =	rddreg [dreg:$0xa]  }
0x7e: {  	[tilespmem:s14], [sflag:$0x2] =	stream.linear.gather [hbm4b:s24+s1], $0x80, $0x38;
	[tilespmem:$0x1FF00] =	vst v63  }
0x7f: {  	s4 =	rddreg [dreg:$0x14]  }
0x80: {  	[tilespmem:s15], [sflag:$0x2] =	stream.linear.gather [hbm4b:s4+s1], $0x80, $0x38;
	[tilespmem:$0x1FF00] =	vst v63  }
0x81: {  	_ = 	snop  }
0x82: {  	[spmem:s23] =	stream.indirect.scatter.add.f32 [tilespmem:s9], [sflag:$0x3], $0x80, s2, s8, $0xb8;
	[tilespmem:$0x1FF00] =	vst v63  }
0x83: {  	_ =	swait.ge [sflag:s11], $0x4000  }
0x84: {  	[sflag:s11] =	ssyncset.done $0x0  }
0x85: {  	[sflag:s11] =	ssyncadd.s32 $0xFFFFC000  }
0x86: {  	_ =	swait.ge [sflag:s7], $0x80  }
0x87: {  	[sflag:s7] =	ssyncset.done $0x0  }
0x88: {  	[sflag:s7] =	ssyncadd.s32 $0xFFFFFF80  }
0x89: {  	_ =	swait.ge [sflag:s7], $0x80  }
0x8a: {  	[sflag:s7] =	ssyncset.done $0x0  }
0x8b: {  	[sflag:s7] =	ssyncadd.s32 $0xFFFFFF80  }
0x8c: {  	_ =	swait.ge [sflag:s17], $0x4000  }
0x8d: {  	[sflag:s17] =	ssyncset.done $0x0  }
0x8e: {  	[sflag:s17] =	ssyncadd.s32 $0xFFFFC000  }
0x8f: {  	[tilespmem:s16], [sflag:$0x1] =	stream.indirect.gather [hbm4b:s25+s8], $0x80, s14, s8, $0xb8;
	[tilespmem:$0x1FF00] =	vst v63  }
0x90: {  	s13 =	rddreg [dreg:$0xb]  }
0x91: {  	[tilespmem:s1], [sflag:$0x2] =	stream.linear.gather [hbm4b:s13+s1], $0x80, $0x38;
	[tilespmem:$0x1FF00] =	vst v63  }
0x92: {  	s19 =	rddreg [dreg:$0x15]  }
0x93: {  	[tilespmem:s2], [sflag:$0x2] =	stream.linear.gather [hbm4b:s19+s1], $0x80, $0x38;
	[tilespmem:$0x1FF00] =	vst v63  }
0x94: {  	_ = 	snop  }
0x95: {  	[spmem:s23] =	stream.indirect.scatter.add.f32 [tilespmem:s12], [sflag:$0x3], $0x80, s10, s8, $0xb8;
	[tilespmem:$0x1FF00] =	vst v63  }
0x96: {  	_ =	swait.ge [sflag:s11], $0x4000  }
0x97: {  	[sflag:s11] =	ssyncset.done $0x0  }
0x98: {  	[sflag:s11] =	ssyncadd.s32 $0xFFFFC000  }
0x99: {  	_ =	swait.ge [sflag:s7], $0x80  }
0x9a: {  	[sflag:s7] =	ssyncset.done $0x0  }
0x9b: {  	[sflag:s7] =	ssyncadd.s32 $0xFFFFFF80  }
0x9c: {  	_ =	swait.ge [sflag:s7], $0x80  }
0x9d: {  	[sflag:s7] =	ssyncset.done $0x0  }
0x9e: {  	[sflag:s7] =	ssyncadd.s32 $0xFFFFFF80  }
0x9f: {  	_ =	swait.ge [sflag:s17], $0x4000  }
0xa0: {  	[sflag:s17] =	ssyncset.done $0x0  }
0xa1: {  	[sflag:s17] =	ssyncadd.s32 $0xFFFFC000  }
0xa2: {  	[tilespmem:s9], [sflag:$0x1] =	stream.indirect.gather [hbm4b:s25+s8], $0x80, s1, s8, $0xb8;
	[tilespmem:$0x1FF00] =	vst v63  }
0xa3: {  	s22 =	rddreg [dreg:$0xc]  }
0xa4: {  	[tilespmem:s8], [sflag:$0x2] =	stream.linear.gather [hbm4b:s22+s1], $0x80, $0x38;
	[tilespmem:$0x1FF00] =	vst v63  }
0xa5: {  	s24 =	rddreg [dreg:$0x16]  }
0xa6: {  	[tilespmem:s10], [sflag:$0x2] =	stream.linear.gather [hbm4b:s24+s1], $0x80, $0x38;
	[tilespmem:$0x1FF00] =	vst v63  }
0xa7: {  	_ = 	snop  }
0xa8: {  	[spmem:s23] =	stream.indirect.scatter.add.f32 [tilespmem:s16], [sflag:$0x3], $0x80, s15, s8, $0xb8;
	[tilespmem:$0x1FF00] =	vst v63  }
0xa9: {  	_ =	swait.ge [sflag:s11], $0x4000  }
0xaa: {  	[sflag:s11] =	ssyncset.done $0x0  }
0xab: {  	[sflag:s11] =	ssyncadd.s32 $0xFFFFC000  }
0xac: {  	_ =	swait.ge [sflag:s7], $0x80  }
0xad: {  	[sflag:s7] =	ssyncset.done $0x0  }
0xae: {  	[sflag:s7] =	ssyncadd.s32 $0xFFFFFF80  }
0xaf: {  	_ =	swait.ge [sflag:s7], $0x80  }
0xb0: {  	[sflag:s7] =	ssyncset.done $0x0  }
0xb1: {  	[sflag:s7] =	ssyncadd.s32 $0xFFFFFF80  }
0xb2: {  	_ =	swait.ge [sflag:s17], $0x4000  }
0xb3: {  	[sflag:s17] =	ssyncset.done $0x0  }
0xb4: {  	[sflag:s17] =	ssyncadd.s32 $0xFFFFC000  }
0xb5: {  	[tilespmem:s12], [sflag:$0x1] =	stream.indirect.gather [hbm4b:s25+s8], $0x80, s8, s8, $0xb8;
	[tilespmem:$0x1FF00] =	vst v63  }
0xb6: {  	_ = 	snop  }
0xb7: {  	[spmem:s23] =	stream.indirect.scatter.add.f32 [tilespmem:s9], [sflag:$0x3], $0x80, s2, s8, $0xb8;
	[tilespmem:$0x1FF00] =	vst v63  }
0xb8: {  	_ =	swait.ge [sflag:s11], $0x4000  }
0xb9: {  	[sflag:s11] =	ssyncset.done $0x0  }
0xba: {  	[sflag:s11] =	ssyncadd.s32 $0xFFFFC000  }
0xbb: {  	[spmem:s23] =	stream.indirect.scatter.add.f32 [tilespmem:s12], [sflag:$0x3], $0x80, s10, s8, $0xb8;
	[tilespmem:$0x1FF00] =	vst v63  }
.LBB2_20:
0xbc: {  	_ =	swait.ge [sflag:s17], $0x4000  }
0xbd: {  	[sflag:s17] =	ssyncset.done $0x0  }
0xbe: {  	[sflag:s17] =	ssyncadd.s32 $0xFFFFC000  }
0xbf: {  	_ =	swait.ge [sflag:s17], $0x4000  }
0xc0: {  	[sflag:s17] =	ssyncset.done $0x0  }
0xc1: {  	[sflag:s17] =	ssyncadd.s32 $0xFFFFC000  }
0xc2: {  	_ =	swait.ge [sflag:s17], $0x4000  }
0xc3: {  	[sflag:s17] =	ssyncset.done $0x0  }
0xc4: {  	[sflag:s17] =	ssyncadd.s32 $0xFFFFC000  }
0xc5: {  	s3 =	simm.s32 @p1 $0x4;
	[bflag:$0x0] =	sbarrier.arrive $0xFFFF  }
0xc6: {  	[hbm:s29], [sflag:s28] =	dma.local @p1 [spmem:s20], $0x2800  }
0xc7: {  	s18 =	sadd.s32 $0x1, s18;
	_ =	swait.ge @p1 [sflag:s3], $0x2800  }
0xc8: {  	p2 =	sne.s32 s18, s30;
	[sflag:s3] =	ssyncset.done @p1 $0x0  }
.Ltmp1:
0xc9: {  	[sflag:s3] =	ssyncadd.s32 @p1 $0xFFFFD800;
	s3 =	simm.s32 @!p1 $0x4;
	(pc) =	sbr.rel @!p2 .LBB2_21-.Ltmp1, $4  }
0xca: {  	[hbm:s6], [sflag:s28] =	dma.local @!p1 [spmem:s0], $0x2700  }
0xcb: {  	_ =	swait.ge @!p1 [sflag:s3], $0x2700  }
0xcc: {  	[sflag:s3] =	ssyncset.done @!p1 $0x0  }
0xcd: {  	[sflag:s3] =	ssyncadd.s32 @!p1 $0xFFFFD900  }
.LBB2_1:
0xce: {  	[spmem:s31], [sflag:s28] =	dma.local [hbm:s26], $0x2780  }
.Ltmp2:
0xcf: {  	_ =	swait.ge [sflag:s5], $0x2780;
	(pc) =	sbr.rel @p0 .LBB2_19-.Ltmp2, $3  }
0xd0: {  	[sflag:s5] =	ssyncset.done $0x0  }
0xd1: {  	[sflag:s5] =	ssyncadd.s32 $0xFFFFD880  }
0xd2: {  	[bflag:$0x0] =	sbarrier.arrive $0xFFFF;
	_ =	sdelay $0x1  }
0xd3: {  	s19 =	simm.s32 $0x0;
	s3 =	rddreg [dreg:$0x3]  }
0xd4: {  	[tilespmem:s19], [sflag:$0x2] =	stream.linear.gather [hbm4b:s3+s19], $0x80, $0x38;
	[tilespmem:$0x1FF00] =	vst v63  }
0xd5: {  	s13 =	rddreg [dreg:$0xd]  }
0xd6: {  	[tilespmem:s2], [sflag:$0x2] =	stream.linear.gather [hbm4b:s13+s19], $0x80, $0x38;
	[tilespmem:$0x1FF00] =	vst v63  }
0xd7: {  	_ =	swait.ge [sflag:s7], $0x80  }
0xd8: {  	[sflag:s7] =	ssyncset.done $0x0  }
0xd9: {  	[sflag:s7] =	ssyncadd.s32 $0xFFFFFF80  }
0xda: {  	_ =	swait.ge [sflag:s7], $0x80  }
0xdb: {  	[sflag:s7] =	ssyncset.done $0x0  }
0xdc: {  	[sflag:s7] =	ssyncadd.s32 $0xFFFFFF80  }
0xdd: {  	[tilespmem:s9], [sflag:$0x1] =	stream.indirect.gather [hbm4b:s25+s8], $0x80, s19, s8, $0xb8;
	[tilespmem:$0x1FF00] =	vst v63  }
.Ltmp3:
0xde: {  	s22 =	rddreg [dreg:$0x4];
	(pc) =	sbr.rel .LBB2_3-.Ltmp3, $4  }
0xdf: {  	s24 =	rddreg [dreg:$0xe]  }
0xe0: {  	[tilespmem:s8], [sflag:$0x2] =	stream.linear.gather [hbm4b:s22+s19], $0x80, $0x38;
	[tilespmem:$0x1FF00] =	vst v63  }
0xe1: {  	s4 =	smov.u32 s21;
	s3 =	rddreg [dreg:$0x17]  }
0xe2: {  	[tilespmem:s10], [sflag:$0x2] =	stream.linear.gather [hbm4b:s24+s19], $0x80, $0x38;
	[tilespmem:$0x1FF00] =	vst v63  }
.LBB2_13:
0xe3: {  	[tilespmem:s16], [sflag:$0x1] =	stream.indirect.gather [hbm4b:s25+s8], $0x80, s14, s8, $0xb8;
	[tilespmem:$0x1FF00] =	vst v63  }
.LBB2_15:
0xe4: {  	[tilespmem:s1], [sflag:$0x2] =	stream.linear.gather [hbm4b:s3+s1], $0x80, $0x38;
	[tilespmem:$0x1FF00] =	vst v63  }
0xe5: {  	_ = 	snop  }
0xe6: {  	[tilespmem:s2], [sflag:$0x2] =	stream.linear.gather [hbm4b:s4+s1], $0x80, $0x38;
	[tilespmem:$0x1FF00] =	vst v63  }
.LBB2_16:
0xe7: {  	[spmem:s23] =	stream.indirect.scatter.add.f32 [tilespmem:s12], [sflag:$0x3], $0x80, s10, s8, $0xb8;
	[tilespmem:$0x1FF00] =	vst v63  }
.LBB2_18:
0xe8: {  	s19 =	sadd.s32 $0x1, s19  }
0xe9: {  	p2 =	seq.s32 s19, $0x98  }
.Ltmp4:
0xea: {  	_ = 	snop;
	(pc) =	sbr.rel @p2 .LBB2_20-.Ltmp4, $2  }
0xeb: {  	_ =	sdelay $0x2  }
0xec: {  	s3 =	sadd.s32 $0x20, s3;
	s4 =	sadd.s32 $0x10, s4  }
.LBB2_3:
0xed: {  	s24 =	smul.u32 $0xAB, s19;
	_ =	sdelay $0x1  }
0xee: {  	s24 =	sshrl.u32 s24, $0x9  }
0xef: {  	s24 =	sand.u32 $0x7F, s24  }
0xf0: {  	s24 =	smul.u32 $0x3, s24;
	_ =	sdelay $0x1  }
0xf1: {  	s24 =	ssub.s32 s19, s24  }
0xf2: {  	s24 =	sand.u32 $0xFF, s24  }
0xf3: {  	p2 =	seq.s32 s24, $0x2  }
.Ltmp5:
0xf4: {  	_ = 	snop;
	(pc) =	sbr.rel @p2 .LBB2_17-.Ltmp5, $4  }
0xf5: {  	_ = 	snop  }
0xf6: {  	_ =	swait.ge [sflag:s11], $0x4000  }
0xf7: {  	[sflag:s11] =	ssyncset.done $0x0  }
0xf8: {  	[sflag:s11] =	ssyncadd.s32 $0xFFFFC000  }
0xf9: {  	p2 =	seq.s32 s24, $0x1  }
.Ltmp6:
0xfa: {  	_ = 	snop;
	(pc) =	sbr.rel @!p2 .LBB2_5-.Ltmp6, $1  }
0xfb: {  	_ =	sdelay $0x3  }
0xfc: {  	p2 =	seq.s32 s19, $0x97  }
.Ltmp7:
0xfd: {  	_ = 	snop;
	(pc) =	sbr.rel @p2 .LBB2_16-.Ltmp7, $1  }
0xfe: {  	_ =	sdelay $0x3  }
0xff: {  	_ =	swait.ge [sflag:s7], $0x80;
	p2 =	sgt.u32 s19, $0x1  }
.Ltmp8:
0x100: {  	[sflag:s7] =	ssyncset.done $0x0;
	(pc) =	sbr.rel @!p2 .LBB2_13-.Ltmp8, $4  }
0x101: {  	[sflag:s7] =	ssyncadd.s32 $0xFFFFFF80  }
0x102: {  	_ =	swait.ge [sflag:s7], $0x80  }
0x103: {  	[sflag:s7] =	ssyncset.done $0x0  }
0x104: {  	[sflag:s7] =	ssyncadd.s32 $0xFFFFFF80  }
0x105: {  	p2 =	sgt.u32 s19, $0x95  }
.Ltmp9:
0x106: {  	_ = 	snop;
	(pc) =	sbr.rel @p2 .LBB2_16-.Ltmp9, $4  }
.Ltmp10:
0x107: {  	_ =	swait.ge [sflag:s17], $0x4000;
	(pc) =	sbr.rel @!p2 .LBB2_15-.Ltmp10, $4  }
0x108: {  	[sflag:s17] =	ssyncset.done $0x0  }
0x109: {  	[sflag:s17] =	ssyncadd.s32 $0xFFFFC000  }
0x10a: {  	[tilespmem:s16], [sflag:$0x1] =	stream.indirect.gather [hbm4b:s25+s8], $0x80, s14, s8, $0xb8;
	[tilespmem:$0x1FF00] =	vst v63  }
0x10b: {  	_ = 	snop  }
.LBB2_17:
0x10c: {  	p2 =	seq.s32 s19, $0x97  }
0x10d: {  	s24 =	simm.s32 @!p2 $0x2  }
0x10e: {  	_ =	swait.ge @!p2 [sflag:s24], $0x80  }
0x10f: {  	[sflag:s24] =	ssyncset.done @!p2 $0x0  }
0x110: {  	[sflag:s24] =	ssyncadd.s32 @!p2 $0xFFFFFF80  }
0x111: {  	_ =	swait.ge @!p2 [sflag:s24], $0x80  }
0x112: {  	[sflag:s24] =	ssyncset.done @!p2 $0x0  }
0x113: {  	[sflag:s24] =	ssyncadd.s32 @!p2 $0xFFFFFF80;
	s24 =	simm.s32 @!p2 $0x3  }
0x114: {  	_ =	swait.ge @!p2 [sflag:s24], $0x4000  }
0x115: {  	s13 =	simm.s32 @!p2 $0x0;
	s22 =	simm.s32 @!p2 $0x300;
	[sflag:s24] =	ssyncset.done @!p2 $0x0  }
0x116: {  	p3 =	sgt.u32 @!p2 s19, $0x95;
	[sflag:s24] =	ssyncadd.s32 @!p2 $0xFFFFC000;
	s24 =	simm.s32 @!p2 $0x80  }
0x117: {  	[tilespmem:s22], [sflag:$0x1] =	stream.indirect.gather @!p2 [hbm4b:s25+s24], $0x80, s13, s24, $0xb8;
	[tilespmem:$0x1FF00] =	vst v63  }
0x118: {  	p2 =	por p3, p2  }
0x119: {  	s13 =	simm.s32 @!p2 $0x0;
	s22 =	simm.s32 @!p2 $0x80  }
0x11a: {  	[tilespmem:s22], [sflag:$0x2] =	stream.linear.gather @!p2 [hbm4b:s3+s13], $0x80, $0x38;
	[tilespmem:$0x1FF00] =	vst v63  }
.Ltmp11:
0x11b: {  	_ = 	snop;
	(pc) =	sbr.rel .LBB2_18-.Ltmp11, $4  }
0x11c: {  	s22 =	simm.s32 @!p2 $0x200  }
0x11d: {  	[tilespmem:s22], [sflag:$0x2] =	stream.linear.gather @!p2 [hbm4b:s4+s13], $0x80, $0x38;
	[tilespmem:$0x1FF00] =	vst v63  }
0x11e: {  	_ = 	snop  }
0x11f: {  	[spmem:s23] =	stream.indirect.scatter.add.f32 [tilespmem:s16], [sflag:$0x3], $0x80, s15, s8, $0xb8;
	[tilespmem:$0x1FF00] =	vst v63  }
.LBB2_5:
0x120: {  	p2 =	seq.s32 s19, $0x97  }
.Ltmp12:
0x121: {  	_ = 	snop;
	(pc) =	sbr.rel @p2 .LBB2_10-.Ltmp12, $1  }
0x122: {  	_ =	sdelay $0x3  }
0x123: {  	_ =	swait.ge [sflag:s7], $0x80;
	p2 =	sgt.u32 s19, $0x1  }
.Ltmp13:
0x124: {  	[sflag:s7] =	ssyncset.done $0x0;
	(pc) =	sbr.rel @!p2 .LBB2_7-.Ltmp13, $4  }
0x125: {  	[sflag:s7] =	ssyncadd.s32 $0xFFFFFF80  }
0x126: {  	_ =	swait.ge [sflag:s7], $0x80  }
0x127: {  	[sflag:s7] =	ssyncset.done $0x0  }
0x128: {  	[sflag:s7] =	ssyncadd.s32 $0xFFFFFF80  }
0x129: {  	p2 =	sgt.u32 s19, $0x95  }
.Ltmp14:
0x12a: {  	_ = 	snop;
	(pc) =	sbr.rel @p2 .LBB2_10-.Ltmp14, $4  }
.Ltmp15:
0x12b: {  	_ =	swait.ge [sflag:s17], $0x4000;
	(pc) =	sbr.rel @!p2 .LBB2_9-.Ltmp15, $4  }
0x12c: {  	[sflag:s17] =	ssyncset.done $0x0  }
0x12d: {  	[sflag:s17] =	ssyncadd.s32 $0xFFFFC000  }
0x12e: {  	[tilespmem:s12], [sflag:$0x1] =	stream.indirect.gather [hbm4b:s25+s8], $0x80, s8, s8, $0xb8;
	[tilespmem:$0x1FF00] =	vst v63  }
0x12f: {  	_ = 	snop  }
.LBB2_7:
0x130: {  	[tilespmem:s12], [sflag:$0x1] =	stream.indirect.gather [hbm4b:s25+s8], $0x80, s8, s8, $0xb8;
	[tilespmem:$0x1FF00] =	vst v63  }
.LBB2_9:
0x131: {  	[tilespmem:s14], [sflag:$0x2] =	stream.linear.gather [hbm4b:s3+s1], $0x80, $0x38;
	[tilespmem:$0x1FF00] =	vst v63  }
0x132: {  	_ = 	snop  }
0x133: {  	[tilespmem:s15], [sflag:$0x2] =	stream.linear.gather [hbm4b:s4+s1], $0x80, $0x38;
	[tilespmem:$0x1FF00] =	vst v63  }
.LBB2_10:
.Ltmp16:
0x134: {  	(pc) =	sbr.rel .LBB2_18-.Ltmp16, $2  }
0x135: {  	_ =	sdelay $0x2  }
0x136: {  	[spmem:s23] =	stream.indirect.scatter.add.f32 [tilespmem:s9], [sflag:$0x3], $0x80, s2, s8, $0xb8;
	[tilespmem:$0x1FF00] =	vst v63  }
.LBB2_21:
0x137: {  	_ =	sfence.sel $0x180000  }
0x138: {  	[bflag:$0x0] =	sbarrier.arrive $0xFFFF  }
0x139: {  	_ =	strace $0x9000004D  }
0x13a: {  	s0 =	stileid.u32;
	[bflag:$0x2] =	sbarrier.arrive $0xFFFF  }
0x13b: {  	p0 =	sne.s32 s0, $0x0;
	s0 =	rddreg [dreg:$0x2]  }
0x13c: {  	s0 =	sadd.s32 @!p0 $0x100000, s0  }
0x13d: {  	[sflag:s0] =	ssyncadd.tile.s32 @!p0 $0x1;
	_ =	shalt  }
.Lfunc_end2:
_tile_overlayer_lowered:
.L_overlay_start_2:
0x13e: {  	(tag) =	ssettag $0x2  }
0x13f: {  	s0 =	rddreg [dreg:$0x0];
	s2 =	stileid.u32  }
0x140: {  	s1 =	rddreg [dreg:$0x1];
	p0 =	sne.s32 s2, $0x0  }
0x141: {  	s3 =	rddreg [dreg:$0x2];
	[bflag:$0x3] =	sbarrier.arrive $0xFFFF;
	s2 =	simm.s32 @!p0 $0x1C04  }
0x142: {  	[timem:s3], [sflag:s2] =	dma.local @!p0 [hbm:s0], s1  }
0x143: {  	s0 =	simm.s32 @!p0 $0x4  }
0x144: {  	_ =	swait.ge @!p0 [sflag:s0], s1  }
0x145: {  	s1 =	ssub.s32 @!p0 $0x0, s1;
	[sflag:s0] =	ssyncset.done @!p0 $0x0  }
0x146: {  	[sflag:s0] =	ssyncadd.s32 @!p0 s1  }
0x147: {  	[bflag:$0x3] =	sbarrier.arrive $0xFFFF  }
0x148: {  	_ =	shalt  }

// kernel: kernel.8.cloned.1.call-start
scs
__scs_entry_jumppad:
0x0: {  	(pc) =	sbr.rel $0x88, $3  }
0x1: {  	(tag) =	ssettag $0x0;
	lr =	simm.s32 $0x1  }
0x2: {  	[smem:$0x3F99] =	sst lr;
	_ =	strace $0xD0000000  }
0x3: {  	_ = 	snop  }
0x4: {  	_ = 	snop  }
0x5: {  	_ = 	snop  }
0x6: {  	_ = 	snop  }
0x7: {  	_ = 	snop  }
__scs_overlays_trampoline_lowered:
0x8: {  	[smem:$0x3FA8] =	sst s0  }
0x9: {  	[smem:$0x3FA9] =	sst s1  }
0xa: {  	[smem:$0x3FAA] =	sst s2  }
0xb: {  	[smem:$0x3FAB] =	sst s3  }
0xc: {  	[smem:$0x3FAC] =	sst s4  }
0xd: {  	[smem:$0x3FAD] =	sst s5  }
0xe: {  	[smem:$0x3FAE] =	sst s6  }
0xf: {  	[smem:$0x3FAF] =	sst s7  }
0x10: {  	[smem:$0x3FB0] =	sst s8  }
0x11: {  	[smem:$0x3FB1] =	sst s9;
	s0 =	simm.s32 @!p0 $0x0  }
0x12: {  	s1 =	sld [smem:$0x3F97];
	s0 =	simm.s32 @p0 $0x1  }
0x13: {  	[smem:$0x3FB2] =	sst s0;
	s0 =	simm.s32 @!p1 $0x0  }
0x14: {  	s2 =	sld [smem:$0x3F96];
	s0 =	simm.s32 @p1 $0x1  }
0x15: {  	[smem:$0x3FB3] =	sst s0;
	s0 =	simm.s32 @!p2 $0x0  }
0x16: {  	s3 =	sld [smem:$0x3FDB];
	s0 =	simm.s32 @p2 $0x1  }
0x17: {  	s4 =	simm.s32 $0x1BF5;
	[smem:$0x3FB5] =	sst s0  }
0x18: {  	s0 =	sld [smem:$0x3F98];
	_ =	swait.ge [sflag:s4], $0x0  }
0x19: {  	s7 =	sld [smem:$0x3F99]  }
0x1a: {  	s8 =	sadd.s32 $0xFFFFE003, lr  }
0x1b: {  	s9 =	sadd.s32 $0xFFFFFEF7, lr;
	s5 =	simm.s32 $0xFFFFFFFF;
	p2 =	slt.u32 s8, $0xFFFFF086  }
0x1c: {  	p1 =	slt.u32 s9, $0xF7A;
	s5 =	simm.s32 @!p2 $0x0  }
0x1d: {  	s5 =	simm.s32 @p1 $0x1;
	p0 =	seq.s32 s7, s2  }
0x1e: {  	s7 =	smul.u32 @!p0 $0xF7A, s2;
	p2 =	seq.s32 @!p0 s5, $0x0  }
0x1f: {  	s9 =	smul.u32 $0xF7A, s1;
	s8 =	simm.s32 @!p0 $0x1BF5;
	p2 =	por !p2, p0  }
0x20: {  	[sflag:s8] =	ssyncset.s32 @!p0 $0xFFFFF086;
	s6 =	sadd.s32 @!p0 s3, s7;
	s7 =	simm.s32 @!p0 $0x108  }
0x21: {  	s3 =	sadd.s32 s3, s9;
	s6 =	sadd.s32 @!p0 $0x88, s6;
	s7 =	simm.s32 @p2 $0x1082  }
0x22: {  	[simem:s7], [sflag:s8] =	dma.local @!p0 [hbm:s6], $0xF7A  }
0x23: {  	s9 =	sor.u32 $0xD0000000, s2;
	s6 =	simm.s32 $0x108;
	_ =	swait.ge @!p0 [sflag:s8], $0x0  }
0x24: {  	s3 =	sadd.s32 $0x88, s3;
	s6 =	simm.s32 @!p1 $0x1082;
	[sflag:s4] =	ssyncset.s32 $0xFFFFF086  }
0x25: {  	[simem:s6], [sflag:s4] =	dma.local [hbm:s3], $0xF7A  }
0x26: {  	[smem:$0x3F99] =	sst s1;
	(tag) =	ssettag s2;
	_ =	strace s9  }
0x27: {  	s1 =	sld [smem:$0x3FA9]  }
0x28: {  	s2 =	sld [smem:$0x3FAA]  }
0x29: {  	s4 =	sld [smem:$0x3FAC]  }
0x2a: {  	p0 =	seq.s32 s5, $0x0;
	s5 =	sld [smem:$0x3FAD]  }
0x2b: {  	s6 =	sld [smem:$0x3FAE]  }
0x2c: {  	s7 =	sld [smem:$0x3FAF]  }
0x2d: {  	s3 =	simm.s32 $0x108;
	s8 =	sld [smem:$0x3FB0]  }
0x2e: {  	s3 =	simm.s32 @!p0 $0x1082;
	s9 =	sld [smem:$0x3FB1]  }
0x2f: {  	lr =	sadd.s32 s0, s3;
	s0 =	sld [smem:$0x3FA8]  }
0x30: {  	s3 =	sld [smem:$0x3FAB]  }
0x31: {  	[smem:$0x3FB4] =	sst s10  }
0x32: {  	s10 =	sld [smem:$0x3FB2];
	_ =	sdelay $0x3  }
0x33: {  	p0 =	seq.s32 s10, $0x1;
	s10 =	sld [smem:$0x3FB4];
	_ =	sdelay $0x3  }
0x34: {  	[smem:$0x3FB4] =	sst s10  }
0x35: {  	s10 =	sld [smem:$0x3FB3];
	_ =	sdelay $0x3  }
0x36: {  	p1 =	seq.s32 s10, $0x1;
	s10 =	sld [smem:$0x3FB4];
	_ =	sdelay $0x3  }
0x37: {  	[smem:$0x3FB4] =	sst s10  }
0x38: {  	s10 =	sld [smem:$0x3FB5]  }
0x39: {  	_ = 	snop;
	(pc) =	sbr.ind lr, $3  }
0x3a: {  	_ = 	snop  }
0x3b: {  	_ = 	snop  }
0x3c: {  	p2 =	seq.s32 s10, $0x1;
	s10 =	sld [smem:$0x3FB4]  }
0x3d: {  	_ =	shalt  }
0x3e: {  	_ =	shalt  }
0x3f: {  	_ =	shalt  }
0x40: {  	_ =	shalt  }
0x41: {  	_ =	shalt  }
0x42: {  	_ =	shalt  }
0x43: {  	_ =	shalt  }
0x44: {  	_ =	shalt  }
0x45: {  	_ =	shalt  }
0x46: {  	_ =	shalt  }
0x47: {  	_ =	shalt  }
0x48: {  	_ =	shalt  }
0x49: {  	_ =	shalt  }
0x4a: {  	_ =	shalt  }
0x4b: {  	_ =	shalt  }
0x4c: {  	_ =	shalt  }
0x4d: {  	_ =	shalt  }
0x4e: {  	_ =	shalt  }
0x4f: {  	_ =	shalt  }
0x50: {  	_ =	shalt  }
0x51: {  	_ =	shalt  }
0x52: {  	_ =	shalt  }
0x53: {  	_ =	shalt  }
0x54: {  	_ =	shalt  }
0x55: {  	_ =	shalt  }
0x56: {  	_ =	shalt  }
0x57: {  	_ =	shalt  }
0x58: {  	_ =	shalt  }
0x59: {  	_ =	shalt  }
0x5a: {  	_ =	shalt  }
0x5b: {  	_ =	shalt  }
0x5c: {  	_ =	shalt  }
0x5d: {  	_ =	shalt  }
0x5e: {  	_ =	shalt  }
0x5f: {  	_ =	shalt  }
0x60: {  	_ =	shalt  }
0x61: {  	_ =	shalt  }
0x62: {  	_ =	shalt  }
0x63: {  	_ =	shalt  }
0x64: {  	_ =	shalt  }
0x65: {  	_ =	shalt  }
0x66: {  	_ =	shalt  }
0x67: {  	_ =	shalt  }
0x68: {  	_ =	shalt  }
0x69: {  	_ =	shalt  }
0x6a: {  	_ =	shalt  }
0x6b: {  	_ =	shalt  }
0x6c: {  	_ =	shalt  }
0x6d: {  	_ =	shalt  }
0x6e: {  	_ =	shalt  }
0x6f: {  	_ =	shalt  }
0x70: {  	_ =	shalt  }
0x71: {  	_ =	shalt  }
0x72: {  	_ =	shalt  }
0x73: {  	_ =	shalt  }
0x74: {  	_ =	shalt  }
0x75: {  	_ =	shalt  }
0x76: {  	_ =	shalt  }
0x77: {  	_ =	shalt  }
0x78: {  	_ =	shalt  }
0x79: {  	_ =	shalt  }
0x7a: {  	_ =	shalt  }
0x7b: {  	_ =	shalt  }
0x7c: {  	_ =	shalt  }
0x7d: {  	_ =	shalt  }
0x7e: {  	_ =	shalt  }
0x7f: {  	_ =	shalt  }
0x80: {  	_ =	shalt  }
0x81: {  	_ =	shalt  }
0x82: {  	_ =	shalt  }
0x83: {  	_ =	shalt  }
0x84: {  	_ =	shalt  }
0x85: {  	_ =	shalt  }
0x86: {  	_ =	shalt  }
0x87: {  	_ =	shalt  }
.Lfunc_end0:
.L_simem_size_0:
called_computation_lowered:
.L_overlay_start_0:
0x88: {  	s2 =	sld [smem:$0x3FD9]  }
0x89: {  	s3 =	sld [smem:$0x3FFE];
	_ =	sdelay $0x1  }
0x8a: {  	s1 =	srdreg.scid  }
0x8b: {  	s0 =	sand.u32 $0x1, s1  }
0x8c: {  	s16 =	sshll.u32 s0, $0xA;
	s2 =	sadd.s32 s3, s2  }
0x8d: {  	s2 =	sadd.s32 s2, s16  }
0x8e: {  	[smem:$0x3FC0] =	sst s2  }
0x8f: {  	_ = 	snop  }
0x90: {  	(tm) =	ssettm $0x1  }
0x91: {  	s17 =	sld [smem:$0x3FFB];
	_ =	sdelay $0x3  }
0x92: {  	_ =	strace s17  }
0x93: {  	s2 =	sld [smem:$0x3FFC];
	_ =	sdelay $0x3  }
0x94: {  	_ =	strace s2  }
0x95: {  	s2 =	sld [smem:$0x3FFD];
	_ =	sdelay $0x3  }
0x96: {  	_ =	strace s2  }
0x97: {  	_ =	strace $0x8FFFFFFF  }
0x98: {  	s18 =	sld [smem:$0x3FDB];
	_ =	sdelay $0x1  }
0x99: {  	s19 =	simm.s32 $_scs_section_size  }
0x9a: {  	s4 =	simm.s32 $_size__tile_overlayer_lowered;
	s5 =	simm.s32 $_tile_overlayer_lowered  }
0x9b: {  	s22 =	simm.s32 $0x1BFF;
	s21 =	sshll.u32 s5, $0x1;
	s2 =	sadd.s32 s19, s18  }
0x9c: {  	s6 =	simm.s32 $0x0;
	s20 =	sshll.u32 s4, $0x1;
	s4 =	sadd.s32 s21, s2  }
0x9d: {  	[timem:s6], [sflag:s22] =	dma.local [hbm:s4], s20  }
0x9e: {  	_ =	swait.ge [sflag:s22], s20  }
0x9f: {  	s3 =	ssub.s32 $0x0, s20;
	[sflag:s22] =	ssyncset.done $0x0  }
0xa0: {  	[sflag:s22] =	ssyncadd.s32 s3;
	_ =	sdelay $0x1  }
0xa1: {  	s23 =	simm.s32 $0x1B8B  }
0xa2: {  	_ =	swait.ge [sflag:s23], $0x1  }
0xa3: {  	[sflag:s23] =	ssyncset.done $0x0  }
0xa4: {  	s25 =	simm.s32 $0x1B8E;
	s24 =	sld [smem:$0x3FFE];
	[sflag:s23] =	ssyncadd.s32 $0xFFFFFFFF  }
0xa5: {  	s26 =	simm.s32 $execute0_lowered;
	[smem:$0x3FD2] =	sst s25  }
0xa6: {  	s4 =	sshll.u32 s26, $0x1;
	_ =	strace $0x80000046;
	[dreg:$0x1] =	wrdreg $0xFFFFFFFF  }
0xa7: {  	s28 =	simm.s32 $_size_execute0_lowered;
	s2 =	sadd.s32 s2, s4;
	[dreg:$0x0] =	wrdreg $0x0  }
0xa8: {  	s4 =	sshll.u32 s28, $0x1;
	[dreg:$0x2] =	wrdreg s2  }
0xa9: {  	[dreg:$0x3] =	wrdreg s4  }
0xaa: {  	[dreg:$0x4] =	wrdreg $0xC0  }
0xab: {  	_ =	task [dreg:s6], $0x5FFFF  }
0xac: {  	[dreg:$0x1] =	wrdreg $0xFFFFFFFF  }
0xad: {  	[dreg:$0x0] =	wrdreg $0x60  }
0xae: {  	[dreg:$0x2] =	wrdreg s24  }
0xaf: {  	[dreg:$0x3] =	wrdreg $0x2B000  }
0xb0: {  	[dreg:$0x4] =	wrdreg $0x9  }
0xb1: {  	_ =	task.clear_ibuf [dreg:s6], $0x5FFFF;
	_ =	strace $0x90000046  }
0xb2: {  	s29 =	simm.s32 $0x9;
	_ =	strace $0x80000048  }
0xb3: {  	_ =	swait.ge [sflag:s29], $0x1  }
0xb4: {  	[sflag:s29] =	ssyncadd.s32 $0xFFFFFFFF  }
0xb5: {  	_ =	strace $0x90000048  }
0xb6: {  	_ =	sfence  }
0xb7: {  	s30 =	sld [smem:$0x0];
	_ =	sdelay $0x2  }
0xb8: {  	s31 =	sshll.u32 s1, $0xD;
	s1 =	sshrl.u32 s1, $0x2  }
0xb9: {  	s3 =	sand.u32 $0x4000, s31;
	s1 =	sadd.s32 s1, s30  }
0xba: {  	s0 =	sor.u32 s3, s0;
	s1 =	sshll.u32 s1, $0x11  }
0xbb: {  	s0 =	sor.u32 s1, s0  }
0xbc: {  	s0 =	sadd.s32 $0x8F2B, s0  }
0xbd: {  	[sflag:s0] =	ssyncadd.remote.s32 $0x1  }
0xbe: {  	_ =	sfence.sel $0xFFFF  }
0xbf: {  	[dreg:$0x0] =	wrdreg $0xFFFFFFFF;
	(pc) =	sbr.abs _section_cstart, $3  }
0xc0: {  	[dreg:$0x1] =	wrdreg $0xFFFFFFFF  }
0xc1: {  	_ =	task.clear_ibuf [dreg:s6], $0x2FFFF;
	_ =	strace $0x9FFFFFFF  }
0xc2: {  	(tm) =	ssettm $0x7FFFFFFF  }
0xc3: {  	_ =	shalt  }
tec
execute0_lowered:
.L_overlay_start_1:
0x0: {  	(tag) =	ssettag $0x1  }
0x1: {  	s4 =	rddreg [dreg:$0x0];
	s0 =	srdreg.scid  }
0x2: {  	s2 =	rddreg [dreg:$0x1];
	s1 =	stileid.u32  }
0x3: {  	s3 =	simm.s32 $0x0;
	s10 =	simm.s32 $0x80;
	s11 =	simm.s32 $0x2800  }
0x4: {  	s14 =	simm.s32 $0x20;
	s15 =	simm.s32 $0x10;
	s16 =	simm.s32 $0x0  }
0x5: {  	s5 =	sand.u32 $0x1, s0;
	s0 =	rddreg [dreg:$0x2];
	s7 =	smul.u32 $0x500, s1  }
0x6: {  	[smem:$0x7FF] =	sst s3;
	s30 =	smul.u32 $0xA00, s1;
	s12 =	sshll.u32 s1, $0x6  }
0x7: {  	s6 =	sshll.u32 s5, $0x4;
	s8 =	sshll.u32 s5, $0x7;
	_ =	strace $0x80000047  }
0x8: {  	s5 =	ssub.s32 $0x2, s5;
	s12 =	sor.u32 $0x1C01, s12;
	s6 =	sor.u32 s1, s6  }
0x9: {  	s7 =	sor.u32 s8, s7;
	s31 =	sshrl.u32 s5, $0x1;
	s6 =	smul.u32 $0x500, s6  }
0xa: {  	s8 =	sshrl.u32 s30, $0x2;
	s7 =	sshrl.u32 s7, $0x3;
	s9 =	ssub.s32 s5, s31  }
0xb: {  	s7 =	sadd.s32 s7, s4;
	s6 =	sadd.s32 s6, s4;
	s4 =	sadd.s32 s8, s2  }
0xc: {  	s8 =	simm.s32 $0x2880;
	s5 =	sadd.s32 $0x3000, s6;
	s6 =	sadd.s32 $0x17000, s7  }
0xd: {  	v0 =	vimm.f32 $1.000000000e+00;
	v1 =	vimm.f32 $0.0e+00;
	s7 =	smax.u32 s9, $0x1;
	s9 =	simm.s32 $0x1;
	s13 =	sshrl.u32 s4, $0x3  }
.LBB2_1:
0xe: {  	[tilespmem:$0x2800] =	vst v0  }
0xf: {  	[tilespmem:$0x2810] =	vst v0  }
0x10: {  	[tilespmem:$0x2820] =	vst v0  }
0x11: {  	[tilespmem:$0x2830] =	vst v0  }
0x12: {  	[tilespmem:$0x2840] =	vst v0  }
0x13: {  	[tilespmem:$0x2850] =	vst v0  }
0x14: {  	[tilespmem:$0x2860] =	vst v0  }
0x15: {  	[tilespmem:$0x2870] =	vst v0  }
0x16: {  	[tilespmem:$0x2880] =	vst v1  }
0x17: {  	[tilespmem:$0x2890] =	vst v1  }
0x18: {  	[tilespmem:$0x28A0] =	vst v1  }
0x19: {  	[tilespmem:$0x28B0] =	vst v1  }
0x1a: {  	[tilespmem:$0x28C0] =	vst v1  }
0x1b: {  	[tilespmem:$0x28D0] =	vst v1  }
0x1c: {  	[tilespmem:$0x28E0] =	vst v1  }
0x1d: {  	[tilespmem:$0x28F0] =	vst v1  }
0x1e: {  	[tilespmem:$0x2900] =	vst v1  }
0x1f: {  	[tilespmem:$0x2910] =	vst v1  }
0x20: {  	[tilespmem:$0x2920] =	vst v1  }
0x21: {  	[tilespmem:$0x2930] =	vst v1  }
0x22: {  	[tilespmem:$0x2940] =	vst v1  }
0x23: {  	[tilespmem:$0x2950] =	vst v1  }
0x24: {  	[tilespmem:$0x2960] =	vst v1  }
0x25: {  	[tilespmem:$0x2970] =	vst v1  }
0x26: {  	[tilespmem:$0x2980] =	vst v1  }
0x27: {  	[tilespmem:$0x2990] =	vst v1  }
0x28: {  	[tilespmem:$0x29A0] =	vst v1  }
0x29: {  	[tilespmem:$0x29B0] =	vst v1  }
0x2a: {  	[tilespmem:$0x29C0] =	vst v1  }
0x2b: {  	[tilespmem:$0x29D0] =	vst v1  }
0x2c: {  	[tilespmem:$0x29E0] =	vst v1  }
0x2d: {  	[tilespmem:$0x29F0] =	vst v1  }
0x2e: {  	[tilespmem:$0x2A00] =	vst v1  }
0x2f: {  	[tilespmem:$0x2A10] =	vst v1  }
0x30: {  	[tilespmem:$0x2A20] =	vst v1  }
0x31: {  	[tilespmem:$0x2A30] =	vst v1  }
0x32: {  	[tilespmem:$0x2A40] =	vst v1  }
0x33: {  	[tilespmem:$0x2A50] =	vst v1  }
0x34: {  	[tilespmem:$0x2A60] =	vst v1  }
0x35: {  	[tilespmem:$0x2A70] =	vst v1  }
0x36: {  	[tilespmem:$0x2A80] =	vst v1  }
0x37: {  	[tilespmem:$0x2A90] =	vst v1  }
0x38: {  	[tilespmem:$0x2AA0] =	vst v1  }
0x39: {  	[tilespmem:$0x2AB0] =	vst v1  }
0x3a: {  	[tilespmem:$0x2AC0] =	vst v1  }
0x3b: {  	[tilespmem:$0x2AD0] =	vst v1  }
0x3c: {  	[tilespmem:$0x2AE0] =	vst v1  }
0x3d: {  	[tilespmem:$0x2AF0] =	vst v1  }
0x3e: {  	[spmem:s4] =	stream.linear.scatter [tilespmem:s8], [sflag:$0x1], $0x280, $0x38;
	[tilespmem:$0x2D80] =	vst v63  }
0x3f: {  	_ =	swait.ge [sflag:s9], $0x280  }
0x40: {  	[sflag:s9] =	ssyncset.done $0x0  }
0x41: {  	[sflag:s9] =	ssyncadd.s32 $0xFFFFFD80  }
0x42: {  	[tilespmem:s3], [sflag:$0x1] =	stream.linear.gather [hbm4b:s5+s3], $0x2800, $0x38;
	[tilespmem:$0x2D80] =	vst v63  }
0x43: {  	_ =	swait.ge [sflag:s9], $0x2800  }
0x44: {  	[sflag:s9] =	ssyncset.done $0x0  }
0x45: {  	[sflag:s9] =	ssyncadd.s32 $0xFFFFD800  }
0x46: {  	s17 =	simm.s32 $0x0;
	[bflag:$0x0] =	sbarrier.arrive $0xFFFF  }
0x47: {  	[spmem:s2] =	stream.indirect.scatter.add.f32 [tilespmem:s11], [sflag:$0x1], $0x1, s17, s10, $0xb8;
	[tilespmem:$0x2D80] =	vst v63  }
0x48: {  	_ =	swait.ge [sflag:s9], $0x80  }
0x49: {  	s17 =	simm.s32 $0x200;
	[sflag:s9] =	ssyncset.done $0x0  }
.LBB2_2:
0x4a: {  	s18 =	sshra.s32 s17, $0x2;
	[sflag:s9] =	ssyncadd.s32 $0xFFFFFF80;
	p0 =	sne.s32 s17, $0x9E00  }
0x4b: {  	[spmem:s2] =	stream.indirect.scatter.add.f32 [tilespmem:s11], [sflag:$0x1], $0x1, s18, s10, $0xb8;
	[tilespmem:$0x2D80] =	vst v63  }
.Ltmp0:
0x4c: {  	_ = 	snop;
	(pc) =	sbr.rel @p0 .LBB2_2-.Ltmp0, $4  }
0x4d: {  	_ = 	snop  }
0x4e: {  	s17 =	sadd.s32 $0x200, s17  }
0x4f: {  	_ =	swait.ge [sflag:s9], $0x80  }
0x50: {  	[sflag:s9] =	ssyncset.done $0x0  }
0x51: {  	s16 =	sadd.s32 $0x1, s16  }
0x52: {  	[sflag:s9] =	ssyncadd.s32 $0xFFFFFF80;
	p0 =	sne.s32 s16, s7  }
.Ltmp1:
0x53: {  	[bflag:$0x0] =	sbarrier.arrive $0xFFFF;
	(pc) =	sbr.rel @p0 .LBB2_1-.Ltmp1, $4  }
0x54: {  	[hbm:s6@s14], [sflag:s12] =	dma.strided [spmem:s13@s15], $0x50, s9, $0x10   }
0x55: {  	_ =	swait.ge [sflag:s9], $0x50  }
0x56: {  	[sflag:s9] =	ssyncset.done $0x0  }
0x57: {  	[sflag:s9] =	ssyncadd.s32 $0xFFFFFFB0  }
0x58: {  	_ =	sfence.sel $0x180000  }
0x59: {  	[bflag:$0x0] =	sbarrier.arrive $0xFFFF  }
0x5a: {  	p0 =	sne.s32 s1, $0x0;
	_ =	strace $0x90000047  }
0x5b: {  	s0 =	sadd.s32 @!p0 $0x100000, s0;
	[bflag:$0x2] =	sbarrier.arrive $0xFFFF  }
0x5c: {  	[sflag:s0] =	ssyncadd.tile.s32 @!p0 $0x1;
	_ =	shalt  }
.Lfunc_end2:
_tile_overlayer_lowered:
.L_overlay_start_2:
0x5d: {  	(tag) =	ssettag $0x2  }
0x5e: {  	s0 =	rddreg [dreg:$0x0];
	s2 =	stileid.u32  }
0x5f: {  	s1 =	rddreg [dreg:$0x1];
	p0 =	sne.s32 s2, $0x0  }
0x60: {  	s3 =	rddreg [dreg:$0x2];
	[bflag:$0x3] =	sbarrier.arrive $0xFFFF;
	s2 =	simm.s32 @!p0 $0x1C01  }
0x61: {  	[timem:s3], [sflag:s2] =	dma.local @!p0 [hbm:s0], s1  }
0x62: {  	s0 =	simm.s32 @!p0 $0x1  }
0x63: {  	_ =	swait.ge @!p0 [sflag:s0], s1  }
0x64: {  	s1 =	ssub.s32 @!p0 $0x0, s1;
	[sflag:s0] =	ssyncset.done @!p0 $0x0  }
0x65: {  	[sflag:s0] =	ssyncadd.s32 @!p0 s1  }
0x66: {  	[bflag:$0x3] =	sbarrier.arrive $0xFFFF  }
0x67: {  	_ =	shalt  }

</sc_bundles>
